<compile_context>
chip_gen: v7x
topology: tpu7x:2x2x1
jax: 0.10.2.dev20260603
libtpu: 0.0.44.dev20260713+nightly
codegen_flags: <defaults>
</compile_context>

<pallas_src>
import functools

import jax
import jax.numpy as jnp
from jax import lax
from jax.experimental import pallas as pl
from jax.experimental.pallas import tpu as pltpu
from jax.experimental.pallas import tpu_sc as plsc

D = 32
L = 16
NCORE = 2
NSUB = 16
NW = NCORE * NSUB
NROW = 4096
NCOL = 200
TI = NROW // 128
JB = 4
NB = NCOL // JB


@functools.partial(
    pl.kernel,
    mesh=plsc.VectorSubcoreMesh(core_axis_name="c", subcore_axis_name="s"),
    out_type=jax.ShapeDtypeStruct((NCOL, D // 8, TI, 8, 128), jnp.float32),
    compiler_params=pltpu.CompilerParams(
        needs_layout_passes=False, use_tc_tiling_on_sc=False),
    scratch_types=[
        pltpu.VMEM((JB, 128), jnp.int32),
        pltpu.VMEM((JB, 128), jnp.int32),
        pltpu.VMEM((JB, 128, D), jnp.float32),
        pltpu.VMEM((JB, 128, D), jnp.float32),
        pltpu.VMEM((JB, D // 8, 8, 128), jnp.float32),
        pltpu.VMEM((JB, D // 8, 8, 128), jnp.float32),
        pltpu.SemaphoreType.DMA,
        pltpu.SemaphoreType.DMA,
        pltpu.SemaphoreType.DMA,
        pltpu.SemaphoreType.DMA,
        pltpu.SemaphoreType.DMA,
        pltpu.SemaphoreType.DMA,
    ],
)
def _sc_embedding(x_hbm, table_hbm, out_hbm,
                  idx0, idx1, rows0, rows1, t0, t1,
                  si0, si1, sg0, sg1, ss0, ss1):
    idxb = (idx0, idx1)
    rowsb = (rows0, rows1)
    tb = (t0, t1)
    sidx = (si0, si1)
    sgat = (sg0, sg1)
    ssto = (ss0, ss1)

    wid = lax.axis_index("s") * NCORE + lax.axis_index("c")


    def idx_copy(n, b):
        u = wid + NW * n
        return pltpu.make_async_copy(
            x_hbm.at[u // 8, pl.ds((u % 8) * JB, JB)], idxb[b], sidx[b])

    def gather_start(b):
        for q in range(JB):
            pltpu.make_async_copy(
                table_hbm.at[idxb[b].at[q]], rowsb[b].at[q], sgat[b]).start()

    def gather_drain(b):
        for q in range(JB):
            pltpu.make_async_copy(
                table_hbm.at[pl.ds(0, 128)], rowsb[b].at[q], sgat[b]).wait()

    def store_copy(n, b):
        u = wid + NW * n
        return pltpu.make_async_copy(
            tb[b],
            out_hbm.at[u // 8, pl.ds(0, D // 8), pl.ds((u % 8) * JB, JB)],
            ssto[b])

    def transpose_mask(b):
        rows = rowsb[b]
        out = tb[b]
        idxr = idxb[b]

        @plsc.parallel_loop(0, JB * (128 // L), unroll=2)
        def _(i):
            q = i // (128 // L)
            li0 = (i % (128 // L)) * L
            vi = idxr[q, pl.ds(li0, L)]
            m = jnp.where(vi == 0, 0.0, 1.0)
            rids = lax.iota(jnp.int32, L) + li0
            qids = jnp.full((L,), q, jnp.int32)
            for k in range(D):
                v = plsc.load_gather(
                    rows, [qids, rids, jnp.full((L,), k, jnp.int32)])
                out[k // 8, q, k % 8, pl.ds(li0, L)] = v * m

    def process(n, b):
        ob = 1 - b

        @pl.when(n + 1 < NB)
        def _():
            idx_copy(n + 1, ob).wait()

            @pl.when(n >= 1)
            def _():
                store_copy(n - 1, ob).wait()

            gather_start(ob)

        gather_drain(b)
        transpose_mask(b)

        @pl.when(n + 2 < NB)
        def _():
            idx_copy(n + 2, b).start()

        store_copy(n, b).start()

    idx_copy(0, 0).start()
    idx_copy(1, 1).start()
    idx_copy(0, 0).wait()
    gather_start(0)

    def outer(G, carry):
        process(2 * G, 0)
        process(2 * G + 1, 1)
        return carry

    lax.fori_loop(0, NB // 2, outer, 0)

    store_copy(NB - 2, 0).wait()
    store_copy(NB - 1, 1).wait()


def kernel(x, table):
    assert x.shape == (NROW, NCOL) and table.shape[1] == D
    x5 = x.T.reshape(NCOL, TI, 128)
    out5 = _sc_embedding(x5, table)
    return out5.transpose(2, 4, 0, 1, 3).reshape(NROW, NCOL, D)

# --- scband reference (transcript-rebuilt; emitter-appended) ---
"""Pipeline reference for scband-embedding-3178275799364 (READ-ONLY COPY).

The authoritative reference and input builder live on the scoring server;
editing this copy changes nothing except your own understanding.
"""

import jax, jax.numpy as jnp
import numpy as np

VOCAB = 1000000
D_MODEL = 32

def setup_inputs(seed: int = 0) -> dict:
    key = jax.random.key(seed)
    k_idx, k_tab = jax.random.split(key)
    x = jax.random.randint(k_idx, (4096, 200), 0, VOCAB, dtype=jnp.int64 if jax.config.jax_enable_x64 else jnp.int32).astype(jnp.int32)
    table = jax.random.normal(k_tab, (VOCAB, D_MODEL), dtype=jnp.float32)
    return {"x": x, "table": table}

def reference(x, table):
    # torch.nn.Embedding with padding_idx=0: row 0 acts as the padding vector
    # (initialized to zero and receives no gradient). Enforce zero row 0.
    t = table.at[0].set(jnp.zeros((D_MODEL,), dtype=table.dtype))
    return jnp.take(t, x, axis=0)

if __name__ == "__main__":
    import jax
    _d = setup_inputs()
    print(jax.jit(kernel)(*tuple(_d.values())))

</pallas_src>

<mosaic_0001>
#map = affine_map<(d0, d1) -> (0, 0, 0)>
#map1 = affine_map<(d0, d1) -> (0, 0)>
#map2 = affine_map<(d0, d1) -> (0, 0, 0, 0, 0)>
module attributes {stable_mosaic.version = 14 : i64} {
  func.func @_sc_embedding(%arg0: i32, %arg1: i32, %arg2: memref<200x32x128xi32, #tpu.memory_space<hbm>>, %arg3: memref<1000000x32xf32, #tpu.memory_space<hbm>>, %arg4: memref<200x4x32x8x128xf32, #tpu.memory_space<hbm>>, %arg5: memref<4x128xi32, #tpu.memory_space<vmem>>, %arg6: memref<4x128xi32, #tpu.memory_space<vmem>>, %arg7: memref<4x128x32xf32, #tpu.memory_space<vmem>>, %arg8: memref<4x128x32xf32, #tpu.memory_space<vmem>>, %arg9: memref<4x4x8x128xf32, #tpu.memory_space<vmem>>, %arg10: memref<4x4x8x128xf32, #tpu.memory_space<vmem>>, %arg11: memref<!tpu.dma_semaphore, #tpu.memory_space<semaphore_mem>>, %arg12: memref<!tpu.dma_semaphore, #tpu.memory_space<semaphore_mem>>, %arg13: memref<!tpu.dma_semaphore, #tpu.memory_space<semaphore_mem>>, %arg14: memref<!tpu.dma_semaphore, #tpu.memory_space<semaphore_mem>>, %arg15: memref<!tpu.dma_semaphore, #tpu.memory_space<semaphore_mem>>, %arg16: memref<!tpu.dma_semaphore, #tpu.memory_space<semaphore_mem>>) attributes {dimension_semantics = [#tpu.dimension_semantics<core_parallel>, #tpu.dimension_semantics<subcore_parallel>], iteration_bounds = array<i64: 2, 16>, scalar_prefetch = 0 : i64, scratch_operands = 12 : i64, tpu.core_type = #tpu.core_type<sc_vector_subcore>, window_params = [{transform_indices = #map}, {transform_indices = #map1}, {transform_indices = #map2}]} {
    %mul3A = arith.constant 2 : i32
    %mul3A_0 = arith.muli %arg1, %mul3A : i32
    %add3A = arith.addi %mul3A_0, %arg0 : i32
    %add3A_1 = arith.constant 0 : i32
    %add3A_2 = arith.addi %add3A, %add3A_1 : i32
    %jit3A = arith.constant 8 : i32
    %div3A = arith.divsi %add3A_2, %jit3A : i32
    %sign3A = arith.constant 0 : i32
    %sign3A_3 = arith.cmpi sgt, %add3A_2, %sign3A : i32
    %sign3A_4 = arith.extui %sign3A_3 : i1 to i32
    %sign3A_5 = arith.constant 0 : i32
    %sign3A_6 = arith.cmpi slt, %add3A_2, %sign3A_5 : i32
    %sign3A_7 = arith.extui %sign3A_6 : i1 to i32
    %sign3A_8 = arith.subi %sign3A_4, %sign3A_7 : i32
    %sign3A_9 = arith.constant 0 : i32
    %sign3A_10 = arith.cmpi sgt, %jit3A, %sign3A_9 : i32
    %sign3A_11 = arith.extui %sign3A_10 : i1 to i32
    %sign3A_12 = arith.constant 0 : i32
    %sign3A_13 = arith.cmpi slt, %jit3A, %sign3A_12 : i32
    %sign3A_14 = arith.extui %sign3A_13 : i1 to i32
    %sign3A_15 = arith.subi %sign3A_11, %sign3A_14 : i32
    %ne3A = arith.cmpi ne, %sign3A_8, %sign3A_15 : i32
    %rem3A = arith.remsi %add3A_2, %jit3A : i32
    %ne3A_16 = arith.constant 0 : i32
    %ne3A_17 = arith.cmpi ne, %rem3A, %ne3A_16 : i32
    %and3A = arith.andi %ne3A, %ne3A_17 : i1
    %sub3A = arith.constant 1 : i32
    %sub3A_18 = arith.subi %div3A, %sub3A : i32
    %select_n3A = arith.select %and3A, %sub3A_18, %div3A : i32
    %jit3A_19 = arith.constant 8 : i32
    %eq3A = arith.constant 0 : i32
    %eq3A_20 = arith.cmpi eq, %jit3A_19, %eq3A : i32
    %jit3A_21 = arith.constant 1 : i32
    %select_n3A_22 = arith.select %eq3A_20, %jit3A_21, %jit3A_19 : i32
    %rem3A_23 = arith.remsi %add3A_2, %select_n3A_22 : i32
    %ne3A_24 = arith.constant 0 : i32
    %ne3A_25 = arith.cmpi ne, %rem3A_23, %ne3A_24 : i32
    %lt3A = arith.constant 0 : i32
    %lt3A_26 = arith.cmpi slt, %rem3A_23, %lt3A : i32
    %lt3A_27 = arith.constant 0 : i32
    %lt3A_28 = arith.cmpi slt, %select_n3A_22, %lt3A_27 : i32
    %ne3A_29 = arith.xori %lt3A_26, %lt3A_28 : i1
    %and3A_30 = arith.andi %ne3A_29, %ne3A_25 : i1
    %add3A_31 = arith.addi %rem3A_23, %select_n3A_22 : i32
    %select_n3A_32 = arith.select %and3A_30, %add3A_31, %rem3A_23 : i32
    %mul3A_33 = arith.constant 4 : i32
    %mul3A_34 = arith.muli %select_n3A_32, %mul3A_33 : i32
    %dma_start3A = arith.constant 0 : i32
    %dma_start3A_35 = tpu.memref_slice %arg2[%select_n3A, %mul3A_34, %dma_start3A] : memref<200x32x128xi32, #tpu.memory_space<hbm>> -> memref<1x4x128xi32, #tpu.memory_space<hbm>>
    %dma_start3A_36 = tpu.memref_squeeze %dma_start3A_35 : memref<1x4x128xi32, #tpu.memory_space<hbm>> -> memref<4x128xi32, #tpu.memory_space<hbm>>
    %dma_start3A_37 = arith.constant 0 : i32
    %dma_start3A_38 = tpu.memref_slice %arg2[%select_n3A, %mul3A_34, %dma_start3A_37] : memref<200x32x128xi32, #tpu.memory_space<hbm>> -> memref<1x4x128xi32, #tpu.memory_space<hbm>>
    %dma_start3A_39 = tpu.memref_squeeze %dma_start3A_38 : memref<1x4x128xi32, #tpu.memory_space<hbm>> -> memref<4x128xi32, #tpu.memory_space<hbm>>
    tpu.enqueue_dma source(%dma_start3A_39 : memref<4x128xi32, #tpu.memory_space<hbm>>) target(%arg5 : memref<4x128xi32, #tpu.memory_space<vmem>>) target_semaphore(%arg11 : memref<!tpu.dma_semaphore, #tpu.memory_space<semaphore_mem>>)
    %add3A_40 = arith.constant 32 : i32
    %add3A_41 = arith.addi %add3A, %add3A_40 : i32
    %jit3A_42 = arith.constant 8 : i32
    %div3A_43 = arith.divsi %add3A_41, %jit3A_42 : i32
    %sign3A_44 = arith.constant 0 : i32
    %sign3A_45 = arith.cmpi sgt, %add3A_41, %sign3A_44 : i32
    %sign3A_46 = arith.extui %sign3A_45 : i1 to i32
    %sign3A_47 = arith.constant 0 : i32
    %sign3A_48 = arith.cmpi slt, %add3A_41, %sign3A_47 : i32
    %sign3A_49 = arith.extui %sign3A_48 : i1 to i32
    %sign3A_50 = arith.subi %sign3A_46, %sign3A_49 : i32
    %sign3A_51 = arith.constant 0 : i32
    %sign3A_52 = arith.cmpi sgt, %jit3A_42, %sign3A_51 : i32
    %sign3A_53 = arith.extui %sign3A_52 : i1 to i32
    %sign3A_54 = arith.constant 0 : i32
    %sign3A_55 = arith.cmpi slt, %jit3A_42, %sign3A_54 : i32
    %sign3A_56 = arith.extui %sign3A_55 : i1 to i32
    %sign3A_57 = arith.subi %sign3A_53, %sign3A_56 : i32
    %ne3A_58 = arith.cmpi ne, %sign3A_50, %sign3A_57 : i32
    %rem3A_59 = arith.remsi %add3A_41, %jit3A_42 : i32
    %ne3A_60 = arith.constant 0 : i32
    %ne3A_61 = arith.cmpi ne, %rem3A_59, %ne3A_60 : i32
    %and3A_62 = arith.andi %ne3A_58, %ne3A_61 : i1
    %sub3A_63 = arith.constant 1 : i32
    %sub3A_64 = arith.subi %div3A_43, %sub3A_63 : i32
    %select_n3A_65 = arith.select %and3A_62, %sub3A_64, %div3A_43 : i32
    %jit3A_66 = arith.constant 8 : i32
    %eq3A_67 = arith.constant 0 : i32
    %eq3A_68 = arith.cmpi eq, %jit3A_66, %eq3A_67 : i32
    %jit3A_69 = arith.constant 1 : i32
    %select_n3A_70 = arith.select %eq3A_68, %jit3A_69, %jit3A_66 : i32
    %rem3A_71 = arith.remsi %add3A_41, %select_n3A_70 : i32
    %ne3A_72 = arith.constant 0 : i32
    %ne3A_73 = arith.cmpi ne, %rem3A_71, %ne3A_72 : i32
    %lt3A_74 = arith.constant 0 : i32
    %lt3A_75 = arith.cmpi slt, %rem3A_71, %lt3A_74 : i32
    %lt3A_76 = arith.constant 0 : i32
    %lt3A_77 = arith.cmpi slt, %select_n3A_70, %lt3A_76 : i32
    %ne3A_78 = arith.xori %lt3A_75, %lt3A_77 : i1
    %and3A_79 = arith.andi %ne3A_78, %ne3A_73 : i1
    %add3A_80 = arith.addi %rem3A_71, %select_n3A_70 : i32
    %select_n3A_81 = arith.select %and3A_79, %add3A_80, %rem3A_71 : i32
    %mul3A_82 = arith.constant 4 : i32
    %mul3A_83 = arith.muli %select_n3A_81, %mul3A_82 : i32
    %dma_start3A_84 = arith.constant 0 : i32
    %dma_start3A_85 = tpu.memref_slice %arg2[%select_n3A_65, %mul3A_83, %dma_start3A_84] : memref<200x32x128xi32, #tpu.memory_space<hbm>> -> memref<1x4x128xi32, #tpu.memory_space<hbm>>
    %dma_start3A_86 = tpu.memref_squeeze %dma_start3A_85 : memref<1x4x128xi32, #tpu.memory_space<hbm>> -> memref<4x128xi32, #tpu.memory_space<hbm>>
    %dma_start3A_87 = arith.constant 0 : i32
    %dma_start3A_88 = tpu.memref_slice %arg2[%select_n3A_65, %mul3A_83, %dma_start3A_87] : memref<200x32x128xi32, #tpu.memory_space<hbm>> -> memref<1x4x128xi32, #tpu.memory_space<hbm>>
    %dma_start3A_89 = tpu.memref_squeeze %dma_start3A_88 : memref<1x4x128xi32, #tpu.memory_space<hbm>> -> memref<4x128xi32, #tpu.memory_space<hbm>>
    tpu.enqueue_dma source(%dma_start3A_89 : memref<4x128xi32, #tpu.memory_space<hbm>>) target(%arg6 : memref<4x128xi32, #tpu.memory_space<vmem>>) target_semaphore(%arg12 : memref<!tpu.dma_semaphore, #tpu.memory_space<semaphore_mem>>)
    %add3A_90 = arith.constant 0 : i32
    %add3A_91 = arith.addi %add3A, %add3A_90 : i32
    %jit3A_92 = arith.constant 8 : i32
    %div3A_93 = arith.divsi %add3A_91, %jit3A_92 : i32
    %sign3A_94 = arith.constant 0 : i32
    %sign3A_95 = arith.cmpi sgt, %add3A_91, %sign3A_94 : i32
    %sign3A_96 = arith.extui %sign3A_95 : i1 to i32
    %sign3A_97 = arith.constant 0 : i32
    %sign3A_98 = arith.cmpi slt, %add3A_91, %sign3A_97 : i32
    %sign3A_99 = arith.extui %sign3A_98 : i1 to i32
    %sign3A_100 = arith.subi %sign3A_96, %sign3A_99 : i32
    %sign3A_101 = arith.constant 0 : i32
    %sign3A_102 = arith.cmpi sgt, %jit3A_92, %sign3A_101 : i32
    %sign3A_103 = arith.extui %sign3A_102 : i1 to i32
    %sign3A_104 = arith.constant 0 : i32
    %sign3A_105 = arith.cmpi slt, %jit3A_92, %sign3A_104 : i32
    %sign3A_106 = arith.extui %sign3A_105 : i1 to i32
    %sign3A_107 = arith.subi %sign3A_103, %sign3A_106 : i32
    %ne3A_108 = arith.cmpi ne, %sign3A_100, %sign3A_107 : i32
    %rem3A_109 = arith.remsi %add3A_91, %jit3A_92 : i32
    %ne3A_110 = arith.constant 0 : i32
    %ne3A_111 = arith.cmpi ne, %rem3A_109, %ne3A_110 : i32
    %and3A_112 = arith.andi %ne3A_108, %ne3A_111 : i1
    %sub3A_113 = arith.constant 1 : i32
    %sub3A_114 = arith.subi %div3A_93, %sub3A_113 : i32
    %select_n3A_115 = arith.select %and3A_112, %sub3A_114, %div3A_93 : i32
    %jit3A_116 = arith.constant 8 : i32
    %eq3A_117 = arith.constant 0 : i32
    %eq3A_118 = arith.cmpi eq, %jit3A_116, %eq3A_117 : i32
    %jit3A_119 = arith.constant 1 : i32
    %select_n3A_120 = arith.select %eq3A_118, %jit3A_119, %jit3A_116 : i32
    %rem3A_121 = arith.remsi %add3A_91, %select_n3A_120 : i32
    %ne3A_122 = arith.constant 0 : i32
    %ne3A_123 = arith.cmpi ne, %rem3A_121, %ne3A_122 : i32
    %lt3A_124 = arith.constant 0 : i32
    %lt3A_125 = arith.cmpi slt, %rem3A_121, %lt3A_124 : i32
    %lt3A_126 = arith.constant 0 : i32
    %lt3A_127 = arith.cmpi slt, %select_n3A_120, %lt3A_126 : i32
    %ne3A_128 = arith.xori %lt3A_125, %lt3A_127 : i1
    %and3A_129 = arith.andi %ne3A_128, %ne3A_123 : i1
    %add3A_130 = arith.addi %rem3A_121, %select_n3A_120 : i32
    %select_n3A_131 = arith.select %and3A_129, %add3A_130, %rem3A_121 : i32
    %mul3A_132 = arith.constant 4 : i32
    %mul3A_133 = arith.muli %select_n3A_131, %mul3A_132 : i32
    %dma_wait3A = arith.constant 0 : i32
    %dma_wait3A_134 = tpu.memref_slice %arg2[%select_n3A_115, %mul3A_133, %dma_wait3A] : memref<200x32x128xi32, #tpu.memory_space<hbm>> -> memref<1x4x128xi32, #tpu.memory_space<hbm>>
    %dma_wait3A_135 = tpu.memref_squeeze %dma_wait3A_134 : memref<1x4x128xi32, #tpu.memory_space<hbm>> -> memref<4x128xi32, #tpu.memory_space<hbm>>
    %dma_wait3A_136 = arith.constant 0 : i32
    %dma_wait3A_137 = tpu.memref_slice %arg2[%select_n3A_115, %mul3A_133, %dma_wait3A_136] : memref<200x32x128xi32, #tpu.memory_space<hbm>> -> memref<1x4x128xi32, #tpu.memory_space<hbm>>
    %dma_wait3A_138 = tpu.memref_squeeze %dma_wait3A_137 : memref<1x4x128xi32, #tpu.memory_space<hbm>> -> memref<4x128xi32, #tpu.memory_space<hbm>>
    tpu.wait_dma2 semaphore(%arg11 : memref<!tpu.dma_semaphore, #tpu.memory_space<semaphore_mem>>) src(%dma_wait3A_138 : memref<4x128xi32, #tpu.memory_space<hbm>>) dst(%arg5 : memref<4x128xi32, #tpu.memory_space<vmem>>)
    %dma_start3A_139 = arith.constant 0 : i32
    %dma_start3A_140 = arith.constant 0 : i32
    %dma_start3A_141 = arith.constant 0 : i32
    %dma_start3A_142 = arith.constant 0 : i32
    %dma_start3A_143 = tpu.memref_slice %arg7[%dma_start3A_140, %dma_start3A_141, %dma_start3A_142] : memref<4x128x32xf32, #tpu.memory_space<vmem>> -> memref<1x128x32xf32, #tpu.memory_space<vmem>>
    %dma_start3A_144 = tpu.memref_squeeze %dma_start3A_143 : memref<1x128x32xf32, #tpu.memory_space<vmem>> -> memref<128x32xf32, #tpu.memory_space<vmem>>
    %dma_start3A_145 = arith.constant 0 : i32
    %dma_start3A_146 = tpu.memref_slice %arg5[%dma_start3A_139, %dma_start3A_145] : memref<4x128xi32, #tpu.memory_space<vmem>> -> memref<1x128xi32, #tpu.memory_space<vmem>>
    %dma_start3A_147 = tpu.memref_squeeze %dma_start3A_146 : memref<1x128xi32, #tpu.memory_space<vmem>> -> memref<128xi32, #tpu.memory_space<vmem>>
    %dma_start3A_148 = arith.constant 0 : i32
    %dma_start3A_149 = arith.constant 0 : i32
    %dma_start3A_150 = tpu.memref_slice %arg3[%dma_start3A_148, %dma_start3A_149] : memref<1000000x32xf32, #tpu.memory_space<hbm>> -> memref<1000000x32xf32, #tpu.memory_space<hbm>>
    tpu.enqueue_indirect_dma source(%dma_start3A_150 : memref<1000000x32xf32, #tpu.memory_space<hbm>>) target(%dma_start3A_144 : memref<128x32xf32, #tpu.memory_space<vmem>>) offsets(%dma_start3A_147 : memref<128xi32, #tpu.memory_space<vmem>>) semaphore(%arg13 : memref<!tpu.dma_semaphore, #tpu.memory_space<semaphore_mem>>)
    %dma_start3A_151 = arith.constant 1 : i32
    %dma_start3A_152 = arith.constant 1 : i32
    %dma_start3A_153 = arith.constant 0 : i32
    %dma_start3A_154 = arith.constant 0 : i32
    %dma_start3A_155 = tpu.memref_slice %arg7[%dma_start3A_152, %dma_start3A_153, %dma_start3A_154] : memref<4x128x32xf32, #tpu.memory_space<vmem>> -> memref<1x128x32xf32, #tpu.memory_space<vmem>>
    %dma_start3A_156 = tpu.memref_squeeze %dma_start3A_155 : memref<1x128x32xf32, #tpu.memory_space<vmem>> -> memref<128x32xf32, #tpu.memory_space<vmem>>
    %dma_start3A_157 = arith.constant 0 : i32
    %dma_start3A_158 = tpu.memref_slice %arg5[%dma_start3A_151, %dma_start3A_157] : memref<4x128xi32, #tpu.memory_space<vmem>> -> memref<1x128xi32, #tpu.memory_space<vmem>>
    %dma_start3A_159 = tpu.memref_squeeze %dma_start3A_158 : memref<1x128xi32, #tpu.memory_space<vmem>> -> memref<128xi32, #tpu.memory_space<vmem>>
    %dma_start3A_160 = arith.constant 0 : i32
    %dma_start3A_161 = arith.constant 0 : i32
    %dma_start3A_162 = tpu.memref_slice %arg3[%dma_start3A_160, %dma_start3A_161] : memref<1000000x32xf32, #tpu.memory_space<hbm>> -> memref<1000000x32xf32, #tpu.memory_space<hbm>>
    tpu.enqueue_indirect_dma source(%dma_start3A_162 : memref<1000000x32xf32, #tpu.memory_space<hbm>>) target(%dma_start3A_156 : memref<128x32xf32, #tpu.memory_space<vmem>>) offsets(%dma_start3A_159 : memref<128xi32, #tpu.memory_space<vmem>>) semaphore(%arg13 : memref<!tpu.dma_semaphore, #tpu.memory_space<semaphore_mem>>)
    %dma_start3A_163 = arith.constant 2 : i32
    %dma_start3A_164 = arith.constant 2 : i32
    %dma_start3A_165 = arith.constant 0 : i32
    %dma_start3A_166 = arith.constant 0 : i32
    %dma_start3A_167 = tpu.memref_slice %arg7[%dma_start3A_164, %dma_start3A_165, %dma_start3A_166] : memref<4x128x32xf32, #tpu.memory_space<vmem>> -> memref<1x128x32xf32, #tpu.memory_space<vmem>>
    %dma_start3A_168 = tpu.memref_squeeze %dma_start3A_167 : memref<1x128x32xf32, #tpu.memory_space<vmem>> -> memref<128x32xf32, #tpu.memory_space<vmem>>
    %dma_start3A_169 = arith.constant 0 : i32
    %dma_start3A_170 = tpu.memref_slice %arg5[%dma_start3A_163, %dma_start3A_169] : memref<4x128xi32, #tpu.memory_space<vmem>> -> memref<1x128xi32, #tpu.memory_space<vmem>>
    %dma_start3A_171 = tpu.memref_squeeze %dma_start3A_170 : memref<1x128xi32, #tpu.memory_space<vmem>> -> memref<128xi32, #tpu.memory_space<vmem>>
    %dma_start3A_172 = arith.constant 0 : i32
    %dma_start3A_173 = arith.constant 0 : i32
    %dma_start3A_174 = tpu.memref_slice %arg3[%dma_start3A_172, %dma_start3A_173] : memref<1000000x32xf32, #tpu.memory_space<hbm>> -> memref<1000000x32xf32, #tpu.memory_space<hbm>>
    tpu.enqueue_indirect_dma source(%dma_start3A_174 : memref<1000000x32xf32, #tpu.memory_space<hbm>>) target(%dma_start3A_168 : memref<128x32xf32, #tpu.memory_space<vmem>>) offsets(%dma_start3A_171 : memref<128xi32, #tpu.memory_space<vmem>>) semaphore(%arg13 : memref<!tpu.dma_semaphore, #tpu.memory_space<semaphore_mem>>)
    %dma_start3A_175 = arith.constant 3 : i32
    %dma_start3A_176 = arith.constant 3 : i32
    %dma_start3A_177 = arith.constant 0 : i32
    %dma_start3A_178 = arith.constant 0 : i32
    %dma_start3A_179 = tpu.memref_slice %arg7[%dma_start3A_176, %dma_start3A_177, %dma_start3A_178] : memref<4x128x32xf32, #tpu.memory_space<vmem>> -> memref<1x128x32xf32, #tpu.memory_space<vmem>>
    %dma_start3A_180 = tpu.memref_squeeze %dma_start3A_179 : memref<1x128x32xf32, #tpu.memory_space<vmem>> -> memref<128x32xf32, #tpu.memory_space<vmem>>
    %dma_start3A_181 = arith.constant 0 : i32
    %dma_start3A_182 = tpu.memref_slice %arg5[%dma_start3A_175, %dma_start3A_181] : memref<4x128xi32, #tpu.memory_space<vmem>> -> memref<1x128xi32, #tpu.memory_space<vmem>>
    %dma_start3A_183 = tpu.memref_squeeze %dma_start3A_182 : memref<1x128xi32, #tpu.memory_space<vmem>> -> memref<128xi32, #tpu.memory_space<vmem>>
    %dma_start3A_184 = arith.constant 0 : i32
    %dma_start3A_185 = arith.constant 0 : i32
    %dma_start3A_186 = tpu.memref_slice %arg3[%dma_start3A_184, %dma_start3A_185] : memref<1000000x32xf32, #tpu.memory_space<hbm>> -> memref<1000000x32xf32, #tpu.memory_space<hbm>>
    tpu.enqueue_indirect_dma source(%dma_start3A_186 : memref<1000000x32xf32, #tpu.memory_space<hbm>>) target(%dma_start3A_180 : memref<128x32xf32, #tpu.memory_space<vmem>>) offsets(%dma_start3A_183 : memref<128xi32, #tpu.memory_space<vmem>>) semaphore(%arg13 : memref<!tpu.dma_semaphore, #tpu.memory_space<semaphore_mem>>)
    %scan3A = arith.constant 0 : i32
    %scan3A_187 = arith.constant 0 : i32
    %scan3A_188 = arith.constant 25 : i32
    %scan3A_189 = arith.addi %scan3A_187, %scan3A_188 : i32
    %scan3A_190 = arith.constant 1 : i32
    scf.for %scan3A_300 = %scan3A_187 to %scan3A_189 step %scan3A_190  : i32 {
      %mul3A_301 = arith.constant 2 : i32
      %mul3A_302 = arith.muli %mul3A_301, %scan3A_300 : i32
      %add3A_303 = arith.constant 1 : i32
      %add3A_304 = arith.addi %mul3A_302, %add3A_303 : i32
      %lt3A_305 = arith.constant 50 : i32
      %lt3A_306 = arith.cmpi slt, %add3A_304, %lt3A_305 : i32
      %convert_element_type3A = arith.extui %lt3A_306 : i1 to i32
      %cond3A = arith.constant 0 : i32
      %cond3A_307 = arith.cmpi ne, %convert_element_type3A, %cond3A : i32
      scf.if %cond3A_307 {
        %add3A_568 = arith.constant 1 : i32
        %add3A_569 = arith.addi %mul3A_302, %add3A_568 : i32
        %mul3A_570 = arith.constant 32 : i32
        %mul3A_571 = arith.muli %mul3A_570, %add3A_569 : i32
        %add3A_572 = arith.addi %add3A, %mul3A_571 : i32
        %jit3A_573 = arith.constant 8 : i32
        %div3A_574 = arith.divsi %add3A_572, %jit3A_573 : i32
        %sign3A_575 = arith.constant 0 : i32
        %sign3A_576 = arith.cmpi sgt, %add3A_572, %sign3A_575 : i32
        %sign3A_577 = arith.extui %sign3A_576 : i1 to i32
        %sign3A_578 = arith.constant 0 : i32
        %sign3A_579 = arith.cmpi slt, %add3A_572, %sign3A_578 : i32
        %sign3A_580 = arith.extui %sign3A_579 : i1 to i32
        %sign3A_581 = arith.subi %sign3A_577, %sign3A_580 : i32
        %sign3A_582 = arith.constant 0 : i32
        %sign3A_583 = arith.cmpi sgt, %jit3A_573, %sign3A_582 : i32
        %sign3A_584 = arith.extui %sign3A_583 : i1 to i32
        %sign3A_585 = arith.constant 0 : i32
        %sign3A_586 = arith.cmpi slt, %jit3A_573, %sign3A_585 : i32
        %sign3A_587 = arith.extui %sign3A_586 : i1 to i32
        %sign3A_588 = arith.subi %sign3A_584, %sign3A_587 : i32
        %ne3A_589 = arith.cmpi ne, %sign3A_581, %sign3A_588 : i32
        %rem3A_590 = arith.remsi %add3A_572, %jit3A_573 : i32
        %ne3A_591 = arith.constant 0 : i32
        %ne3A_592 = arith.cmpi ne, %rem3A_590, %ne3A_591 : i32
        %and3A_593 = arith.andi %ne3A_589, %ne3A_592 : i1
        %sub3A_594 = arith.constant 1 : i32
        %sub3A_595 = arith.subi %div3A_574, %sub3A_594 : i32
        %select_n3A_596 = arith.select %and3A_593, %sub3A_595, %div3A_574 : i32
        %jit3A_597 = arith.constant 8 : i32
        %eq3A_598 = arith.constant 0 : i32
        %eq3A_599 = arith.cmpi eq, %jit3A_597, %eq3A_598 : i32
        %jit3A_600 = arith.constant 1 : i32
        %select_n3A_601 = arith.select %eq3A_599, %jit3A_600, %jit3A_597 : i32
        %rem3A_602 = arith.remsi %add3A_572, %select_n3A_601 : i32
        %ne3A_603 = arith.constant 0 : i32
        %ne3A_604 = arith.cmpi ne, %rem3A_602, %ne3A_603 : i32
        %lt3A_605 = arith.constant 0 : i32
        %lt3A_606 = arith.cmpi slt, %rem3A_602, %lt3A_605 : i32
        %lt3A_607 = arith.constant 0 : i32
        %lt3A_608 = arith.cmpi slt, %select_n3A_601, %lt3A_607 : i32
        %ne3A_609 = arith.xori %lt3A_606, %lt3A_608 : i1
        %and3A_610 = arith.andi %ne3A_609, %ne3A_604 : i1
        %add3A_611 = arith.addi %rem3A_602, %select_n3A_601 : i32
        %select_n3A_612 = arith.select %and3A_610, %add3A_611, %rem3A_602 : i32
        %mul3A_613 = arith.constant 4 : i32
        %mul3A_614 = arith.muli %select_n3A_612, %mul3A_613 : i32
        %dma_wait3A_615 = arith.constant 0 : i32
        %dma_wait3A_616 = tpu.memref_slice %arg2[%select_n3A_596, %mul3A_614, %dma_wait3A_615] : memref<200x32x128xi32, #tpu.memory_space<hbm>> -> memref<1x4x128xi32, #tpu.memory_space<hbm>>
        %dma_wait3A_617 = tpu.memref_squeeze %dma_wait3A_616 : memref<1x4x128xi32, #tpu.memory_space<hbm>> -> memref<4x128xi32, #tpu.memory_space<hbm>>
        %dma_wait3A_618 = arith.constant 0 : i32
        %dma_wait3A_619 = tpu.memref_slice %arg2[%select_n3A_596, %mul3A_614, %dma_wait3A_618] : memref<200x32x128xi32, #tpu.memory_space<hbm>> -> memref<1x4x128xi32, #tpu.memory_space<hbm>>
        %dma_wait3A_620 = tpu.memref_squeeze %dma_wait3A_619 : memref<1x4x128xi32, #tpu.memory_space<hbm>> -> memref<4x128xi32, #tpu.memory_space<hbm>>
        tpu.wait_dma2 semaphore(%arg12 : memref<!tpu.dma_semaphore, #tpu.memory_space<semaphore_mem>>) src(%dma_wait3A_620 : memref<4x128xi32, #tpu.memory_space<hbm>>) dst(%arg6 : memref<4x128xi32, #tpu.memory_space<vmem>>)
        %ge3A = arith.constant 1 : i32
        %ge3A_621 = arith.cmpi sge, %mul3A_302, %ge3A : i32
        %convert_element_type3A_622 = arith.extui %ge3A_621 : i1 to i32
        %cond3A_623 = arith.constant 0 : i32
        %cond3A_624 = arith.cmpi ne, %convert_element_type3A_622, %cond3A_623 : i32
        scf.if %cond3A_624 {
          %sub3A_673 = arith.constant 1 : i32
          %sub3A_674 = arith.subi %mul3A_302, %sub3A_673 : i32
          %mul3A_675 = arith.constant 32 : i32
          %mul3A_676 = arith.muli %mul3A_675, %sub3A_674 : i32
          %add3A_677 = arith.addi %add3A, %mul3A_676 : i32
          %jit3A_678 = arith.constant 8 : i32
          %div3A_679 = arith.divsi %add3A_677, %jit3A_678 : i32
          %sign3A_680 = arith.constant 0 : i32
          %sign3A_681 = arith.cmpi sgt, %add3A_677, %sign3A_680 : i32
          %sign3A_682 = arith.extui %sign3A_681 : i1 to i32
          %sign3A_683 = arith.constant 0 : i32
          %sign3A_684 = arith.cmpi slt, %add3A_677, %sign3A_683 : i32
          %sign3A_685 = arith.extui %sign3A_684 : i1 to i32
          %sign3A_686 = arith.subi %sign3A_682, %sign3A_685 : i32
          %sign3A_687 = arith.constant 0 : i32
          %sign3A_688 = arith.cmpi sgt, %jit3A_678, %sign3A_687 : i32
          %sign3A_689 = arith.extui %sign3A_688 : i1 to i32
          %sign3A_690 = arith.constant 0 : i32
          %sign3A_691 = arith.cmpi slt, %jit3A_678, %sign3A_690 : i32
          %sign3A_692 = arith.extui %sign3A_691 : i1 to i32
          %sign3A_693 = arith.subi %sign3A_689, %sign3A_692 : i32
          %ne3A_694 = arith.cmpi ne, %sign3A_686, %sign3A_693 : i32
          %rem3A_695 = arith.remsi %add3A_677, %jit3A_678 : i32
          %ne3A_696 = arith.constant 0 : i32
          %ne3A_697 = arith.cmpi ne, %rem3A_695, %ne3A_696 : i32
          %and3A_698 = arith.andi %ne3A_694, %ne3A_697 : i1
          %sub3A_699 = arith.constant 1 : i32
          %sub3A_700 = arith.subi %div3A_679, %sub3A_699 : i32
          %select_n3A_701 = arith.select %and3A_698, %sub3A_700, %div3A_679 : i32
          %jit3A_702 = arith.constant 8 : i32
          %eq3A_703 = arith.constant 0 : i32
          %eq3A_704 = arith.cmpi eq, %jit3A_702, %eq3A_703 : i32
          %jit3A_705 = arith.constant 1 : i32
          %select_n3A_706 = arith.select %eq3A_704, %jit3A_705, %jit3A_702 : i32
          %rem3A_707 = arith.remsi %add3A_677, %select_n3A_706 : i32
          %ne3A_708 = arith.constant 0 : i32
          %ne3A_709 = arith.cmpi ne, %rem3A_707, %ne3A_708 : i32
          %lt3A_710 = arith.constant 0 : i32
          %lt3A_711 = arith.cmpi slt, %rem3A_707, %lt3A_710 : i32
          %lt3A_712 = arith.constant 0 : i32
          %lt3A_713 = arith.cmpi slt, %select_n3A_706, %lt3A_712 : i32
          %ne3A_714 = arith.xori %lt3A_711, %lt3A_713 : i1
          %and3A_715 = arith.andi %ne3A_714, %ne3A_709 : i1
          %add3A_716 = arith.addi %rem3A_707, %select_n3A_706 : i32
          %select_n3A_717 = arith.select %and3A_715, %add3A_716, %rem3A_707 : i32
          %mul3A_718 = arith.constant 4 : i32
          %mul3A_719 = arith.muli %select_n3A_717, %mul3A_718 : i32
          %dma_wait3A_720 = arith.constant 0 : i32
          %dma_wait3A_721 = arith.constant 0 : i32
          %dma_wait3A_722 = arith.constant 0 : i32
          %dma_wait3A_723 = tpu.memref_slice %arg4[%select_n3A_701, %dma_wait3A_720, %mul3A_719, %dma_wait3A_721, %dma_wait3A_722] : memref<200x4x32x8x128xf32, #tpu.memory_space<hbm>> -> memref<1x4x4x8x128xf32, #tpu.memory_space<hbm>>
          %dma_wait3A_724 = tpu.memref_squeeze %dma_wait3A_723 : memref<1x4x4x8x128xf32, #tpu.memory_space<hbm>> -> memref<4x4x8x128xf32, #tpu.memory_space<hbm>>
          %dma_wait3A_725 = arith.constant 0 : i32
          %dma_wait3A_726 = arith.constant 0 : i32
          %dma_wait3A_727 = arith.constant 0 : i32
          %dma_wait3A_728 = tpu.memref_slice %arg4[%select_n3A_701, %dma_wait3A_725, %mul3A_719, %dma_wait3A_726, %dma_wait3A_727] : memref<200x4x32x8x128xf32, #tpu.memory_space<hbm>> -> memref<1x4x4x8x128xf32, #tpu.memory_space<hbm>>
          %dma_wait3A_729 = tpu.memref_squeeze %dma_wait3A_728 : memref<1x4x4x8x128xf32, #tpu.memory_space<hbm>> -> memref<4x4x8x128xf32, #tpu.memory_space<hbm>>
          tpu.wait_dma2 semaphore(%arg16 : memref<!tpu.dma_semaphore, #tpu.memory_space<semaphore_mem>>) src(%arg10 : memref<4x4x8x128xf32, #tpu.memory_space<vmem>>) dst(%dma_wait3A_729 : memref<4x4x8x128xf32, #tpu.memory_space<hbm>>)
        } else {
        }
        %dma_start3A_625 = arith.constant 0 : i32
        %dma_start3A_626 = arith.constant 0 : i32
        %dma_start3A_627 = arith.constant 0 : i32
        %dma_start3A_628 = arith.constant 0 : i32
        %dma_start3A_629 = tpu.memref_slice %arg8[%dma_start3A_626, %dma_start3A_627, %dma_start3A_628] : memref<4x128x32xf32, #tpu.memory_space<vmem>> -> memref<1x128x32xf32, #tpu.memory_space<vmem>>
        %dma_start3A_630 = tpu.memref_squeeze %dma_start3A_629 : memref<1x128x32xf32, #tpu.memory_space<vmem>> -> memref<128x32xf32, #tpu.memory_space<vmem>>
        %dma_start3A_631 = arith.constant 0 : i32
        %dma_start3A_632 = tpu.memref_slice %arg6[%dma_start3A_625, %dma_start3A_631] : memref<4x128xi32, #tpu.memory_space<vmem>> -> memref<1x128xi32, #tpu.memory_space<vmem>>
        %dma_start3A_633 = tpu.memref_squeeze %dma_start3A_632 : memref<1x128xi32, #tpu.memory_space<vmem>> -> memref<128xi32, #tpu.memory_space<vmem>>
        %dma_start3A_634 = arith.constant 0 : i32
        %dma_start3A_635 = arith.constant 0 : i32
        %dma_start3A_636 = tpu.memref_slice %arg3[%dma_start3A_634, %dma_start3A_635] : memref<1000000x32xf32, #tpu.memory_space<hbm>> -> memref<1000000x32xf32, #tpu.memory_space<hbm>>
        tpu.enqueue_indirect_dma source(%dma_start3A_636 : memref<1000000x32xf32, #tpu.memory_space<hbm>>) target(%dma_start3A_630 : memref<128x32xf32, #tpu.memory_space<vmem>>) offsets(%dma_start3A_633 : memref<128xi32, #tpu.memory_space<vmem>>) semaphore(%arg14 : memref<!tpu.dma_semaphore, #tpu.memory_space<semaphore_mem>>)
        %dma_start3A_637 = arith.constant 1 : i32
        %dma_start3A_638 = arith.constant 1 : i32
        %dma_start3A_639 = arith.constant 0 : i32
        %dma_start3A_640 = arith.constant 0 : i32
        %dma_start3A_641 = tpu.memref_slice %arg8[%dma_start3A_638, %dma_start3A_639, %dma_start3A_640] : memref<4x128x32xf32, #tpu.memory_space<vmem>> -> memref<1x128x32xf32, #tpu.memory_space<vmem>>
        %dma_start3A_642 = tpu.memref_squeeze %dma_start3A_641 : memref<1x128x32xf32, #tpu.memory_space<vmem>> -> memref<128x32xf32, #tpu.memory_space<vmem>>
        %dma_start3A_643 = arith.constant 0 : i32
        %dma_start3A_644 = tpu.memref_slice %arg6[%dma_start3A_637, %dma_start3A_643] : memref<4x128xi32, #tpu.memory_space<vmem>> -> memref<1x128xi32, #tpu.memory_space<vmem>>
        %dma_start3A_645 = tpu.memref_squeeze %dma_start3A_644 : memref<1x128xi32, #tpu.memory_space<vmem>> -> memref<128xi32, #tpu.memory_space<vmem>>
        %dma_start3A_646 = arith.constant 0 : i32
        %dma_start3A_647 = arith.constant 0 : i32
        %dma_start3A_648 = tpu.memref_slice %arg3[%dma_start3A_646, %dma_start3A_647] : memref<1000000x32xf32, #tpu.memory_space<hbm>> -> memref<1000000x32xf32, #tpu.memory_space<hbm>>
        tpu.enqueue_indirect_dma source(%dma_start3A_648 : memref<1000000x32xf32, #tpu.memory_space<hbm>>) target(%dma_start3A_642 : memref<128x32xf32, #tpu.memory_space<vmem>>) offsets(%dma_start3A_645 : memref<128xi32, #tpu.memory_space<vmem>>) semaphore(%arg14 : memref<!tpu.dma_semaphore, #tpu.memory_space<semaphore_mem>>)
        %dma_start3A_649 = arith.constant 2 : i32
        %dma_start3A_650 = arith.constant 2 : i32
        %dma_start3A_651 = arith.constant 0 : i32
        %dma_start3A_652 = arith.constant 0 : i32
        %dma_start3A_653 = tpu.memref_slice %arg8[%dma_start3A_650, %dma_start3A_651, %dma_start3A_652] : memref<4x128x32xf32, #tpu.memory_space<vmem>> -> memref<1x128x32xf32, #tpu.memory_space<vmem>>
        %dma_start3A_654 = tpu.memref_squeeze %dma_start3A_653 : memref<1x128x32xf32, #tpu.memory_space<vmem>> -> memref<128x32xf32, #tpu.memory_space<vmem>>
        %dma_start3A_655 = arith.constant 0 : i32
        %dma_start3A_656 = tpu.memref_slice %arg6[%dma_start3A_649, %dma_start3A_655] : memref<4x128xi32, #tpu.memory_space<vmem>> -> memref<1x128xi32, #tpu.memory_space<vmem>>
        %dma_start3A_657 = tpu.memref_squeeze %dma_start3A_656 : memref<1x128xi32, #tpu.memory_space<vmem>> -> memref<128xi32, #tpu.memory_space<vmem>>
        %dma_start3A_658 = arith.constant 0 : i32
        %dma_start3A_659 = arith.constant 0 : i32
        %dma_start3A_660 = tpu.memref_slice %arg3[%dma_start3A_658, %dma_start3A_659] : memref<1000000x32xf32, #tpu.memory_space<hbm>> -> memref<1000000x32xf32, #tpu.memory_space<hbm>>
        tpu.enqueue_indirect_dma source(%dma_start3A_660 : memref<1000000x32xf32, #tpu.memory_space<hbm>>) target(%dma_start3A_654 : memref<128x32xf32, #tpu.memory_space<vmem>>) offsets(%dma_start3A_657 : memref<128xi32, #tpu.memory_space<vmem>>) semaphore(%arg14 : memref<!tpu.dma_semaphore, #tpu.memory_space<semaphore_mem>>)
        %dma_start3A_661 = arith.constant 3 : i32
        %dma_start3A_662 = arith.constant 3 : i32
        %dma_start3A_663 = arith.constant 0 : i32
        %dma_start3A_664 = arith.constant 0 : i32
        %dma_start3A_665 = tpu.memref_slice %arg8[%dma_start3A_662, %dma_start3A_663, %dma_start3A_664] : memref<4x128x32xf32, #tpu.memory_space<vmem>> -> memref<1x128x32xf32, #tpu.memory_space<vmem>>
        %dma_start3A_666 = tpu.memref_squeeze %dma_start3A_665 : memref<1x128x32xf32, #tpu.memory_space<vmem>> -> memref<128x32xf32, #tpu.memory_space<vmem>>
        %dma_start3A_667 = arith.constant 0 : i32
        %dma_start3A_668 = tpu.memref_slice %arg6[%dma_start3A_661, %dma_start3A_667] : memref<4x128xi32, #tpu.memory_space<vmem>> -> memref<1x128xi32, #tpu.memory_space<vmem>>
        %dma_start3A_669 = tpu.memref_squeeze %dma_start3A_668 : memref<1x128xi32, #tpu.memory_space<vmem>> -> memref<128xi32, #tpu.memory_space<vmem>>
        %dma_start3A_670 = arith.constant 0 : i32
        %dma_start3A_671 = arith.constant 0 : i32
        %dma_start3A_672 = tpu.memref_slice %arg3[%dma_start3A_670, %dma_start3A_671] : memref<1000000x32xf32, #tpu.memory_space<hbm>> -> memref<1000000x32xf32, #tpu.memory_space<hbm>>
        tpu.enqueue_indirect_dma source(%dma_start3A_672 : memref<1000000x32xf32, #tpu.memory_space<hbm>>) target(%dma_start3A_666 : memref<128x32xf32, #tpu.memory_space<vmem>>) offsets(%dma_start3A_669 : memref<128xi32, #tpu.memory_space<vmem>>) semaphore(%arg14 : memref<!tpu.dma_semaphore, #tpu.memory_space<semaphore_mem>>)
      } else {
      }
      %dma_wait3A_308 = arith.constant 0 : i32
      %dma_wait3A_309 = arith.constant 0 : i32
      %dma_wait3A_310 = arith.constant 0 : i32
      %dma_wait3A_311 = tpu.memref_slice %arg7[%dma_wait3A_308, %dma_wait3A_309, %dma_wait3A_310] : memref<4x128x32xf32, #tpu.memory_space<vmem>> -> memref<1x128x32xf32, #tpu.memory_space<vmem>>
      %dma_wait3A_312 = tpu.memref_squeeze %dma_wait3A_311 : memref<1x128x32xf32, #tpu.memory_space<vmem>> -> memref<128x32xf32, #tpu.memory_space<vmem>>
      %dma_wait3A_313 = arith.constant 0 : i32
      %dma_wait3A_314 = arith.constant 0 : i32
      %dma_wait3A_315 = tpu.memref_slice %arg3[%dma_wait3A_313, %dma_wait3A_314] : memref<1000000x32xf32, #tpu.memory_space<hbm>> -> memref<128x32xf32, #tpu.memory_space<hbm>>
      %dma_wait3A_316 = arith.constant 0 : i32
      %dma_wait3A_317 = arith.constant 0 : i32
      %dma_wait3A_318 = tpu.memref_slice %arg7[%dma_wait3A_308, %dma_wait3A_316, %dma_wait3A_317] : memref<4x128x32xf32, #tpu.memory_space<vmem>> -> memref<1x128x32xf32, #tpu.memory_space<vmem>>
      %dma_wait3A_319 = tpu.memref_squeeze %dma_wait3A_318 : memref<1x128x32xf32, #tpu.memory_space<vmem>> -> memref<128x32xf32, #tpu.memory_space<vmem>>
      %dma_wait3A_320 = arith.constant 0 : i32
      %dma_wait3A_321 = arith.constant 0 : i32
      %dma_wait3A_322 = tpu.memref_slice %arg3[%dma_wait3A_320, %dma_wait3A_321] : memref<1000000x32xf32, #tpu.memory_space<hbm>> -> memref<128x32xf32, #tpu.memory_space<hbm>>
      tpu.wait_dma2 semaphore(%arg13 : memref<!tpu.dma_semaphore, #tpu.memory_space<semaphore_mem>>) src(%dma_wait3A_322 : memref<128x32xf32, #tpu.memory_space<hbm>>) dst(%dma_wait3A_319 : memref<128x32xf32, #tpu.memory_space<vmem>>)
      %dma_wait3A_323 = arith.constant 1 : i32
      %dma_wait3A_324 = arith.constant 0 : i32
      %dma_wait3A_325 = arith.constant 0 : i32
      %dma_wait3A_326 = tpu.memref_slice %arg7[%dma_wait3A_323, %dma_wait3A_324, %dma_wait3A_325] : memref<4x128x32xf32, #tpu.memory_space<vmem>> -> memref<1x128x32xf32, #tpu.memory_space<vmem>>
      %dma_wait3A_327 = tpu.memref_squeeze %dma_wait3A_326 : memref<1x128x32xf32, #tpu.memory_space<vmem>> -> memref<128x32xf32, #tpu.memory_space<vmem>>
      %dma_wait3A_328 = arith.constant 0 : i32
      %dma_wait3A_329 = arith.constant 0 : i32
      %dma_wait3A_330 = tpu.memref_slice %arg3[%dma_wait3A_328, %dma_wait3A_329] : memref<1000000x32xf32, #tpu.memory_space<hbm>> -> memref<128x32xf32, #tpu.memory_space<hbm>>
      %dma_wait3A_331 = arith.constant 0 : i32
      %dma_wait3A_332 = arith.constant 0 : i32
      %dma_wait3A_333 = tpu.memref_slice %arg7[%dma_wait3A_323, %dma_wait3A_331, %dma_wait3A_332] : memref<4x128x32xf32, #tpu.memory_space<vmem>> -> memref<1x128x32xf32, #tpu.memory_space<vmem>>
      %dma_wait3A_334 = tpu.memref_squeeze %dma_wait3A_333 : memref<1x128x32xf32, #tpu.memory_space<vmem>> -> memref<128x32xf32, #tpu.memory_space<vmem>>
      %dma_wait3A_335 = arith.constant 0 : i32
      %dma_wait3A_336 = arith.constant 0 : i32
      %dma_wait3A_337 = tpu.memref_slice %arg3[%dma_wait3A_335, %dma_wait3A_336] : memref<1000000x32xf32, #tpu.memory_space<hbm>> -> memref<128x32xf32, #tpu.memory_space<hbm>>
      tpu.wait_dma2 semaphore(%arg13 : memref<!tpu.dma_semaphore, #tpu.memory_space<semaphore_mem>>) src(%dma_wait3A_337 : memref<128x32xf32, #tpu.memory_space<hbm>>) dst(%dma_wait3A_334 : memref<128x32xf32, #tpu.memory_space<vmem>>)
      %dma_wait3A_338 = arith.constant 2 : i32
      %dma_wait3A_339 = arith.constant 0 : i32
      %dma_wait3A_340 = arith.constant 0 : i32
      %dma_wait3A_341 = tpu.memref_slice %arg7[%dma_wait3A_338, %dma_wait3A_339, %dma_wait3A_340] : memref<4x128x32xf32, #tpu.memory_space<vmem>> -> memref<1x128x32xf32, #tpu.memory_space<vmem>>
      %dma_wait3A_342 = tpu.memref_squeeze %dma_wait3A_341 : memref<1x128x32xf32, #tpu.memory_space<vmem>> -> memref<128x32xf32, #tpu.memory_space<vmem>>
      %dma_wait3A_343 = arith.constant 0 : i32
      %dma_wait3A_344 = arith.constant 0 : i32
      %dma_wait3A_345 = tpu.memref_slice %arg3[%dma_wait3A_343, %dma_wait3A_344] : memref<1000000x32xf32, #tpu.memory_space<hbm>> -> memref<128x32xf32, #tpu.memory_space<hbm>>
      %dma_wait3A_346 = arith.constant 0 : i32
      %dma_wait3A_347 = arith.constant 0 : i32
      %dma_wait3A_348 = tpu.memref_slice %arg7[%dma_wait3A_338, %dma_wait3A_346, %dma_wait3A_347] : memref<4x128x32xf32, #tpu.memory_space<vmem>> -> memref<1x128x32xf32, #tpu.memory_space<vmem>>
      %dma_wait3A_349 = tpu.memref_squeeze %dma_wait3A_348 : memref<1x128x32xf32, #tpu.memory_space<vmem>> -> memref<128x32xf32, #tpu.memory_space<vmem>>
      %dma_wait3A_350 = arith.constant 0 : i32
      %dma_wait3A_351 = arith.constant 0 : i32
      %dma_wait3A_352 = tpu.memref_slice %arg3[%dma_wait3A_350, %dma_wait3A_351] : memref<1000000x32xf32, #tpu.memory_space<hbm>> -> memref<128x32xf32, #tpu.memory_space<hbm>>
      tpu.wait_dma2 semaphore(%arg13 : memref<!tpu.dma_semaphore, #tpu.memory_space<semaphore_mem>>) src(%dma_wait3A_352 : memref<128x32xf32, #tpu.memory_space<hbm>>) dst(%dma_wait3A_349 : memref<128x32xf32, #tpu.memory_space<vmem>>)
      %dma_wait3A_353 = arith.constant 3 : i32
      %dma_wait3A_354 = arith.constant 0 : i32
      %dma_wait3A_355 = arith.constant 0 : i32
      %dma_wait3A_356 = tpu.memref_slice %arg7[%dma_wait3A_353, %dma_wait3A_354, %dma_wait3A_355] : memref<4x128x32xf32, #tpu.memory_space<vmem>> -> memref<1x128x32xf32, #tpu.memory_space<vmem>>
      %dma_wait3A_357 = tpu.memref_squeeze %dma_wait3A_356 : memref<1x128x32xf32, #tpu.memory_space<vmem>> -> memref<128x32xf32, #tpu.memory_space<vmem>>
      %dma_wait3A_358 = arith.constant 0 : i32
      %dma_wait3A_359 = arith.constant 0 : i32
      %dma_wait3A_360 = tpu.memref_slice %arg3[%dma_wait3A_358, %dma_wait3A_359] : memref<1000000x32xf32, #tpu.memory_space<hbm>> -> memref<128x32xf32, #tpu.memory_space<hbm>>
      %dma_wait3A_361 = arith.constant 0 : i32
      %dma_wait3A_362 = arith.constant 0 : i32
      %dma_wait3A_363 = tpu.memref_slice %arg7[%dma_wait3A_353, %dma_wait3A_361, %dma_wait3A_362] : memref<4x128x32xf32, #tpu.memory_space<vmem>> -> memref<1x128x32xf32, #tpu.memory_space<vmem>>
      %dma_wait3A_364 = tpu.memref_squeeze %dma_wait3A_363 : memref<1x128x32xf32, #tpu.memory_space<vmem>> -> memref<128x32xf32, #tpu.memory_space<vmem>>
      %dma_wait3A_365 = arith.constant 0 : i32
      %dma_wait3A_366 = arith.constant 0 : i32
      %dma_wait3A_367 = tpu.memref_slice %arg3[%dma_wait3A_365, %dma_wait3A_366] : memref<1000000x32xf32, #tpu.memory_space<hbm>> -> memref<128x32xf32, #tpu.memory_space<hbm>>
      tpu.wait_dma2 semaphore(%arg13 : memref<!tpu.dma_semaphore, #tpu.memory_space<semaphore_mem>>) src(%dma_wait3A_367 : memref<128x32xf32, #tpu.memory_space<hbm>>) dst(%dma_wait3A_364 : memref<128x32xf32, #tpu.memory_space<vmem>>)
      %parallel_loop3A = arith.constant 0 : i32
      %parallel_loop3A_368 = arith.constant 32 : i32
      %parallel_loop3A_369 = arith.constant 1 : i32
      scf.for %parallel_loop3A_568 = %parallel_loop3A to %parallel_loop3A_368 step %parallel_loop3A_369  : i32 {
        %parallel_loop3A_569 = arith.constant 8 : i32
        %parallel_loop3A_570 = arith.divsi %parallel_loop3A_568, %parallel_loop3A_569 : i32
        %parallel_loop3A_571 = arith.constant 0 : i32
        %parallel_loop3A_572 = arith.cmpi sgt, %parallel_loop3A_568, %parallel_loop3A_571 : i32
        %parallel_loop3A_573 = arith.extui %parallel_loop3A_572 : i1 to i32
        %parallel_loop3A_574 = arith.constant 0 : i32
        %parallel_loop3A_575 = arith.cmpi slt, %parallel_loop3A_568, %parallel_loop3A_574 : i32
        %parallel_loop3A_576 = arith.extui %parallel_loop3A_575 : i1 to i32
        %parallel_loop3A_577 = arith.subi %parallel_loop3A_573, %parallel_loop3A_576 : i32
        %parallel_loop3A_578 = arith.constant 0 : i32
        %parallel_loop3A_579 = arith.cmpi sgt, %parallel_loop3A_569, %parallel_loop3A_578 : i32
        %parallel_loop3A_580 = arith.extui %parallel_loop3A_579 : i1 to i32
        %parallel_loop3A_581 = arith.constant 0 : i32
        %parallel_loop3A_582 = arith.cmpi slt, %parallel_loop3A_569, %parallel_loop3A_581 : i32
        %parallel_loop3A_583 = arith.extui %parallel_loop3A_582 : i1 to i32
        %parallel_loop3A_584 = arith.subi %parallel_loop3A_580, %parallel_loop3A_583 : i32
        %parallel_loop3A_585 = arith.cmpi ne, %parallel_loop3A_577, %parallel_loop3A_584 : i32
        %parallel_loop3A_586 = arith.remsi %parallel_loop3A_568, %parallel_loop3A_569 : i32
        %parallel_loop3A_587 = arith.constant 0 : i32
        %parallel_loop3A_588 = arith.cmpi ne, %parallel_loop3A_586, %parallel_loop3A_587 : i32
        %parallel_loop3A_589 = arith.andi %parallel_loop3A_585, %parallel_loop3A_588 : i1
        %parallel_loop3A_590 = arith.constant 1 : i32
        %parallel_loop3A_591 = arith.subi %parallel_loop3A_570, %parallel_loop3A_590 : i32
        %parallel_loop3A_592 = arith.select %parallel_loop3A_589, %parallel_loop3A_591, %parallel_loop3A_570 : i32
        %parallel_loop3A_593 = arith.constant 8 : i32
        %parallel_loop3A_594 = arith.constant 0 : i32
        %parallel_loop3A_595 = arith.cmpi eq, %parallel_loop3A_593, %parallel_loop3A_594 : i32
        %parallel_loop3A_596 = arith.constant 1 : i32
        %parallel_loop3A_597 = arith.select %parallel_loop3A_595, %parallel_loop3A_596, %parallel_loop3A_593 : i32
        %parallel_loop3A_598 = arith.remsi %parallel_loop3A_568, %parallel_loop3A_597 : i32
        %parallel_loop3A_599 = arith.constant 0 : i32
        %parallel_loop3A_600 = arith.cmpi ne, %parallel_loop3A_598, %parallel_loop3A_599 : i32
        %parallel_loop3A_601 = arith.constant 0 : i32
        %parallel_loop3A_602 = arith.cmpi slt, %parallel_loop3A_598, %parallel_loop3A_601 : i32
        %parallel_loop3A_603 = arith.constant 0 : i32
        %parallel_loop3A_604 = arith.cmpi slt, %parallel_loop3A_597, %parallel_loop3A_603 : i32
        %parallel_loop3A_605 = arith.xori %parallel_loop3A_602, %parallel_loop3A_604 : i1
        %parallel_loop3A_606 = arith.andi %parallel_loop3A_605, %parallel_loop3A_600 : i1
        %parallel_loop3A_607 = arith.addi %parallel_loop3A_598, %parallel_loop3A_597 : i32
        %parallel_loop3A_608 = arith.select %parallel_loop3A_606, %parallel_loop3A_607, %parallel_loop3A_598 : i32
        %parallel_loop3A_609 = arith.constant 16 : i32
        %parallel_loop3A_610 = arith.muli %parallel_loop3A_608, %parallel_loop3A_609 : i32
        %parallel_loop3A_611 = arith.index_cast %parallel_loop3A_592 : i32 to index
        %parallel_loop3A_612 = arith.index_cast %parallel_loop3A_610 : i32 to index
        %parallel_loop3A_613 = tpu.vector_load %arg5[%parallel_loop3A_611, %parallel_loop3A_612] {strides = array<i32>} : memref<4x128xi32, #tpu.memory_space<vmem>>, vector<16xi32>,
        %parallel_loop3A_614 = arith.constant 0 : i32
        %parallel_loop3A_615 = vector.broadcast %parallel_loop3A_614 : i32 to vector<16xi32>
        %parallel_loop3A_616 = arith.cmpi eq, %parallel_loop3A_613, %parallel_loop3A_615 : vector<16xi32>
        %parallel_loop3A_617 = arith.constant 0.000000e+00 : f32
        %parallel_loop3A_618 = arith.constant 1.000000e+00 : f32
        %parallel_loop3A_619 = vector.broadcast %parallel_loop3A_617 : f32 to vector<16xf32>
        %parallel_loop3A_620 = vector.broadcast %parallel_loop3A_618 : f32 to vector<16xf32>
        %parallel_loop3A_621 = arith.select %parallel_loop3A_616, %parallel_loop3A_619, %parallel_loop3A_620 : vector<16xi1>, vector<16xf32>
        %parallel_loop3A_622 = tpu.iota {dimensions = array<i32: 0>} : vector<16xi32>
        %parallel_loop3A_623 = vector.broadcast %parallel_loop3A_610 : i32 to vector<16xi32>
        %parallel_loop3A_624 = arith.addi %parallel_loop3A_622, %parallel_loop3A_623 : vector<16xi32>
        %parallel_loop3A_625 = vector.broadcast %parallel_loop3A_592 : i32 to vector<16xi32>
        %parallel_loop3A_626 = arith.constant 0 : i32
        %parallel_loop3A_627 = vector.broadcast %parallel_loop3A_626 : i32 to vector<16xi32>
        %parallel_loop3A_628 = tpu.vector_load_idx %arg7[%parallel_loop3A_625, %parallel_loop3A_624, %parallel_loop3A_627] : memref<4x128x32xf32, #tpu.memory_space<vmem>>[vector<16xi32>, vector<16xi32>, vector<16xi32>], vector<16xf32>,
        %parallel_loop3A_629 = arith.mulf %parallel_loop3A_628, %parallel_loop3A_621 : vector<16xf32>
        %parallel_loop3A_630 = arith.constant 0 : i32
        %parallel_loop3A_631 = arith.constant 0 : i32
        %parallel_loop3A_632 = arith.index_cast %parallel_loop3A_630 : i32 to index
        %parallel_loop3A_633 = arith.index_cast %parallel_loop3A_592 : i32 to index
        %parallel_loop3A_634 = arith.index_cast %parallel_loop3A_631 : i32 to index
        %parallel_loop3A_635 = arith.index_cast %parallel_loop3A_610 : i32 to index
        %parallel_loop3A_636 = tpu.vector_load %arg9[%parallel_loop3A_632, %parallel_loop3A_633, %parallel_loop3A_634, %parallel_loop3A_635] {strides = array<i32>} : memref<4x4x8x128xf32, #tpu.memory_space<vmem>>, vector<16xf32>,
        tpu.vector_store %arg9[%parallel_loop3A_632, %parallel_loop3A_633, %parallel_loop3A_634, %parallel_loop3A_635], %parallel_loop3A_629 {strides = array<i32>} : memref<4x4x8x128xf32, #tpu.memory_space<vmem>>, vector<16xf32>,
        %parallel_loop3A_637 = arith.constant 1 : i32
        %parallel_loop3A_638 = vector.broadcast %parallel_loop3A_637 : i32 to vector<16xi32>
        %parallel_loop3A_639 = tpu.vector_load_idx %arg7[%parallel_loop3A_625, %parallel_loop3A_624, %parallel_loop3A_638] : memref<4x128x32xf32, #tpu.memory_space<vmem>>[vector<16xi32>, vector<16xi32>, vector<16xi32>], vector<16xf32>,
        %parallel_loop3A_640 = arith.mulf %parallel_loop3A_639, %parallel_loop3A_621 : vector<16xf32>
        %parallel_loop3A_641 = arith.constant 0 : i32
        %parallel_loop3A_642 = arith.constant 1 : i32
        %parallel_loop3A_643 = arith.index_cast %parallel_loop3A_641 : i32 to index
        %parallel_loop3A_644 = arith.index_cast %parallel_loop3A_592 : i32 to index
        %parallel_loop3A_645 = arith.index_cast %parallel_loop3A_642 : i32 to index
        %parallel_loop3A_646 = arith.index_cast %parallel_loop3A_610 : i32 to index
        %parallel_loop3A_647 = tpu.vector_load %arg9[%parallel_loop3A_643, %parallel_loop3A_644, %parallel_loop3A_645, %parallel_loop3A_646] {strides = array<i32>} : memref<4x4x8x128xf32, #tpu.memory_space<vmem>>, vector<16xf32>,
        tpu.vector_store %arg9[%parallel_loop3A_643, %parallel_loop3A_644, %parallel_loop3A_645, %parallel_loop3A_646], %parallel_loop3A_640 {strides = array<i32>} : memref<4x4x8x128xf32, #tpu.memory_space<vmem>>, vector<16xf32>,
        %parallel_loop3A_648 = arith.constant 2 : i32
        %parallel_loop3A_649 = vector.broadcast %parallel_loop3A_648 : i32 to vector<16xi32>
        %parallel_loop3A_650 = tpu.vector_load_idx %arg7[%parallel_loop3A_625, %parallel_loop3A_624, %parallel_loop3A_649] : memref<4x128x32xf32, #tpu.memory_space<vmem>>[vector<16xi32>, vector<16xi32>, vector<16xi32>], vector<16xf32>,
        %parallel_loop3A_651 = arith.mulf %parallel_loop3A_650, %parallel_loop3A_621 : vector<16xf32>
        %parallel_loop3A_652 = arith.constant 0 : i32
        %parallel_loop3A_653 = arith.constant 2 : i32
        %parallel_loop3A_654 = arith.index_cast %parallel_loop3A_652 : i32 to index
        %parallel_loop3A_655 = arith.index_cast %parallel_loop3A_592 : i32 to index
        %parallel_loop3A_656 = arith.index_cast %parallel_loop3A_653 : i32 to index
        %parallel_loop3A_657 = arith.index_cast %parallel_loop3A_610 : i32 to index
        %parallel_loop3A_658 = tpu.vector_load %arg9[%parallel_loop3A_654, %parallel_loop3A_655, %parallel_loop3A_656, %parallel_loop3A_657] {strides = array<i32>} : memref<4x4x8x128xf32, #tpu.memory_space<vmem>>, vector<16xf32>,
        tpu.vector_store %arg9[%parallel_loop3A_654, %parallel_loop3A_655, %parallel_loop3A_656, %parallel_loop3A_657], %parallel_loop3A_651 {strides = array<i32>} : memref<4x4x8x128xf32, #tpu.memory_space<vmem>>, vector<16xf32>,
        %parallel_loop3A_659 = arith.constant 3 : i32
        %parallel_loop3A_660 = vector.broadcast %parallel_loop3A_659 : i32 to vector<16xi32>
        %parallel_loop3A_661 = tpu.vector_load_idx %arg7[%parallel_loop3A_625, %parallel_loop3A_624, %parallel_loop3A_660] : memref<4x128x32xf32, #tpu.memory_space<vmem>>[vector<16xi32>, vector<16xi32>, vector<16xi32>], vector<16xf32>,
        %parallel_loop3A_662 = arith.mulf %parallel_loop3A_661, %parallel_loop3A_621 : vector<16xf32>
        %parallel_loop3A_663 = arith.constant 0 : i32
        %parallel_loop3A_664 = arith.constant 3 : i32
        %parallel_loop3A_665 = arith.index_cast %parallel_loop3A_663 : i32 to index
        %parallel_loop3A_666 = arith.index_cast %parallel_loop3A_592 : i32 to index
        %parallel_loop3A_667 = arith.index_cast %parallel_loop3A_664 : i32 to index
        %parallel_loop3A_668 = arith.index_cast %parallel_loop3A_610 : i32 to index
        %parallel_loop3A_669 = tpu.vector_load %arg9[%parallel_loop3A_665, %parallel_loop3A_666, %parallel_loop3A_667, %parallel_loop3A_668] {strides = array<i32>} : memref<4x4x8x128xf32, #tpu.memory_space<vmem>>, vector<16xf32>,
        tpu.vector_store %arg9[%parallel_loop3A_665, %parallel_loop3A_666, %parallel_loop3A_667, %parallel_loop3A_668], %parallel_loop3A_662 {strides = array<i32>} : memref<4x4x8x128xf32, #tpu.memory_space<vmem>>, vector<16xf32>,
        %parallel_loop3A_670 = arith.constant 4 : i32
        %parallel_loop3A_671 = vector.broadcast %parallel_loop3A_670 : i32 to vector<16xi32>
        %parallel_loop3A_672 = tpu.vector_load_idx %arg7[%parallel_loop3A_625, %parallel_loop3A_624, %parallel_loop3A_671] : memref<4x128x32xf32, #tpu.memory_space<vmem>>[vector<16xi32>, vector<16xi32>, vector<16xi32>], vector<16xf32>,
        %parallel_loop3A_673 = arith.mulf %parallel_loop3A_672, %parallel_loop3A_621 : vector<16xf32>
        %parallel_loop3A_674 = arith.constant 0 : i32
        %parallel_loop3A_675 = arith.constant 4 : i32
        %parallel_loop3A_676 = arith.index_cast %parallel_loop3A_674 : i32 to index
        %parallel_loop3A_677 = arith.index_cast %parallel_loop3A_592 : i32 to index
        %parallel_loop3A_678 = arith.index_cast %parallel_loop3A_675 : i32 to index
        %parallel_loop3A_679 = arith.index_cast %parallel_loop3A_610 : i32 to index
        %parallel_loop3A_680 = tpu.vector_load %arg9[%parallel_loop3A_676, %parallel_loop3A_677, %parallel_loop3A_678, %parallel_loop3A_679] {strides = array<i32>} : memref<4x4x8x128xf32, #tpu.memory_space<vmem>>, vector<16xf32>,
        tpu.vector_store %arg9[%parallel_loop3A_676, %parallel_loop3A_677, %parallel_loop3A_678, %parallel_loop3A_679], %parallel_loop3A_673 {strides = array<i32>} : memref<4x4x8x128xf32, #tpu.memory_space<vmem>>, vector<16xf32>,
        %parallel_loop3A_681 = arith.constant 5 : i32
        %parallel_loop3A_682 = vector.broadcast %parallel_loop3A_681 : i32 to vector<16xi32>
        %parallel_loop3A_683 = tpu.vector_load_idx %arg7[%parallel_loop3A_625, %parallel_loop3A_624, %parallel_loop3A_682] : memref<4x128x32xf32, #tpu.memory_space<vmem>>[vector<16xi32>, vector<16xi32>, vector<16xi32>], vector<16xf32>,
        %parallel_loop3A_684 = arith.mulf %parallel_loop3A_683, %parallel_loop3A_621 : vector<16xf32>
        %parallel_loop3A_685 = arith.constant 0 : i32
        %parallel_loop3A_686 = arith.constant 5 : i32
        %parallel_loop3A_687 = arith.index_cast %parallel_loop3A_685 : i32 to index
        %parallel_loop3A_688 = arith.index_cast %parallel_loop3A_592 : i32 to index
        %parallel_loop3A_689 = arith.index_cast %parallel_loop3A_686 : i32 to index
        %parallel_loop3A_690 = arith.index_cast %parallel_loop3A_610 : i32 to index
        %parallel_loop3A_691 = tpu.vector_load %arg9[%parallel_loop3A_687, %parallel_loop3A_688, %parallel_loop3A_689, %parallel_loop3A_690] {strides = array<i32>} : memref<4x4x8x128xf32, #tpu.memory_space<vmem>>, vector<16xf32>,
        tpu.vector_store %arg9[%parallel_loop3A_687, %parallel_loop3A_688, %parallel_loop3A_689, %parallel_loop3A_690], %parallel_loop3A_684 {strides = array<i32>} : memref<4x4x8x128xf32, #tpu.memory_space<vmem>>, vector<16xf32>,
        %parallel_loop3A_692 = arith.constant 6 : i32
        %parallel_loop3A_693 = vector.broadcast %parallel_loop3A_692 : i32 to vector<16xi32>
        %parallel_loop3A_694 = tpu.vector_load_idx %arg7[%parallel_loop3A_625, %parallel_loop3A_624, %parallel_loop3A_693] : memref<4x128x32xf32, #tpu.memory_space<vmem>>[vector<16xi32>, vector<16xi32>, vector<16xi32>], vector<16xf32>,
        %parallel_loop3A_695 = arith.mulf %parallel_loop3A_694, %parallel_loop3A_621 : vector<16xf32>
        %parallel_loop3A_696 = arith.constant 0 : i32
        %parallel_loop3A_697 = arith.constant 6 : i32
        %parallel_loop3A_698 = arith.index_cast %parallel_loop3A_696 : i32 to index
        %parallel_loop3A_699 = arith.index_cast %parallel_loop3A_592 : i32 to index
        %parallel_loop3A_700 = arith.index_cast %parallel_loop3A_697 : i32 to index
        %parallel_loop3A_701 = arith.index_cast %parallel_loop3A_610 : i32 to index
        %parallel_loop3A_702 = tpu.vector_load %arg9[%parallel_loop3A_698, %parallel_loop3A_699, %parallel_loop3A_700, %parallel_loop3A_701] {strides = array<i32>} : memref<4x4x8x128xf32, #tpu.memory_space<vmem>>, vector<16xf32>,
        tpu.vector_store %arg9[%parallel_loop3A_698, %parallel_loop3A_699, %parallel_loop3A_700, %parallel_loop3A_701], %parallel_loop3A_695 {strides = array<i32>} : memref<4x4x8x128xf32, #tpu.memory_space<vmem>>, vector<16xf32>,
        %parallel_loop3A_703 = arith.constant 7 : i32
        %parallel_loop3A_704 = vector.broadcast %parallel_loop3A_703 : i32 to vector<16xi32>
        %parallel_loop3A_705 = tpu.vector_load_idx %arg7[%parallel_loop3A_625, %parallel_loop3A_624, %parallel_loop3A_704] : memref<4x128x32xf32, #tpu.memory_space<vmem>>[vector<16xi32>, vector<16xi32>, vector<16xi32>], vector<16xf32>,
        %parallel_loop3A_706 = arith.mulf %parallel_loop3A_705, %parallel_loop3A_621 : vector<16xf32>
        %parallel_loop3A_707 = arith.constant 0 : i32
        %parallel_loop3A_708 = arith.constant 7 : i32
        %parallel_loop3A_709 = arith.index_cast %parallel_loop3A_707 : i32 to index
        %parallel_loop3A_710 = arith.index_cast %parallel_loop3A_592 : i32 to index
        %parallel_loop3A_711 = arith.index_cast %parallel_loop3A_708 : i32 to index
        %parallel_loop3A_712 = arith.index_cast %parallel_loop3A_610 : i32 to index
        %parallel_loop3A_713 = tpu.vector_load %arg9[%parallel_loop3A_709, %parallel_loop3A_710, %parallel_loop3A_711, %parallel_loop3A_712] {strides = array<i32>} : memref<4x4x8x128xf32, #tpu.memory_space<vmem>>, vector<16xf32>,
        tpu.vector_store %arg9[%parallel_loop3A_709, %parallel_loop3A_710, %parallel_loop3A_711, %parallel_loop3A_712], %parallel_loop3A_706 {strides = array<i32>} : memref<4x4x8x128xf32, #tpu.memory_space<vmem>>, vector<16xf32>,
        %parallel_loop3A_714 = arith.constant 8 : i32
        %parallel_loop3A_715 = vector.broadcast %parallel_loop3A_714 : i32 to vector<16xi32>
        %parallel_loop3A_716 = tpu.vector_load_idx %arg7[%parallel_loop3A_625, %parallel_loop3A_624, %parallel_loop3A_715] : memref<4x128x32xf32, #tpu.memory_space<vmem>>[vector<16xi32>, vector<16xi32>, vector<16xi32>], vector<16xf32>,
        %parallel_loop3A_717 = arith.mulf %parallel_loop3A_716, %parallel_loop3A_621 : vector<16xf32>
        %parallel_loop3A_718 = arith.constant 1 : i32
        %parallel_loop3A_719 = arith.constant 0 : i32
        %parallel_loop3A_720 = arith.index_cast %parallel_loop3A_718 : i32 to index
        %parallel_loop3A_721 = arith.index_cast %parallel_loop3A_592 : i32 to index
        %parallel_loop3A_722 = arith.index_cast %parallel_loop3A_719 : i32 to index
        %parallel_loop3A_723 = arith.index_cast %parallel_loop3A_610 : i32 to index
        %parallel_loop3A_724 = tpu.vector_load %arg9[%parallel_loop3A_720, %parallel_loop3A_721, %parallel_loop3A_722, %parallel_loop3A_723] {strides = array<i32>} : memref<4x4x8x128xf32, #tpu.memory_space<vmem>>, vector<16xf32>,
        tpu.vector_store %arg9[%parallel_loop3A_720, %parallel_loop3A_721, %parallel_loop3A_722, %parallel_loop3A_723], %parallel_loop3A_717 {strides = array<i32>} : memref<4x4x8x128xf32, #tpu.memory_space<vmem>>, vector<16xf32>,
        %parallel_loop3A_725 = arith.constant 9 : i32
        %parallel_loop3A_726 = vector.broadcast %parallel_loop3A_725 : i32 to vector<16xi32>
        %parallel_loop3A_727 = tpu.vector_load_idx %arg7[%parallel_loop3A_625, %parallel_loop3A_624, %parallel_loop3A_726] : memref<4x128x32xf32, #tpu.memory_space<vmem>>[vector<16xi32>, vector<16xi32>, vector<16xi32>], vector<16xf32>,
        %parallel_loop3A_728 = arith.mulf %parallel_loop3A_727, %parallel_loop3A_621 : vector<16xf32>
        %parallel_loop3A_729 = arith.constant 1 : i32
        %parallel_loop3A_730 = arith.constant 1 : i32
        %parallel_loop3A_731 = arith.index_cast %parallel_loop3A_729 : i32 to index
        %parallel_loop3A_732 = arith.index_cast %parallel_loop3A_592 : i32 to index
        %parallel_loop3A_733 = arith.index_cast %parallel_loop3A_730 : i32 to index
        %parallel_loop3A_734 = arith.index_cast %parallel_loop3A_610 : i32 to index
        %parallel_loop3A_735 = tpu.vector_load %arg9[%parallel_loop3A_731, %parallel_loop3A_732, %parallel_loop3A_733, %parallel_loop3A_734] {strides = array<i32>} : memref<4x4x8x128xf32, #tpu.memory_space<vmem>>, vector<16xf32>,
        tpu.vector_store %arg9[%parallel_loop3A_731, %parallel_loop3A_732, %parallel_loop3A_733, %parallel_loop3A_734], %parallel_loop3A_728 {strides = array<i32>} : memref<4x4x8x128xf32, #tpu.memory_space<vmem>>, vector<16xf32>,
        %parallel_loop3A_736 = arith.constant 10 : i32
        %parallel_loop3A_737 = vector.broadcast %parallel_loop3A_736 : i32 to vector<16xi32>
        %parallel_loop3A_738 = tpu.vector_load_idx %arg7[%parallel_loop3A_625, %parallel_loop3A_624, %parallel_loop3A_737] : memref<4x128x32xf32, #tpu.memory_space<vmem>>[vector<16xi32>, vector<16xi32>, vector<16xi32>], vector<16xf32>,
        %parallel_loop3A_739 = arith.mulf %parallel_loop3A_738, %parallel_loop3A_621 : vector<16xf32>
        %parallel_loop3A_740 = arith.constant 1 : i32
        %parallel_loop3A_741 = arith.constant 2 : i32
        %parallel_loop3A_742 = arith.index_cast %parallel_loop3A_740 : i32 to index
        %parallel_loop3A_743 = arith.index_cast %parallel_loop3A_592 : i32 to index
        %parallel_loop3A_744 = arith.index_cast %parallel_loop3A_741 : i32 to index
        %parallel_loop3A_745 = arith.index_cast %parallel_loop3A_610 : i32 to index
        %parallel_loop3A_746 = tpu.vector_load %arg9[%parallel_loop3A_742, %parallel_loop3A_743, %parallel_loop3A_744, %parallel_loop3A_745] {strides = array<i32>} : memref<4x4x8x128xf32, #tpu.memory_space<vmem>>, vector<16xf32>,
        tpu.vector_store %arg9[%parallel_loop3A_742, %parallel_loop3A_743, %parallel_loop3A_744, %parallel_loop3A_745], %parallel_loop3A_739 {strides = array<i32>} : memref<4x4x8x128xf32, #tpu.memory_space<vmem>>, vector<16xf32>,
        %parallel_loop3A_747 = arith.constant 11 : i32
        %parallel_loop3A_748 = vector.broadcast %parallel_loop3A_747 : i32 to vector<16xi32>
        %parallel_loop3A_749 = tpu.vector_load_idx %arg7[%parallel_loop3A_625, %parallel_loop3A_624, %parallel_loop3A_748] : memref<4x128x32xf32, #tpu.memory_space<vmem>>[vector<16xi32>, vector<16xi32>, vector<16xi32>], vector<16xf32>,
        %parallel_loop3A_750 = arith.mulf %parallel_loop3A_749, %parallel_loop3A_621 : vector<16xf32>
        %parallel_loop3A_751 = arith.constant 1 : i32
        %parallel_loop3A_752 = arith.constant 3 : i32
        %parallel_loop3A_753 = arith.index_cast %parallel_loop3A_751 : i32 to index
        %parallel_loop3A_754 = arith.index_cast %parallel_loop3A_592 : i32 to index
        %parallel_loop3A_755 = arith.index_cast %parallel_loop3A_752 : i32 to index
        %parallel_loop3A_756 = arith.index_cast %parallel_loop3A_610 : i32 to index
        %parallel_loop3A_757 = tpu.vector_load %arg9[%parallel_loop3A_753, %parallel_loop3A_754, %parallel_loop3A_755, %parallel_loop3A_756] {strides = array<i32>} : memref<4x4x8x128xf32, #tpu.memory_space<vmem>>, vector<16xf32>,
        tpu.vector_store %arg9[%parallel_loop3A_753, %parallel_loop3A_754, %parallel_loop3A_755, %parallel_loop3A_756], %parallel_loop3A_750 {strides = array<i32>} : memref<4x4x8x128xf32, #tpu.memory_space<vmem>>, vector<16xf32>,
        %parallel_loop3A_758 = arith.constant 12 : i32
        %parallel_loop3A_759 = vector.broadcast %parallel_loop3A_758 : i32 to vector<16xi32>
        %parallel_loop3A_760 = tpu.vector_load_idx %arg7[%parallel_loop3A_625, %parallel_loop3A_624, %parallel_loop3A_759] : memref<4x128x32xf32, #tpu.memory_space<vmem>>[vector<16xi32>, vector<16xi32>, vector<16xi32>], vector<16xf32>,
        %parallel_loop3A_761 = arith.mulf %parallel_loop3A_760, %parallel_loop3A_621 : vector<16xf32>
        %parallel_loop3A_762 = arith.constant 1 : i32
        %parallel_loop3A_763 = arith.constant 4 : i32
        %parallel_loop3A_764 = arith.index_cast %parallel_loop3A_762 : i32 to index
        %parallel_loop3A_765 = arith.index_cast %parallel_loop3A_592 : i32 to index
        %parallel_loop3A_766 = arith.index_cast %parallel_loop3A_763 : i32 to index
        %parallel_loop3A_767 = arith.index_cast %parallel_loop3A_610 : i32 to index
        %parallel_loop3A_768 = tpu.vector_load %arg9[%parallel_loop3A_764, %parallel_loop3A_765, %parallel_loop3A_766, %parallel_loop3A_767] {strides = array<i32>} : memref<4x4x8x128xf32, #tpu.memory_space<vmem>>, vector<16xf32>,
        tpu.vector_store %arg9[%parallel_loop3A_764, %parallel_loop3A_765, %parallel_loop3A_766, %parallel_loop3A_767], %parallel_loop3A_761 {strides = array<i32>} : memref<4x4x8x128xf32, #tpu.memory_space<vmem>>, vector<16xf32>,
        %parallel_loop3A_769 = arith.constant 13 : i32
        %parallel_loop3A_770 = vector.broadcast %parallel_loop3A_769 : i32 to vector<16xi32>
        %parallel_loop3A_771 = tpu.vector_load_idx %arg7[%parallel_loop3A_625, %parallel_loop3A_624, %parallel_loop3A_770] : memref<4x128x32xf32, #tpu.memory_space<vmem>>[vector<16xi32>, vector<16xi32>, vector<16xi32>], vector<16xf32>,
        %parallel_loop3A_772 = arith.mulf %parallel_loop3A_771, %parallel_loop3A_621 : vector<16xf32>
        %parallel_loop3A_773 = arith.constant 1 : i32
        %parallel_loop3A_774 = arith.constant 5 : i32
        %parallel_loop3A_775 = arith.index_cast %parallel_loop3A_773 : i32 to index
        %parallel_loop3A_776 = arith.index_cast %parallel_loop3A_592 : i32 to index
        %parallel_loop3A_777 = arith.index_cast %parallel_loop3A_774 : i32 to index
        %parallel_loop3A_778 = arith.index_cast %parallel_loop3A_610 : i32 to index
        %parallel_loop3A_779 = tpu.vector_load %arg9[%parallel_loop3A_775, %parallel_loop3A_776, %parallel_loop3A_777, %parallel_loop3A_778] {strides = array<i32>} : memref<4x4x8x128xf32, #tpu.memory_space<vmem>>, vector<16xf32>,
        tpu.vector_store %arg9[%parallel_loop3A_775, %parallel_loop3A_776, %parallel_loop3A_777, %parallel_loop3A_778], %parallel_loop3A_772 {strides = array<i32>} : memref<4x4x8x128xf32, #tpu.memory_space<vmem>>, vector<16xf32>,
        %parallel_loop3A_780 = arith.constant 14 : i32
        %parallel_loop3A_781 = vector.broadcast %parallel_loop3A_780 : i32 to vector<16xi32>
        %parallel_loop3A_782 = tpu.vector_load_idx %arg7[%parallel_loop3A_625, %parallel_loop3A_624, %parallel_loop3A_781] : memref<4x128x32xf32, #tpu.memory_space<vmem>>[vector<16xi32>, vector<16xi32>, vector<16xi32>], vector<16xf32>,
        %parallel_loop3A_783 = arith.mulf %parallel_loop3A_782, %parallel_loop3A_621 : vector<16xf32>
        %parallel_loop3A_784 = arith.constant 1 : i32
        %parallel_loop3A_785 = arith.constant 6 : i32
        %parallel_loop3A_786 = arith.index_cast %parallel_loop3A_784 : i32 to index
        %parallel_loop3A_787 = arith.index_cast %parallel_loop3A_592 : i32 to index
        %parallel_loop3A_788 = arith.index_cast %parallel_loop3A_785 : i32 to index
        %parallel_loop3A_789 = arith.index_cast %parallel_loop3A_610 : i32 to index
        %parallel_loop3A_790 = tpu.vector_load %arg9[%parallel_loop3A_786, %parallel_loop3A_787, %parallel_loop3A_788, %parallel_loop3A_789] {strides = array<i32>} : memref<4x4x8x128xf32, #tpu.memory_space<vmem>>, vector<16xf32>,
        tpu.vector_store %arg9[%parallel_loop3A_786, %parallel_loop3A_787, %parallel_loop3A_788, %parallel_loop3A_789], %parallel_loop3A_783 {strides = array<i32>} : memref<4x4x8x128xf32, #tpu.memory_space<vmem>>, vector<16xf32>,
        %parallel_loop3A_791 = arith.constant 15 : i32
        %parallel_loop3A_792 = vector.broadcast %parallel_loop3A_791 : i32 to vector<16xi32>
        %parallel_loop3A_793 = tpu.vector_load_idx %arg7[%parallel_loop3A_625, %parallel_loop3A_624, %parallel_loop3A_792] : memref<4x128x32xf32, #tpu.memory_space<vmem>>[vector<16xi32>, vector<16xi32>, vector<16xi32>], vector<16xf32>,
        %parallel_loop3A_794 = arith.mulf %parallel_loop3A_793, %parallel_loop3A_621 : vector<16xf32>
        %parallel_loop3A_795 = arith.constant 1 : i32
        %parallel_loop3A_796 = arith.constant 7 : i32
        %parallel_loop3A_797 = arith.index_cast %parallel_loop3A_795 : i32 to index
        %parallel_loop3A_798 = arith.index_cast %parallel_loop3A_592 : i32 to index
        %parallel_loop3A_799 = arith.index_cast %parallel_loop3A_796 : i32 to index
        %parallel_loop3A_800 = arith.index_cast %parallel_loop3A_610 : i32 to index
        %parallel_loop3A_801 = tpu.vector_load %arg9[%parallel_loop3A_797, %parallel_loop3A_798, %parallel_loop3A_799, %parallel_loop3A_800] {strides = array<i32>} : memref<4x4x8x128xf32, #tpu.memory_space<vmem>>, vector<16xf32>,
        tpu.vector_store %arg9[%parallel_loop3A_797, %parallel_loop3A_798, %parallel_loop3A_799, %parallel_loop3A_800], %parallel_loop3A_794 {strides = array<i32>} : memref<4x4x8x128xf32, #tpu.memory_space<vmem>>, vector<16xf32>,
        %parallel_loop3A_802 = arith.constant 16 : i32
        %parallel_loop3A_803 = vector.broadcast %parallel_loop3A_802 : i32 to vector<16xi32>
        %parallel_loop3A_804 = tpu.vector_load_idx %arg7[%parallel_loop3A_625, %parallel_loop3A_624, %parallel_loop3A_803] : memref<4x128x32xf32, #tpu.memory_space<vmem>>[vector<16xi32>, vector<16xi32>, vector<16xi32>], vector<16xf32>,
        %parallel_loop3A_805 = arith.mulf %parallel_loop3A_804, %parallel_loop3A_621 : vector<16xf32>
        %parallel_loop3A_806 = arith.constant 2 : i32
        %parallel_loop3A_807 = arith.constant 0 : i32
        %parallel_loop3A_808 = arith.index_cast %parallel_loop3A_806 : i32 to index
        %parallel_loop3A_809 = arith.index_cast %parallel_loop3A_592 : i32 to index
        %parallel_loop3A_810 = arith.index_cast %parallel_loop3A_807 : i32 to index
        %parallel_loop3A_811 = arith.index_cast %parallel_loop3A_610 : i32 to index
        %parallel_loop3A_812 = tpu.vector_load %arg9[%parallel_loop3A_808, %parallel_loop3A_809, %parallel_loop3A_810, %parallel_loop3A_811] {strides = array<i32>} : memref<4x4x8x128xf32, #tpu.memory_space<vmem>>, vector<16xf32>,
        tpu.vector_store %arg9[%parallel_loop3A_808, %parallel_loop3A_809, %parallel_loop3A_810, %parallel_loop3A_811], %parallel_loop3A_805 {strides = array<i32>} : memref<4x4x8x128xf32, #tpu.memory_space<vmem>>, vector<16xf32>,
        %parallel_loop3A_813 = arith.constant 17 : i32
        %parallel_loop3A_814 = vector.broadcast %parallel_loop3A_813 : i32 to vector<16xi32>
        %parallel_loop3A_815 = tpu.vector_load_idx %arg7[%parallel_loop3A_625, %parallel_loop3A_624, %parallel_loop3A_814] : memref<4x128x32xf32, #tpu.memory_space<vmem>>[vector<16xi32>, vector<16xi32>, vector<16xi32>], vector<16xf32>,
        %parallel_loop3A_816 = arith.mulf %parallel_loop3A_815, %parallel_loop3A_621 : vector<16xf32>
        %parallel_loop3A_817 = arith.constant 2 : i32
        %parallel_loop3A_818 = arith.constant 1 : i32
        %parallel_loop3A_819 = arith.index_cast %parallel_loop3A_817 : i32 to index
        %parallel_loop3A_820 = arith.index_cast %parallel_loop3A_592 : i32 to index
        %parallel_loop3A_821 = arith.index_cast %parallel_loop3A_818 : i32 to index
        %parallel_loop3A_822 = arith.index_cast %parallel_loop3A_610 : i32 to index
        %parallel_loop3A_823 = tpu.vector_load %arg9[%parallel_loop3A_819, %parallel_loop3A_820, %parallel_loop3A_821, %parallel_loop3A_822] {strides = array<i32>} : memref<4x4x8x128xf32, #tpu.memory_space<vmem>>, vector<16xf32>,
        tpu.vector_store %arg9[%parallel_loop3A_819, %parallel_loop3A_820, %parallel_loop3A_821, %parallel_loop3A_822], %parallel_loop3A_816 {strides = array<i32>} : memref<4x4x8x128xf32, #tpu.memory_space<vmem>>, vector<16xf32>,
        %parallel_loop3A_824 = arith.constant 18 : i32
        %parallel_loop3A_825 = vector.broadcast %parallel_loop3A_824 : i32 to vector<16xi32>
        %parallel_loop3A_826 = tpu.vector_load_idx %arg7[%parallel_loop3A_625, %parallel_loop3A_624, %parallel_loop3A_825] : memref<4x128x32xf32, #tpu.memory_space<vmem>>[vector<16xi32>, vector<16xi32>, vector<16xi32>], vector<16xf32>,
        %parallel_loop3A_827 = arith.mulf %parallel_loop3A_826, %parallel_loop3A_621 : vector<16xf32>
        %parallel_loop3A_828 = arith.constant 2 : i32
        %parallel_loop3A_829 = arith.constant 2 : i32
        %parallel_loop3A_830 = arith.index_cast %parallel_loop3A_828 : i32 to index
        %parallel_loop3A_831 = arith.index_cast %parallel_loop3A_592 : i32 to index
        %parallel_loop3A_832 = arith.index_cast %parallel_loop3A_829 : i32 to index
        %parallel_loop3A_833 = arith.index_cast %parallel_loop3A_610 : i32 to index
        %parallel_loop3A_834 = tpu.vector_load %arg9[%parallel_loop3A_830, %parallel_loop3A_831, %parallel_loop3A_832, %parallel_loop3A_833] {strides = array<i32>} : memref<4x4x8x128xf32, #tpu.memory_space<vmem>>, vector<16xf32>,
        tpu.vector_store %arg9[%parallel_loop3A_830, %parallel_loop3A_831, %parallel_loop3A_832, %parallel_loop3A_833], %parallel_loop3A_827 {strides = array<i32>} : memref<4x4x8x128xf32, #tpu.memory_space<vmem>>, vector<16xf32>,
        %parallel_loop3A_835 = arith.constant 19 : i32
        %parallel_loop3A_836 = vector.broadcast %parallel_loop3A_835 : i32 to vector<16xi32>
        %parallel_loop3A_837 = tpu.vector_load_idx %arg7[%parallel_loop3A_625, %parallel_loop3A_624, %parallel_loop3A_836] : memref<4x128x32xf32, #tpu.memory_space<vmem>>[vector<16xi32>, vector<16xi32>, vector<16xi32>], vector<16xf32>,
        %parallel_loop3A_838 = arith.mulf %parallel_loop3A_837, %parallel_loop3A_621 : vector<16xf32>
        %parallel_loop3A_839 = arith.constant 2 : i32
        %parallel_loop3A_840 = arith.constant 3 : i32
        %parallel_loop3A_841 = arith.index_cast %parallel_loop3A_839 : i32 to index
        %parallel_loop3A_842 = arith.index_cast %parallel_loop3A_592 : i32 to index
        %parallel_loop3A_843 = arith.index_cast %parallel_loop3A_840 : i32 to index
        %parallel_loop3A_844 = arith.index_cast %parallel_loop3A_610 : i32 to index
        %parallel_loop3A_845 = tpu.vector_load %arg9[%parallel_loop3A_841, %parallel_loop3A_842, %parallel_loop3A_843, %parallel_loop3A_844] {strides = array<i32>} : memref<4x4x8x128xf32, #tpu.memory_space<vmem>>, vector<16xf32>,
        tpu.vector_store %arg9[%parallel_loop3A_841, %parallel_loop3A_842, %parallel_loop3A_843, %parallel_loop3A_844], %parallel_loop3A_838 {strides = array<i32>} : memref<4x4x8x128xf32, #tpu.memory_space<vmem>>, vector<16xf32>,
        %parallel_loop3A_846 = arith.constant 20 : i32
        %parallel_loop3A_847 = vector.broadcast %parallel_loop3A_846 : i32 to vector<16xi32>
        %parallel_loop3A_848 = tpu.vector_load_idx %arg7[%parallel_loop3A_625, %parallel_loop3A_624, %parallel_loop3A_847] : memref<4x128x32xf32, #tpu.memory_space<vmem>>[vector<16xi32>, vector<16xi32>, vector<16xi32>], vector<16xf32>,
        %parallel_loop3A_849 = arith.mulf %parallel_loop3A_848, %parallel_loop3A_621 : vector<16xf32>
        %parallel_loop3A_850 = arith.constant 2 : i32
        %parallel_loop3A_851 = arith.constant 4 : i32
        %parallel_loop3A_852 = arith.index_cast %parallel_loop3A_850 : i32 to index
        %parallel_loop3A_853 = arith.index_cast %parallel_loop3A_592 : i32 to index
        %parallel_loop3A_854 = arith.index_cast %parallel_loop3A_851 : i32 to index
        %parallel_loop3A_855 = arith.index_cast %parallel_loop3A_610 : i32 to index
        %parallel_loop3A_856 = tpu.vector_load %arg9[%parallel_loop3A_852, %parallel_loop3A_853, %parallel_loop3A_854, %parallel_loop3A_855] {strides = array<i32>} : memref<4x4x8x128xf32, #tpu.memory_space<vmem>>, vector<16xf32>,
        tpu.vector_store %arg9[%parallel_loop3A_852, %parallel_loop3A_853, %parallel_loop3A_854, %parallel_loop3A_855], %parallel_loop3A_849 {strides = array<i32>} : memref<4x4x8x128xf32, #tpu.memory_space<vmem>>, vector<16xf32>,
        %parallel_loop3A_857 = arith.constant 21 : i32
        %parallel_loop3A_858 = vector.broadcast %parallel_loop3A_857 : i32 to vector<16xi32>
        %parallel_loop3A_859 = tpu.vector_load_idx %arg7[%parallel_loop3A_625, %parallel_loop3A_624, %parallel_loop3A_858] : memref<4x128x32xf32, #tpu.memory_space<vmem>>[vector<16xi32>, vector<16xi32>, vector<16xi32>], vector<16xf32>,
        %parallel_loop3A_860 = arith.mulf %parallel_loop3A_859, %parallel_loop3A_621 : vector<16xf32>
        %parallel_loop3A_861 = arith.constant 2 : i32
        %parallel_loop3A_862 = arith.constant 5 : i32
        %parallel_loop3A_863 = arith.index_cast %parallel_loop3A_861 : i32 to index
        %parallel_loop3A_864 = arith.index_cast %parallel_loop3A_592 : i32 to index
        %parallel_loop3A_865 = arith.index_cast %parallel_loop3A_862 : i32 to index
        %parallel_loop3A_866 = arith.index_cast %parallel_loop3A_610 : i32 to index
        %parallel_loop3A_867 = tpu.vector_load %arg9[%parallel_loop3A_863, %parallel_loop3A_864, %parallel_loop3A_865, %parallel_loop3A_866] {strides = array<i32>} : memref<4x4x8x128xf32, #tpu.memory_space<vmem>>, vector<16xf32>,
        tpu.vector_store %arg9[%parallel_loop3A_863, %parallel_loop3A_864, %parallel_loop3A_865, %parallel_loop3A_866], %parallel_loop3A_860 {strides = array<i32>} : memref<4x4x8x128xf32, #tpu.memory_space<vmem>>, vector<16xf32>,
        %parallel_loop3A_868 = arith.constant 22 : i32
        %parallel_loop3A_869 = vector.broadcast %parallel_loop3A_868 : i32 to vector<16xi32>
        %parallel_loop3A_870 = tpu.vector_load_idx %arg7[%parallel_loop3A_625, %parallel_loop3A_624, %parallel_loop3A_869] : memref<4x128x32xf32, #tpu.memory_space<vmem>>[vector<16xi32>, vector<16xi32>, vector<16xi32>], vector<16xf32>,
        %parallel_loop3A_871 = arith.mulf %parallel_loop3A_870, %parallel_loop3A_621 : vector<16xf32>
        %parallel_loop3A_872 = arith.constant 2 : i32
        %parallel_loop3A_873 = arith.constant 6 : i32
        %parallel_loop3A_874 = arith.index_cast %parallel_loop3A_872 : i32 to index
        %parallel_loop3A_875 = arith.index_cast %parallel_loop3A_592 : i32 to index
        %parallel_loop3A_876 = arith.index_cast %parallel_loop3A_873 : i32 to index
        %parallel_loop3A_877 = arith.index_cast %parallel_loop3A_610 : i32 to index
        %parallel_loop3A_878 = tpu.vector_load %arg9[%parallel_loop3A_874, %parallel_loop3A_875, %parallel_loop3A_876, %parallel_loop3A_877] {strides = array<i32>} : memref<4x4x8x128xf32, #tpu.memory_space<vmem>>, vector<16xf32>,
        tpu.vector_store %arg9[%parallel_loop3A_874, %parallel_loop3A_875, %parallel_loop3A_876, %parallel_loop3A_877], %parallel_loop3A_871 {strides = array<i32>} : memref<4x4x8x128xf32, #tpu.memory_space<vmem>>, vector<16xf32>,
        %parallel_loop3A_879 = arith.constant 23 : i32
        %parallel_loop3A_880 = vector.broadcast %parallel_loop3A_879 : i32 to vector<16xi32>
        %parallel_loop3A_881 = tpu.vector_load_idx %arg7[%parallel_loop3A_625, %parallel_loop3A_624, %parallel_loop3A_880] : memref<4x128x32xf32, #tpu.memory_space<vmem>>[vector<16xi32>, vector<16xi32>, vector<16xi32>], vector<16xf32>,
        %parallel_loop3A_882 = arith.mulf %parallel_loop3A_881, %parallel_loop3A_621 : vector<16xf32>
        %parallel_loop3A_883 = arith.constant 2 : i32
        %parallel_loop3A_884 = arith.constant 7 : i32
        %parallel_loop3A_885 = arith.index_cast %parallel_loop3A_883 : i32 to index
        %parallel_loop3A_886 = arith.index_cast %parallel_loop3A_592 : i32 to index
        %parallel_loop3A_887 = arith.index_cast %parallel_loop3A_884 : i32 to index
        %parallel_loop3A_888 = arith.index_cast %parallel_loop3A_610 : i32 to index
        %parallel_loop3A_889 = tpu.vector_load %arg9[%parallel_loop3A_885, %parallel_loop3A_886, %parallel_loop3A_887, %parallel_loop3A_888] {strides = array<i32>} : memref<4x4x8x128xf32, #tpu.memory_space<vmem>>, vector<16xf32>,
        tpu.vector_store %arg9[%parallel_loop3A_885, %parallel_loop3A_886, %parallel_loop3A_887, %parallel_loop3A_888], %parallel_loop3A_882 {strides = array<i32>} : memref<4x4x8x128xf32, #tpu.memory_space<vmem>>, vector<16xf32>,
        %parallel_loop3A_890 = arith.constant 24 : i32
        %parallel_loop3A_891 = vector.broadcast %parallel_loop3A_890 : i32 to vector<16xi32>
        %parallel_loop3A_892 = tpu.vector_load_idx %arg7[%parallel_loop3A_625, %parallel_loop3A_624, %parallel_loop3A_891] : memref<4x128x32xf32, #tpu.memory_space<vmem>>[vector<16xi32>, vector<16xi32>, vector<16xi32>], vector<16xf32>,
        %parallel_loop3A_893 = arith.mulf %parallel_loop3A_892, %parallel_loop3A_621 : vector<16xf32>
        %parallel_loop3A_894 = arith.constant 3 : i32
        %parallel_loop3A_895 = arith.constant 0 : i32
        %parallel_loop3A_896 = arith.index_cast %parallel_loop3A_894 : i32 to index
        %parallel_loop3A_897 = arith.index_cast %parallel_loop3A_592 : i32 to index
        %parallel_loop3A_898 = arith.index_cast %parallel_loop3A_895 : i32 to index
        %parallel_loop3A_899 = arith.index_cast %parallel_loop3A_610 : i32 to index
        %parallel_loop3A_900 = tpu.vector_load %arg9[%parallel_loop3A_896, %parallel_loop3A_897, %parallel_loop3A_898, %parallel_loop3A_899] {strides = array<i32>} : memref<4x4x8x128xf32, #tpu.memory_space<vmem>>, vector<16xf32>,
        tpu.vector_store %arg9[%parallel_loop3A_896, %parallel_loop3A_897, %parallel_loop3A_898, %parallel_loop3A_899], %parallel_loop3A_893 {strides = array<i32>} : memref<4x4x8x128xf32, #tpu.memory_space<vmem>>, vector<16xf32>,
        %parallel_loop3A_901 = arith.constant 25 : i32
        %parallel_loop3A_902 = vector.broadcast %parallel_loop3A_901 : i32 to vector<16xi32>
        %parallel_loop3A_903 = tpu.vector_load_idx %arg7[%parallel_loop3A_625, %parallel_loop3A_624, %parallel_loop3A_902] : memref<4x128x32xf32, #tpu.memory_space<vmem>>[vector<16xi32>, vector<16xi32>, vector<16xi32>], vector<16xf32>,
        %parallel_loop3A_904 = arith.mulf %parallel_loop3A_903, %parallel_loop3A_621 : vector<16xf32>
        %parallel_loop3A_905 = arith.constant 3 : i32
        %parallel_loop3A_906 = arith.constant 1 : i32
        %parallel_loop3A_907 = arith.index_cast %parallel_loop3A_905 : i32 to index
        %parallel_loop3A_908 = arith.index_cast %parallel_loop3A_592 : i32 to index
        %parallel_loop3A_909 = arith.index_cast %parallel_loop3A_906 : i32 to index
        %parallel_loop3A_910 = arith.index_cast %parallel_loop3A_610 : i32 to index
        %parallel_loop3A_911 = tpu.vector_load %arg9[%parallel_loop3A_907, %parallel_loop3A_908, %parallel_loop3A_909, %parallel_loop3A_910] {strides = array<i32>} : memref<4x4x8x128xf32, #tpu.memory_space<vmem>>, vector<16xf32>,
        tpu.vector_store %arg9[%parallel_loop3A_907, %parallel_loop3A_908, %parallel_loop3A_909, %parallel_loop3A_910], %parallel_loop3A_904 {strides = array<i32>} : memref<4x4x8x128xf32, #tpu.memory_space<vmem>>, vector<16xf32>,
        %parallel_loop3A_912 = arith.constant 26 : i32
        %parallel_loop3A_913 = vector.broadcast %parallel_loop3A_912 : i32 to vector<16xi32>
        %parallel_loop3A_914 = tpu.vector_load_idx %arg7[%parallel_loop3A_625, %parallel_loop3A_624, %parallel_loop3A_913] : memref<4x128x32xf32, #tpu.memory_space<vmem>>[vector<16xi32>, vector<16xi32>, vector<16xi32>], vector<16xf32>,
        %parallel_loop3A_915 = arith.mulf %parallel_loop3A_914, %parallel_loop3A_621 : vector<16xf32>
        %parallel_loop3A_916 = arith.constant 3 : i32
        %parallel_loop3A_917 = arith.constant 2 : i32
        %parallel_loop3A_918 = arith.index_cast %parallel_loop3A_916 : i32 to index
        %parallel_loop3A_919 = arith.index_cast %parallel_loop3A_592 : i32 to index
        %parallel_loop3A_920 = arith.index_cast %parallel_loop3A_917 : i32 to index
        %parallel_loop3A_921 = arith.index_cast %parallel_loop3A_610 : i32 to index
        %parallel_loop3A_922 = tpu.vector_load %arg9[%parallel_loop3A_918, %parallel_loop3A_919, %parallel_loop3A_920, %parallel_loop3A_921] {strides = array<i32>} : memref<4x4x8x128xf32, #tpu.memory_space<vmem>>, vector<16xf32>,
        tpu.vector_store %arg9[%parallel_loop3A_918, %parallel_loop3A_919, %parallel_loop3A_920, %parallel_loop3A_921], %parallel_loop3A_915 {strides = array<i32>} : memref<4x4x8x128xf32, #tpu.memory_space<vmem>>, vector<16xf32>,
        %parallel_loop3A_923 = arith.constant 27 : i32
        %parallel_loop3A_924 = vector.broadcast %parallel_loop3A_923 : i32 to vector<16xi32>
        %parallel_loop3A_925 = tpu.vector_load_idx %arg7[%parallel_loop3A_625, %parallel_loop3A_624, %parallel_loop3A_924] : memref<4x128x32xf32, #tpu.memory_space<vmem>>[vector<16xi32>, vector<16xi32>, vector<16xi32>], vector<16xf32>,
        %parallel_loop3A_926 = arith.mulf %parallel_loop3A_925, %parallel_loop3A_621 : vector<16xf32>
        %parallel_loop3A_927 = arith.constant 3 : i32
        %parallel_loop3A_928 = arith.constant 3 : i32
        %parallel_loop3A_929 = arith.index_cast %parallel_loop3A_927 : i32 to index
        %parallel_loop3A_930 = arith.index_cast %parallel_loop3A_592 : i32 to index
        %parallel_loop3A_931 = arith.index_cast %parallel_loop3A_928 : i32 to index
        %parallel_loop3A_932 = arith.index_cast %parallel_loop3A_610 : i32 to index
        %parallel_loop3A_933 = tpu.vector_load %arg9[%parallel_loop3A_929, %parallel_loop3A_930, %parallel_loop3A_931, %parallel_loop3A_932] {strides = array<i32>} : memref<4x4x8x128xf32, #tpu.memory_space<vmem>>, vector<16xf32>,
        tpu.vector_store %arg9[%parallel_loop3A_929, %parallel_loop3A_930, %parallel_loop3A_931, %parallel_loop3A_932], %parallel_loop3A_926 {strides = array<i32>} : memref<4x4x8x128xf32, #tpu.memory_space<vmem>>, vector<16xf32>,
        %parallel_loop3A_934 = arith.constant 28 : i32
        %parallel_loop3A_935 = vector.broadcast %parallel_loop3A_934 : i32 to vector<16xi32>
        %parallel_loop3A_936 = tpu.vector_load_idx %arg7[%parallel_loop3A_625, %parallel_loop3A_624, %parallel_loop3A_935] : memref<4x128x32xf32, #tpu.memory_space<vmem>>[vector<16xi32>, vector<16xi32>, vector<16xi32>], vector<16xf32>,
        %parallel_loop3A_937 = arith.mulf %parallel_loop3A_936, %parallel_loop3A_621 : vector<16xf32>
        %parallel_loop3A_938 = arith.constant 3 : i32
        %parallel_loop3A_939 = arith.constant 4 : i32
        %parallel_loop3A_940 = arith.index_cast %parallel_loop3A_938 : i32 to index
        %parallel_loop3A_941 = arith.index_cast %parallel_loop3A_592 : i32 to index
        %parallel_loop3A_942 = arith.index_cast %parallel_loop3A_939 : i32 to index
        %parallel_loop3A_943 = arith.index_cast %parallel_loop3A_610 : i32 to index
        %parallel_loop3A_944 = tpu.vector_load %arg9[%parallel_loop3A_940, %parallel_loop3A_941, %parallel_loop3A_942, %parallel_loop3A_943] {strides = array<i32>} : memref<4x4x8x128xf32, #tpu.memory_space<vmem>>, vector<16xf32>,
        tpu.vector_store %arg9[%parallel_loop3A_940, %parallel_loop3A_941, %parallel_loop3A_942, %parallel_loop3A_943], %parallel_loop3A_937 {strides = array<i32>} : memref<4x4x8x128xf32, #tpu.memory_space<vmem>>, vector<16xf32>,
        %parallel_loop3A_945 = arith.constant 29 : i32
        %parallel_loop3A_946 = vector.broadcast %parallel_loop3A_945 : i32 to vector<16xi32>
        %parallel_loop3A_947 = tpu.vector_load_idx %arg7[%parallel_loop3A_625, %parallel_loop3A_624, %parallel_loop3A_946] : memref<4x128x32xf32, #tpu.memory_space<vmem>>[vector<16xi32>, vector<16xi32>, vector<16xi32>], vector<16xf32>,
        %parallel_loop3A_948 = arith.mulf %parallel_loop3A_947, %parallel_loop3A_621 : vector<16xf32>
        %parallel_loop3A_949 = arith.constant 3 : i32
        %parallel_loop3A_950 = arith.constant 5 : i32
        %parallel_loop3A_951 = arith.index_cast %parallel_loop3A_949 : i32 to index
        %parallel_loop3A_952 = arith.index_cast %parallel_loop3A_592 : i32 to index
        %parallel_loop3A_953 = arith.index_cast %parallel_loop3A_950 : i32 to index
        %parallel_loop3A_954 = arith.index_cast %parallel_loop3A_610 : i32 to index
        %parallel_loop3A_955 = tpu.vector_load %arg9[%parallel_loop3A_951, %parallel_loop3A_952, %parallel_loop3A_953, %parallel_loop3A_954] {strides = array<i32>} : memref<4x4x8x128xf32, #tpu.memory_space<vmem>>, vector<16xf32>,
        tpu.vector_store %arg9[%parallel_loop3A_951, %parallel_loop3A_952, %parallel_loop3A_953, %parallel_loop3A_954], %parallel_loop3A_948 {strides = array<i32>} : memref<4x4x8x128xf32, #tpu.memory_space<vmem>>, vector<16xf32>,
        %parallel_loop3A_956 = arith.constant 30 : i32
        %parallel_loop3A_957 = vector.broadcast %parallel_loop3A_956 : i32 to vector<16xi32>
        %parallel_loop3A_958 = tpu.vector_load_idx %arg7[%parallel_loop3A_625, %parallel_loop3A_624, %parallel_loop3A_957] : memref<4x128x32xf32, #tpu.memory_space<vmem>>[vector<16xi32>, vector<16xi32>, vector<16xi32>], vector<16xf32>,
        %parallel_loop3A_959 = arith.mulf %parallel_loop3A_958, %parallel_loop3A_621 : vector<16xf32>
        %parallel_loop3A_960 = arith.constant 3 : i32
        %parallel_loop3A_961 = arith.constant 6 : i32
        %parallel_loop3A_962 = arith.index_cast %parallel_loop3A_960 : i32 to index
        %parallel_loop3A_963 = arith.index_cast %parallel_loop3A_592 : i32 to index
        %parallel_loop3A_964 = arith.index_cast %parallel_loop3A_961 : i32 to index
        %parallel_loop3A_965 = arith.index_cast %parallel_loop3A_610 : i32 to index
        %parallel_loop3A_966 = tpu.vector_load %arg9[%parallel_loop3A_962, %parallel_loop3A_963, %parallel_loop3A_964, %parallel_loop3A_965] {strides = array<i32>} : memref<4x4x8x128xf32, #tpu.memory_space<vmem>>, vector<16xf32>,
        tpu.vector_store %arg9[%parallel_loop3A_962, %parallel_loop3A_963, %parallel_loop3A_964, %parallel_loop3A_965], %parallel_loop3A_959 {strides = array<i32>} : memref<4x4x8x128xf32, #tpu.memory_space<vmem>>, vector<16xf32>,
        %parallel_loop3A_967 = arith.constant 31 : i32
        %parallel_loop3A_968 = vector.broadcast %parallel_loop3A_967 : i32 to vector<16xi32>
        %parallel_loop3A_969 = tpu.vector_load_idx %arg7[%parallel_loop3A_625, %parallel_loop3A_624, %parallel_loop3A_968] : memref<4x128x32xf32, #tpu.memory_space<vmem>>[vector<16xi32>, vector<16xi32>, vector<16xi32>], vector<16xf32>,
        %parallel_loop3A_970 = arith.mulf %parallel_loop3A_969, %parallel_loop3A_621 : vector<16xf32>
        %parallel_loop3A_971 = arith.constant 3 : i32
        %parallel_loop3A_972 = arith.constant 7 : i32
        %parallel_loop3A_973 = arith.index_cast %parallel_loop3A_971 : i32 to index
        %parallel_loop3A_974 = arith.index_cast %parallel_loop3A_592 : i32 to index
        %parallel_loop3A_975 = arith.index_cast %parallel_loop3A_972 : i32 to index
        %parallel_loop3A_976 = arith.index_cast %parallel_loop3A_610 : i32 to index
        %parallel_loop3A_977 = tpu.vector_load %arg9[%parallel_loop3A_973, %parallel_loop3A_974, %parallel_loop3A_975, %parallel_loop3A_976] {strides = array<i32>} : memref<4x4x8x128xf32, #tpu.memory_space<vmem>>, vector<16xf32>,
        tpu.vector_store %arg9[%parallel_loop3A_973, %parallel_loop3A_974, %parallel_loop3A_975, %parallel_loop3A_976], %parallel_loop3A_970 {strides = array<i32>} : memref<4x4x8x128xf32, #tpu.memory_space<vmem>>, vector<16xf32>,
      } {sc.loop_unroll_factor = 2 : i64, sc.parallel_access}
      %add3A_370 = arith.constant 2 : i32
      %add3A_371 = arith.addi %mul3A_302, %add3A_370 : i32
      %lt3A_372 = arith.constant 50 : i32
      %lt3A_373 = arith.cmpi slt, %add3A_371, %lt3A_372 : i32
      %convert_element_type3A_374 = arith.extui %lt3A_373 : i1 to i32
      %cond3A_375 = arith.constant 0 : i32
      %cond3A_376 = arith.cmpi ne, %convert_element_type3A_374, %cond3A_375 : i32
      scf.if %cond3A_376 {
        %add3A_568 = arith.constant 2 : i32
        %add3A_569 = arith.addi %mul3A_302, %add3A_568 : i32
        %mul3A_570 = arith.constant 32 : i32
        %mul3A_571 = arith.muli %mul3A_570, %add3A_569 : i32
        %add3A_572 = arith.addi %add3A, %mul3A_571 : i32
        %jit3A_573 = arith.constant 8 : i32
        %div3A_574 = arith.divsi %add3A_572, %jit3A_573 : i32
        %sign3A_575 = arith.constant 0 : i32
        %sign3A_576 = arith.cmpi sgt, %add3A_572, %sign3A_575 : i32
        %sign3A_577 = arith.extui %sign3A_576 : i1 to i32
        %sign3A_578 = arith.constant 0 : i32
        %sign3A_579 = arith.cmpi slt, %add3A_572, %sign3A_578 : i32
        %sign3A_580 = arith.extui %sign3A_579 : i1 to i32
        %sign3A_581 = arith.subi %sign3A_577, %sign3A_580 : i32
        %sign3A_582 = arith.constant 0 : i32
        %sign3A_583 = arith.cmpi sgt, %jit3A_573, %sign3A_582 : i32
        %sign3A_584 = arith.extui %sign3A_583 : i1 to i32
        %sign3A_585 = arith.constant 0 : i32
        %sign3A_586 = arith.cmpi slt, %jit3A_573, %sign3A_585 : i32
        %sign3A_587 = arith.extui %sign3A_586 : i1 to i32
        %sign3A_588 = arith.subi %sign3A_584, %sign3A_587 : i32
        %ne3A_589 = arith.cmpi ne, %sign3A_581, %sign3A_588 : i32
        %rem3A_590 = arith.remsi %add3A_572, %jit3A_573 : i32
        %ne3A_591 = arith.constant 0 : i32
        %ne3A_592 = arith.cmpi ne, %rem3A_590, %ne3A_591 : i32
        %and3A_593 = arith.andi %ne3A_589, %ne3A_592 : i1
        %sub3A_594 = arith.constant 1 : i32
        %sub3A_595 = arith.subi %div3A_574, %sub3A_594 : i32
        %select_n3A_596 = arith.select %and3A_593, %sub3A_595, %div3A_574 : i32
        %jit3A_597 = arith.constant 8 : i32
        %eq3A_598 = arith.constant 0 : i32
        %eq3A_599 = arith.cmpi eq, %jit3A_597, %eq3A_598 : i32
        %jit3A_600 = arith.constant 1 : i32
        %select_n3A_601 = arith.select %eq3A_599, %jit3A_600, %jit3A_597 : i32
        %rem3A_602 = arith.remsi %add3A_572, %select_n3A_601 : i32
        %ne3A_603 = arith.constant 0 : i32
        %ne3A_604 = arith.cmpi ne, %rem3A_602, %ne3A_603 : i32
        %lt3A_605 = arith.constant 0 : i32
        %lt3A_606 = arith.cmpi slt, %rem3A_602, %lt3A_605 : i32
        %lt3A_607 = arith.constant 0 : i32
        %lt3A_608 = arith.cmpi slt, %select_n3A_601, %lt3A_607 : i32
        %ne3A_609 = arith.xori %lt3A_606, %lt3A_608 : i1
        %and3A_610 = arith.andi %ne3A_609, %ne3A_604 : i1
        %add3A_611 = arith.addi %rem3A_602, %select_n3A_601 : i32
        %select_n3A_612 = arith.select %and3A_610, %add3A_611, %rem3A_602 : i32
        %mul3A_613 = arith.constant 4 : i32
        %mul3A_614 = arith.muli %select_n3A_612, %mul3A_613 : i32
        %dma_start3A_615 = arith.constant 0 : i32
        %dma_start3A_616 = tpu.memref_slice %arg2[%select_n3A_596, %mul3A_614, %dma_start3A_615] : memref<200x32x128xi32, #tpu.memory_space<hbm>> -> memref<1x4x128xi32, #tpu.memory_space<hbm>>
        %dma_start3A_617 = tpu.memref_squeeze %dma_start3A_616 : memref<1x4x128xi32, #tpu.memory_space<hbm>> -> memref<4x128xi32, #tpu.memory_space<hbm>>
        %dma_start3A_618 = arith.constant 0 : i32
        %dma_start3A_619 = tpu.memref_slice %arg2[%select_n3A_596, %mul3A_614, %dma_start3A_618] : memref<200x32x128xi32, #tpu.memory_space<hbm>> -> memref<1x4x128xi32, #tpu.memory_space<hbm>>
        %dma_start3A_620 = tpu.memref_squeeze %dma_start3A_619 : memref<1x4x128xi32, #tpu.memory_space<hbm>> -> memref<4x128xi32, #tpu.memory_space<hbm>>
        tpu.enqueue_dma source(%dma_start3A_620 : memref<4x128xi32, #tpu.memory_space<hbm>>) target(%arg5 : memref<4x128xi32, #tpu.memory_space<vmem>>) target_semaphore(%arg11 : memref<!tpu.dma_semaphore, #tpu.memory_space<semaphore_mem>>)
      } else {
      }
      %mul3A_377 = arith.constant 32 : i32
      %mul3A_378 = arith.muli %mul3A_377, %mul3A_302 : i32
      %add3A_379 = arith.addi %add3A, %mul3A_378 : i32
      %jit3A_380 = arith.constant 8 : i32
      %div3A_381 = arith.divsi %add3A_379, %jit3A_380 : i32
      %sign3A_382 = arith.constant 0 : i32
      %sign3A_383 = arith.cmpi sgt, %add3A_379, %sign3A_382 : i32
      %sign3A_384 = arith.extui %sign3A_383 : i1 to i32
      %sign3A_385 = arith.constant 0 : i32
      %sign3A_386 = arith.cmpi slt, %add3A_379, %sign3A_385 : i32
      %sign3A_387 = arith.extui %sign3A_386 : i1 to i32
      %sign3A_388 = arith.subi %sign3A_384, %sign3A_387 : i32
      %sign3A_389 = arith.constant 0 : i32
      %sign3A_390 = arith.cmpi sgt, %jit3A_380, %sign3A_389 : i32
      %sign3A_391 = arith.extui %sign3A_390 : i1 to i32
      %sign3A_392 = arith.constant 0 : i32
      %sign3A_393 = arith.cmpi slt, %jit3A_380, %sign3A_392 : i32
      %sign3A_394 = arith.extui %sign3A_393 : i1 to i32
      %sign3A_395 = arith.subi %sign3A_391, %sign3A_394 : i32
      %ne3A_396 = arith.cmpi ne, %sign3A_388, %sign3A_395 : i32
      %rem3A_397 = arith.remsi %add3A_379, %jit3A_380 : i32
      %ne3A_398 = arith.constant 0 : i32
      %ne3A_399 = arith.cmpi ne, %rem3A_397, %ne3A_398 : i32
      %and3A_400 = arith.andi %ne3A_396, %ne3A_399 : i1
      %sub3A_401 = arith.constant 1 : i32
      %sub3A_402 = arith.subi %div3A_381, %sub3A_401 : i32
      %select_n3A_403 = arith.select %and3A_400, %sub3A_402, %div3A_381 : i32
      %jit3A_404 = arith.constant 8 : i32
      %eq3A_405 = arith.constant 0 : i32
      %eq3A_406 = arith.cmpi eq, %jit3A_404, %eq3A_405 : i32
      %jit3A_407 = arith.constant 1 : i32
      %select_n3A_408 = arith.select %eq3A_406, %jit3A_407, %jit3A_404 : i32
      %rem3A_409 = arith.remsi %add3A_379, %select_n3A_408 : i32
      %ne3A_410 = arith.constant 0 : i32
      %ne3A_411 = arith.cmpi ne, %rem3A_409, %ne3A_410 : i32
      %lt3A_412 = arith.constant 0 : i32
      %lt3A_413 = arith.cmpi slt, %rem3A_409, %lt3A_412 : i32
      %lt3A_414 = arith.constant 0 : i32
      %lt3A_415 = arith.cmpi slt, %select_n3A_408, %lt3A_414 : i32
      %ne3A_416 = arith.xori %lt3A_413, %lt3A_415 : i1
      %and3A_417 = arith.andi %ne3A_416, %ne3A_411 : i1
      %add3A_418 = arith.addi %rem3A_409, %select_n3A_408 : i32
      %select_n3A_419 = arith.select %and3A_417, %add3A_418, %rem3A_409 : i32
      %mul3A_420 = arith.constant 4 : i32
      %mul3A_421 = arith.muli %select_n3A_419, %mul3A_420 : i32
      %dma_start3A_422 = arith.constant 0 : i32
      %dma_start3A_423 = arith.constant 0 : i32
      %dma_start3A_424 = arith.constant 0 : i32
      %dma_start3A_425 = tpu.memref_slice %arg4[%select_n3A_403, %dma_start3A_422, %mul3A_421, %dma_start3A_423, %dma_start3A_424] : memref<200x4x32x8x128xf32, #tpu.memory_space<hbm>> -> memref<1x4x4x8x128xf32, #tpu.memory_space<hbm>>
      %dma_start3A_426 = tpu.memref_squeeze %dma_start3A_425 : memref<1x4x4x8x128xf32, #tpu.memory_space<hbm>> -> memref<4x4x8x128xf32, #tpu.memory_space<hbm>>
      %dma_start3A_427 = arith.constant 0 : i32
      %dma_start3A_428 = arith.constant 0 : i32
      %dma_start3A_429 = arith.constant 0 : i32
      %dma_start3A_430 = tpu.memref_slice %arg4[%select_n3A_403, %dma_start3A_427, %mul3A_421, %dma_start3A_428, %dma_start3A_429] : memref<200x4x32x8x128xf32, #tpu.memory_space<hbm>> -> memref<1x4x4x8x128xf32, #tpu.memory_space<hbm>>
      %dma_start3A_431 = tpu.memref_squeeze %dma_start3A_430 : memref<1x4x4x8x128xf32, #tpu.memory_space<hbm>> -> memref<4x4x8x128xf32, #tpu.memory_space<hbm>>
      tpu.enqueue_dma source(%arg9 : memref<4x4x8x128xf32, #tpu.memory_space<vmem>>) target(%dma_start3A_431 : memref<4x4x8x128xf32, #tpu.memory_space<hbm>>) target_semaphore(%arg15 : memref<!tpu.dma_semaphore, #tpu.memory_space<semaphore_mem>>)
      %mul3A_432 = arith.constant 2 : i32
      %mul3A_433 = arith.muli %mul3A_432, %scan3A_300 : i32
      %add3A_434 = arith.constant 1 : i32
      %add3A_435 = arith.addi %mul3A_433, %add3A_434 : i32
      %add3A_436 = arith.constant 1 : i32
      %add3A_437 = arith.addi %add3A_435, %add3A_436 : i32
      %lt3A_438 = arith.constant 50 : i32
      %lt3A_439 = arith.cmpi slt, %add3A_437, %lt3A_438 : i32
      %convert_element_type3A_440 = arith.extui %lt3A_439 : i1 to i32
      %cond3A_441 = arith.constant 0 : i32
      %cond3A_442 = arith.cmpi ne, %convert_element_type3A_440, %cond3A_441 : i32
      scf.if %cond3A_442 {
        %add3A_568 = arith.constant 1 : i32
        %add3A_569 = arith.addi %add3A_435, %add3A_568 : i32
        %mul3A_570 = arith.constant 32 : i32
        %mul3A_571 = arith.muli %mul3A_570, %add3A_569 : i32
        %add3A_572 = arith.addi %add3A, %mul3A_571 : i32
        %jit3A_573 = arith.constant 8 : i32
        %div3A_574 = arith.divsi %add3A_572, %jit3A_573 : i32
        %sign3A_575 = arith.constant 0 : i32
        %sign3A_576 = arith.cmpi sgt, %add3A_572, %sign3A_575 : i32
        %sign3A_577 = arith.extui %sign3A_576 : i1 to i32
        %sign3A_578 = arith.constant 0 : i32
        %sign3A_579 = arith.cmpi slt, %add3A_572, %sign3A_578 : i32
        %sign3A_580 = arith.extui %sign3A_579 : i1 to i32
        %sign3A_581 = arith.subi %sign3A_577, %sign3A_580 : i32
        %sign3A_582 = arith.constant 0 : i32
        %sign3A_583 = arith.cmpi sgt, %jit3A_573, %sign3A_582 : i32
        %sign3A_584 = arith.extui %sign3A_583 : i1 to i32
        %sign3A_585 = arith.constant 0 : i32
        %sign3A_586 = arith.cmpi slt, %jit3A_573, %sign3A_585 : i32
        %sign3A_587 = arith.extui %sign3A_586 : i1 to i32
        %sign3A_588 = arith.subi %sign3A_584, %sign3A_587 : i32
        %ne3A_589 = arith.cmpi ne, %sign3A_581, %sign3A_588 : i32
        %rem3A_590 = arith.remsi %add3A_572, %jit3A_573 : i32
        %ne3A_591 = arith.constant 0 : i32
        %ne3A_592 = arith.cmpi ne, %rem3A_590, %ne3A_591 : i32
        %and3A_593 = arith.andi %ne3A_589, %ne3A_592 : i1
        %sub3A_594 = arith.constant 1 : i32
        %sub3A_595 = arith.subi %div3A_574, %sub3A_594 : i32
        %select_n3A_596 = arith.select %and3A_593, %sub3A_595, %div3A_574 : i32
        %jit3A_597 = arith.constant 8 : i32
        %eq3A_598 = arith.constant 0 : i32
        %eq3A_599 = arith.cmpi eq, %jit3A_597, %eq3A_598 : i32
        %jit3A_600 = arith.constant 1 : i32
        %select_n3A_601 = arith.select %eq3A_599, %jit3A_600, %jit3A_597 : i32
        %rem3A_602 = arith.remsi %add3A_572, %select_n3A_601 : i32
        %ne3A_603 = arith.constant 0 : i32
        %ne3A_604 = arith.cmpi ne, %rem3A_602, %ne3A_603 : i32
        %lt3A_605 = arith.constant 0 : i32
        %lt3A_606 = arith.cmpi slt, %rem3A_602, %lt3A_605 : i32
        %lt3A_607 = arith.constant 0 : i32
        %lt3A_608 = arith.cmpi slt, %select_n3A_601, %lt3A_607 : i32
        %ne3A_609 = arith.xori %lt3A_606, %lt3A_608 : i1
        %and3A_610 = arith.andi %ne3A_609, %ne3A_604 : i1
        %add3A_611 = arith.addi %rem3A_602, %select_n3A_601 : i32
        %select_n3A_612 = arith.select %and3A_610, %add3A_611, %rem3A_602 : i32
        %mul3A_613 = arith.constant 4 : i32
        %mul3A_614 = arith.muli %select_n3A_612, %mul3A_613 : i32
        %dma_wait3A_615 = arith.constant 0 : i32
        %dma_wait3A_616 = tpu.memref_slice %arg2[%select_n3A_596, %mul3A_614, %dma_wait3A_615] : memref<200x32x128xi32, #tpu.memory_space<hbm>> -> memref<1x4x128xi32, #tpu.memory_space<hbm>>
        %dma_wait3A_617 = tpu.memref_squeeze %dma_wait3A_616 : memref<1x4x128xi32, #tpu.memory_space<hbm>> -> memref<4x128xi32, #tpu.memory_space<hbm>>
        %dma_wait3A_618 = arith.constant 0 : i32
        %dma_wait3A_619 = tpu.memref_slice %arg2[%select_n3A_596, %mul3A_614, %dma_wait3A_618] : memref<200x32x128xi32, #tpu.memory_space<hbm>> -> memref<1x4x128xi32, #tpu.memory_space<hbm>>
        %dma_wait3A_620 = tpu.memref_squeeze %dma_wait3A_619 : memref<1x4x128xi32, #tpu.memory_space<hbm>> -> memref<4x128xi32, #tpu.memory_space<hbm>>
        tpu.wait_dma2 semaphore(%arg11 : memref<!tpu.dma_semaphore, #tpu.memory_space<semaphore_mem>>) src(%dma_wait3A_620 : memref<4x128xi32, #tpu.memory_space<hbm>>) dst(%arg5 : memref<4x128xi32, #tpu.memory_space<vmem>>)
        %ge3A = arith.constant 1 : i32
        %ge3A_621 = arith.cmpi sge, %add3A_435, %ge3A : i32
        %convert_element_type3A_622 = arith.extui %ge3A_621 : i1 to i32
        %cond3A_623 = arith.constant 0 : i32
        %cond3A_624 = arith.cmpi ne, %convert_element_type3A_622, %cond3A_623 : i32
        scf.if %cond3A_624 {
          %sub3A_673 = arith.constant 1 : i32
          %sub3A_674 = arith.subi %add3A_435, %sub3A_673 : i32
          %mul3A_675 = arith.constant 32 : i32
          %mul3A_676 = arith.muli %mul3A_675, %sub3A_674 : i32
          %add3A_677 = arith.addi %add3A, %mul3A_676 : i32
          %jit3A_678 = arith.constant 8 : i32
          %div3A_679 = arith.divsi %add3A_677, %jit3A_678 : i32
          %sign3A_680 = arith.constant 0 : i32
          %sign3A_681 = arith.cmpi sgt, %add3A_677, %sign3A_680 : i32
          %sign3A_682 = arith.extui %sign3A_681 : i1 to i32
          %sign3A_683 = arith.constant 0 : i32
          %sign3A_684 = arith.cmpi slt, %add3A_677, %sign3A_683 : i32
          %sign3A_685 = arith.extui %sign3A_684 : i1 to i32
          %sign3A_686 = arith.subi %sign3A_682, %sign3A_685 : i32
          %sign3A_687 = arith.constant 0 : i32
          %sign3A_688 = arith.cmpi sgt, %jit3A_678, %sign3A_687 : i32
          %sign3A_689 = arith.extui %sign3A_688 : i1 to i32
          %sign3A_690 = arith.constant 0 : i32
          %sign3A_691 = arith.cmpi slt, %jit3A_678, %sign3A_690 : i32
          %sign3A_692 = arith.extui %sign3A_691 : i1 to i32
          %sign3A_693 = arith.subi %sign3A_689, %sign3A_692 : i32
          %ne3A_694 = arith.cmpi ne, %sign3A_686, %sign3A_693 : i32
          %rem3A_695 = arith.remsi %add3A_677, %jit3A_678 : i32
          %ne3A_696 = arith.constant 0 : i32
          %ne3A_697 = arith.cmpi ne, %rem3A_695, %ne3A_696 : i32
          %and3A_698 = arith.andi %ne3A_694, %ne3A_697 : i1
          %sub3A_699 = arith.constant 1 : i32
          %sub3A_700 = arith.subi %div3A_679, %sub3A_699 : i32
          %select_n3A_701 = arith.select %and3A_698, %sub3A_700, %div3A_679 : i32
          %jit3A_702 = arith.constant 8 : i32
          %eq3A_703 = arith.constant 0 : i32
          %eq3A_704 = arith.cmpi eq, %jit3A_702, %eq3A_703 : i32
          %jit3A_705 = arith.constant 1 : i32
          %select_n3A_706 = arith.select %eq3A_704, %jit3A_705, %jit3A_702 : i32
          %rem3A_707 = arith.remsi %add3A_677, %select_n3A_706 : i32
          %ne3A_708 = arith.constant 0 : i32
          %ne3A_709 = arith.cmpi ne, %rem3A_707, %ne3A_708 : i32
          %lt3A_710 = arith.constant 0 : i32
          %lt3A_711 = arith.cmpi slt, %rem3A_707, %lt3A_710 : i32
          %lt3A_712 = arith.constant 0 : i32
          %lt3A_713 = arith.cmpi slt, %select_n3A_706, %lt3A_712 : i32
          %ne3A_714 = arith.xori %lt3A_711, %lt3A_713 : i1
          %and3A_715 = arith.andi %ne3A_714, %ne3A_709 : i1
          %add3A_716 = arith.addi %rem3A_707, %select_n3A_706 : i32
          %select_n3A_717 = arith.select %and3A_715, %add3A_716, %rem3A_707 : i32
          %mul3A_718 = arith.constant 4 : i32
          %mul3A_719 = arith.muli %select_n3A_717, %mul3A_718 : i32
          %dma_wait3A_720 = arith.constant 0 : i32
          %dma_wait3A_721 = arith.constant 0 : i32
          %dma_wait3A_722 = arith.constant 0 : i32
          %dma_wait3A_723 = tpu.memref_slice %arg4[%select_n3A_701, %dma_wait3A_720, %mul3A_719, %dma_wait3A_721, %dma_wait3A_722] : memref<200x4x32x8x128xf32, #tpu.memory_space<hbm>> -> memref<1x4x4x8x128xf32, #tpu.memory_space<hbm>>
          %dma_wait3A_724 = tpu.memref_squeeze %dma_wait3A_723 : memref<1x4x4x8x128xf32, #tpu.memory_space<hbm>> -> memref<4x4x8x128xf32, #tpu.memory_space<hbm>>
          %dma_wait3A_725 = arith.constant 0 : i32
          %dma_wait3A_726 = arith.constant 0 : i32
          %dma_wait3A_727 = arith.constant 0 : i32
          %dma_wait3A_728 = tpu.memref_slice %arg4[%select_n3A_701, %dma_wait3A_725, %mul3A_719, %dma_wait3A_726, %dma_wait3A_727] : memref<200x4x32x8x128xf32, #tpu.memory_space<hbm>> -> memref<1x4x4x8x128xf32, #tpu.memory_space<hbm>>
          %dma_wait3A_729 = tpu.memref_squeeze %dma_wait3A_728 : memref<1x4x4x8x128xf32, #tpu.memory_space<hbm>> -> memref<4x4x8x128xf32, #tpu.memory_space<hbm>>
          tpu.wait_dma2 semaphore(%arg15 : memref<!tpu.dma_semaphore, #tpu.memory_space<semaphore_mem>>) src(%arg9 : memref<4x4x8x128xf32, #tpu.memory_space<vmem>>) dst(%dma_wait3A_729 : memref<4x4x8x128xf32, #tpu.memory_space<hbm>>)
        } else {
        }
        %dma_start3A_625 = arith.constant 0 : i32
        %dma_start3A_626 = arith.constant 0 : i32
        %dma_start3A_627 = arith.constant 0 : i32
        %dma_start3A_628 = arith.constant 0 : i32
        %dma_start3A_629 = tpu.memref_slice %arg7[%dma_start3A_626, %dma_start3A_627, %dma_start3A_628] : memref<4x128x32xf32, #tpu.memory_space<vmem>> -> memref<1x128x32xf32, #tpu.memory_space<vmem>>
        %dma_start3A_630 = tpu.memref_squeeze %dma_start3A_629 : memref<1x128x32xf32, #tpu.memory_space<vmem>> -> memref<128x32xf32, #tpu.memory_space<vmem>>
        %dma_start3A_631 = arith.constant 0 : i32
        %dma_start3A_632 = tpu.memref_slice %arg5[%dma_start3A_625, %dma_start3A_631] : memref<4x128xi32, #tpu.memory_space<vmem>> -> memref<1x128xi32, #tpu.memory_space<vmem>>
        %dma_start3A_633 = tpu.memref_squeeze %dma_start3A_632 : memref<1x128xi32, #tpu.memory_space<vmem>> -> memref<128xi32, #tpu.memory_space<vmem>>
        %dma_start3A_634 = arith.constant 0 : i32
        %dma_start3A_635 = arith.constant 0 : i32
        %dma_start3A_636 = tpu.memref_slice %arg3[%dma_start3A_634, %dma_start3A_635] : memref<1000000x32xf32, #tpu.memory_space<hbm>> -> memref<1000000x32xf32, #tpu.memory_space<hbm>>
        tpu.enqueue_indirect_dma source(%dma_start3A_636 : memref<1000000x32xf32, #tpu.memory_space<hbm>>) target(%dma_start3A_630 : memref<128x32xf32, #tpu.memory_space<vmem>>) offsets(%dma_start3A_633 : memref<128xi32, #tpu.memory_space<vmem>>) semaphore(%arg13 : memref<!tpu.dma_semaphore, #tpu.memory_space<semaphore_mem>>)
        %dma_start3A_637 = arith.constant 1 : i32
        %dma_start3A_638 = arith.constant 1 : i32
        %dma_start3A_639 = arith.constant 0 : i32
        %dma_start3A_640 = arith.constant 0 : i32
        %dma_start3A_641 = tpu.memref_slice %arg7[%dma_start3A_638, %dma_start3A_639, %dma_start3A_640] : memref<4x128x32xf32, #tpu.memory_space<vmem>> -> memref<1x128x32xf32, #tpu.memory_space<vmem>>
        %dma_start3A_642 = tpu.memref_squeeze %dma_start3A_641 : memref<1x128x32xf32, #tpu.memory_space<vmem>> -> memref<128x32xf32, #tpu.memory_space<vmem>>
        %dma_start3A_643 = arith.constant 0 : i32
        %dma_start3A_644 = tpu.memref_slice %arg5[%dma_start3A_637, %dma_start3A_643] : memref<4x128xi32, #tpu.memory_space<vmem>> -> memref<1x128xi32, #tpu.memory_space<vmem>>
        %dma_start3A_645 = tpu.memref_squeeze %dma_start3A_644 : memref<1x128xi32, #tpu.memory_space<vmem>> -> memref<128xi32, #tpu.memory_space<vmem>>
        %dma_start3A_646 = arith.constant 0 : i32
        %dma_start3A_647 = arith.constant 0 : i32
        %dma_start3A_648 = tpu.memref_slice %arg3[%dma_start3A_646, %dma_start3A_647] : memref<1000000x32xf32, #tpu.memory_space<hbm>> -> memref<1000000x32xf32, #tpu.memory_space<hbm>>
        tpu.enqueue_indirect_dma source(%dma_start3A_648 : memref<1000000x32xf32, #tpu.memory_space<hbm>>) target(%dma_start3A_642 : memref<128x32xf32, #tpu.memory_space<vmem>>) offsets(%dma_start3A_645 : memref<128xi32, #tpu.memory_space<vmem>>) semaphore(%arg13 : memref<!tpu.dma_semaphore, #tpu.memory_space<semaphore_mem>>)
        %dma_start3A_649 = arith.constant 2 : i32
        %dma_start3A_650 = arith.constant 2 : i32
        %dma_start3A_651 = arith.constant 0 : i32
        %dma_start3A_652 = arith.constant 0 : i32
        %dma_start3A_653 = tpu.memref_slice %arg7[%dma_start3A_650, %dma_start3A_651, %dma_start3A_652] : memref<4x128x32xf32, #tpu.memory_space<vmem>> -> memref<1x128x32xf32, #tpu.memory_space<vmem>>
        %dma_start3A_654 = tpu.memref_squeeze %dma_start3A_653 : memref<1x128x32xf32, #tpu.memory_space<vmem>> -> memref<128x32xf32, #tpu.memory_space<vmem>>
        %dma_start3A_655 = arith.constant 0 : i32
        %dma_start3A_656 = tpu.memref_slice %arg5[%dma_start3A_649, %dma_start3A_655] : memref<4x128xi32, #tpu.memory_space<vmem>> -> memref<1x128xi32, #tpu.memory_space<vmem>>
        %dma_start3A_657 = tpu.memref_squeeze %dma_start3A_656 : memref<1x128xi32, #tpu.memory_space<vmem>> -> memref<128xi32, #tpu.memory_space<vmem>>
        %dma_start3A_658 = arith.constant 0 : i32
        %dma_start3A_659 = arith.constant 0 : i32
        %dma_start3A_660 = tpu.memref_slice %arg3[%dma_start3A_658, %dma_start3A_659] : memref<1000000x32xf32, #tpu.memory_space<hbm>> -> memref<1000000x32xf32, #tpu.memory_space<hbm>>
        tpu.enqueue_indirect_dma source(%dma_start3A_660 : memref<1000000x32xf32, #tpu.memory_space<hbm>>) target(%dma_start3A_654 : memref<128x32xf32, #tpu.memory_space<vmem>>) offsets(%dma_start3A_657 : memref<128xi32, #tpu.memory_space<vmem>>) semaphore(%arg13 : memref<!tpu.dma_semaphore, #tpu.memory_space<semaphore_mem>>)
        %dma_start3A_661 = arith.constant 3 : i32
        %dma_start3A_662 = arith.constant 3 : i32
        %dma_start3A_663 = arith.constant 0 : i32
        %dma_start3A_664 = arith.constant 0 : i32
        %dma_start3A_665 = tpu.memref_slice %arg7[%dma_start3A_662, %dma_start3A_663, %dma_start3A_664] : memref<4x128x32xf32, #tpu.memory_space<vmem>> -> memref<1x128x32xf32, #tpu.memory_space<vmem>>
        %dma_start3A_666 = tpu.memref_squeeze %dma_start3A_665 : memref<1x128x32xf32, #tpu.memory_space<vmem>> -> memref<128x32xf32, #tpu.memory_space<vmem>>
        %dma_start3A_667 = arith.constant 0 : i32
        %dma_start3A_668 = tpu.memref_slice %arg5[%dma_start3A_661, %dma_start3A_667] : memref<4x128xi32, #tpu.memory_space<vmem>> -> memref<1x128xi32, #tpu.memory_space<vmem>>
        %dma_start3A_669 = tpu.memref_squeeze %dma_start3A_668 : memref<1x128xi32, #tpu.memory_space<vmem>> -> memref<128xi32, #tpu.memory_space<vmem>>
        %dma_start3A_670 = arith.constant 0 : i32
        %dma_start3A_671 = arith.constant 0 : i32
        %dma_start3A_672 = tpu.memref_slice %arg3[%dma_start3A_670, %dma_start3A_671] : memref<1000000x32xf32, #tpu.memory_space<hbm>> -> memref<1000000x32xf32, #tpu.memory_space<hbm>>
        tpu.enqueue_indirect_dma source(%dma_start3A_672 : memref<1000000x32xf32, #tpu.memory_space<hbm>>) target(%dma_start3A_666 : memref<128x32xf32, #tpu.memory_space<vmem>>) offsets(%dma_start3A_669 : memref<128xi32, #tpu.memory_space<vmem>>) semaphore(%arg13 : memref<!tpu.dma_semaphore, #tpu.memory_space<semaphore_mem>>)
      } else {
      }
      %dma_wait3A_443 = arith.constant 0 : i32
      %dma_wait3A_444 = arith.constant 0 : i32
      %dma_wait3A_445 = arith.constant 0 : i32
      %dma_wait3A_446 = tpu.memref_slice %arg8[%dma_wait3A_443, %dma_wait3A_444, %dma_wait3A_445] : memref<4x128x32xf32, #tpu.memory_space<vmem>> -> memref<1x128x32xf32, #tpu.memory_space<vmem>>
      %dma_wait3A_447 = tpu.memref_squeeze %dma_wait3A_446 : memref<1x128x32xf32, #tpu.memory_space<vmem>> -> memref<128x32xf32, #tpu.memory_space<vmem>>
      %dma_wait3A_448 = arith.constant 0 : i32
      %dma_wait3A_449 = arith.constant 0 : i32
      %dma_wait3A_450 = tpu.memref_slice %arg3[%dma_wait3A_448, %dma_wait3A_449] : memref<1000000x32xf32, #tpu.memory_space<hbm>> -> memref<128x32xf32, #tpu.memory_space<hbm>>
      %dma_wait3A_451 = arith.constant 0 : i32
      %dma_wait3A_452 = arith.constant 0 : i32
      %dma_wait3A_453 = tpu.memref_slice %arg8[%dma_wait3A_443, %dma_wait3A_451, %dma_wait3A_452] : memref<4x128x32xf32, #tpu.memory_space<vmem>> -> memref<1x128x32xf32, #tpu.memory_space<vmem>>
      %dma_wait3A_454 = tpu.memref_squeeze %dma_wait3A_453 : memref<1x128x32xf32, #tpu.memory_space<vmem>> -> memref<128x32xf32, #tpu.memory_space<vmem>>
      %dma_wait3A_455 = arith.constant 0 : i32
      %dma_wait3A_456 = arith.constant 0 : i32
      %dma_wait3A_457 = tpu.memref_slice %arg3[%dma_wait3A_455, %dma_wait3A_456] : memref<1000000x32xf32, #tpu.memory_space<hbm>> -> memref<128x32xf32, #tpu.memory_space<hbm>>
      tpu.wait_dma2 semaphore(%arg14 : memref<!tpu.dma_semaphore, #tpu.memory_space<semaphore_mem>>) src(%dma_wait3A_457 : memref<128x32xf32, #tpu.memory_space<hbm>>) dst(%dma_wait3A_454 : memref<128x32xf32, #tpu.memory_space<vmem>>)
      %dma_wait3A_458 = arith.constant 1 : i32
      %dma_wait3A_459 = arith.constant 0 : i32
      %dma_wait3A_460 = arith.constant 0 : i32
      %dma_wait3A_461 = tpu.memref_slice %arg8[%dma_wait3A_458, %dma_wait3A_459, %dma_wait3A_460] : memref<4x128x32xf32, #tpu.memory_space<vmem>> -> memref<1x128x32xf32, #tpu.memory_space<vmem>>
      %dma_wait3A_462 = tpu.memref_squeeze %dma_wait3A_461 : memref<1x128x32xf32, #tpu.memory_space<vmem>> -> memref<128x32xf32, #tpu.memory_space<vmem>>
      %dma_wait3A_463 = arith.constant 0 : i32
      %dma_wait3A_464 = arith.constant 0 : i32
      %dma_wait3A_465 = tpu.memref_slice %arg3[%dma_wait3A_463, %dma_wait3A_464] : memref<1000000x32xf32, #tpu.memory_space<hbm>> -> memref<128x32xf32, #tpu.memory_space<hbm>>
      %dma_wait3A_466 = arith.constant 0 : i32
      %dma_wait3A_467 = arith.constant 0 : i32
      %dma_wait3A_468 = tpu.memref_slice %arg8[%dma_wait3A_458, %dma_wait3A_466, %dma_wait3A_467] : memref<4x128x32xf32, #tpu.memory_space<vmem>> -> memref<1x128x32xf32, #tpu.memory_space<vmem>>
      %dma_wait3A_469 = tpu.memref_squeeze %dma_wait3A_468 : memref<1x128x32xf32, #tpu.memory_space<vmem>> -> memref<128x32xf32, #tpu.memory_space<vmem>>
      %dma_wait3A_470 = arith.constant 0 : i32
      %dma_wait3A_471 = arith.constant 0 : i32
      %dma_wait3A_472 = tpu.memref_slice %arg3[%dma_wait3A_470, %dma_wait3A_471] : memref<1000000x32xf32, #tpu.memory_space<hbm>> -> memref<128x32xf32, #tpu.memory_space<hbm>>
      tpu.wait_dma2 semaphore(%arg14 : memref<!tpu.dma_semaphore, #tpu.memory_space<semaphore_mem>>) src(%dma_wait3A_472 : memref<128x32xf32, #tpu.memory_space<hbm>>) dst(%dma_wait3A_469 : memref<128x32xf32, #tpu.memory_space<vmem>>)
      %dma_wait3A_473 = arith.constant 2 : i32
      %dma_wait3A_474 = arith.constant 0 : i32
      %dma_wait3A_475 = arith.constant 0 : i32
      %dma_wait3A_476 = tpu.memref_slice %arg8[%dma_wait3A_473, %dma_wait3A_474, %dma_wait3A_475] : memref<4x128x32xf32, #tpu.memory_space<vmem>> -> memref<1x128x32xf32, #tpu.memory_space<vmem>>
      %dma_wait3A_477 = tpu.memref_squeeze %dma_wait3A_476 : memref<1x128x32xf32, #tpu.memory_space<vmem>> -> memref<128x32xf32, #tpu.memory_space<vmem>>
      %dma_wait3A_478 = arith.constant 0 : i32
      %dma_wait3A_479 = arith.constant 0 : i32
      %dma_wait3A_480 = tpu.memref_slice %arg3[%dma_wait3A_478, %dma_wait3A_479] : memref<1000000x32xf32, #tpu.memory_space<hbm>> -> memref<128x32xf32, #tpu.memory_space<hbm>>
      %dma_wait3A_481 = arith.constant 0 : i32
      %dma_wait3A_482 = arith.constant 0 : i32
      %dma_wait3A_483 = tpu.memref_slice %arg8[%dma_wait3A_473, %dma_wait3A_481, %dma_wait3A_482] : memref<4x128x32xf32, #tpu.memory_space<vmem>> -> memref<1x128x32xf32, #tpu.memory_space<vmem>>
      %dma_wait3A_484 = tpu.memref_squeeze %dma_wait3A_483 : memref<1x128x32xf32, #tpu.memory_space<vmem>> -> memref<128x32xf32, #tpu.memory_space<vmem>>
      %dma_wait3A_485 = arith.constant 0 : i32
      %dma_wait3A_486 = arith.constant 0 : i32
      %dma_wait3A_487 = tpu.memref_slice %arg3[%dma_wait3A_485, %dma_wait3A_486] : memref<1000000x32xf32, #tpu.memory_space<hbm>> -> memref<128x32xf32, #tpu.memory_space<hbm>>
      tpu.wait_dma2 semaphore(%arg14 : memref<!tpu.dma_semaphore, #tpu.memory_space<semaphore_mem>>) src(%dma_wait3A_487 : memref<128x32xf32, #tpu.memory_space<hbm>>) dst(%dma_wait3A_484 : memref<128x32xf32, #tpu.memory_space<vmem>>)
      %dma_wait3A_488 = arith.constant 3 : i32
      %dma_wait3A_489 = arith.constant 0 : i32
      %dma_wait3A_490 = arith.constant 0 : i32
      %dma_wait3A_491 = tpu.memref_slice %arg8[%dma_wait3A_488, %dma_wait3A_489, %dma_wait3A_490] : memref<4x128x32xf32, #tpu.memory_space<vmem>> -> memref<1x128x32xf32, #tpu.memory_space<vmem>>
      %dma_wait3A_492 = tpu.memref_squeeze %dma_wait3A_491 : memref<1x128x32xf32, #tpu.memory_space<vmem>> -> memref<128x32xf32, #tpu.memory_space<vmem>>
      %dma_wait3A_493 = arith.constant 0 : i32
      %dma_wait3A_494 = arith.constant 0 : i32
      %dma_wait3A_495 = tpu.memref_slice %arg3[%dma_wait3A_493, %dma_wait3A_494] : memref<1000000x32xf32, #tpu.memory_space<hbm>> -> memref<128x32xf32, #tpu.memory_space<hbm>>
      %dma_wait3A_496 = arith.constant 0 : i32
      %dma_wait3A_497 = arith.constant 0 : i32
      %dma_wait3A_498 = tpu.memref_slice %arg8[%dma_wait3A_488, %dma_wait3A_496, %dma_wait3A_497] : memref<4x128x32xf32, #tpu.memory_space<vmem>> -> memref<1x128x32xf32, #tpu.memory_space<vmem>>
      %dma_wait3A_499 = tpu.memref_squeeze %dma_wait3A_498 : memref<1x128x32xf32, #tpu.memory_space<vmem>> -> memref<128x32xf32, #tpu.memory_space<vmem>>
      %dma_wait3A_500 = arith.constant 0 : i32
      %dma_wait3A_501 = arith.constant 0 : i32
      %dma_wait3A_502 = tpu.memref_slice %arg3[%dma_wait3A_500, %dma_wait3A_501] : memref<1000000x32xf32, #tpu.memory_space<hbm>> -> memref<128x32xf32, #tpu.memory_space<hbm>>
      tpu.wait_dma2 semaphore(%arg14 : memref<!tpu.dma_semaphore, #tpu.memory_space<semaphore_mem>>) src(%dma_wait3A_502 : memref<128x32xf32, #tpu.memory_space<hbm>>) dst(%dma_wait3A_499 : memref<128x32xf32, #tpu.memory_space<vmem>>)
      %parallel_loop3A_503 = arith.constant 0 : i32
      %parallel_loop3A_504 = arith.constant 32 : i32
      %parallel_loop3A_505 = arith.constant 1 : i32
      scf.for %parallel_loop3A_568 = %parallel_loop3A_503 to %parallel_loop3A_504 step %parallel_loop3A_505  : i32 {
        %parallel_loop3A_569 = arith.constant 8 : i32
        %parallel_loop3A_570 = arith.divsi %parallel_loop3A_568, %parallel_loop3A_569 : i32
        %parallel_loop3A_571 = arith.constant 0 : i32
        %parallel_loop3A_572 = arith.cmpi sgt, %parallel_loop3A_568, %parallel_loop3A_571 : i32
        %parallel_loop3A_573 = arith.extui %parallel_loop3A_572 : i1 to i32
        %parallel_loop3A_574 = arith.constant 0 : i32
        %parallel_loop3A_575 = arith.cmpi slt, %parallel_loop3A_568, %parallel_loop3A_574 : i32
        %parallel_loop3A_576 = arith.extui %parallel_loop3A_575 : i1 to i32
        %parallel_loop3A_577 = arith.subi %parallel_loop3A_573, %parallel_loop3A_576 : i32
        %parallel_loop3A_578 = arith.constant 0 : i32
        %parallel_loop3A_579 = arith.cmpi sgt, %parallel_loop3A_569, %parallel_loop3A_578 : i32
        %parallel_loop3A_580 = arith.extui %parallel_loop3A_579 : i1 to i32
        %parallel_loop3A_581 = arith.constant 0 : i32
        %parallel_loop3A_582 = arith.cmpi slt, %parallel_loop3A_569, %parallel_loop3A_581 : i32
        %parallel_loop3A_583 = arith.extui %parallel_loop3A_582 : i1 to i32
        %parallel_loop3A_584 = arith.subi %parallel_loop3A_580, %parallel_loop3A_583 : i32
        %parallel_loop3A_585 = arith.cmpi ne, %parallel_loop3A_577, %parallel_loop3A_584 : i32
        %parallel_loop3A_586 = arith.remsi %parallel_loop3A_568, %parallel_loop3A_569 : i32
        %parallel_loop3A_587 = arith.constant 0 : i32
        %parallel_loop3A_588 = arith.cmpi ne, %parallel_loop3A_586, %parallel_loop3A_587 : i32
        %parallel_loop3A_589 = arith.andi %parallel_loop3A_585, %parallel_loop3A_588 : i1
        %parallel_loop3A_590 = arith.constant 1 : i32
        %parallel_loop3A_591 = arith.subi %parallel_loop3A_570, %parallel_loop3A_590 : i32
        %parallel_loop3A_592 = arith.select %parallel_loop3A_589, %parallel_loop3A_591, %parallel_loop3A_570 : i32
        %parallel_loop3A_593 = arith.constant 8 : i32
        %parallel_loop3A_594 = arith.constant 0 : i32
        %parallel_loop3A_595 = arith.cmpi eq, %parallel_loop3A_593, %parallel_loop3A_594 : i32
        %parallel_loop3A_596 = arith.constant 1 : i32
        %parallel_loop3A_597 = arith.select %parallel_loop3A_595, %parallel_loop3A_596, %parallel_loop3A_593 : i32
        %parallel_loop3A_598 = arith.remsi %parallel_loop3A_568, %parallel_loop3A_597 : i32
        %parallel_loop3A_599 = arith.constant 0 : i32
        %parallel_loop3A_600 = arith.cmpi ne, %parallel_loop3A_598, %parallel_loop3A_599 : i32
        %parallel_loop3A_601 = arith.constant 0 : i32
        %parallel_loop3A_602 = arith.cmpi slt, %parallel_loop3A_598, %parallel_loop3A_601 : i32
        %parallel_loop3A_603 = arith.constant 0 : i32
        %parallel_loop3A_604 = arith.cmpi slt, %parallel_loop3A_597, %parallel_loop3A_603 : i32
        %parallel_loop3A_605 = arith.xori %parallel_loop3A_602, %parallel_loop3A_604 : i1
        %parallel_loop3A_606 = arith.andi %parallel_loop3A_605, %parallel_loop3A_600 : i1
        %parallel_loop3A_607 = arith.addi %parallel_loop3A_598, %parallel_loop3A_597 : i32
        %parallel_loop3A_608 = arith.select %parallel_loop3A_606, %parallel_loop3A_607, %parallel_loop3A_598 : i32
        %parallel_loop3A_609 = arith.constant 16 : i32
        %parallel_loop3A_610 = arith.muli %parallel_loop3A_608, %parallel_loop3A_609 : i32
        %parallel_loop3A_611 = arith.index_cast %parallel_loop3A_592 : i32 to index
        %parallel_loop3A_612 = arith.index_cast %parallel_loop3A_610 : i32 to index
        %parallel_loop3A_613 = tpu.vector_load %arg6[%parallel_loop3A_611, %parallel_loop3A_612] {strides = array<i32>} : memref<4x128xi32, #tpu.memory_space<vmem>>, vector<16xi32>,
        %parallel_loop3A_614 = arith.constant 0 : i32
        %parallel_loop3A_615 = vector.broadcast %parallel_loop3A_614 : i32 to vector<16xi32>
        %parallel_loop3A_616 = arith.cmpi eq, %parallel_loop3A_613, %parallel_loop3A_615 : vector<16xi32>
        %parallel_loop3A_617 = arith.constant 0.000000e+00 : f32
        %parallel_loop3A_618 = arith.constant 1.000000e+00 : f32
        %parallel_loop3A_619 = vector.broadcast %parallel_loop3A_617 : f32 to vector<16xf32>
        %parallel_loop3A_620 = vector.broadcast %parallel_loop3A_618 : f32 to vector<16xf32>
        %parallel_loop3A_621 = arith.select %parallel_loop3A_616, %parallel_loop3A_619, %parallel_loop3A_620 : vector<16xi1>, vector<16xf32>
        %parallel_loop3A_622 = tpu.iota {dimensions = array<i32: 0>} : vector<16xi32>
        %parallel_loop3A_623 = vector.broadcast %parallel_loop3A_610 : i32 to vector<16xi32>
        %parallel_loop3A_624 = arith.addi %parallel_loop3A_622, %parallel_loop3A_623 : vector<16xi32>
        %parallel_loop3A_625 = vector.broadcast %parallel_loop3A_592 : i32 to vector<16xi32>
        %parallel_loop3A_626 = arith.constant 0 : i32
        %parallel_loop3A_627 = vector.broadcast %parallel_loop3A_626 : i32 to vector<16xi32>
        %parallel_loop3A_628 = tpu.vector_load_idx %arg8[%parallel_loop3A_625, %parallel_loop3A_624, %parallel_loop3A_627] : memref<4x128x32xf32, #tpu.memory_space<vmem>>[vector<16xi32>, vector<16xi32>, vector<16xi32>], vector<16xf32>,
        %parallel_loop3A_629 = arith.mulf %parallel_loop3A_628, %parallel_loop3A_621 : vector<16xf32>
        %parallel_loop3A_630 = arith.constant 0 : i32
        %parallel_loop3A_631 = arith.constant 0 : i32
        %parallel_loop3A_632 = arith.index_cast %parallel_loop3A_630 : i32 to index
        %parallel_loop3A_633 = arith.index_cast %parallel_loop3A_592 : i32 to index
        %parallel_loop3A_634 = arith.index_cast %parallel_loop3A_631 : i32 to index
        %parallel_loop3A_635 = arith.index_cast %parallel_loop3A_610 : i32 to index
        %parallel_loop3A_636 = tpu.vector_load %arg10[%parallel_loop3A_632, %parallel_loop3A_633, %parallel_loop3A_634, %parallel_loop3A_635] {strides = array<i32>} : memref<4x4x8x128xf32, #tpu.memory_space<vmem>>, vector<16xf32>,
        tpu.vector_store %arg10[%parallel_loop3A_632, %parallel_loop3A_633, %parallel_loop3A_634, %parallel_loop3A_635], %parallel_loop3A_629 {strides = array<i32>} : memref<4x4x8x128xf32, #tpu.memory_space<vmem>>, vector<16xf32>,
        %parallel_loop3A_637 = arith.constant 1 : i32
        %parallel_loop3A_638 = vector.broadcast %parallel_loop3A_637 : i32 to vector<16xi32>
        %parallel_loop3A_639 = tpu.vector_load_idx %arg8[%parallel_loop3A_625, %parallel_loop3A_624, %parallel_loop3A_638] : memref<4x128x32xf32, #tpu.memory_space<vmem>>[vector<16xi32>, vector<16xi32>, vector<16xi32>], vector<16xf32>,
        %parallel_loop3A_640 = arith.mulf %parallel_loop3A_639, %parallel_loop3A_621 : vector<16xf32>
        %parallel_loop3A_641 = arith.constant 0 : i32
        %parallel_loop3A_642 = arith.constant 1 : i32
        %parallel_loop3A_643 = arith.index_cast %parallel_loop3A_641 : i32 to index
        %parallel_loop3A_644 = arith.index_cast %parallel_loop3A_592 : i32 to index
        %parallel_loop3A_645 = arith.index_cast %parallel_loop3A_642 : i32 to index
        %parallel_loop3A_646 = arith.index_cast %parallel_loop3A_610 : i32 to index
        %parallel_loop3A_647 = tpu.vector_load %arg10[%parallel_loop3A_643, %parallel_loop3A_644, %parallel_loop3A_645, %parallel_loop3A_646] {strides = array<i32>} : memref<4x4x8x128xf32, #tpu.memory_space<vmem>>, vector<16xf32>,
        tpu.vector_store %arg10[%parallel_loop3A_643, %parallel_loop3A_644, %parallel_loop3A_645, %parallel_loop3A_646], %parallel_loop3A_640 {strides = array<i32>} : memref<4x4x8x128xf32, #tpu.memory_space<vmem>>, vector<16xf32>,
        %parallel_loop3A_648 = arith.constant 2 : i32
        %parallel_loop3A_649 = vector.broadcast %parallel_loop3A_648 : i32 to vector<16xi32>
        %parallel_loop3A_650 = tpu.vector_load_idx %arg8[%parallel_loop3A_625, %parallel_loop3A_624, %parallel_loop3A_649] : memref<4x128x32xf32, #tpu.memory_space<vmem>>[vector<16xi32>, vector<16xi32>, vector<16xi32>], vector<16xf32>,
        %parallel_loop3A_651 = arith.mulf %parallel_loop3A_650, %parallel_loop3A_621 : vector<16xf32>
        %parallel_loop3A_652 = arith.constant 0 : i32
        %parallel_loop3A_653 = arith.constant 2 : i32
        %parallel_loop3A_654 = arith.index_cast %parallel_loop3A_652 : i32 to index
        %parallel_loop3A_655 = arith.index_cast %parallel_loop3A_592 : i32 to index
        %parallel_loop3A_656 = arith.index_cast %parallel_loop3A_653 : i32 to index
        %parallel_loop3A_657 = arith.index_cast %parallel_loop3A_610 : i32 to index
        %parallel_loop3A_658 = tpu.vector_load %arg10[%parallel_loop3A_654, %parallel_loop3A_655, %parallel_loop3A_656, %parallel_loop3A_657] {strides = array<i32>} : memref<4x4x8x128xf32, #tpu.memory_space<vmem>>, vector<16xf32>,
        tpu.vector_store %arg10[%parallel_loop3A_654, %parallel_loop3A_655, %parallel_loop3A_656, %parallel_loop3A_657], %parallel_loop3A_651 {strides = array<i32>} : memref<4x4x8x128xf32, #tpu.memory_space<vmem>>, vector<16xf32>,
        %parallel_loop3A_659 = arith.constant 3 : i32
        %parallel_loop3A_660 = vector.broadcast %parallel_loop3A_659 : i32 to vector<16xi32>
        %parallel_loop3A_661 = tpu.vector_load_idx %arg8[%parallel_loop3A_625, %parallel_loop3A_624, %parallel_loop3A_660] : memref<4x128x32xf32, #tpu.memory_space<vmem>>[vector<16xi32>, vector<16xi32>, vector<16xi32>], vector<16xf32>,
        %parallel_loop3A_662 = arith.mulf %parallel_loop3A_661, %parallel_loop3A_621 : vector<16xf32>
        %parallel_loop3A_663 = arith.constant 0 : i32
        %parallel_loop3A_664 = arith.constant 3 : i32
        %parallel_loop3A_665 = arith.index_cast %parallel_loop3A_663 : i32 to index
        %parallel_loop3A_666 = arith.index_cast %parallel_loop3A_592 : i32 to index
        %parallel_loop3A_667 = arith.index_cast %parallel_loop3A_664 : i32 to index
        %parallel_loop3A_668 = arith.index_cast %parallel_loop3A_610 : i32 to index
        %parallel_loop3A_669 = tpu.vector_load %arg10[%parallel_loop3A_665, %parallel_loop3A_666, %parallel_loop3A_667, %parallel_loop3A_668] {strides = array<i32>} : memref<4x4x8x128xf32, #tpu.memory_space<vmem>>, vector<16xf32>,
        tpu.vector_store %arg10[%parallel_loop3A_665, %parallel_loop3A_666, %parallel_loop3A_667, %parallel_loop3A_668], %parallel_loop3A_662 {strides = array<i32>} : memref<4x4x8x128xf32, #tpu.memory_space<vmem>>, vector<16xf32>,
        %parallel_loop3A_670 = arith.constant 4 : i32
        %parallel_loop3A_671 = vector.broadcast %parallel_loop3A_670 : i32 to vector<16xi32>
        %parallel_loop3A_672 = tpu.vector_load_idx %arg8[%parallel_loop3A_625, %parallel_loop3A_624, %parallel_loop3A_671] : memref<4x128x32xf32, #tpu.memory_space<vmem>>[vector<16xi32>, vector<16xi32>, vector<16xi32>], vector<16xf32>,
        %parallel_loop3A_673 = arith.mulf %parallel_loop3A_672, %parallel_loop3A_621 : vector<16xf32>
        %parallel_loop3A_674 = arith.constant 0 : i32
        %parallel_loop3A_675 = arith.constant 4 : i32
        %parallel_loop3A_676 = arith.index_cast %parallel_loop3A_674 : i32 to index
        %parallel_loop3A_677 = arith.index_cast %parallel_loop3A_592 : i32 to index
        %parallel_loop3A_678 = arith.index_cast %parallel_loop3A_675 : i32 to index
        %parallel_loop3A_679 = arith.index_cast %parallel_loop3A_610 : i32 to index
        %parallel_loop3A_680 = tpu.vector_load %arg10[%parallel_loop3A_676, %parallel_loop3A_677, %parallel_loop3A_678, %parallel_loop3A_679] {strides = array<i32>} : memref<4x4x8x128xf32, #tpu.memory_space<vmem>>, vector<16xf32>,
        tpu.vector_store %arg10[%parallel_loop3A_676, %parallel_loop3A_677, %parallel_loop3A_678, %parallel_loop3A_679], %parallel_loop3A_673 {strides = array<i32>} : memref<4x4x8x128xf32, #tpu.memory_space<vmem>>, vector<16xf32>,
        %parallel_loop3A_681 = arith.constant 5 : i32
        %parallel_loop3A_682 = vector.broadcast %parallel_loop3A_681 : i32 to vector<16xi32>
        %parallel_loop3A_683 = tpu.vector_load_idx %arg8[%parallel_loop3A_625, %parallel_loop3A_624, %parallel_loop3A_682] : memref<4x128x32xf32, #tpu.memory_space<vmem>>[vector<16xi32>, vector<16xi32>, vector<16xi32>], vector<16xf32>,
        %parallel_loop3A_684 = arith.mulf %parallel_loop3A_683, %parallel_loop3A_621 : vector<16xf32>
        %parallel_loop3A_685 = arith.constant 0 : i32
        %parallel_loop3A_686 = arith.constant 5 : i32
        %parallel_loop3A_687 = arith.index_cast %parallel_loop3A_685 : i32 to index
        %parallel_loop3A_688 = arith.index_cast %parallel_loop3A_592 : i32 to index
        %parallel_loop3A_689 = arith.index_cast %parallel_loop3A_686 : i32 to index
        %parallel_loop3A_690 = arith.index_cast %parallel_loop3A_610 : i32 to index
        %parallel_loop3A_691 = tpu.vector_load %arg10[%parallel_loop3A_687, %parallel_loop3A_688, %parallel_loop3A_689, %parallel_loop3A_690] {strides = array<i32>} : memref<4x4x8x128xf32, #tpu.memory_space<vmem>>, vector<16xf32>,
        tpu.vector_store %arg10[%parallel_loop3A_687, %parallel_loop3A_688, %parallel_loop3A_689, %parallel_loop3A_690], %parallel_loop3A_684 {strides = array<i32>} : memref<4x4x8x128xf32, #tpu.memory_space<vmem>>, vector<16xf32>,
        %parallel_loop3A_692 = arith.constant 6 : i32
        %parallel_loop3A_693 = vector.broadcast %parallel_loop3A_692 : i32 to vector<16xi32>
        %parallel_loop3A_694 = tpu.vector_load_idx %arg8[%parallel_loop3A_625, %parallel_loop3A_624, %parallel_loop3A_693] : memref<4x128x32xf32, #tpu.memory_space<vmem>>[vector<16xi32>, vector<16xi32>, vector<16xi32>], vector<16xf32>,
        %parallel_loop3A_695 = arith.mulf %parallel_loop3A_694, %parallel_loop3A_621 : vector<16xf32>
        %parallel_loop3A_696 = arith.constant 0 : i32
        %parallel_loop3A_697 = arith.constant 6 : i32
        %parallel_loop3A_698 = arith.index_cast %parallel_loop3A_696 : i32 to index
        %parallel_loop3A_699 = arith.index_cast %parallel_loop3A_592 : i32 to index
        %parallel_loop3A_700 = arith.index_cast %parallel_loop3A_697 : i32 to index
        %parallel_loop3A_701 = arith.index_cast %parallel_loop3A_610 : i32 to index
        %parallel_loop3A_702 = tpu.vector_load %arg10[%parallel_loop3A_698, %parallel_loop3A_699, %parallel_loop3A_700, %parallel_loop3A_701] {strides = array<i32>} : memref<4x4x8x128xf32, #tpu.memory_space<vmem>>, vector<16xf32>,
        tpu.vector_store %arg10[%parallel_loop3A_698, %parallel_loop3A_699, %parallel_loop3A_700, %parallel_loop3A_701], %parallel_loop3A_695 {strides = array<i32>} : memref<4x4x8x128xf32, #tpu.memory_space<vmem>>, vector<16xf32>,
        %parallel_loop3A_703 = arith.constant 7 : i32
        %parallel_loop3A_704 = vector.broadcast %parallel_loop3A_703 : i32 to vector<16xi32>
        %parallel_loop3A_705 = tpu.vector_load_idx %arg8[%parallel_loop3A_625, %parallel_loop3A_624, %parallel_loop3A_704] : memref<4x128x32xf32, #tpu.memory_space<vmem>>[vector<16xi32>, vector<16xi32>, vector<16xi32>], vector<16xf32>,
        %parallel_loop3A_706 = arith.mulf %parallel_loop3A_705, %parallel_loop3A_621 : vector<16xf32>
        %parallel_loop3A_707 = arith.constant 0 : i32
        %parallel_loop3A_708 = arith.constant 7 : i32
        %parallel_loop3A_709 = arith.index_cast %parallel_loop3A_707 : i32 to index
        %parallel_loop3A_710 = arith.index_cast %parallel_loop3A_592 : i32 to index
        %parallel_loop3A_711 = arith.index_cast %parallel_loop3A_708 : i32 to index
        %parallel_loop3A_712 = arith.index_cast %parallel_loop3A_610 : i32 to index
        %parallel_loop3A_713 = tpu.vector_load %arg10[%parallel_loop3A_709, %parallel_loop3A_710, %parallel_loop3A_711, %parallel_loop3A_712] {strides = array<i32>} : memref<4x4x8x128xf32, #tpu.memory_space<vmem>>, vector<16xf32>,
        tpu.vector_store %arg10[%parallel_loop3A_709, %parallel_loop3A_710, %parallel_loop3A_711, %parallel_loop3A_712], %parallel_loop3A_706 {strides = array<i32>} : memref<4x4x8x128xf32, #tpu.memory_space<vmem>>, vector<16xf32>,
        %parallel_loop3A_714 = arith.constant 8 : i32
        %parallel_loop3A_715 = vector.broadcast %parallel_loop3A_714 : i32 to vector<16xi32>
        %parallel_loop3A_716 = tpu.vector_load_idx %arg8[%parallel_loop3A_625, %parallel_loop3A_624, %parallel_loop3A_715] : memref<4x128x32xf32, #tpu.memory_space<vmem>>[vector<16xi32>, vector<16xi32>, vector<16xi32>], vector<16xf32>,
        %parallel_loop3A_717 = arith.mulf %parallel_loop3A_716, %parallel_loop3A_621 : vector<16xf32>
        %parallel_loop3A_718 = arith.constant 1 : i32
        %parallel_loop3A_719 = arith.constant 0 : i32
        %parallel_loop3A_720 = arith.index_cast %parallel_loop3A_718 : i32 to index
        %parallel_loop3A_721 = arith.index_cast %parallel_loop3A_592 : i32 to index
        %parallel_loop3A_722 = arith.index_cast %parallel_loop3A_719 : i32 to index
        %parallel_loop3A_723 = arith.index_cast %parallel_loop3A_610 : i32 to index
        %parallel_loop3A_724 = tpu.vector_load %arg10[%parallel_loop3A_720, %parallel_loop3A_721, %parallel_loop3A_722, %parallel_loop3A_723] {strides = array<i32>} : memref<4x4x8x128xf32, #tpu.memory_space<vmem>>, vector<16xf32>,
        tpu.vector_store %arg10[%parallel_loop3A_720, %parallel_loop3A_721, %parallel_loop3A_722, %parallel_loop3A_723], %parallel_loop3A_717 {strides = array<i32>} : memref<4x4x8x128xf32, #tpu.memory_space<vmem>>, vector<16xf32>,
        %parallel_loop3A_725 = arith.constant 9 : i32
        %parallel_loop3A_726 = vector.broadcast %parallel_loop3A_725 : i32 to vector<16xi32>
        %parallel_loop3A_727 = tpu.vector_load_idx %arg8[%parallel_loop3A_625, %parallel_loop3A_624, %parallel_loop3A_726] : memref<4x128x32xf32, #tpu.memory_space<vmem>>[vector<16xi32>, vector<16xi32>, vector<16xi32>], vector<16xf32>,
        %parallel_loop3A_728 = arith.mulf %parallel_loop3A_727, %parallel_loop3A_621 : vector<16xf32>
        %parallel_loop3A_729 = arith.constant 1 : i32
        %parallel_loop3A_730 = arith.constant 1 : i32
        %parallel_loop3A_731 = arith.index_cast %parallel_loop3A_729 : i32 to index
        %parallel_loop3A_732 = arith.index_cast %parallel_loop3A_592 : i32 to index
        %parallel_loop3A_733 = arith.index_cast %parallel_loop3A_730 : i32 to index
        %parallel_loop3A_734 = arith.index_cast %parallel_loop3A_610 : i32 to index
        %parallel_loop3A_735 = tpu.vector_load %arg10[%parallel_loop3A_731, %parallel_loop3A_732, %parallel_loop3A_733, %parallel_loop3A_734] {strides = array<i32>} : memref<4x4x8x128xf32, #tpu.memory_space<vmem>>, vector<16xf32>,
        tpu.vector_store %arg10[%parallel_loop3A_731, %parallel_loop3A_732, %parallel_loop3A_733, %parallel_loop3A_734], %parallel_loop3A_728 {strides = array<i32>} : memref<4x4x8x128xf32, #tpu.memory_space<vmem>>, vector<16xf32>,
        %parallel_loop3A_736 = arith.constant 10 : i32
        %parallel_loop3A_737 = vector.broadcast %parallel_loop3A_736 : i32 to vector<16xi32>
        %parallel_loop3A_738 = tpu.vector_load_idx %arg8[%parallel_loop3A_625, %parallel_loop3A_624, %parallel_loop3A_737] : memref<4x128x32xf32, #tpu.memory_space<vmem>>[vector<16xi32>, vector<16xi32>, vector<16xi32>], vector<16xf32>,
        %parallel_loop3A_739 = arith.mulf %parallel_loop3A_738, %parallel_loop3A_621 : vector<16xf32>
        %parallel_loop3A_740 = arith.constant 1 : i32
        %parallel_loop3A_741 = arith.constant 2 : i32
        %parallel_loop3A_742 = arith.index_cast %parallel_loop3A_740 : i32 to index
        %parallel_loop3A_743 = arith.index_cast %parallel_loop3A_592 : i32 to index
        %parallel_loop3A_744 = arith.index_cast %parallel_loop3A_741 : i32 to index
        %parallel_loop3A_745 = arith.index_cast %parallel_loop3A_610 : i32 to index
        %parallel_loop3A_746 = tpu.vector_load %arg10[%parallel_loop3A_742, %parallel_loop3A_743, %parallel_loop3A_744, %parallel_loop3A_745] {strides = array<i32>} : memref<4x4x8x128xf32, #tpu.memory_space<vmem>>, vector<16xf32>,
        tpu.vector_store %arg10[%parallel_loop3A_742, %parallel_loop3A_743, %parallel_loop3A_744, %parallel_loop3A_745], %parallel_loop3A_739 {strides = array<i32>} : memref<4x4x8x128xf32, #tpu.memory_space<vmem>>, vector<16xf32>,
        %parallel_loop3A_747 = arith.constant 11 : i32
        %parallel_loop3A_748 = vector.broadcast %parallel_loop3A_747 : i32 to vector<16xi32>
        %parallel_loop3A_749 = tpu.vector_load_idx %arg8[%parallel_loop3A_625, %parallel_loop3A_624, %parallel_loop3A_748] : memref<4x128x32xf32, #tpu.memory_space<vmem>>[vector<16xi32>, vector<16xi32>, vector<16xi32>], vector<16xf32>,
        %parallel_loop3A_750 = arith.mulf %parallel_loop3A_749, %parallel_loop3A_621 : vector<16xf32>
        %parallel_loop3A_751 = arith.constant 1 : i32
        %parallel_loop3A_752 = arith.constant 3 : i32
        %parallel_loop3A_753 = arith.index_cast %parallel_loop3A_751 : i32 to index
        %parallel_loop3A_754 = arith.index_cast %parallel_loop3A_592 : i32 to index
        %parallel_loop3A_755 = arith.index_cast %parallel_loop3A_752 : i32 to index
        %parallel_loop3A_756 = arith.index_cast %parallel_loop3A_610 : i32 to index
        %parallel_loop3A_757 = tpu.vector_load %arg10[%parallel_loop3A_753, %parallel_loop3A_754, %parallel_loop3A_755, %parallel_loop3A_756] {strides = array<i32>} : memref<4x4x8x128xf32, #tpu.memory_space<vmem>>, vector<16xf32>,
        tpu.vector_store %arg10[%parallel_loop3A_753, %parallel_loop3A_754, %parallel_loop3A_755, %parallel_loop3A_756], %parallel_loop3A_750 {strides = array<i32>} : memref<4x4x8x128xf32, #tpu.memory_space<vmem>>, vector<16xf32>,
        %parallel_loop3A_758 = arith.constant 12 : i32
        %parallel_loop3A_759 = vector.broadcast %parallel_loop3A_758 : i32 to vector<16xi32>
        %parallel_loop3A_760 = tpu.vector_load_idx %arg8[%parallel_loop3A_625, %parallel_loop3A_624, %parallel_loop3A_759] : memref<4x128x32xf32, #tpu.memory_space<vmem>>[vector<16xi32>, vector<16xi32>, vector<16xi32>], vector<16xf32>,
        %parallel_loop3A_761 = arith.mulf %parallel_loop3A_760, %parallel_loop3A_621 : vector<16xf32>
        %parallel_loop3A_762 = arith.constant 1 : i32
        %parallel_loop3A_763 = arith.constant 4 : i32
        %parallel_loop3A_764 = arith.index_cast %parallel_loop3A_762 : i32 to index
        %parallel_loop3A_765 = arith.index_cast %parallel_loop3A_592 : i32 to index
        %parallel_loop3A_766 = arith.index_cast %parallel_loop3A_763 : i32 to index
        %parallel_loop3A_767 = arith.index_cast %parallel_loop3A_610 : i32 to index
        %parallel_loop3A_768 = tpu.vector_load %arg10[%parallel_loop3A_764, %parallel_loop3A_765, %parallel_loop3A_766, %parallel_loop3A_767] {strides = array<i32>} : memref<4x4x8x128xf32, #tpu.memory_space<vmem>>, vector<16xf32>,
        tpu.vector_store %arg10[%parallel_loop3A_764, %parallel_loop3A_765, %parallel_loop3A_766, %parallel_loop3A_767], %parallel_loop3A_761 {strides = array<i32>} : memref<4x4x8x128xf32, #tpu.memory_space<vmem>>, vector<16xf32>,
        %parallel_loop3A_769 = arith.constant 13 : i32
        %parallel_loop3A_770 = vector.broadcast %parallel_loop3A_769 : i32 to vector<16xi32>
        %parallel_loop3A_771 = tpu.vector_load_idx %arg8[%parallel_loop3A_625, %parallel_loop3A_624, %parallel_loop3A_770] : memref<4x128x32xf32, #tpu.memory_space<vmem>>[vector<16xi32>, vector<16xi32>, vector<16xi32>], vector<16xf32>,
        %parallel_loop3A_772 = arith.mulf %parallel_loop3A_771, %parallel_loop3A_621 : vector<16xf32>
        %parallel_loop3A_773 = arith.constant 1 : i32
        %parallel_loop3A_774 = arith.constant 5 : i32
        %parallel_loop3A_775 = arith.index_cast %parallel_loop3A_773 : i32 to index
        %parallel_loop3A_776 = arith.index_cast %parallel_loop3A_592 : i32 to index
        %parallel_loop3A_777 = arith.index_cast %parallel_loop3A_774 : i32 to index
        %parallel_loop3A_778 = arith.index_cast %parallel_loop3A_610 : i32 to index
        %parallel_loop3A_779 = tpu.vector_load %arg10[%parallel_loop3A_775, %parallel_loop3A_776, %parallel_loop3A_777, %parallel_loop3A_778] {strides = array<i32>} : memref<4x4x8x128xf32, #tpu.memory_space<vmem>>, vector<16xf32>,
        tpu.vector_store %arg10[%parallel_loop3A_775, %parallel_loop3A_776, %parallel_loop3A_777, %parallel_loop3A_778], %parallel_loop3A_772 {strides = array<i32>} : memref<4x4x8x128xf32, #tpu.memory_space<vmem>>, vector<16xf32>,
        %parallel_loop3A_780 = arith.constant 14 : i32
        %parallel_loop3A_781 = vector.broadcast %parallel_loop3A_780 : i32 to vector<16xi32>
        %parallel_loop3A_782 = tpu.vector_load_idx %arg8[%parallel_loop3A_625, %parallel_loop3A_624, %parallel_loop3A_781] : memref<4x128x32xf32, #tpu.memory_space<vmem>>[vector<16xi32>, vector<16xi32>, vector<16xi32>], vector<16xf32>,
        %parallel_loop3A_783 = arith.mulf %parallel_loop3A_782, %parallel_loop3A_621 : vector<16xf32>
        %parallel_loop3A_784 = arith.constant 1 : i32
        %parallel_loop3A_785 = arith.constant 6 : i32
        %parallel_loop3A_786 = arith.index_cast %parallel_loop3A_784 : i32 to index
        %parallel_loop3A_787 = arith.index_cast %parallel_loop3A_592 : i32 to index
        %parallel_loop3A_788 = arith.index_cast %parallel_loop3A_785 : i32 to index
        %parallel_loop3A_789 = arith.index_cast %parallel_loop3A_610 : i32 to index
        %parallel_loop3A_790 = tpu.vector_load %arg10[%parallel_loop3A_786, %parallel_loop3A_787, %parallel_loop3A_788, %parallel_loop3A_789] {strides = array<i32>} : memref<4x4x8x128xf32, #tpu.memory_space<vmem>>, vector<16xf32>,
        tpu.vector_store %arg10[%parallel_loop3A_786, %parallel_loop3A_787, %parallel_loop3A_788, %parallel_loop3A_789], %parallel_loop3A_783 {strides = array<i32>} : memref<4x4x8x128xf32, #tpu.memory_space<vmem>>, vector<16xf32>,
        %parallel_loop3A_791 = arith.constant 15 : i32
        %parallel_loop3A_792 = vector.broadcast %parallel_loop3A_791 : i32 to vector<16xi32>
        %parallel_loop3A_793 = tpu.vector_load_idx %arg8[%parallel_loop3A_625, %parallel_loop3A_624, %parallel_loop3A_792] : memref<4x128x32xf32, #tpu.memory_space<vmem>>[vector<16xi32>, vector<16xi32>, vector<16xi32>], vector<16xf32>,
        %parallel_loop3A_794 = arith.mulf %parallel_loop3A_793, %parallel_loop3A_621 : vector<16xf32>
        %parallel_loop3A_795 = arith.constant 1 : i32
        %parallel_loop3A_796 = arith.constant 7 : i32
        %parallel_loop3A_797 = arith.index_cast %parallel_loop3A_795 : i32 to index
        %parallel_loop3A_798 = arith.index_cast %parallel_loop3A_592 : i32 to index
        %parallel_loop3A_799 = arith.index_cast %parallel_loop3A_796 : i32 to index
        %parallel_loop3A_800 = arith.index_cast %parallel_loop3A_610 : i32 to index
        %parallel_loop3A_801 = tpu.vector_load %arg10[%parallel_loop3A_797, %parallel_loop3A_798, %parallel_loop3A_799, %parallel_loop3A_800] {strides = array<i32>} : memref<4x4x8x128xf32, #tpu.memory_space<vmem>>, vector<16xf32>,
        tpu.vector_store %arg10[%parallel_loop3A_797, %parallel_loop3A_798, %parallel_loop3A_799, %parallel_loop3A_800], %parallel_loop3A_794 {strides = array<i32>} : memref<4x4x8x128xf32, #tpu.memory_space<vmem>>, vector<16xf32>,
        %parallel_loop3A_802 = arith.constant 16 : i32
        %parallel_loop3A_803 = vector.broadcast %parallel_loop3A_802 : i32 to vector<16xi32>
        %parallel_loop3A_804 = tpu.vector_load_idx %arg8[%parallel_loop3A_625, %parallel_loop3A_624, %parallel_loop3A_803] : memref<4x128x32xf32, #tpu.memory_space<vmem>>[vector<16xi32>, vector<16xi32>, vector<16xi32>], vector<16xf32>,
        %parallel_loop3A_805 = arith.mulf %parallel_loop3A_804, %parallel_loop3A_621 : vector<16xf32>
        %parallel_loop3A_806 = arith.constant 2 : i32
        %parallel_loop3A_807 = arith.constant 0 : i32
        %parallel_loop3A_808 = arith.index_cast %parallel_loop3A_806 : i32 to index
        %parallel_loop3A_809 = arith.index_cast %parallel_loop3A_592 : i32 to index
        %parallel_loop3A_810 = arith.index_cast %parallel_loop3A_807 : i32 to index
        %parallel_loop3A_811 = arith.index_cast %parallel_loop3A_610 : i32 to index
        %parallel_loop3A_812 = tpu.vector_load %arg10[%parallel_loop3A_808, %parallel_loop3A_809, %parallel_loop3A_810, %parallel_loop3A_811] {strides = array<i32>} : memref<4x4x8x128xf32, #tpu.memory_space<vmem>>, vector<16xf32>,
        tpu.vector_store %arg10[%parallel_loop3A_808, %parallel_loop3A_809, %parallel_loop3A_810, %parallel_loop3A_811], %parallel_loop3A_805 {strides = array<i32>} : memref<4x4x8x128xf32, #tpu.memory_space<vmem>>, vector<16xf32>,
        %parallel_loop3A_813 = arith.constant 17 : i32
        %parallel_loop3A_814 = vector.broadcast %parallel_loop3A_813 : i32 to vector<16xi32>
        %parallel_loop3A_815 = tpu.vector_load_idx %arg8[%parallel_loop3A_625, %parallel_loop3A_624, %parallel_loop3A_814] : memref<4x128x32xf32, #tpu.memory_space<vmem>>[vector<16xi32>, vector<16xi32>, vector<16xi32>], vector<16xf32>,
        %parallel_loop3A_816 = arith.mulf %parallel_loop3A_815, %parallel_loop3A_621 : vector<16xf32>
        %parallel_loop3A_817 = arith.constant 2 : i32
        %parallel_loop3A_818 = arith.constant 1 : i32
        %parallel_loop3A_819 = arith.index_cast %parallel_loop3A_817 : i32 to index
        %parallel_loop3A_820 = arith.index_cast %parallel_loop3A_592 : i32 to index
        %parallel_loop3A_821 = arith.index_cast %parallel_loop3A_818 : i32 to index
        %parallel_loop3A_822 = arith.index_cast %parallel_loop3A_610 : i32 to index
        %parallel_loop3A_823 = tpu.vector_load %arg10[%parallel_loop3A_819, %parallel_loop3A_820, %parallel_loop3A_821, %parallel_loop3A_822] {strides = array<i32>} : memref<4x4x8x128xf32, #tpu.memory_space<vmem>>, vector<16xf32>,
        tpu.vector_store %arg10[%parallel_loop3A_819, %parallel_loop3A_820, %parallel_loop3A_821, %parallel_loop3A_822], %parallel_loop3A_816 {strides = array<i32>} : memref<4x4x8x128xf32, #tpu.memory_space<vmem>>, vector<16xf32>,
        %parallel_loop3A_824 = arith.constant 18 : i32
        %parallel_loop3A_825 = vector.broadcast %parallel_loop3A_824 : i32 to vector<16xi32>
        %parallel_loop3A_826 = tpu.vector_load_idx %arg8[%parallel_loop3A_625, %parallel_loop3A_624, %parallel_loop3A_825] : memref<4x128x32xf32, #tpu.memory_space<vmem>>[vector<16xi32>, vector<16xi32>, vector<16xi32>], vector<16xf32>,
        %parallel_loop3A_827 = arith.mulf %parallel_loop3A_826, %parallel_loop3A_621 : vector<16xf32>
        %parallel_loop3A_828 = arith.constant 2 : i32
        %parallel_loop3A_829 = arith.constant 2 : i32
        %parallel_loop3A_830 = arith.index_cast %parallel_loop3A_828 : i32 to index
        %parallel_loop3A_831 = arith.index_cast %parallel_loop3A_592 : i32 to index
        %parallel_loop3A_832 = arith.index_cast %parallel_loop3A_829 : i32 to index
        %parallel_loop3A_833 = arith.index_cast %parallel_loop3A_610 : i32 to index
        %parallel_loop3A_834 = tpu.vector_load %arg10[%parallel_loop3A_830, %parallel_loop3A_831, %parallel_loop3A_832, %parallel_loop3A_833] {strides = array<i32>} : memref<4x4x8x128xf32, #tpu.memory_space<vmem>>, vector<16xf32>,
        tpu.vector_store %arg10[%parallel_loop3A_830, %parallel_loop3A_831, %parallel_loop3A_832, %parallel_loop3A_833], %parallel_loop3A_827 {strides = array<i32>} : memref<4x4x8x128xf32, #tpu.memory_space<vmem>>, vector<16xf32>,
        %parallel_loop3A_835 = arith.constant 19 : i32
        %parallel_loop3A_836 = vector.broadcast %parallel_loop3A_835 : i32 to vector<16xi32>
        %parallel_loop3A_837 = tpu.vector_load_idx %arg8[%parallel_loop3A_625, %parallel_loop3A_624, %parallel_loop3A_836] : memref<4x128x32xf32, #tpu.memory_space<vmem>>[vector<16xi32>, vector<16xi32>, vector<16xi32>], vector<16xf32>,
        %parallel_loop3A_838 = arith.mulf %parallel_loop3A_837, %parallel_loop3A_621 : vector<16xf32>
        %parallel_loop3A_839 = arith.constant 2 : i32
        %parallel_loop3A_840 = arith.constant 3 : i32
        %parallel_loop3A_841 = arith.index_cast %parallel_loop3A_839 : i32 to index
        %parallel_loop3A_842 = arith.index_cast %parallel_loop3A_592 : i32 to index
        %parallel_loop3A_843 = arith.index_cast %parallel_loop3A_840 : i32 to index
        %parallel_loop3A_844 = arith.index_cast %parallel_loop3A_610 : i32 to index
        %parallel_loop3A_845 = tpu.vector_load %arg10[%parallel_loop3A_841, %parallel_loop3A_842, %parallel_loop3A_843, %parallel_loop3A_844] {strides = array<i32>} : memref<4x4x8x128xf32, #tpu.memory_space<vmem>>, vector<16xf32>,
        tpu.vector_store %arg10[%parallel_loop3A_841, %parallel_loop3A_842, %parallel_loop3A_843, %parallel_loop3A_844], %parallel_loop3A_838 {strides = array<i32>} : memref<4x4x8x128xf32, #tpu.memory_space<vmem>>, vector<16xf32>,
        %parallel_loop3A_846 = arith.constant 20 : i32
        %parallel_loop3A_847 = vector.broadcast %parallel_loop3A_846 : i32 to vector<16xi32>
        %parallel_loop3A_848 = tpu.vector_load_idx %arg8[%parallel_loop3A_625, %parallel_loop3A_624, %parallel_loop3A_847] : memref<4x128x32xf32, #tpu.memory_space<vmem>>[vector<16xi32>, vector<16xi32>, vector<16xi32>], vector<16xf32>,
        %parallel_loop3A_849 = arith.mulf %parallel_loop3A_848, %parallel_loop3A_621 : vector<16xf32>
        %parallel_loop3A_850 = arith.constant 2 : i32
        %parallel_loop3A_851 = arith.constant 4 : i32
        %parallel_loop3A_852 = arith.index_cast %parallel_loop3A_850 : i32 to index
        %parallel_loop3A_853 = arith.index_cast %parallel_loop3A_592 : i32 to index
        %parallel_loop3A_854 = arith.index_cast %parallel_loop3A_851 : i32 to index
        %parallel_loop3A_855 = arith.index_cast %parallel_loop3A_610 : i32 to index
        %parallel_loop3A_856 = tpu.vector_load %arg10[%parallel_loop3A_852, %parallel_loop3A_853, %parallel_loop3A_854, %parallel_loop3A_855] {strides = array<i32>} : memref<4x4x8x128xf32, #tpu.memory_space<vmem>>, vector<16xf32>,
        tpu.vector_store %arg10[%parallel_loop3A_852, %parallel_loop3A_853, %parallel_loop3A_854, %parallel_loop3A_855], %parallel_loop3A_849 {strides = array<i32>} : memref<4x4x8x128xf32, #tpu.memory_space<vmem>>, vector<16xf32>,
        %parallel_loop3A_857 = arith.constant 21 : i32
        %parallel_loop3A_858 = vector.broadcast %parallel_loop3A_857 : i32 to vector<16xi32>
        %parallel_loop3A_859 = tpu.vector_load_idx %arg8[%parallel_loop3A_625, %parallel_loop3A_624, %parallel_loop3A_858] : memref<4x128x32xf32, #tpu.memory_space<vmem>>[vector<16xi32>, vector<16xi32>, vector<16xi32>], vector<16xf32>,
        %parallel_loop3A_860 = arith.mulf %parallel_loop3A_859, %parallel_loop3A_621 : vector<16xf32>
        %parallel_loop3A_861 = arith.constant 2 : i32
        %parallel_loop3A_862 = arith.constant 5 : i32
        %parallel_loop3A_863 = arith.index_cast %parallel_loop3A_861 : i32 to index
        %parallel_loop3A_864 = arith.index_cast %parallel_loop3A_592 : i32 to index
        %parallel_loop3A_865 = arith.index_cast %parallel_loop3A_862 : i32 to index
        %parallel_loop3A_866 = arith.index_cast %parallel_loop3A_610 : i32 to index
        %parallel_loop3A_867 = tpu.vector_load %arg10[%parallel_loop3A_863, %parallel_loop3A_864, %parallel_loop3A_865, %parallel_loop3A_866] {strides = array<i32>} : memref<4x4x8x128xf32, #tpu.memory_space<vmem>>, vector<16xf32>,
        tpu.vector_store %arg10[%parallel_loop3A_863, %parallel_loop3A_864, %parallel_loop3A_865, %parallel_loop3A_866], %parallel_loop3A_860 {strides = array<i32>} : memref<4x4x8x128xf32, #tpu.memory_space<vmem>>, vector<16xf32>,
        %parallel_loop3A_868 = arith.constant 22 : i32
        %parallel_loop3A_869 = vector.broadcast %parallel_loop3A_868 : i32 to vector<16xi32>
        %parallel_loop3A_870 = tpu.vector_load_idx %arg8[%parallel_loop3A_625, %parallel_loop3A_624, %parallel_loop3A_869] : memref<4x128x32xf32, #tpu.memory_space<vmem>>[vector<16xi32>, vector<16xi32>, vector<16xi32>], vector<16xf32>,
        %parallel_loop3A_871 = arith.mulf %parallel_loop3A_870, %parallel_loop3A_621 : vector<16xf32>
        %parallel_loop3A_872 = arith.constant 2 : i32
        %parallel_loop3A_873 = arith.constant 6 : i32
        %parallel_loop3A_874 = arith.index_cast %parallel_loop3A_872 : i32 to index
        %parallel_loop3A_875 = arith.index_cast %parallel_loop3A_592 : i32 to index
        %parallel_loop3A_876 = arith.index_cast %parallel_loop3A_873 : i32 to index
        %parallel_loop3A_877 = arith.index_cast %parallel_loop3A_610 : i32 to index
        %parallel_loop3A_878 = tpu.vector_load %arg10[%parallel_loop3A_874, %parallel_loop3A_875, %parallel_loop3A_876, %parallel_loop3A_877] {strides = array<i32>} : memref<4x4x8x128xf32, #tpu.memory_space<vmem>>, vector<16xf32>,
        tpu.vector_store %arg10[%parallel_loop3A_874, %parallel_loop3A_875, %parallel_loop3A_876, %parallel_loop3A_877], %parallel_loop3A_871 {strides = array<i32>} : memref<4x4x8x128xf32, #tpu.memory_space<vmem>>, vector<16xf32>,
        %parallel_loop3A_879 = arith.constant 23 : i32
        %parallel_loop3A_880 = vector.broadcast %parallel_loop3A_879 : i32 to vector<16xi32>
        %parallel_loop3A_881 = tpu.vector_load_idx %arg8[%parallel_loop3A_625, %parallel_loop3A_624, %parallel_loop3A_880] : memref<4x128x32xf32, #tpu.memory_space<vmem>>[vector<16xi32>, vector<16xi32>, vector<16xi32>], vector<16xf32>,
        %parallel_loop3A_882 = arith.mulf %parallel_loop3A_881, %parallel_loop3A_621 : vector<16xf32>
        %parallel_loop3A_883 = arith.constant 2 : i32
        %parallel_loop3A_884 = arith.constant 7 : i32
        %parallel_loop3A_885 = arith.index_cast %parallel_loop3A_883 : i32 to index
        %parallel_loop3A_886 = arith.index_cast %parallel_loop3A_592 : i32 to index
        %parallel_loop3A_887 = arith.index_cast %parallel_loop3A_884 : i32 to index
        %parallel_loop3A_888 = arith.index_cast %parallel_loop3A_610 : i32 to index
        %parallel_loop3A_889 = tpu.vector_load %arg10[%parallel_loop3A_885, %parallel_loop3A_886, %parallel_loop3A_887, %parallel_loop3A_888] {strides = array<i32>} : memref<4x4x8x128xf32, #tpu.memory_space<vmem>>, vector<16xf32>,
        tpu.vector_store %arg10[%parallel_loop3A_885, %parallel_loop3A_886, %parallel_loop3A_887, %parallel_loop3A_888], %parallel_loop3A_882 {strides = array<i32>} : memref<4x4x8x128xf32, #tpu.memory_space<vmem>>, vector<16xf32>,
        %parallel_loop3A_890 = arith.constant 24 : i32
        %parallel_loop3A_891 = vector.broadcast %parallel_loop3A_890 : i32 to vector<16xi32>
        %parallel_loop3A_892 = tpu.vector_load_idx %arg8[%parallel_loop3A_625, %parallel_loop3A_624, %parallel_loop3A_891] : memref<4x128x32xf32, #tpu.memory_space<vmem>>[vector<16xi32>, vector<16xi32>, vector<16xi32>], vector<16xf32>,
        %parallel_loop3A_893 = arith.mulf %parallel_loop3A_892, %parallel_loop3A_621 : vector<16xf32>
        %parallel_loop3A_894 = arith.constant 3 : i32
        %parallel_loop3A_895 = arith.constant 0 : i32
        %parallel_loop3A_896 = arith.index_cast %parallel_loop3A_894 : i32 to index
        %parallel_loop3A_897 = arith.index_cast %parallel_loop3A_592 : i32 to index
        %parallel_loop3A_898 = arith.index_cast %parallel_loop3A_895 : i32 to index
        %parallel_loop3A_899 = arith.index_cast %parallel_loop3A_610 : i32 to index
        %parallel_loop3A_900 = tpu.vector_load %arg10[%parallel_loop3A_896, %parallel_loop3A_897, %parallel_loop3A_898, %parallel_loop3A_899] {strides = array<i32>} : memref<4x4x8x128xf32, #tpu.memory_space<vmem>>, vector<16xf32>,
        tpu.vector_store %arg10[%parallel_loop3A_896, %parallel_loop3A_897, %parallel_loop3A_898, %parallel_loop3A_899], %parallel_loop3A_893 {strides = array<i32>} : memref<4x4x8x128xf32, #tpu.memory_space<vmem>>, vector<16xf32>,
        %parallel_loop3A_901 = arith.constant 25 : i32
        %parallel_loop3A_902 = vector.broadcast %parallel_loop3A_901 : i32 to vector<16xi32>
        %parallel_loop3A_903 = tpu.vector_load_idx %arg8[%parallel_loop3A_625, %parallel_loop3A_624, %parallel_loop3A_902] : memref<4x128x32xf32, #tpu.memory_space<vmem>>[vector<16xi32>, vector<16xi32>, vector<16xi32>], vector<16xf32>,
        %parallel_loop3A_904 = arith.mulf %parallel_loop3A_903, %parallel_loop3A_621 : vector<16xf32>
        %parallel_loop3A_905 = arith.constant 3 : i32
        %parallel_loop3A_906 = arith.constant 1 : i32
        %parallel_loop3A_907 = arith.index_cast %parallel_loop3A_905 : i32 to index
        %parallel_loop3A_908 = arith.index_cast %parallel_loop3A_592 : i32 to index
        %parallel_loop3A_909 = arith.index_cast %parallel_loop3A_906 : i32 to index
        %parallel_loop3A_910 = arith.index_cast %parallel_loop3A_610 : i32 to index
        %parallel_loop3A_911 = tpu.vector_load %arg10[%parallel_loop3A_907, %parallel_loop3A_908, %parallel_loop3A_909, %parallel_loop3A_910] {strides = array<i32>} : memref<4x4x8x128xf32, #tpu.memory_space<vmem>>, vector<16xf32>,
        tpu.vector_store %arg10[%parallel_loop3A_907, %parallel_loop3A_908, %parallel_loop3A_909, %parallel_loop3A_910], %parallel_loop3A_904 {strides = array<i32>} : memref<4x4x8x128xf32, #tpu.memory_space<vmem>>, vector<16xf32>,
        %parallel_loop3A_912 = arith.constant 26 : i32
        %parallel_loop3A_913 = vector.broadcast %parallel_loop3A_912 : i32 to vector<16xi32>
        %parallel_loop3A_914 = tpu.vector_load_idx %arg8[%parallel_loop3A_625, %parallel_loop3A_624, %parallel_loop3A_913] : memref<4x128x32xf32, #tpu.memory_space<vmem>>[vector<16xi32>, vector<16xi32>, vector<16xi32>], vector<16xf32>,
        %parallel_loop3A_915 = arith.mulf %parallel_loop3A_914, %parallel_loop3A_621 : vector<16xf32>
        %parallel_loop3A_916 = arith.constant 3 : i32
        %parallel_loop3A_917 = arith.constant 2 : i32
        %parallel_loop3A_918 = arith.index_cast %parallel_loop3A_916 : i32 to index
        %parallel_loop3A_919 = arith.index_cast %parallel_loop3A_592 : i32 to index
        %parallel_loop3A_920 = arith.index_cast %parallel_loop3A_917 : i32 to index
        %parallel_loop3A_921 = arith.index_cast %parallel_loop3A_610 : i32 to index
        %parallel_loop3A_922 = tpu.vector_load %arg10[%parallel_loop3A_918, %parallel_loop3A_919, %parallel_loop3A_920, %parallel_loop3A_921] {strides = array<i32>} : memref<4x4x8x128xf32, #tpu.memory_space<vmem>>, vector<16xf32>,
        tpu.vector_store %arg10[%parallel_loop3A_918, %parallel_loop3A_919, %parallel_loop3A_920, %parallel_loop3A_921], %parallel_loop3A_915 {strides = array<i32>} : memref<4x4x8x128xf32, #tpu.memory_space<vmem>>, vector<16xf32>,
        %parallel_loop3A_923 = arith.constant 27 : i32
        %parallel_loop3A_924 = vector.broadcast %parallel_loop3A_923 : i32 to vector<16xi32>
        %parallel_loop3A_925 = tpu.vector_load_idx %arg8[%parallel_loop3A_625, %parallel_loop3A_624, %parallel_loop3A_924] : memref<4x128x32xf32, #tpu.memory_space<vmem>>[vector<16xi32>, vector<16xi32>, vector<16xi32>], vector<16xf32>,
        %parallel_loop3A_926 = arith.mulf %parallel_loop3A_925, %parallel_loop3A_621 : vector<16xf32>
        %parallel_loop3A_927 = arith.constant 3 : i32
        %parallel_loop3A_928 = arith.constant 3 : i32
        %parallel_loop3A_929 = arith.index_cast %parallel_loop3A_927 : i32 to index
        %parallel_loop3A_930 = arith.index_cast %parallel_loop3A_592 : i32 to index
        %parallel_loop3A_931 = arith.index_cast %parallel_loop3A_928 : i32 to index
        %parallel_loop3A_932 = arith.index_cast %parallel_loop3A_610 : i32 to index
        %parallel_loop3A_933 = tpu.vector_load %arg10[%parallel_loop3A_929, %parallel_loop3A_930, %parallel_loop3A_931, %parallel_loop3A_932] {strides = array<i32>} : memref<4x4x8x128xf32, #tpu.memory_space<vmem>>, vector<16xf32>,
        tpu.vector_store %arg10[%parallel_loop3A_929, %parallel_loop3A_930, %parallel_loop3A_931, %parallel_loop3A_932], %parallel_loop3A_926 {strides = array<i32>} : memref<4x4x8x128xf32, #tpu.memory_space<vmem>>, vector<16xf32>,
        %parallel_loop3A_934 = arith.constant 28 : i32
        %parallel_loop3A_935 = vector.broadcast %parallel_loop3A_934 : i32 to vector<16xi32>
        %parallel_loop3A_936 = tpu.vector_load_idx %arg8[%parallel_loop3A_625, %parallel_loop3A_624, %parallel_loop3A_935] : memref<4x128x32xf32, #tpu.memory_space<vmem>>[vector<16xi32>, vector<16xi32>, vector<16xi32>], vector<16xf32>,
        %parallel_loop3A_937 = arith.mulf %parallel_loop3A_936, %parallel_loop3A_621 : vector<16xf32>
        %parallel_loop3A_938 = arith.constant 3 : i32
        %parallel_loop3A_939 = arith.constant 4 : i32
        %parallel_loop3A_940 = arith.index_cast %parallel_loop3A_938 : i32 to index
        %parallel_loop3A_941 = arith.index_cast %parallel_loop3A_592 : i32 to index
        %parallel_loop3A_942 = arith.index_cast %parallel_loop3A_939 : i32 to index
        %parallel_loop3A_943 = arith.index_cast %parallel_loop3A_610 : i32 to index
        %parallel_loop3A_944 = tpu.vector_load %arg10[%parallel_loop3A_940, %parallel_loop3A_941, %parallel_loop3A_942, %parallel_loop3A_943] {strides = array<i32>} : memref<4x4x8x128xf32, #tpu.memory_space<vmem>>, vector<16xf32>,
        tpu.vector_store %arg10[%parallel_loop3A_940, %parallel_loop3A_941, %parallel_loop3A_942, %parallel_loop3A_943], %parallel_loop3A_937 {strides = array<i32>} : memref<4x4x8x128xf32, #tpu.memory_space<vmem>>, vector<16xf32>,
        %parallel_loop3A_945 = arith.constant 29 : i32
        %parallel_loop3A_946 = vector.broadcast %parallel_loop3A_945 : i32 to vector<16xi32>
        %parallel_loop3A_947 = tpu.vector_load_idx %arg8[%parallel_loop3A_625, %parallel_loop3A_624, %parallel_loop3A_946] : memref<4x128x32xf32, #tpu.memory_space<vmem>>[vector<16xi32>, vector<16xi32>, vector<16xi32>], vector<16xf32>,
        %parallel_loop3A_948 = arith.mulf %parallel_loop3A_947, %parallel_loop3A_621 : vector<16xf32>
        %parallel_loop3A_949 = arith.constant 3 : i32
        %parallel_loop3A_950 = arith.constant 5 : i32
        %parallel_loop3A_951 = arith.index_cast %parallel_loop3A_949 : i32 to index
        %parallel_loop3A_952 = arith.index_cast %parallel_loop3A_592 : i32 to index
        %parallel_loop3A_953 = arith.index_cast %parallel_loop3A_950 : i32 to index
        %parallel_loop3A_954 = arith.index_cast %parallel_loop3A_610 : i32 to index
        %parallel_loop3A_955 = tpu.vector_load %arg10[%parallel_loop3A_951, %parallel_loop3A_952, %parallel_loop3A_953, %parallel_loop3A_954] {strides = array<i32>} : memref<4x4x8x128xf32, #tpu.memory_space<vmem>>, vector<16xf32>,
        tpu.vector_store %arg10[%parallel_loop3A_951, %parallel_loop3A_952, %parallel_loop3A_953, %parallel_loop3A_954], %parallel_loop3A_948 {strides = array<i32>} : memref<4x4x8x128xf32, #tpu.memory_space<vmem>>, vector<16xf32>,
        %parallel_loop3A_956 = arith.constant 30 : i32
        %parallel_loop3A_957 = vector.broadcast %parallel_loop3A_956 : i32 to vector<16xi32>
        %parallel_loop3A_958 = tpu.vector_load_idx %arg8[%parallel_loop3A_625, %parallel_loop3A_624, %parallel_loop3A_957] : memref<4x128x32xf32, #tpu.memory_space<vmem>>[vector<16xi32>, vector<16xi32>, vector<16xi32>], vector<16xf32>,
        %parallel_loop3A_959 = arith.mulf %parallel_loop3A_958, %parallel_loop3A_621 : vector<16xf32>
        %parallel_loop3A_960 = arith.constant 3 : i32
        %parallel_loop3A_961 = arith.constant 6 : i32
        %parallel_loop3A_962 = arith.index_cast %parallel_loop3A_960 : i32 to index
        %parallel_loop3A_963 = arith.index_cast %parallel_loop3A_592 : i32 to index
        %parallel_loop3A_964 = arith.index_cast %parallel_loop3A_961 : i32 to index
        %parallel_loop3A_965 = arith.index_cast %parallel_loop3A_610 : i32 to index
        %parallel_loop3A_966 = tpu.vector_load %arg10[%parallel_loop3A_962, %parallel_loop3A_963, %parallel_loop3A_964, %parallel_loop3A_965] {strides = array<i32>} : memref<4x4x8x128xf32, #tpu.memory_space<vmem>>, vector<16xf32>,
        tpu.vector_store %arg10[%parallel_loop3A_962, %parallel_loop3A_963, %parallel_loop3A_964, %parallel_loop3A_965], %parallel_loop3A_959 {strides = array<i32>} : memref<4x4x8x128xf32, #tpu.memory_space<vmem>>, vector<16xf32>,
        %parallel_loop3A_967 = arith.constant 31 : i32
        %parallel_loop3A_968 = vector.broadcast %parallel_loop3A_967 : i32 to vector<16xi32>
        %parallel_loop3A_969 = tpu.vector_load_idx %arg8[%parallel_loop3A_625, %parallel_loop3A_624, %parallel_loop3A_968] : memref<4x128x32xf32, #tpu.memory_space<vmem>>[vector<16xi32>, vector<16xi32>, vector<16xi32>], vector<16xf32>,
        %parallel_loop3A_970 = arith.mulf %parallel_loop3A_969, %parallel_loop3A_621 : vector<16xf32>
        %parallel_loop3A_971 = arith.constant 3 : i32
        %parallel_loop3A_972 = arith.constant 7 : i32
        %parallel_loop3A_973 = arith.index_cast %parallel_loop3A_971 : i32 to index
        %parallel_loop3A_974 = arith.index_cast %parallel_loop3A_592 : i32 to index
        %parallel_loop3A_975 = arith.index_cast %parallel_loop3A_972 : i32 to index
        %parallel_loop3A_976 = arith.index_cast %parallel_loop3A_610 : i32 to index
        %parallel_loop3A_977 = tpu.vector_load %arg10[%parallel_loop3A_973, %parallel_loop3A_974, %parallel_loop3A_975, %parallel_loop3A_976] {strides = array<i32>} : memref<4x4x8x128xf32, #tpu.memory_space<vmem>>, vector<16xf32>,
        tpu.vector_store %arg10[%parallel_loop3A_973, %parallel_loop3A_974, %parallel_loop3A_975, %parallel_loop3A_976], %parallel_loop3A_970 {strides = array<i32>} : memref<4x4x8x128xf32, #tpu.memory_space<vmem>>, vector<16xf32>,
      } {sc.loop_unroll_factor = 2 : i64, sc.parallel_access}
      %add3A_506 = arith.constant 2 : i32
      %add3A_507 = arith.addi %add3A_435, %add3A_506 : i32
      %lt3A_508 = arith.constant 50 : i32
      %lt3A_509 = arith.cmpi slt, %add3A_507, %lt3A_508 : i32
      %convert_element_type3A_510 = arith.extui %lt3A_509 : i1 to i32
      %cond3A_511 = arith.constant 0 : i32
      %cond3A_512 = arith.cmpi ne, %convert_element_type3A_510, %cond3A_511 : i32
      scf.if %cond3A_512 {
        %add3A_568 = arith.constant 2 : i32
        %add3A_569 = arith.addi %add3A_435, %add3A_568 : i32
        %mul3A_570 = arith.constant 32 : i32
        %mul3A_571 = arith.muli %mul3A_570, %add3A_569 : i32
        %add3A_572 = arith.addi %add3A, %mul3A_571 : i32
        %jit3A_573 = arith.constant 8 : i32
        %div3A_574 = arith.divsi %add3A_572, %jit3A_573 : i32
        %sign3A_575 = arith.constant 0 : i32
        %sign3A_576 = arith.cmpi sgt, %add3A_572, %sign3A_575 : i32
        %sign3A_577 = arith.extui %sign3A_576 : i1 to i32
        %sign3A_578 = arith.constant 0 : i32
        %sign3A_579 = arith.cmpi slt, %add3A_572, %sign3A_578 : i32
        %sign3A_580 = arith.extui %sign3A_579 : i1 to i32
        %sign3A_581 = arith.subi %sign3A_577, %sign3A_580 : i32
        %sign3A_582 = arith.constant 0 : i32
        %sign3A_583 = arith.cmpi sgt, %jit3A_573, %sign3A_582 : i32
        %sign3A_584 = arith.extui %sign3A_583 : i1 to i32
        %sign3A_585 = arith.constant 0 : i32
        %sign3A_586 = arith.cmpi slt, %jit3A_573, %sign3A_585 : i32
        %sign3A_587 = arith.extui %sign3A_586 : i1 to i32
        %sign3A_588 = arith.subi %sign3A_584, %sign3A_587 : i32
        %ne3A_589 = arith.cmpi ne, %sign3A_581, %sign3A_588 : i32
        %rem3A_590 = arith.remsi %add3A_572, %jit3A_573 : i32
        %ne3A_591 = arith.constant 0 : i32
        %ne3A_592 = arith.cmpi ne, %rem3A_590, %ne3A_591 : i32
        %and3A_593 = arith.andi %ne3A_589, %ne3A_592 : i1
        %sub3A_594 = arith.constant 1 : i32
        %sub3A_595 = arith.subi %div3A_574, %sub3A_594 : i32
        %select_n3A_596 = arith.select %and3A_593, %sub3A_595, %div3A_574 : i32
        %jit3A_597 = arith.constant 8 : i32
        %eq3A_598 = arith.constant 0 : i32
        %eq3A_599 = arith.cmpi eq, %jit3A_597, %eq3A_598 : i32
        %jit3A_600 = arith.constant 1 : i32
        %select_n3A_601 = arith.select %eq3A_599, %jit3A_600, %jit3A_597 : i32
        %rem3A_602 = arith.remsi %add3A_572, %select_n3A_601 : i32
        %ne3A_603 = arith.constant 0 : i32
        %ne3A_604 = arith.cmpi ne, %rem3A_602, %ne3A_603 : i32
        %lt3A_605 = arith.constant 0 : i32
        %lt3A_606 = arith.cmpi slt, %rem3A_602, %lt3A_605 : i32
        %lt3A_607 = arith.constant 0 : i32
        %lt3A_608 = arith.cmpi slt, %select_n3A_601, %lt3A_607 : i32
        %ne3A_609 = arith.xori %lt3A_606, %lt3A_608 : i1
        %and3A_610 = arith.andi %ne3A_609, %ne3A_604 : i1
        %add3A_611 = arith.addi %rem3A_602, %select_n3A_601 : i32
        %select_n3A_612 = arith.select %and3A_610, %add3A_611, %rem3A_602 : i32
        %mul3A_613 = arith.constant 4 : i32
        %mul3A_614 = arith.muli %select_n3A_612, %mul3A_613 : i32
        %dma_start3A_615 = arith.constant 0 : i32
        %dma_start3A_616 = tpu.memref_slice %arg2[%select_n3A_596, %mul3A_614, %dma_start3A_615] : memref<200x32x128xi32, #tpu.memory_space<hbm>> -> memref<1x4x128xi32, #tpu.memory_space<hbm>>
        %dma_start3A_617 = tpu.memref_squeeze %dma_start3A_616 : memref<1x4x128xi32, #tpu.memory_space<hbm>> -> memref<4x128xi32, #tpu.memory_space<hbm>>
        %dma_start3A_618 = arith.constant 0 : i32
        %dma_start3A_619 = tpu.memref_slice %arg2[%select_n3A_596, %mul3A_614, %dma_start3A_618] : memref<200x32x128xi32, #tpu.memory_space<hbm>> -> memref<1x4x128xi32, #tpu.memory_space<hbm>>
        %dma_start3A_620 = tpu.memref_squeeze %dma_start3A_619 : memref<1x4x128xi32, #tpu.memory_space<hbm>> -> memref<4x128xi32, #tpu.memory_space<hbm>>
        tpu.enqueue_dma source(%dma_start3A_620 : memref<4x128xi32, #tpu.memory_space<hbm>>) target(%arg6 : memref<4x128xi32, #tpu.memory_space<vmem>>) target_semaphore(%arg12 : memref<!tpu.dma_semaphore, #tpu.memory_space<semaphore_mem>>)
      } else {
      }
      %mul3A_513 = arith.constant 32 : i32
      %mul3A_514 = arith.muli %mul3A_513, %add3A_435 : i32
      %add3A_515 = arith.addi %add3A, %mul3A_514 : i32
      %jit3A_516 = arith.constant 8 : i32
      %div3A_517 = arith.divsi %add3A_515, %jit3A_516 : i32
      %sign3A_518 = arith.constant 0 : i32
      %sign3A_519 = arith.cmpi sgt, %add3A_515, %sign3A_518 : i32
      %sign3A_520 = arith.extui %sign3A_519 : i1 to i32
      %sign3A_521 = arith.constant 0 : i32
      %sign3A_522 = arith.cmpi slt, %add3A_515, %sign3A_521 : i32
      %sign3A_523 = arith.extui %sign3A_522 : i1 to i32
      %sign3A_524 = arith.subi %sign3A_520, %sign3A_523 : i32
      %sign3A_525 = arith.constant 0 : i32
      %sign3A_526 = arith.cmpi sgt, %jit3A_516, %sign3A_525 : i32
      %sign3A_527 = arith.extui %sign3A_526 : i1 to i32
      %sign3A_528 = arith.constant 0 : i32
      %sign3A_529 = arith.cmpi slt, %jit3A_516, %sign3A_528 : i32
      %sign3A_530 = arith.extui %sign3A_529 : i1 to i32
      %sign3A_531 = arith.subi %sign3A_527, %sign3A_530 : i32
      %ne3A_532 = arith.cmpi ne, %sign3A_524, %sign3A_531 : i32
      %rem3A_533 = arith.remsi %add3A_515, %jit3A_516 : i32
      %ne3A_534 = arith.constant 0 : i32
      %ne3A_535 = arith.cmpi ne, %rem3A_533, %ne3A_534 : i32
      %and3A_536 = arith.andi %ne3A_532, %ne3A_535 : i1
      %sub3A_537 = arith.constant 1 : i32
      %sub3A_538 = arith.subi %div3A_517, %sub3A_537 : i32
      %select_n3A_539 = arith.select %and3A_536, %sub3A_538, %div3A_517 : i32
      %jit3A_540 = arith.constant 8 : i32
      %eq3A_541 = arith.constant 0 : i32
      %eq3A_542 = arith.cmpi eq, %jit3A_540, %eq3A_541 : i32
      %jit3A_543 = arith.constant 1 : i32
      %select_n3A_544 = arith.select %eq3A_542, %jit3A_543, %jit3A_540 : i32
      %rem3A_545 = arith.remsi %add3A_515, %select_n3A_544 : i32
      %ne3A_546 = arith.constant 0 : i32
      %ne3A_547 = arith.cmpi ne, %rem3A_545, %ne3A_546 : i32
      %lt3A_548 = arith.constant 0 : i32
      %lt3A_549 = arith.cmpi slt, %rem3A_545, %lt3A_548 : i32
      %lt3A_550 = arith.constant 0 : i32
      %lt3A_551 = arith.cmpi slt, %select_n3A_544, %lt3A_550 : i32
      %ne3A_552 = arith.xori %lt3A_549, %lt3A_551 : i1
      %and3A_553 = arith.andi %ne3A_552, %ne3A_547 : i1
      %add3A_554 = arith.addi %rem3A_545, %select_n3A_544 : i32
      %select_n3A_555 = arith.select %and3A_553, %add3A_554, %rem3A_545 : i32
      %mul3A_556 = arith.constant 4 : i32
      %mul3A_557 = arith.muli %select_n3A_555, %mul3A_556 : i32
      %dma_start3A_558 = arith.constant 0 : i32
      %dma_start3A_559 = arith.constant 0 : i32
      %dma_start3A_560 = arith.constant 0 : i32
      %dma_start3A_561 = tpu.memref_slice %arg4[%select_n3A_539, %dma_start3A_558, %mul3A_557, %dma_start3A_559, %dma_start3A_560] : memref<200x4x32x8x128xf32, #tpu.memory_space<hbm>> -> memref<1x4x4x8x128xf32, #tpu.memory_space<hbm>>
      %dma_start3A_562 = tpu.memref_squeeze %dma_start3A_561 : memref<1x4x4x8x128xf32, #tpu.memory_space<hbm>> -> memref<4x4x8x128xf32, #tpu.memory_space<hbm>>
      %dma_start3A_563 = arith.constant 0 : i32
      %dma_start3A_564 = arith.constant 0 : i32
      %dma_start3A_565 = arith.constant 0 : i32
      %dma_start3A_566 = tpu.memref_slice %arg4[%select_n3A_539, %dma_start3A_563, %mul3A_557, %dma_start3A_564, %dma_start3A_565] : memref<200x4x32x8x128xf32, #tpu.memory_space<hbm>> -> memref<1x4x4x8x128xf32, #tpu.memory_space<hbm>>
      %dma_start3A_567 = tpu.memref_squeeze %dma_start3A_566 : memref<1x4x4x8x128xf32, #tpu.memory_space<hbm>> -> memref<4x4x8x128xf32, #tpu.memory_space<hbm>>
      tpu.enqueue_dma source(%arg10 : memref<4x4x8x128xf32, #tpu.memory_space<vmem>>) target(%dma_start3A_567 : memref<4x4x8x128xf32, #tpu.memory_space<hbm>>) target_semaphore(%arg16 : memref<!tpu.dma_semaphore, #tpu.memory_space<semaphore_mem>>)
    }
    %scan3A_191 = arith.constant 25 : i32
    %add3A_192 = arith.constant 1536 : i32
    %add3A_193 = arith.addi %add3A, %add3A_192 : i32
    %jit3A_194 = arith.constant 8 : i32
    %div3A_195 = arith.divsi %add3A_193, %jit3A_194 : i32
    %sign3A_196 = arith.constant 0 : i32
    %sign3A_197 = arith.cmpi sgt, %add3A_193, %sign3A_196 : i32
    %sign3A_198 = arith.extui %sign3A_197 : i1 to i32
    %sign3A_199 = arith.constant 0 : i32
    %sign3A_200 = arith.cmpi slt, %add3A_193, %sign3A_199 : i32
    %sign3A_201 = arith.extui %sign3A_200 : i1 to i32
    %sign3A_202 = arith.subi %sign3A_198, %sign3A_201 : i32
    %sign3A_203 = arith.constant 0 : i32
    %sign3A_204 = arith.cmpi sgt, %jit3A_194, %sign3A_203 : i32
    %sign3A_205 = arith.extui %sign3A_204 : i1 to i32
    %sign3A_206 = arith.constant 0 : i32
    %sign3A_207 = arith.cmpi slt, %jit3A_194, %sign3A_206 : i32
    %sign3A_208 = arith.extui %sign3A_207 : i1 to i32
    %sign3A_209 = arith.subi %sign3A_205, %sign3A_208 : i32
    %ne3A_210 = arith.cmpi ne, %sign3A_202, %sign3A_209 : i32
    %rem3A_211 = arith.remsi %add3A_193, %jit3A_194 : i32
    %ne3A_212 = arith.constant 0 : i32
    %ne3A_213 = arith.cmpi ne, %rem3A_211, %ne3A_212 : i32
    %and3A_214 = arith.andi %ne3A_210, %ne3A_213 : i1
    %sub3A_215 = arith.constant 1 : i32
    %sub3A_216 = arith.subi %div3A_195, %sub3A_215 : i32
    %select_n3A_217 = arith.select %and3A_214, %sub3A_216, %div3A_195 : i32
    %jit3A_218 = arith.constant 8 : i32
    %eq3A_219 = arith.constant 0 : i32
    %eq3A_220 = arith.cmpi eq, %jit3A_218, %eq3A_219 : i32
    %jit3A_221 = arith.constant 1 : i32
    %select_n3A_222 = arith.select %eq3A_220, %jit3A_221, %jit3A_218 : i32
    %rem3A_223 = arith.remsi %add3A_193, %select_n3A_222 : i32
    %ne3A_224 = arith.constant 0 : i32
    %ne3A_225 = arith.cmpi ne, %rem3A_223, %ne3A_224 : i32
    %lt3A_226 = arith.constant 0 : i32
    %lt3A_227 = arith.cmpi slt, %rem3A_223, %lt3A_226 : i32
    %lt3A_228 = arith.constant 0 : i32
    %lt3A_229 = arith.cmpi slt, %select_n3A_222, %lt3A_228 : i32
    %ne3A_230 = arith.xori %lt3A_227, %lt3A_229 : i1
    %and3A_231 = arith.andi %ne3A_230, %ne3A_225 : i1
    %add3A_232 = arith.addi %rem3A_223, %select_n3A_222 : i32
    %select_n3A_233 = arith.select %and3A_231, %add3A_232, %rem3A_223 : i32
    %mul3A_234 = arith.constant 4 : i32
    %mul3A_235 = arith.muli %select_n3A_233, %mul3A_234 : i32
    %dma_wait3A_236 = arith.constant 0 : i32
    %dma_wait3A_237 = arith.constant 0 : i32
    %dma_wait3A_238 = arith.constant 0 : i32
    %dma_wait3A_239 = tpu.memref_slice %arg4[%select_n3A_217, %dma_wait3A_236, %mul3A_235, %dma_wait3A_237, %dma_wait3A_238] : memref<200x4x32x8x128xf32, #tpu.memory_space<hbm>> -> memref<1x4x4x8x128xf32, #tpu.memory_space<hbm>>
    %dma_wait3A_240 = tpu.memref_squeeze %dma_wait3A_239 : memref<1x4x4x8x128xf32, #tpu.memory_space<hbm>> -> memref<4x4x8x128xf32, #tpu.memory_space<hbm>>
    %dma_wait3A_241 = arith.constant 0 : i32
    %dma_wait3A_242 = arith.constant 0 : i32
    %dma_wait3A_243 = arith.constant 0 : i32
    %dma_wait3A_244 = tpu.memref_slice %arg4[%select_n3A_217, %dma_wait3A_241, %mul3A_235, %dma_wait3A_242, %dma_wait3A_243] : memref<200x4x32x8x128xf32, #tpu.memory_space<hbm>> -> memref<1x4x4x8x128xf32, #tpu.memory_space<hbm>>
    %dma_wait3A_245 = tpu.memref_squeeze %dma_wait3A_244 : memref<1x4x4x8x128xf32, #tpu.memory_space<hbm>> -> memref<4x4x8x128xf32, #tpu.memory_space<hbm>>
    tpu.wait_dma2 semaphore(%arg15 : memref<!tpu.dma_semaphore, #tpu.memory_space<semaphore_mem>>) src(%arg9 : memref<4x4x8x128xf32, #tpu.memory_space<vmem>>) dst(%dma_wait3A_245 : memref<4x4x8x128xf32, #tpu.memory_space<hbm>>)
    %add3A_246 = arith.constant 1568 : i32
    %add3A_247 = arith.addi %add3A, %add3A_246 : i32
    %jit3A_248 = arith.constant 8 : i32
    %div3A_249 = arith.divsi %add3A_247, %jit3A_248 : i32
    %sign3A_250 = arith.constant 0 : i32
    %sign3A_251 = arith.cmpi sgt, %add3A_247, %sign3A_250 : i32
    %sign3A_252 = arith.extui %sign3A_251 : i1 to i32
    %sign3A_253 = arith.constant 0 : i32
    %sign3A_254 = arith.cmpi slt, %add3A_247, %sign3A_253 : i32
    %sign3A_255 = arith.extui %sign3A_254 : i1 to i32
    %sign3A_256 = arith.subi %sign3A_252, %sign3A_255 : i32
    %sign3A_257 = arith.constant 0 : i32
    %sign3A_258 = arith.cmpi sgt, %jit3A_248, %sign3A_257 : i32
    %sign3A_259 = arith.extui %sign3A_258 : i1 to i32
    %sign3A_260 = arith.constant 0 : i32
    %sign3A_261 = arith.cmpi slt, %jit3A_248, %sign3A_260 : i32
    %sign3A_262 = arith.extui %sign3A_261 : i1 to i32
    %sign3A_263 = arith.subi %sign3A_259, %sign3A_262 : i32
    %ne3A_264 = arith.cmpi ne, %sign3A_256, %sign3A_263 : i32
    %rem3A_265 = arith.remsi %add3A_247, %jit3A_248 : i32
    %ne3A_266 = arith.constant 0 : i32
    %ne3A_267 = arith.cmpi ne, %rem3A_265, %ne3A_266 : i32
    %and3A_268 = arith.andi %ne3A_264, %ne3A_267 : i1
    %sub3A_269 = arith.constant 1 : i32
    %sub3A_270 = arith.subi %div3A_249, %sub3A_269 : i32
    %select_n3A_271 = arith.select %and3A_268, %sub3A_270, %div3A_249 : i32
    %jit3A_272 = arith.constant 8 : i32
    %eq3A_273 = arith.constant 0 : i32
    %eq3A_274 = arith.cmpi eq, %jit3A_272, %eq3A_273 : i32
    %jit3A_275 = arith.constant 1 : i32
    %select_n3A_276 = arith.select %eq3A_274, %jit3A_275, %jit3A_272 : i32
    %rem3A_277 = arith.remsi %add3A_247, %select_n3A_276 : i32
    %ne3A_278 = arith.constant 0 : i32
    %ne3A_279 = arith.cmpi ne, %rem3A_277, %ne3A_278 : i32
    %lt3A_280 = arith.constant 0 : i32
    %lt3A_281 = arith.cmpi slt, %rem3A_277, %lt3A_280 : i32
    %lt3A_282 = arith.constant 0 : i32
    %lt3A_283 = arith.cmpi slt, %select_n3A_276, %lt3A_282 : i32
    %ne3A_284 = arith.xori %lt3A_281, %lt3A_283 : i1
    %and3A_285 = arith.andi %ne3A_284, %ne3A_279 : i1
    %add3A_286 = arith.addi %rem3A_277, %select_n3A_276 : i32
    %select_n3A_287 = arith.select %and3A_285, %add3A_286, %rem3A_277 : i32
    %mul3A_288 = arith.constant 4 : i32
    %mul3A_289 = arith.muli %select_n3A_287, %mul3A_288 : i32
    %dma_wait3A_290 = arith.constant 0 : i32
    %dma_wait3A_291 = arith.constant 0 : i32
    %dma_wait3A_292 = arith.constant 0 : i32
    %dma_wait3A_293 = tpu.memref_slice %arg4[%select_n3A_271, %dma_wait3A_290, %mul3A_289, %dma_wait3A_291, %dma_wait3A_292] : memref<200x4x32x8x128xf32, #tpu.memory_space<hbm>> -> memref<1x4x4x8x128xf32, #tpu.memory_space<hbm>>
    %dma_wait3A_294 = tpu.memref_squeeze %dma_wait3A_293 : memref<1x4x4x8x128xf32, #tpu.memory_space<hbm>> -> memref<4x4x8x128xf32, #tpu.memory_space<hbm>>
    %dma_wait3A_295 = arith.constant 0 : i32
    %dma_wait3A_296 = arith.constant 0 : i32
    %dma_wait3A_297 = arith.constant 0 : i32
    %dma_wait3A_298 = tpu.memref_slice %arg4[%select_n3A_271, %dma_wait3A_295, %mul3A_289, %dma_wait3A_296, %dma_wait3A_297] : memref<200x4x32x8x128xf32, #tpu.memory_space<hbm>> -> memref<1x4x4x8x128xf32, #tpu.memory_space<hbm>>
    %dma_wait3A_299 = tpu.memref_squeeze %dma_wait3A_298 : memref<1x4x4x8x128xf32, #tpu.memory_space<hbm>> -> memref<4x4x8x128xf32, #tpu.memory_space<hbm>>
    tpu.wait_dma2 semaphore(%arg16 : memref<!tpu.dma_semaphore, #tpu.memory_space<semaphore_mem>>) src(%arg10 : memref<4x4x8x128xf32, #tpu.memory_space<vmem>>) dst(%dma_wait3A_299 : memref<4x4x8x128xf32, #tpu.memory_space<hbm>>)
    return
  }
}

</mosaic_0001>

<sc_bundles>
// kernel: kernel.3.cloned.1.call-start
scs
__scs_entry_jumppad:
0x0: {  	(pc) =	sbr.rel $0x88, $3  }
0x1: {  	(tag) =	ssettag $0x0;
	lr =	simm.s32 $0x1  }
0x2: {  	[smem:$0x3F9F] =	sst lr;
	_ =	strace $0xD0000000  }
0x3: {  	_ = 	snop  }
0x4: {  	_ = 	snop  }
0x5: {  	_ = 	snop  }
0x6: {  	_ = 	snop  }
0x7: {  	_ = 	snop  }
__scs_overlays_trampoline_lowered:
0x8: {  	[smem:$0x3FAE] =	sst s0  }
0x9: {  	[smem:$0x3FAF] =	sst s1  }
0xa: {  	[smem:$0x3FB0] =	sst s2  }
0xb: {  	[smem:$0x3FB1] =	sst s3  }
0xc: {  	[smem:$0x3FB2] =	sst s4  }
0xd: {  	[smem:$0x3FB3] =	sst s5  }
0xe: {  	[smem:$0x3FB4] =	sst s6  }
0xf: {  	[smem:$0x3FB5] =	sst s7  }
0x10: {  	[smem:$0x3FB6] =	sst s8  }
0x11: {  	[smem:$0x3FB7] =	sst s9;
	s0 =	simm.s32 @!p0 $0x0  }
0x12: {  	s1 =	sld [smem:$0x3F9D];
	s0 =	simm.s32 @p0 $0x1  }
0x13: {  	[smem:$0x3FB8] =	sst s0;
	s0 =	simm.s32 @!p1 $0x0  }
0x14: {  	s2 =	sld [smem:$0x3F9C];
	s0 =	simm.s32 @p1 $0x1  }
0x15: {  	[smem:$0x3FB9] =	sst s0;
	s0 =	simm.s32 @!p2 $0x0  }
0x16: {  	s3 =	sld [smem:$0x3FDB];
	s0 =	simm.s32 @p2 $0x1  }
0x17: {  	s4 =	simm.s32 $0x1BF5;
	[smem:$0x3FBB] =	sst s0  }
0x18: {  	s0 =	sld [smem:$0x3F9E];
	_ =	swait.ge [sflag:s4], $0x0  }
0x19: {  	s7 =	sld [smem:$0x3F9F]  }
0x1a: {  	s8 =	sadd.s32 $0xFFFFE003, lr  }
0x1b: {  	s9 =	sadd.s32 $0xFFFFFEF7, lr;
	s5 =	simm.s32 $0xFFFFFFFF;
	p2 =	slt.u32 s8, $0xFFFFF086  }
0x1c: {  	p1 =	slt.u32 s9, $0xF7A;
	s5 =	simm.s32 @!p2 $0x0  }
0x1d: {  	s5 =	simm.s32 @p1 $0x1;
	p0 =	seq.s32 s7, s2  }
0x1e: {  	s7 =	smul.u32 @!p0 $0xF7A, s2;
	p2 =	seq.s32 @!p0 s5, $0x0  }
0x1f: {  	s9 =	smul.u32 $0xF7A, s1;
	s8 =	simm.s32 @!p0 $0x1BF5;
	p2 =	por !p2, p0  }
0x20: {  	[sflag:s8] =	ssyncset.s32 @!p0 $0xFFFFF086;
	s6 =	sadd.s32 @!p0 s3, s7;
	s7 =	simm.s32 @!p0 $0x108  }
0x21: {  	s3 =	sadd.s32 s3, s9;
	s6 =	sadd.s32 @!p0 $0x88, s6;
	s7 =	simm.s32 @p2 $0x1082  }
0x22: {  	[simem:s7], [sflag:s8] =	dma.local @!p0 [hbm:s6], $0xF7A  }
0x23: {  	s9 =	sor.u32 $0xD0000000, s2;
	s6 =	simm.s32 $0x108;
	_ =	swait.ge @!p0 [sflag:s8], $0x0  }
0x24: {  	s3 =	sadd.s32 $0x88, s3;
	s6 =	simm.s32 @!p1 $0x1082;
	[sflag:s4] =	ssyncset.s32 $0xFFFFF086  }
0x25: {  	[simem:s6], [sflag:s4] =	dma.local [hbm:s3], $0xF7A  }
0x26: {  	[smem:$0x3F9F] =	sst s1;
	(tag) =	ssettag s2;
	_ =	strace s9  }
0x27: {  	s1 =	sld [smem:$0x3FAF]  }
0x28: {  	s2 =	sld [smem:$0x3FB0]  }
0x29: {  	s4 =	sld [smem:$0x3FB2]  }
0x2a: {  	p0 =	seq.s32 s5, $0x0;
	s5 =	sld [smem:$0x3FB3]  }
0x2b: {  	s6 =	sld [smem:$0x3FB4]  }
0x2c: {  	s7 =	sld [smem:$0x3FB5]  }
0x2d: {  	s3 =	simm.s32 $0x108;
	s8 =	sld [smem:$0x3FB6]  }
0x2e: {  	s3 =	simm.s32 @!p0 $0x1082;
	s9 =	sld [smem:$0x3FB7]  }
0x2f: {  	lr =	sadd.s32 s0, s3;
	s0 =	sld [smem:$0x3FAE]  }
0x30: {  	s3 =	sld [smem:$0x3FB1]  }
0x31: {  	[smem:$0x3FBA] =	sst s10  }
0x32: {  	s10 =	sld [smem:$0x3FB8];
	_ =	sdelay $0x3  }
0x33: {  	p0 =	seq.s32 s10, $0x1;
	s10 =	sld [smem:$0x3FBA];
	_ =	sdelay $0x3  }
0x34: {  	[smem:$0x3FBA] =	sst s10  }
0x35: {  	s10 =	sld [smem:$0x3FB9];
	_ =	sdelay $0x3  }
0x36: {  	p1 =	seq.s32 s10, $0x1;
	s10 =	sld [smem:$0x3FBA];
	_ =	sdelay $0x3  }
0x37: {  	[smem:$0x3FBA] =	sst s10  }
0x38: {  	s10 =	sld [smem:$0x3FBB]  }
0x39: {  	_ = 	snop;
	(pc) =	sbr.ind lr, $3  }
0x3a: {  	_ = 	snop  }
0x3b: {  	_ = 	snop  }
0x3c: {  	p2 =	seq.s32 s10, $0x1;
	s10 =	sld [smem:$0x3FBA]  }
0x3d: {  	_ =	shalt  }
0x3e: {  	_ =	shalt  }
0x3f: {  	_ =	shalt  }
0x40: {  	_ =	shalt  }
0x41: {  	_ =	shalt  }
0x42: {  	_ =	shalt  }
0x43: {  	_ =	shalt  }
0x44: {  	_ =	shalt  }
0x45: {  	_ =	shalt  }
0x46: {  	_ =	shalt  }
0x47: {  	_ =	shalt  }
0x48: {  	_ =	shalt  }
0x49: {  	_ =	shalt  }
0x4a: {  	_ =	shalt  }
0x4b: {  	_ =	shalt  }
0x4c: {  	_ =	shalt  }
0x4d: {  	_ =	shalt  }
0x4e: {  	_ =	shalt  }
0x4f: {  	_ =	shalt  }
0x50: {  	_ =	shalt  }
0x51: {  	_ =	shalt  }
0x52: {  	_ =	shalt  }
0x53: {  	_ =	shalt  }
0x54: {  	_ =	shalt  }
0x55: {  	_ =	shalt  }
0x56: {  	_ =	shalt  }
0x57: {  	_ =	shalt  }
0x58: {  	_ =	shalt  }
0x59: {  	_ =	shalt  }
0x5a: {  	_ =	shalt  }
0x5b: {  	_ =	shalt  }
0x5c: {  	_ =	shalt  }
0x5d: {  	_ =	shalt  }
0x5e: {  	_ =	shalt  }
0x5f: {  	_ =	shalt  }
0x60: {  	_ =	shalt  }
0x61: {  	_ =	shalt  }
0x62: {  	_ =	shalt  }
0x63: {  	_ =	shalt  }
0x64: {  	_ =	shalt  }
0x65: {  	_ =	shalt  }
0x66: {  	_ =	shalt  }
0x67: {  	_ =	shalt  }
0x68: {  	_ =	shalt  }
0x69: {  	_ =	shalt  }
0x6a: {  	_ =	shalt  }
0x6b: {  	_ =	shalt  }
0x6c: {  	_ =	shalt  }
0x6d: {  	_ =	shalt  }
0x6e: {  	_ =	shalt  }
0x6f: {  	_ =	shalt  }
0x70: {  	_ =	shalt  }
0x71: {  	_ =	shalt  }
0x72: {  	_ =	shalt  }
0x73: {  	_ =	shalt  }
0x74: {  	_ =	shalt  }
0x75: {  	_ =	shalt  }
0x76: {  	_ =	shalt  }
0x77: {  	_ =	shalt  }
0x78: {  	_ =	shalt  }
0x79: {  	_ =	shalt  }
0x7a: {  	_ =	shalt  }
0x7b: {  	_ =	shalt  }
0x7c: {  	_ =	shalt  }
0x7d: {  	_ =	shalt  }
0x7e: {  	_ =	shalt  }
0x7f: {  	_ =	shalt  }
0x80: {  	_ =	shalt  }
0x81: {  	_ =	shalt  }
0x82: {  	_ =	shalt  }
0x83: {  	_ =	shalt  }
0x84: {  	_ =	shalt  }
0x85: {  	_ =	shalt  }
0x86: {  	_ =	shalt  }
0x87: {  	_ =	shalt  }
.Lfunc_end0:
.L_simem_size_0:
called_computation_lowered:
.L_overlay_start_0:
0x88: {  	s2 =	sld [smem:$0x3FD9]  }
0x89: {  	s3 =	sld [smem:$0x3FFE];
	_ =	sdelay $0x1  }
0x8a: {  	s1 =	srdreg.scid  }
0x8b: {  	s0 =	sand.u32 $0x1, s1  }
0x8c: {  	s17 =	sshll.u32 s0, $0xA;
	s2 =	sadd.s32 s3, s2  }
0x8d: {  	s2 =	sadd.s32 s2, s17  }
0x8e: {  	[smem:$0x3FC6] =	sst s2  }
0x8f: {  	_ = 	snop  }
0x90: {  	s2 =	sld [smem:$0x3FD0];
	(tm) =	ssettm $0x1  }
0x91: {  	s18 =	sld [smem:$0x3FFB];
	_ =	sdelay $0x3  }
0x92: {  	_ =	strace s18  }
0x93: {  	s3 =	sld [smem:$0x3FFC];
	_ =	sdelay $0x3  }
0x94: {  	_ =	strace s3  }
0x95: {  	s3 =	sld [smem:$0x3FFD];
	_ =	sdelay $0x3  }
0x96: {  	_ =	strace s3  }
0x97: {  	_ =	strace $0x8FFFFFFF  }
0x98: {  	s19 =	sld [smem:$0x3FDB];
	_ =	sdelay $0x1  }
0x99: {  	s4 =	simm.s32 $_scs_section_size  }
0x9a: {  	s5 =	simm.s32 $_size__tile_overlayer_lowered;
	s6 =	simm.s32 $_tile_overlayer_lowered  }
0x9b: {  	s22 =	simm.s32 $0x1BFF;
	s21 =	sshll.u32 s6, $0x1;
	s3 =	sadd.s32 s4, s19  }
0x9c: {  	s7 =	simm.s32 $0x0;
	s20 =	sshll.u32 s5, $0x1;
	s5 =	sadd.s32 s21, s3  }
0x9d: {  	[timem:s7], [sflag:s22] =	dma.local [hbm:s5], s20  }
0x9e: {  	_ =	swait.ge [sflag:s22], s20  }
0x9f: {  	s4 =	ssub.s32 $0x0, s20;
	[sflag:s22] =	ssyncset.done $0x0  }
0xa0: {  	[sflag:s22] =	ssyncadd.s32 s4;
	_ =	sdelay $0x1  }
0xa1: {  	s23 =	simm.s32 $0x1B8B  }
0xa2: {  	_ =	swait.ge [sflag:s23], $0x1  }
0xa3: {  	[sflag:s23] =	ssyncset.done $0x0  }
0xa4: {  	s25 =	simm.s32 $0x1B8E;
	s24 =	sld [smem:$0x3FFE];
	[sflag:s23] =	ssyncadd.s32 $0xFFFFFFFF  }
0xa5: {  	s26 =	simm.s32 $execute0_lowered;
	[smem:$0x3FD2] =	sst s25  }
0xa6: {  	s5 =	sshll.u32 s26, $0x1;
	_ =	strace $0x80000046;
	[dreg:$0x1] =	wrdreg $0xFFFFFFFF  }
0xa7: {  	s28 =	simm.s32 $_size_execute0_lowered;
	s3 =	sadd.s32 s3, s5;
	[dreg:$0x0] =	wrdreg $0x0  }
0xa8: {  	s5 =	sshll.u32 s28, $0x1;
	[dreg:$0x2] =	wrdreg s3  }
0xa9: {  	[dreg:$0x3] =	wrdreg s5  }
0xaa: {  	[dreg:$0x4] =	wrdreg $0xC0  }
0xab: {  	_ =	task [dreg:s7], $0x5FFFF  }
0xac: {  	[dreg:$0x1] =	wrdreg $0xFFFFFFFF  }
0xad: {  	[dreg:$0x0] =	wrdreg $0x60  }
0xae: {  	[dreg:$0x2] =	wrdreg s24  }
0xaf: {  	[dreg:$0x3] =	wrdreg s2  }
0xb0: {  	[dreg:$0x4] =	wrdreg $0x9  }
0xb1: {  	_ =	task.clear_ibuf [dreg:s7], $0x5FFFF;
	_ =	strace $0x90000046  }
0xb2: {  	s29 =	simm.s32 $0x9;
	_ =	strace $0x80000048  }
0xb3: {  	_ =	swait.ge [sflag:s29], $0x1  }
0xb4: {  	[sflag:s29] =	ssyncadd.s32 $0xFFFFFFFF  }
0xb5: {  	_ =	strace $0x90000048  }
0xb6: {  	_ =	sfence  }
0xb7: {  	s30 =	sld [smem:$0x0];
	_ =	sdelay $0x2  }
0xb8: {  	s31 =	sshll.u32 s1, $0xD;
	s1 =	sshrl.u32 s1, $0x2  }
0xb9: {  	s3 =	sand.u32 $0x4000, s31;
	s1 =	sadd.s32 s1, s30  }
0xba: {  	s0 =	sor.u32 s3, s0;
	s1 =	sshll.u32 s1, $0x11  }
0xbb: {  	s0 =	sor.u32 s1, s0  }
0xbc: {  	s0 =	sadd.s32 $0x8F2B, s0  }
0xbd: {  	[sflag:s0] =	ssyncadd.remote.s32 $0x1  }
0xbe: {  	_ =	sfence.sel $0xFFFF  }
0xbf: {  	[dreg:$0x0] =	wrdreg $0xFFFFFFFF;
	(pc) =	sbr.abs _section_cstart, $3  }
0xc0: {  	[dreg:$0x1] =	wrdreg $0xFFFFFFFF  }
0xc1: {  	_ =	task.clear_ibuf [dreg:s7], $0x2FFFF;
	_ =	strace $0x9FFFFFFF  }
0xc2: {  	(tm) =	ssettm $0x7FFFFFFF  }
0xc3: {  	_ =	shalt  }
tec
execute0_lowered:
.L_overlay_start_1:
0x0: {  	(tag) =	ssettag $0x1  }
0x1: {  	s0 =	rddreg [dreg:$0x0]  }
0x2: {  	s1 =	srdreg.scid;
	s2 =	stileid.u32  }
0x3: {  	s5 =	rddreg [dreg:$0x1];
	s3 =	simm.s32 $0x0;
	s1 =	sand.u32 $0x1, s1  }
0x4: {  	s6 =	sshll.u32 s2, $0x1;
	[smem:$0x7FF] =	sst s3;
	s2 =	sshll.u32 s2, $0x7  }
0x5: {  	s4 =	sadd.s32 $0x600, s0;
	s0 =	sadd.s32 $0xF42A00, s0;
	s7 =	sor.u32 s1, s6  }
0x6: {  	_ =	strace $0x80000047;
	s2 =	sand.u32 $0x600, s2;
	[dreg:$0x11] =	wrdreg s0  }
0x7: {  	s1 =	ssub.s32 $0x2, s1;
	s25 =	sor.u32 $0x40, s6;
	[dreg:$0xf] =	wrdreg s6  }
0x8: {  	s26 =	sor.u32 $0x60, s6;
	s22 =	sshll.u32 s7, $0x6;
	[dreg:$0x14] =	wrdreg s25  }
0x9: {  	s23 =	sshrl.u32 s1, $0x1;
	[dreg:$0x15] =	wrdreg s26;
	s29 =	sshll.u32 s7, $0x9  }
0xa: {  	[dreg:$0x10] =	wrdreg s7;
	s31 =	sshll.u32 s7, $0xC;
	s3 =	sand.u32 $0x1C0, s22  }
0xb: {  	s0 =	ssub.s32 s1, s23;
	s1 =	sand.u32 $0xE00, s29;
	s28 =	sadd.s32 s4, s3  }
0xc: {  	s2 =	sor.u32 s2, s3;
	s3 =	sand.u32 $0x7000, s31;
	[dreg:$0x16] =	wrdreg s28  }
0xd: {  	s1 =	sadd.s32 s5, s1;
	[dreg:$0x17] =	wrdreg s3  }
0xe: {  	s18 =	simm.s32 $0x400;
	v0 =	vlaneseq.u32;
	s0 =	smax.u32 s0, $0x1;
	[dreg:$0x18] =	wrdreg s1  }
0xf: {  	v42 =	vmul.u32 $0x20, v0;
	s30 =	sand.u32 $0x7, s7;
	s2 =	sadd.s32 s4, s2;
	[dreg:$0x19] =	wrdreg s0  }
0x10: {  	s25 =	simm.s32 $0x4400;
	[dreg:$0x12] =	wrdreg s2;
	s24 =	sadd.s32 $0x800, s2  }
0x11: {  	v57 =	vimm.f32 $1.000000000e+00;
	[tilespmem:$0x1FFF0] =	vst v42;
	p0 =	sne.s32 s30, $0x0;
	s2 =	simm.s32 $0x0;
	[dreg:$0x13] =	wrdreg s24  }
.LBB2_1:
0x12: {  	[dreg:$0x1a] =	wrdreg s2  }
0x13: {  	s0 =	simm.s32 $0x0;
	s1 =	rddreg [dreg:$0x12]  }
0x14: {  	[tilespmem:s0], [sflag:$0x1] =	stream.linear.gather [hbm4b:s1+s0], $0x200, $0x38;
	[tilespmem:$0x10400] =	vst v63  }
0x15: {  	s21 =	rddreg [dreg:$0x13];
	s22 =	simm.s32 $0x200;
	s23 =	simm.s32 $0x1  }
0x16: {  	[tilespmem:s22], [sflag:$0x2] =	stream.linear.gather [hbm4b:s21+s0], $0x200, $0x38;
	[tilespmem:$0x10400] =	vst v63  }
0x17: {  	_ =	swait.ge [sflag:s23], $0x200  }
0x18: {  	[sflag:s23] =	ssyncset.done $0x0  }
0x19: {  	s26 =	simm.s32 $0x80;
	s24 =	rddreg [dreg:$0x11];
	[sflag:s23] =	ssyncadd.s32 $0xFFFFFE00  }
0x1a: {  	[tilespmem:s18], [sflag:$0x3] =	stream.indirect.gather [hbm4b:s24+s26], $0x20, s0, s26, $0xb8;
	[tilespmem:$0x10400] =	vst v63  }
0x1b: {  	s28 =	simm.s32 $0x1400  }
0x1c: {  	[tilespmem:s28], [sflag:$0x3] =	stream.indirect.gather [hbm4b:s24+s26], $0x20, s26, s26, $0xb8;
	[tilespmem:$0x10400] =	vst v63  }
0x1d: {  	s29 =	simm.s32 $0x100;
	s3 =	simm.s32 $0x2400  }
0x1e: {  	[tilespmem:s3], [sflag:$0x3] =	stream.indirect.gather [hbm4b:s24+s26], $0x20, s29, s26, $0xb8;
	[tilespmem:$0x10400] =	vst v63  }
0x1f: {  	s30 =	simm.s32 $0x180;
	s31 =	simm.s32 $0x3400;
	s1 =	simm.s32 $0x0  }
0x20: {  	[tilespmem:s31], [sflag:$0x3] =	stream.indirect.gather [hbm4b:s24+s26], $0x20, s30, s26, $0xb8;
	[tilespmem:$0x10400] =	vst v63  }
.LBB2_2:
0x21: {  	[dreg:$0x1b] =	wrdreg s1;
	s0 =	simm.s32 $0x2  }
0x22: {  	_ =	swait.ge [sflag:s0], $0x200  }
0x23: {  	p1 =	seq.s32 s1, $0x0;
	[sflag:s0] =	ssyncset.done $0x0  }
0x24: {  	[sflag:s0] =	ssyncadd.s32 $0xFFFFFE00;
	s0 =	simm.s32 @!p1 $0x6  }
0x25: {  	_ =	swait.ge @!p1 [sflag:s0], $0x4000  }
0x26: {  	s11 =	simm.s32 $0x200;
	[sflag:s0] =	ssyncset.done @!p1 $0x0  }
0x27: {  	s2 =	simm.s32 $0x80;
	s10 =	rddreg [dreg:$0x11];
	[sflag:s0] =	ssyncadd.s32 @!p1 $0xFFFFC000  }
0x28: {  	[tilespmem:s25], [sflag:$0x4] =	stream.indirect.gather [hbm4b:s10+s2], $0x20, s11, s2, $0xb8;
	[tilespmem:$0x10400] =	vst v63  }
0x29: {  	s12 =	simm.s32 $0x280;
	s3 =	simm.s32 $0x5400  }
0x2a: {  	[tilespmem:s3], [sflag:$0x4] =	stream.indirect.gather [hbm4b:s10+s2], $0x20, s12, s2, $0xb8;
	[tilespmem:$0x10400] =	vst v63  }
0x2b: {  	s13 =	simm.s32 $0x300;
	s14 =	simm.s32 $0x6400  }
0x2c: {  	[tilespmem:s14], [sflag:$0x4] =	stream.indirect.gather [hbm4b:s10+s2], $0x20, s13, s2, $0xb8;
	[tilespmem:$0x10400] =	vst v63  }
0x2d: {  	s15 =	simm.s32 $0x380;
	s16 =	simm.s32 $0x7400;
	s17 =	simm.s32 $0x3  }
0x2e: {  	[tilespmem:s16], [sflag:$0x4] =	stream.indirect.gather [hbm4b:s10+s2], $0x20, s15, s2, $0xb8;
	[tilespmem:$0x10400] =	vst v63  }
0x2f: {  	_ =	swait.ge [sflag:s17], $0x1000  }
0x30: {  	[sflag:s17] =	ssyncset.done $0x0  }
0x31: {  	[sflag:s17] =	ssyncadd.s32 $0xFFFFF000  }
0x32: {  	s19 =	simm.s32 $0x0;
	_ =	swait.ge [sflag:s17], $0x1000  }
0x33: {  	s25 =	sand.u32 $0x60, s19;
	[sflag:s17] =	ssyncset.done $0x0  }
0x34: {  	s20 =	sor.u32 $0x10, s25;
	[sflag:s17] =	ssyncadd.s32 $0xFFFFF000  }
0x35: {  	v0 =	vmov s20;
	_ =	swait.ge [sflag:s17], $0x1000  }
0x36: {  	s21 =	simm.s32 $0x0;
	v0 =	vshll.u32 v0, $0x5;
	[sflag:s17] =	ssyncset.done $0x0  }
0x37: {  	s0 =	sand.u32 $0xFFFFF000, s21;
	v0 =	vor.u32 v42, v0;
	[sflag:s17] =	ssyncadd.s32 $0xFFFFF000  }
0x38: {  	s22 =	simm.s32 $0x0;
	v11 =	vor.u32 s0, v0;
	_ =	swait.ge [sflag:s17], $0x1000  }
0x39: {  	s1 =	sand.u32 $0x3FFFFF80, s22;
	[sflag:s17] =	ssyncset.done $0x0  }
0x3a: {  	s23 =	sor.u32 s20, s1;
	[sflag:s17] =	ssyncadd.s32 $0xFFFFF000  }
0x3b: {  	v0 =	vld [tilespmem:s23+$0x0];
	_ =	sdelay $0x1  }
0x3c: {  	v1 =	vld.idx.msk [tilespmem:v11+s18+$0x0], $0xffff;
	_ =	sdelay $0x1  }
0x3d: {  	v2 =	vmov s25  }
0x3e: {  	v2 =	vshll.u32 v2, $0x5;
	vm0 =	veq.s32 v0, $0x0;
	v0 =	vor.u32 $0x1, v11  }
0x3f: {  	s12 =	sshra.s32 s0, $0x2;
	v2 =	vor.u32 v42, v2;
	v15 =	vsel vm0, $0x0, v57  }
0x40: {  	s24 =	sadd.s32 $0x8400, s12;
	v17 =	vor.u32 s0, v2;
	v1 =	vmul.f32 v15, v1  }
0x41: {  	s1 =	sor.u32 s25, s1;
	s26 =	sor.u32 s20, s24  }
0x42: {  	v2 =	vld [tilespmem:s1+$0x0];
	[tilespmem:s26+$0x0] =	vst v1  }
0x43: {  	v0 =	vld.idx.msk [tilespmem:v0+s18+$0x0], $0xffff;
	_ =	sdelay $0x1  }
0x44: {  	v1 =	vld.idx.msk [tilespmem:v17+s18+$0x0], $0xffff  }
0x45: {  	v3 =	vor.u32 $0x2, v11;
	_ =	sdelay $0x1  }
0x46: {  	v4 =	vor.u32 $0x1, v17;
	vm5 =	veq.s32 v2, $0x0;
	v0 =	vmul.f32 v0, v15  }
0x47: {  	v16 =	vsel vm5, $0x0, v57  }
0x48: {  	v1 =	vmul.f32 v16, v1;
	[tilespmem:s26+$0x80] =	vst v0  }
0x49: {  	s30 =	sor.u32 s25, s24;
	v0 =	vld.idx.msk [tilespmem:v3+s18+$0x0], $0xffff  }
0x4a: {  	[tilespmem:s30+$0x0] =	vst v1  }
0x4b: {  	v1 =	vld.idx.msk [tilespmem:v4+s18+$0x0], $0xffff  }
0x4c: {  	v2 =	vor.u32 $0x3, v11;
	_ =	sdelay $0x1  }
0x4d: {  	v3 =	vor.u32 $0x2, v17;
	v0 =	vmul.f32 v0, v15;
	_ =	sdelay $0x1  }
0x4e: {  	v1 =	vmul.f32 v1, v16;
	[tilespmem:s26+$0x100] =	vst v0  }
0x4f: {  	v0 =	vld.idx.msk [tilespmem:v2+s18+$0x0], $0xffff  }
0x50: {  	[tilespmem:s30+$0x80] =	vst v1  }
0x51: {  	v1 =	vld.idx.msk [tilespmem:v3+s18+$0x0], $0xffff  }
0x52: {  	v2 =	vor.u32 $0x4, v11;
	_ =	sdelay $0x1  }
0x53: {  	v3 =	vor.u32 $0x3, v17;
	v0 =	vmul.f32 v0, v15;
	_ =	sdelay $0x1  }
0x54: {  	v1 =	vmul.f32 v1, v16;
	[tilespmem:s26+$0x180] =	vst v0  }
0x55: {  	v0 =	vld.idx.msk [tilespmem:v2+s18+$0x0], $0xffff  }
0x56: {  	[tilespmem:s30+$0x100] =	vst v1  }
0x57: {  	v1 =	vld.idx.msk [tilespmem:v3+s18+$0x0], $0xffff  }
0x58: {  	v2 =	vor.u32 $0x5, v11;
	_ =	sdelay $0x1  }
0x59: {  	v3 =	vor.u32 $0x4, v17;
	v0 =	vmul.f32 v0, v15;
	_ =	sdelay $0x1  }
0x5a: {  	v1 =	vmul.f32 v1, v16;
	[tilespmem:s26+$0x200] =	vst v0  }
0x5b: {  	v0 =	vld.idx.msk [tilespmem:v2+s18+$0x0], $0xffff  }
0x5c: {  	[tilespmem:s30+$0x180] =	vst v1  }
0x5d: {  	v1 =	vld.idx.msk [tilespmem:v3+s18+$0x0], $0xffff  }
0x5e: {  	v2 =	vor.u32 $0x6, v11;
	_ =	sdelay $0x1  }
0x5f: {  	v3 =	vor.u32 $0x5, v17;
	v0 =	vmul.f32 v0, v15;
	_ =	sdelay $0x1  }
0x60: {  	s6 =	simm.s32 $0x20;
	v1 =	vmul.f32 v1, v16;
	[tilespmem:s26+$0x280] =	vst v0  }
0x61: {  	s9 =	sand.u32 $0x60, s6;
	v0 =	vld.idx.msk [tilespmem:v2+s18+$0x0], $0xffff  }
0x62: {  	s8 =	sor.u32 $0x10, s9;
	[tilespmem:s30+$0x200] =	vst v1  }
0x63: {  	v1 =	vld.idx.msk [tilespmem:v3+s18+$0x0], $0xffff;
	v3 =	vmov s8  }
0x64: {  	s7 =	simm.s32 $0x400;
	v2 =	vor.u32 $0x7, v11;
	v3 =	vshll.u32 v3, $0x5  }
0x65: {  	s2 =	sand.u32 $0xFFFFF000, s7;
	v3 =	vor.u32 v42, v3  }
0x66: {  	v14 =	vor.u32 s2, v3;
	v0 =	vmul.f32 v0, v15  }
0x67: {  	s10 =	simm.s32 $0x20;
	v4 =	vor.u32 $0x6, v17  }
0x68: {  	s3 =	sand.u32 $0x3FFFFF80, s10;
	v1 =	vmul.f32 v1, v16;
	[tilespmem:s26+$0x300] =	vst v0  }
0x69: {  	s4 =	sor.u32 s8, s3;
	v0 =	vld.idx.msk [tilespmem:v2+s18+$0x0], $0xffff  }
0x6a: {  	[tilespmem:s30+$0x280] =	vst v1;
	v1 =	vld [tilespmem:s4+$0x0]  }
0x6b: {  	v3 =	vld.idx.msk [tilespmem:v14+s18+$0x0], $0xffff  }
0x6c: {  	v2 =	vld.idx.msk [tilespmem:v4+s18+$0x0], $0xffff;
	v4 =	vor.u32 $0x8, v11;
	_ =	sdelay $0x1  }
0x6d: {  	v0 =	vmul.f32 v0, v15  }
0x6e: {  	v5 =	vmov s9;
	vm6 =	veq.s32 v1, $0x0;
	v1 =	vor.u32 $0x1, v14  }
0x6f: {  	v5 =	vshll.u32 v5, $0x5;
	s13 =	sshra.s32 s2, $0x2;
	v18 =	vsel vm6, $0x0, v57;
	[tilespmem:s26+$0x380] =	vst v0  }
0x70: {  	s11 =	sadd.s32 $0x8400, s13;
	v3 =	vmul.f32 v18, v3;
	v0 =	vor.u32 v42, v5;
	v4 =	vld.idx.msk [tilespmem:v4+s18+$0x0], $0xffff  }
0x71: {  	s0 =	sor.u32 s8, s11;
	v19 =	vor.u32 s2, v0  }
0x72: {  	[tilespmem:s0+$0x0] =	vst v3  }
0x73: {  	s14 =	sor.u32 s9, s3;
	v0 =	vld.idx.msk [tilespmem:v1+s18+$0x0], $0xffff;
	v1 =	vor.u32 $0x9, v11  }
0x74: {  	v3 =	vld [tilespmem:s14+$0x0]  }
0x75: {  	s15 =	smov.u32 s20;
	s16 =	sadd.s32 $0x9400, s12;
	v4 =	vmul.f32 v4, v15  }
0x76: {  	s17 =	sor.u32 s15, s16;
	v6 =	vor.u32 $0x2, v14;
	v5 =	vld.idx.msk [tilespmem:v19+s18+$0x0], $0xffff  }
0x77: {  	v7 =	vor.u32 $0x7, v17;
	[tilespmem:s17+$0x0] =	vst v4  }
0x78: {  	v0 =	vmul.f32 v0, v18;
	v1 =	vld.idx.msk [tilespmem:v1+s18+$0x0], $0xffff  }
0x79: {  	v2 =	vmul.f32 v2, v16;
	vm7 =	veq.s32 v3, $0x0;
	v4 =	vor.u32 $0x1, v19  }
0x7a: {  	v53 =	vsel vm7, $0x0, v57;
	[tilespmem:s0+$0x80] =	vst v0  }
0x7b: {  	[tilespmem:s30+$0x300] =	vst v2;
	v3 =	vor.u32 $0xA, v11;
	v2 =	vld.idx.msk [tilespmem:v6+s18+$0x0], $0xffff;
	v0 =	vmul.f32 v53, v5  }
0x7c: {  	s2 =	sor.u32 s9, s11;
	v5 =	vld.idx.msk [tilespmem:v7+s18+$0x0], $0xffff  }
0x7d: {  	s19 =	sadd.s32 $0x9480, s12;
	[tilespmem:s2+$0x0] =	vst v0;
	v0 =	vmul.f32 v1, v15  }
0x7e: {  	s5 =	sor.u32 s15, s19;
	v1 =	vld.idx.msk [tilespmem:v4+s18+$0x0], $0xffff;
	v4 =	vor.u32 $0x3, v14  }
0x7f: {  	v6 =	vor.u32 $0x8, v17;
	[tilespmem:s5+$0x0] =	vst v0  }
0x80: {  	v2 =	vmul.f32 v2, v18;
	v0 =	vld.idx.msk [tilespmem:v3+s18+$0x0], $0xffff  }
0x81: {  	v5 =	vmul.f32 v5, v16;
	v3 =	vor.u32 $0x2, v19  }
0x82: {  	[tilespmem:s0+$0x100] =	vst v2  }
0x83: {  	[tilespmem:s30+$0x380] =	vst v5;
	v1 =	vmul.f32 v1, v53;
	v2 =	vld.idx.msk [tilespmem:v4+s18+$0x0], $0xffff;
	v4 =	vor.u32 $0xB, v11  }
0x84: {  	v5 =	vld.idx.msk [tilespmem:v6+s18+$0x0], $0xffff  }
0x85: {  	s20 =	sadd.s32 $0x9500, s12;
	[tilespmem:s2+$0x80] =	vst v1;
	v0 =	vmul.f32 v0, v15  }
0x86: {  	s21 =	sor.u32 s15, s20;
	v1 =	vld.idx.msk [tilespmem:v3+s18+$0x0], $0xffff;
	v3 =	vor.u32 $0x4, v14  }
0x87: {  	v6 =	vor.u32 $0x9, v17;
	[tilespmem:s21+$0x0] =	vst v0  }
0x88: {  	v2 =	vmul.f32 v2, v18;
	v0 =	vld.idx.msk [tilespmem:v4+s18+$0x0], $0xffff  }
0x89: {  	v5 =	vmul.f32 v5, v16;
	v4 =	vor.u32 $0x3, v19  }
0x8a: {  	s3 =	sor.u32 s25, s16;
	[tilespmem:s0+$0x180] =	vst v2  }
0x8b: {  	[tilespmem:s3+$0x0] =	vst v5;
	v1 =	vmul.f32 v1, v53;
	v2 =	vld.idx.msk [tilespmem:v3+s18+$0x0], $0xffff;
	v3 =	vor.u32 $0xC, v11  }
0x8c: {  	v5 =	vld.idx.msk [tilespmem:v6+s18+$0x0], $0xffff  }
0x8d: {  	s22 =	sadd.s32 $0x9580, s12;
	[tilespmem:s2+$0x100] =	vst v1;
	v0 =	vmul.f32 v0, v15  }
0x8e: {  	s23 =	sor.u32 s15, s22;
	v1 =	vld.idx.msk [tilespmem:v4+s18+$0x0], $0xffff;
	v4 =	vor.u32 $0x5, v14  }
0x8f: {  	v6 =	vor.u32 $0xA, v17;
	[tilespmem:s23+$0x0] =	vst v0  }
0x90: {  	v2 =	vmul.f32 v2, v18;
	v0 =	vld.idx.msk [tilespmem:v3+s18+$0x0], $0xffff  }
0x91: {  	v5 =	vmul.f32 v5, v16;
	v3 =	vor.u32 $0x4, v19  }
0x92: {  	s4 =	sor.u32 s25, s19;
	[tilespmem:s0+$0x200] =	vst v2  }
0x93: {  	[tilespmem:s4+$0x0] =	vst v5;
	v1 =	vmul.f32 v1, v53;
	v2 =	vld.idx.msk [tilespmem:v4+s18+$0x0], $0xffff;
	v4 =	vor.u32 $0xD, v11  }
0x94: {  	v5 =	vld.idx.msk [tilespmem:v6+s18+$0x0], $0xffff  }
0x95: {  	s6 =	sadd.s32 $0x9600, s12;
	[tilespmem:s2+$0x180] =	vst v1;
	v0 =	vmul.f32 v0, v15  }
0x96: {  	s24 =	sor.u32 s15, s6;
	v1 =	vld.idx.msk [tilespmem:v3+s18+$0x0], $0xffff;
	v3 =	vor.u32 $0x6, v14  }
0x97: {  	v6 =	vor.u32 $0xB, v17;
	[tilespmem:s24+$0x0] =	vst v0  }
0x98: {  	v2 =	vmul.f32 v2, v18;
	v0 =	vld.idx.msk [tilespmem:v4+s18+$0x0], $0xffff  }
0x99: {  	v5 =	vmul.f32 v5, v16;
	v4 =	vor.u32 $0x5, v19  }
0x9a: {  	s1 =	sor.u32 s25, s20;
	[tilespmem:s0+$0x280] =	vst v2  }
0x9b: {  	[tilespmem:s1+$0x0] =	vst v5;
	v1 =	vmul.f32 v1, v53;
	v2 =	vld.idx.msk [tilespmem:v3+s18+$0x0], $0xffff;
	v3 =	vor.u32 $0xE, v11  }
0x9c: {  	s26 =	simm.s32 $0x40;
	v5 =	vld.idx.msk [tilespmem:v6+s18+$0x0], $0xffff  }
0x9d: {  	s30 =	sadd.s32 $0x9680, s12;
	s23 =	sand.u32 $0x60, s26;
	[tilespmem:s2+$0x200] =	vst v1;
	v0 =	vmul.f32 v0, v15  }
0x9e: {  	s11 =	sor.u32 s15, s30;
	s10 =	sor.u32 $0x10, s23;
	v1 =	vld.idx.msk [tilespmem:v4+s18+$0x0], $0xffff;
	v4 =	vor.u32 $0x7, v14  }
0x9f: {  	v6 =	vor.u32 $0xC, v17;
	[tilespmem:s11+$0x0] =	vst v0;
	v0 =	vmov s10  }
0xa0: {  	s14 =	simm.s32 $0x800;
	v2 =	vmul.f32 v2, v18;
	v3 =	vld.idx.msk [tilespmem:v3+s18+$0x0], $0xffff;
	v0 =	vshll.u32 v0, $0x5  }
0xa1: {  	v7 =	vor.u32 $0x6, v19;
	s5 =	sand.u32 $0xFFFFF000, s14;
	v8 =	vmul.f32 v5, v16;
	v0 =	vor.u32 v42, v0  }
0xa2: {  	s7 =	simm.s32 $0x40;
	s3 =	sor.u32 s25, s22;
	[tilespmem:s0+$0x300] =	vst v2;
	v55 =	vor.u32 s5, v0  }
0xa3: {  	s7 =	sand.u32 $0x3FFFFF80, s7;
	[tilespmem:s3+$0x0] =	vst v8;
	v2 =	vor.u32 $0xF, v11;
	v0 =	vmul.f32 v1, v53;
	v1 =	vld.idx.msk [tilespmem:v4+s18+$0x0], $0xffff  }
0xa4: {  	s11 =	sor.u32 s10, s7;
	v4 =	vld.idx.msk [tilespmem:v6+s18+$0x0], $0xffff  }
0xa5: {  	s16 =	sadd.s32 $0x9700, s12;
	v6 =	vld [tilespmem:s11+$0x0];
	[tilespmem:s2+$0x280] =	vst v0;
	v0 =	vmov s23;
	v3 =	vmul.f32 v3, v15  }
0xa6: {  	s17 =	sor.u32 s15, s16;
	v8 =	vor.u32 $0x8, v14;
	v7 =	vld.idx.msk [tilespmem:v7+s18+$0x0], $0xffff;
	v0 =	vshll.u32 v0, $0x5  }
0xa7: {  	v9 =	vor.u32 $0xD, v17;
	v0 =	vor.u32 v42, v0;
	v10 =	vld.idx.msk [tilespmem:v55+s18+$0x0], $0xffff;
	[tilespmem:s17+$0x0] =	vst v3  }
0xa8: {  	v21 =	vor.u32 s5, v0;
	v1 =	vmul.f32 v1, v18;
	v0 =	vld.idx.msk [tilespmem:v2+s18+$0x0], $0xffff  }
0xa9: {  	s7 =	sor.u32 s23, s7;
	v3 =	vmul.f32 v4, v16;
	v2 =	vor.u32 $0x7, v19  }
0xaa: {  	s6 =	sor.u32 s25, s6;
	v12 =	vld [tilespmem:s7+$0x0];
	vm8 =	veq.s32 v6, $0x0;
	v6 =	vor.u32 $0x1, v55;
	[tilespmem:s0+$0x380] =	vst v1  }
0xab: {  	s17 =	sshra.s32 s5, $0x2;
	v59 =	vsel vm8, $0x0, v57;
	[tilespmem:s6+$0x0] =	vst v3;
	v1 =	vmul.f32 v7, v53;
	v3 =	vld.idx.msk [tilespmem:v8+s18+$0x0], $0xffff;
	v7 =	vor.u32 $0x10, v11  }
0xac: {  	s5 =	sadd.s32 $0x8400, s17;
	v8 =	vld.idx.msk [tilespmem:v9+s18+$0x0], $0xffff;
	v9 =	vmul.f32 v59, v10  }
0xad: {  	s19 =	sadd.s32 $0x9780, s12;
	s0 =	sor.u32 s10, s5;
	[tilespmem:s2+$0x300] =	vst v1;
	v1 =	vld.idx.msk [tilespmem:v21+s18+$0x0], $0xffff;
	v0 =	vmul.f32 v0, v15  }
0xae: {  	s20 =	sor.u32 s15, s19;
	v2 =	vld.idx.msk [tilespmem:v2+s18+$0x0], $0xffff;
	[tilespmem:s0+$0x0] =	vst v9;
	v9 =	vor.u32 $0x9, v14  }
0xaf: {  	v10 =	vor.u32 $0xE, v17;
	v6 =	vld.idx.msk [tilespmem:v6+s18+$0x0], $0xffff;
	[tilespmem:s20+$0x0] =	vst v0  }
0xb0: {  	s21 =	sadd.s32 $0x9400, s13;
	vm9 =	veq.s32 v12, $0x0;
	v0 =	vor.u32 $0x1, v21;
	v3 =	vmul.f32 v3, v18;
	v7 =	vld.idx.msk [tilespmem:v7+s18+$0x0], $0xffff  }
0xb1: {  	s22 =	sor.u32 s8, s21;
	v12 =	vor.u32 $0x8, v19;
	v54 =	vsel vm9, $0x0, v57;
	v8 =	vmul.f32 v8, v16  }
0xb2: {  	s1 =	sor.u32 s25, s30;
	v13 =	vor.u32 $0x2, v55;
	v1 =	vmul.f32 v54, v1;
	[tilespmem:s22+$0x0] =	vst v3  }
0xb3: {  	[tilespmem:s1+$0x0] =	vst v8;
	s1 =	sor.u32 s23, s5;
	v8 =	vor.u32 $0x11, v11;
	v2 =	vmul.f32 v2, v53;
	v3 =	vld.idx.msk [tilespmem:v9+s18+$0x0], $0xffff  }
0xb4: {  	s4 =	smov.u32 s12;
	v9 =	vld.idx.msk [tilespmem:v10+s18+$0x0], $0xffff;
	[tilespmem:s1+$0x0] =	vst v1;
	v1 =	vmul.f32 v6, v59  }
0xb5: {  	v0 =	vld.idx.msk [tilespmem:v0+s18+$0x0], $0xffff;
	[tilespmem:s2+$0x380] =	vst v2;
	s2 =	sadd.s32 $0xA400, s4;
	v2 =	vmul.f32 v7, v15  }
0xb6: {  	v6 =	vld.idx.msk [tilespmem:v12+s18+$0x0], $0xffff;
	s24 =	sor.u32 s15, s2;
	[tilespmem:s0+$0x80] =	vst v1;
	v1 =	vor.u32 $0xA, v14  }
0xb7: {  	v7 =	vor.u32 $0xF, v17;
	v10 =	vld.idx.msk [tilespmem:v13+s18+$0x0], $0xffff;
	[tilespmem:s24+$0x0] =	vst v2  }
0xb8: {  	s26 =	sadd.s32 $0x9480, s13;
	v2 =	vor.u32 $0x2, v21;
	v8 =	vld.idx.msk [tilespmem:v8+s18+$0x0], $0xffff;
	v3 =	vmul.f32 v3, v18  }
0xb9: {  	s30 =	sor.u32 s8, s26;
	v12 =	vor.u32 $0x9, v19;
	v9 =	vmul.f32 v9, v16  }
0xba: {  	s3 =	sor.u32 s25, s16;
	v13 =	vor.u32 $0x3, v55;
	v0 =	vmul.f32 v0, v54;
	[tilespmem:s30+$0x0] =	vst v3  }
0xbb: {  	[tilespmem:s3+$0x0] =	vst v9;
	v3 =	vmul.f32 v6, v53;
	v6 =	vor.u32 $0x12, v11;
	v1 =	vld.idx.msk [tilespmem:v1+s18+$0x0], $0xffff  }
0xbc: {  	s11 =	sor.u32 s9, s21;
	v7 =	vld.idx.msk [tilespmem:v7+s18+$0x0], $0xffff;
	[tilespmem:s1+$0x80] =	vst v0;
	v0 =	vmul.f32 v10, v59  }
0xbd: {  	v2 =	vld.idx.msk [tilespmem:v2+s18+$0x0], $0xffff;
	[tilespmem:s11+$0x0] =	vst v3;
	s11 =	sadd.s32 $0xA480, s4;
	v3 =	vmul.f32 v8, v15  }
0xbe: {  	v8 =	vld.idx.msk [tilespmem:v12+s18+$0x0], $0xffff;
	s12 =	sor.u32 s15, s11;
	[tilespmem:s0+$0x100] =	vst v0;
	v0 =	vor.u32 $0xB, v14  }
0xbf: {  	v9 =	vor.u32 $0x10, v17;
	v10 =	vld.idx.msk [tilespmem:v13+s18+$0x0], $0xffff;
	[tilespmem:s12+$0x0] =	vst v3  }
0xc0: {  	s14 =	sadd.s32 $0x9500, s13;
	v3 =	vor.u32 $0x3, v21;
	v6 =	vld.idx.msk [tilespmem:v6+s18+$0x0], $0xffff;
	v1 =	vmul.f32 v1, v18  }
0xc1: {  	s16 =	sor.u32 s8, s14;
	v12 =	vor.u32 $0xA, v19;
	v7 =	vmul.f32 v7, v16  }
0xc2: {  	s6 =	sor.u32 s25, s19;
	v13 =	vor.u32 $0x4, v55;
	v2 =	vmul.f32 v2, v54;
	[tilespmem:s16+$0x0] =	vst v1  }
0xc3: {  	[tilespmem:s6+$0x0] =	vst v7;
	v1 =	vmul.f32 v8, v53;
	v7 =	vor.u32 $0x13, v11;
	v0 =	vld.idx.msk [tilespmem:v0+s18+$0x0], $0xffff  }
0xc4: {  	s19 =	sor.u32 s9, s26;
	v8 =	vld.idx.msk [tilespmem:v9+s18+$0x0], $0xffff;
	[tilespmem:s1+$0x100] =	vst v2;
	v2 =	vmul.f32 v10, v59  }
0xc5: {  	s3 =	sadd.s32 $0xA500, s4;
	v3 =	vld.idx.msk [tilespmem:v3+s18+$0x0], $0xffff;
	[tilespmem:s19+$0x0] =	vst v1;
	v1 =	vmul.f32 v6, v15  }
0xc6: {  	s20 =	sor.u32 s15, s3;
	v6 =	vld.idx.msk [tilespmem:v12+s18+$0x0], $0xffff;
	[tilespmem:s0+$0x180] =	vst v2;
	v2 =	vor.u32 $0xC, v14  }
0xc7: {  	v9 =	vor.u32 $0x11, v17;
	v10 =	vld.idx.msk [tilespmem:v13+s18+$0x0], $0xffff;
	[tilespmem:s20+$0x0] =	vst v1  }
0xc8: {  	s21 =	sadd.s32 $0x9580, s13;
	v1 =	vor.u32 $0x4, v21;
	v7 =	vld.idx.msk [tilespmem:v7+s18+$0x0], $0xffff;
	v0 =	vmul.f32 v0, v18  }
0xc9: {  	s22 =	sor.u32 s8, s21;
	v12 =	vor.u32 $0xB, v19;
	v8 =	vmul.f32 v8, v16  }
0xca: {  	s2 =	sor.u32 s25, s2;
	v13 =	vor.u32 $0x5, v55;
	v3 =	vmul.f32 v3, v54;
	[tilespmem:s22+$0x0] =	vst v0  }
0xcb: {  	[tilespmem:s2+$0x0] =	vst v8;
	v0 =	vmul.f32 v6, v53;
	v6 =	vor.u32 $0x14, v11;
	v2 =	vld.idx.msk [tilespmem:v2+s18+$0x0], $0xffff  }
0xcc: {  	s24 =	sor.u32 s9, s14;
	v8 =	vld.idx.msk [tilespmem:v9+s18+$0x0], $0xffff;
	[tilespmem:s1+$0x180] =	vst v3;
	v3 =	vmul.f32 v10, v59  }
0xcd: {  	s6 =	sadd.s32 $0xA580, s4;
	v1 =	vld.idx.msk [tilespmem:v1+s18+$0x0], $0xffff;
	[tilespmem:s24+$0x0] =	vst v0;
	v0 =	vmul.f32 v7, v15  }
0xce: {  	s26 =	sor.u32 s15, s6;
	v7 =	vld.idx.msk [tilespmem:v12+s18+$0x0], $0xffff;
	[tilespmem:s0+$0x200] =	vst v3;
	v3 =	vor.u32 $0xD, v14  }
0xcf: {  	v9 =	vor.u32 $0x12, v17;
	v10 =	vld.idx.msk [tilespmem:v13+s18+$0x0], $0xffff;
	[tilespmem:s26+$0x0] =	vst v0  }
0xd0: {  	s30 =	sadd.s32 $0x9600, s13;
	v0 =	vor.u32 $0x5, v21;
	v6 =	vld.idx.msk [tilespmem:v6+s18+$0x0], $0xffff;
	v2 =	vmul.f32 v2, v18  }
0xd1: {  	s12 =	sor.u32 s8, s30;
	v12 =	vor.u32 $0xC, v19;
	v8 =	vmul.f32 v8, v16  }
0xd2: {  	s11 =	sor.u32 s25, s11;
	v13 =	vor.u32 $0x6, v55;
	v1 =	vmul.f32 v1, v54;
	[tilespmem:s12+$0x0] =	vst v2  }
0xd3: {  	[tilespmem:s11+$0x0] =	vst v8;
	v2 =	vmul.f32 v7, v53;
	v7 =	vor.u32 $0x15, v11;
	v3 =	vld.idx.msk [tilespmem:v3+s18+$0x0], $0xffff  }
0xd4: {  	s14 =	sor.u32 s9, s21;
	s20 =	smov.u32 s4;
	v8 =	vld.idx.msk [tilespmem:v9+s18+$0x0], $0xffff;
	[tilespmem:s1+$0x200] =	vst v1;
	v1 =	vmul.f32 v10, v59  }
0xd5: {  	s4 =	smov.u32 s15;
	s12 =	sadd.s32 $0xA600, s20;
	v0 =	vld.idx.msk [tilespmem:v0+s18+$0x0], $0xffff;
	[tilespmem:s14+$0x0] =	vst v2;
	v2 =	vmul.f32 v6, v15  }
0xd6: {  	s16 =	sor.u32 s4, s12;
	v6 =	vld.idx.msk [tilespmem:v12+s18+$0x0], $0xffff;
	[tilespmem:s0+$0x280] =	vst v1;
	v1 =	vor.u32 $0xE, v14  }
0xd7: {  	s19 =	simm.s32 $0x60;
	v9 =	vor.u32 $0x13, v17;
	v10 =	vld.idx.msk [tilespmem:v13+s18+$0x0], $0xffff;
	[tilespmem:s16+$0x0] =	vst v2  }
0xd8: {  	s7 =	smov.u32 s13;
	s13 =	sadd.s32 $0x9680, s13;
	s2 =	sand.u32 $0x60, s19;
	v2 =	vor.u32 $0x6, v21;
	v7 =	vld.idx.msk [tilespmem:v7+s18+$0x0], $0xffff;
	v3 =	vmul.f32 v3, v18  }
0xd9: {  	s21 =	sor.u32 s8, s13;
	s26 =	sor.u32 $0x10, s2;
	v12 =	vor.u32 $0xD, v19;
	v8 =	vmul.f32 v8, v16  }
0xda: {  	s3 =	sor.u32 s25, s3;
	v13 =	vor.u32 $0x7, v55;
	v0 =	vmul.f32 v0, v54;
	[tilespmem:s21+$0x0] =	vst v3;
	v3 =	vmov s26  }
0xdb: {  	v20 =	vor.u32 $0x16, v11;
	s22 =	simm.s32 $0xC00;
	[tilespmem:s3+$0x0] =	vst v8;
	v6 =	vmul.f32 v6, v53;
	v1 =	vld.idx.msk [tilespmem:v1+s18+$0x0], $0xffff;
	v3 =	vshll.u32 v3, $0x5  }
0xdc: {  	s24 =	sor.u32 s9, s30;
	s30 =	sand.u32 $0xFFFFF000, s22;
	v9 =	vld.idx.msk [tilespmem:v9+s18+$0x0], $0xffff;
	[tilespmem:s1+$0x280] =	vst v0;
	v0 =	vmul.f32 v10, v59;
	v3 =	vor.u32 v42, v3  }
0xdd: {  	s11 =	sadd.s32 $0xA680, s20;
	v2 =	vld.idx.msk [tilespmem:v2+s18+$0x0], $0xffff;
	[tilespmem:s24+$0x0] =	vst v6;
	v6 =	vmul.f32 v7, v15;
	v8 =	vor.u32 s30, v3  }
0xde: {  	s14 =	sor.u32 s4, s11;
	s16 =	simm.s32 $0x60;
	v3 =	vmov s2;
	v7 =	vld.idx.msk [tilespmem:v12+s18+$0x0], $0xffff;
	[tilespmem:s0+$0x300] =	vst v0;
	v0 =	vor.u32 $0xF, v14  }
0xdf: {  	s5 =	sand.u32 $0x3FFFFF80, s16;
	v3 =	vshll.u32 v3, $0x5;
	v10 =	vld.idx.msk [tilespmem:v13+s18+$0x0], $0xffff;
	[tilespmem:s14+$0x0] =	vst v6  }
0xe0: {  	s16 =	sor.u32 s26, s5;
	s3 =	sadd.s32 $0x9700, s7;
	v6 =	vor.u32 $0x14, v17;
	v3 =	vor.u32 v42, v3;
	v12 =	vld.idx.msk [tilespmem:v20+s18+$0x0], $0xffff;
	v1 =	vmul.f32 v1, v18  }
0xe1: {  	s19 =	sor.u32 s8, s3;
	v29 =	vor.u32 s30, v3;
	v3 =	vld [tilespmem:s16+$0x0]  }
0xe2: {  	v9 =	vmul.f32 v9, v16;
	v20 =	vor.u32 $0x8, v55;
	v13 =	vld.idx.msk [tilespmem:v8+s18+$0x0], $0xffff;
	[tilespmem:s19+$0x0] =	vst v1  }
0xe3: {  	s6 =	sor.u32 s25, s6;
	s5 =	sor.u32 s2, s5;
	v1 =	vor.u32 $0x17, v11;
	v0 =	vld.idx.msk [tilespmem:v0+s18+$0x0], $0xffff  }
0xe4: {  	v22 =	vor.u32 $0x7, v21;
	[tilespmem:s6+$0x0] =	vst v9;
	v9 =	vmul.f32 v10, v59;
	v10 =	vld [tilespmem:s5+$0x0]  }
0xe5: {  	v23 =	vor.u32 $0xE, v19;
	s6 =	sadd.s32 $0xA700, s20;
	v24 =	vld.idx.msk [tilespmem:v6+s18+$0x0], $0xffff;
	v12 =	vmul.f32 v12, v15  }
0xe6: {  	v2 =	vmul.f32 v2, v54;
	s21 =	sor.u32 s4, s6;
	v25 =	vld.idx.msk [tilespmem:v29+s18+$0x0], $0xffff;
	vm10 =	veq.s32 v3, $0x0;
	v3 =	vor.u32 $0x1, v8;
	[tilespmem:s0+$0x380] =	vst v9  }
0xe7: {  	s28 =	sshra.s32 s30, $0x2;
	v7 =	vmul.f32 v7, v53;
	v60 =	vsel vm10, $0x0, v57;
	v9 =	vld.idx.msk [tilespmem:v20+s18+$0x0], $0xffff;
	v20 =	vor.u32 $0x10, v14;
	[tilespmem:s21+$0x0] =	vst v12  }
0xe8: {  	s22 =	sor.u32 s9, s13;
	s24 =	sadd.s32 $0x8400, s28;
	[tilespmem:s1+$0x300] =	vst v2;
	v12 =	vor.u32 $0x15, v17;
	v2 =	vmul.f32 v60, v13;
	v1 =	vld.idx.msk [tilespmem:v1+s18+$0x0], $0xffff  }
0xe9: {  	s15 =	sadd.s32 $0x9780, s7;
	[tilespmem:s22+$0x0] =	vst v7;
	v22 =	vld.idx.msk [tilespmem:v22+s18+$0x0], $0xffff;
	s0 =	sor.u32 s26, s24;
	v13 =	vor.u32 $0x1, v29;
	v0 =	vmul.f32 v0, v18;
	vm11 =	veq.s32 v10, $0x0  }
0xea: {  	s30 =	sor.u32 s8, s15;
	[tilespmem:s0+$0x0] =	vst v2;
	v2 =	vld.idx.msk [tilespmem:v23+s18+$0x0], $0xffff;
	v10 =	vor.u32 $0x9, v55;
	v23 =	vmul.f32 v24, v16;
	v6 =	vsel vm11, $0x0, v57  }
0xeb: {  	s14 =	sor.u32 s25, s12;
	v24 =	vor.u32 $0x18, v11;
	v3 =	vld.idx.msk [tilespmem:v3+s18+$0x0], $0xffff;
	[tilespmem:s30+$0x0] =	vst v0;
	v0 =	vmul.f32 v6, v25  }
0xec: {  	s12 =	sor.u32 s2, s24;
	s19 =	sadd.s32 $0x9400, s17;
	v25 =	vor.u32 $0x8, v21;
	[tilespmem:s14+$0x0] =	vst v23;
	v20 =	vld.idx.msk [tilespmem:v20+s18+$0x0], $0xffff;
	v9 =	vmul.f32 v9, v59  }
0xed: {  	s13 =	sadd.s32 $0xA780, s20;
	s21 =	sor.u32 s10, s19;
	v23 =	vor.u32 $0xF, v19;
	[tilespmem:s12+$0x0] =	vst v0;
	v0 =	vld.idx.msk [tilespmem:v12+s18+$0x0], $0xffff;
	v1 =	vmul.f32 v1, v15  }
0xee: {  	s22 =	sor.u32 s4, s13;
	v22 =	vmul.f32 v22, v54;
	v12 =	vld.idx.msk [tilespmem:v13+s18+$0x0], $0xffff;
	v13 =	vor.u32 $0x2, v8;
	[tilespmem:s21+$0x0] =	vst v9  }
0xef: {  	v2 =	vmul.f32 v2, v53;
	v9 =	vld.idx.msk [tilespmem:v10+s18+$0x0], $0xffff;
	v10 =	vor.u32 $0x11, v14;
	[tilespmem:s22+$0x0] =	vst v1  }
0xf0: {  	s3 =	sor.u32 s9, s3;
	[tilespmem:s1+$0x380] =	vst v22;
	v1 =	vor.u32 $0x16, v17;
	v3 =	vmul.f32 v3, v60;
	v22 =	vld.idx.msk [tilespmem:v24+s18+$0x0], $0xffff  }
0xf1: {  	v24 =	vor.u32 $0x2, v29;
	v25 =	vld.idx.msk [tilespmem:v25+s18+$0x0], $0xffff;
	[tilespmem:s3+$0x0] =	vst v2;
	s3 =	sadd.s32 $0xA400, s7;
	v2 =	vmul.f32 v20, v18  }
0xf2: {  	[tilespmem:s0+$0x80] =	vst v3;
	v3 =	vld.idx.msk [tilespmem:v23+s18+$0x0], $0xffff;
	s24 =	sor.u32 s8, s3;
	v20 =	vor.u32 $0xA, v55;
	v0 =	vmul.f32 v0, v16  }
0xf3: {  	s11 =	sor.u32 s25, s11;
	v13 =	vld.idx.msk [tilespmem:v13+s18+$0x0], $0xffff;
	[tilespmem:s24+$0x0] =	vst v2;
	v2 =	vmul.f32 v12, v6;
	v12 =	vor.u32 $0x19, v11  }
0xf4: {  	s16 =	sadd.s32 $0x9480, s17;
	v23 =	vor.u32 $0x9, v21;
	v10 =	vld.idx.msk [tilespmem:v10+s18+$0x0], $0xffff;
	v9 =	vmul.f32 v9, v59;
	[tilespmem:s11+$0x0] =	vst v0  }
0xf5: {  	s30 =	sor.u32 s10, s16;
	s1 =	sadd.s32 $0xB400, s20;
	v0 =	vor.u32 $0x10, v19;
	[tilespmem:s12+$0x80] =	vst v2;
	v1 =	vld.idx.msk [tilespmem:v1+s18+$0x0], $0xffff;
	v2 =	vmul.f32 v22, v15  }
0xf6: {  	s14 =	sor.u32 s4, s1;
	v25 =	vmul.f32 v25, v54;
	v22 =	vld.idx.msk [tilespmem:v24+s18+$0x0], $0xffff;
	v24 =	vor.u32 $0x3, v8;
	[tilespmem:s30+$0x0] =	vst v9  }
0xf7: {  	s5 =	sor.u32 s23, s19;
	v3 =	vmul.f32 v3, v53;
	v9 =	vld.idx.msk [tilespmem:v20+s18+$0x0], $0xffff;
	v20 =	vor.u32 $0x12, v14;
	[tilespmem:s14+$0x0] =	vst v2  }
0xf8: {  	s19 =	sor.u32 s9, s15;
	v2 =	vor.u32 $0x17, v17;
	[tilespmem:s5+$0x0] =	vst v25;
	v13 =	vmul.f32 v13, v60;
	v12 =	vld.idx.msk [tilespmem:v12+s18+$0x0], $0xffff  }
0xf9: {  	s15 =	sadd.s32 $0xA480, s7;
	v25 =	vor.u32 $0x3, v29;
	v23 =	vld.idx.msk [tilespmem:v23+s18+$0x0], $0xffff;
	[tilespmem:s19+$0x0] =	vst v3;
	v3 =	vmul.f32 v10, v18  }
0xfa: {  	s21 =	sor.u32 s8, s15;
	v0 =	vld.idx.msk [tilespmem:v0+s18+$0x0], $0xffff;
	v10 =	vor.u32 $0xB, v55;
	[tilespmem:s0+$0x100] =	vst v13;
	v1 =	vmul.f32 v1, v16  }
0xfb: {  	s6 =	sor.u32 s25, s6;
	v13 =	vld.idx.msk [tilespmem:v24+s18+$0x0], $0xffff;
	[tilespmem:s21+$0x0] =	vst v3;
	v3 =	vmul.f32 v22, v6;
	v22 =	vor.u32 $0x1A, v11  }
0xfc: {  	s22 =	sadd.s32 $0x9500, s17;
	v24 =	vor.u32 $0xA, v21;
	v20 =	vld.idx.msk [tilespmem:v20+s18+$0x0], $0xffff;
	v9 =	vmul.f32 v9, v59;
	[tilespmem:s6+$0x0] =	vst v1  }
0xfd: {  	s24 =	sor.u32 s10, s22;
	s11 =	sadd.s32 $0xB480, s20;
	v1 =	vor.u32 $0x11, v19;
	[tilespmem:s12+$0x100] =	vst v3;
	v2 =	vld.idx.msk [tilespmem:v2+s18+$0x0], $0xffff;
	v3 =	vmul.f32 v12, v15  }
0xfe: {  	s30 =	sor.u32 s4, s11;
	v23 =	vmul.f32 v23, v54;
	v12 =	vld.idx.msk [tilespmem:v25+s18+$0x0], $0xffff;
	v25 =	vor.u32 $0x4, v8;
	[tilespmem:s24+$0x0] =	vst v9  }
0xff: {  	s16 =	sor.u32 s23, s16;
	v0 =	vmul.f32 v0, v53;
	v9 =	vld.idx.msk [tilespmem:v10+s18+$0x0], $0xffff;
	v10 =	vor.u32 $0x13, v14;
	[tilespmem:s30+$0x0] =	vst v3  }
0x100: {  	s3 =	sor.u32 s9, s3;
	v3 =	vor.u32 $0x18, v17;
	[tilespmem:s16+$0x0] =	vst v23;
	v13 =	vmul.f32 v13, v60;
	v22 =	vld.idx.msk [tilespmem:v22+s18+$0x0], $0xffff  }
0x101: {  	s6 =	sadd.s32 $0xA500, s7;
	v23 =	vor.u32 $0x4, v29;
	v24 =	vld.idx.msk [tilespmem:v24+s18+$0x0], $0xffff;
	[tilespmem:s3+$0x0] =	vst v0;
	v0 =	vmul.f32 v20, v18  }
0x102: {  	s14 =	sor.u32 s8, s6;
	v1 =	vld.idx.msk [tilespmem:v1+s18+$0x0], $0xffff;
	[tilespmem:s0+$0x180] =	vst v13;
	v13 =	vor.u32 $0xC, v55;
	v2 =	vmul.f32 v2, v16  }
0x103: {  	s13 =	sor.u32 s25, s13;
	v20 =	vld.idx.msk [tilespmem:v25+s18+$0x0], $0xffff;
	[tilespmem:s14+$0x0] =	vst v0;
	v0 =	vmul.f32 v12, v6;
	v12 =	vor.u32 $0x1B, v11  }
0x104: {  	s19 =	sadd.s32 $0x9580, s17;
	v25 =	vor.u32 $0xB, v21;
	v10 =	vld.idx.msk [tilespmem:v10+s18+$0x0], $0xffff;
	v9 =	vmul.f32 v9, v59;
	[tilespmem:s13+$0x0] =	vst v2  }
0x105: {  	s16 =	sor.u32 s10, s19;
	s3 =	sadd.s32 $0xB500, s20;
	v2 =	vor.u32 $0x12, v19;
	[tilespmem:s12+$0x180] =	vst v0;
	v0 =	vld.idx.msk [tilespmem:v3+s18+$0x0], $0xffff;
	v3 =	vmul.f32 v22, v15  }
0x106: {  	s21 =	sor.u32 s4, s3;
	v24 =	vmul.f32 v24, v54;
	v22 =	vld.idx.msk [tilespmem:v23+s18+$0x0], $0xffff;
	v23 =	vor.u32 $0x5, v8;
	[tilespmem:s16+$0x0] =	vst v9  }
0x107: {  	s5 =	sor.u32 s23, s22;
	v1 =	vmul.f32 v1, v53;
	v9 =	vld.idx.msk [tilespmem:v13+s18+$0x0], $0xffff;
	v13 =	vor.u32 $0x14, v14;
	[tilespmem:s21+$0x0] =	vst v3  }
0x108: {  	s22 =	sor.u32 s9, s15;
	v3 =	vor.u32 $0x19, v17;
	[tilespmem:s5+$0x0] =	vst v24;
	v20 =	vmul.f32 v20, v60;
	v12 =	vld.idx.msk [tilespmem:v12+s18+$0x0], $0xffff  }
0x109: {  	s13 =	sadd.s32 $0xA580, s7;
	v24 =	vor.u32 $0x5, v29;
	v25 =	vld.idx.msk [tilespmem:v25+s18+$0x0], $0xffff;
	[tilespmem:s22+$0x0] =	vst v1;
	v1 =	vmul.f32 v10, v18  }
0x10a: {  	s24 =	sor.u32 s8, s13;
	v2 =	vld.idx.msk [tilespmem:v2+s18+$0x0], $0xffff;
	v10 =	vor.u32 $0xD, v55;
	[tilespmem:s0+$0x200] =	vst v20;
	v0 =	vmul.f32 v0, v16  }
0x10b: {  	s1 =	sor.u32 s25, s1;
	v20 =	vld.idx.msk [tilespmem:v23+s18+$0x0], $0xffff;
	[tilespmem:s24+$0x0] =	vst v1;
	v1 =	vmul.f32 v22, v6;
	v22 =	vor.u32 $0x1C, v11  }
0x10c: {  	s16 =	sadd.s32 $0x9600, s17;
	v23 =	vor.u32 $0xC, v21;
	v13 =	vld.idx.msk [tilespmem:v13+s18+$0x0], $0xffff;
	v9 =	vmul.f32 v9, v59;
	[tilespmem:s1+$0x0] =	vst v0  }
0x10d: {  	s15 =	sadd.s32 $0xB580, s20;
	s30 =	sor.u32 s10, s16;
	v0 =	vor.u32 $0x13, v19;
	[tilespmem:s12+$0x200] =	vst v1;
	v1 =	vld.idx.msk [tilespmem:v3+s18+$0x0], $0xffff;
	v3 =	vmul.f32 v12, v15  }
0x10e: {  	s5 =	sor.u32 s4, s15;
	v25 =	vmul.f32 v25, v54;
	v12 =	vld.idx.msk [tilespmem:v24+s18+$0x0], $0xffff;
	v24 =	vor.u32 $0x6, v8;
	[tilespmem:s30+$0x0] =	vst v9  }
0x10f: {  	s19 =	sor.u32 s23, s19;
	v2 =	vmul.f32 v2, v53;
	v9 =	vld.idx.msk [tilespmem:v10+s18+$0x0], $0xffff;
	v10 =	vor.u32 $0x15, v14;
	[tilespmem:s5+$0x0] =	vst v3  }
0x110: {  	s14 =	smov.u32 s20;
	s20 =	sor.u32 s9, s6;
	s21 =	simm.s32 $0x80;
	[tilespmem:s19+$0x0] =	vst v25;
	v3 =	vmul.f32 v20, v60;
	v20 =	vld.idx.msk [tilespmem:v22+s18+$0x0], $0xffff  }
0x111: {  	s6 =	sadd.s32 $0xA600, s7;
	s22 =	smov.u32 s4;
	s21 =	sand.u32 $0x60, s21;
	v22 =	vld.idx.msk [tilespmem:v23+s18+$0x0], $0xffff;
	[tilespmem:s20+$0x0] =	vst v2;
	v2 =	vmul.f32 v13, v18  }
0x112: {  	s24 =	sor.u32 s8, s6;
	s1 =	sor.u32 $0x10, s21;
	s30 =	simm.s32 $0x80;
	v0 =	vld.idx.msk [tilespmem:v0+s18+$0x0], $0xffff;
	[tilespmem:s0+$0x280] =	vst v3  }
0x113: {  	s4 =	sand.u32 $0x3FFFFF80, s30;
	s30 =	simm.s32 $0xA0;
	s20 =	simm.s32 $0xA0;
	v3 =	vor.u32 $0x1A, v17;
	v13 =	vld.idx.msk [tilespmem:v24+s18+$0x0], $0xffff;
	[tilespmem:s24+$0x0] =	vst v2  }
0x114: {  	s5 =	sor.u32 s21, s4;
	s29 =	sand.u32 $0x60, s20;
	v2 =	vor.u32 $0x6, v29;
	s24 =	sor.u32 s1, s4;
	v10 =	vld.idx.msk [tilespmem:v10+s18+$0x0], $0xffff  }
0x115: {  	v23 =	vor.u32 $0xE, v55;
	s19 =	sand.u32 $0x3FFFFF80, s30;
	v1 =	vmul.f32 v1, v16;
	s4 =	sor.u32 $0x10, s29;
	v24 =	vld [tilespmem:s24+$0x0];
	[dreg:$0x5] =	wrdreg s29  }
0x116: {  	s11 =	sor.u32 s25, s11;
	v25 =	vor.u32 $0x1D, v11;
	v12 =	vmul.f32 v12, v6;
	s20 =	sor.u32 s4, s19;
	v26 =	vld [tilespmem:s5+$0x0]  }
0x117: {  	v27 =	vor.u32 $0xD, v21;
	v9 =	vmul.f32 v9, v59;
	[tilespmem:s11+$0x0] =	vst v1;
	s11 =	sadd.s32 $0x9680, s17;
	v1 =	vld [tilespmem:s20+$0x0]  }
0x118: {  	[tilespmem:s12+$0x280] =	vst v12;
	s20 =	sadd.s32 $0xB600, s14;
	s24 =	sor.u32 s10, s11;
	v12 =	vld.idx.msk [tilespmem:v3+s18+$0x0], $0xffff;
	v3 =	vmul.f32 v20, v15;
	v20 =	vor.u32 $0x7, v8  }
0x119: {  	v28 =	vor.u32 $0x16, v14;
	s30 =	sor.u32 s22, s20;
	[tilespmem:s24+$0x0] =	vst v9;
	v9 =	vmul.f32 v22, v54;
	v2 =	vld.idx.msk [tilespmem:v2+s18+$0x0], $0xffff  }
0x11a: {  	s16 =	sor.u32 s23, s16;
	v22 =	vmov s1;
	s24 =	simm.s32 $0x1000;
	v23 =	vld.idx.msk [tilespmem:v23+s18+$0x0], $0xffff;
	v13 =	vmul.f32 v13, v60;
	[tilespmem:s30+$0x0] =	vst v3  }
0x11b: {  	s5 =	sand.u32 $0xFFFFF000, s24;
	s24 =	sadd.s32 $0xA680, s7;
	v3 =	vshll.u32 v22, $0x5;
	[tilespmem:s16+$0x0] =	vst v9;
	v22 =	vor.u32 $0x14, v19;
	v10 =	vmul.f32 v10, v18;
	v25 =	vld.idx.msk [tilespmem:v25+s18+$0x0], $0xffff  }
0x11c: {  	v30 =	vmov s21;
	s30 =	sor.u32 s8, s24;
	v3 =	vor.u32 v42, v3;
	v27 =	vld.idx.msk [tilespmem:v27+s18+$0x0], $0xffff;
	[tilespmem:s0+$0x300] =	vst v13  }
0x11d: {  	v0 =	vmul.f32 v0, v53;
	v9 =	vor.u32 s5, v3;
	[tilespmem:s30+$0x0] =	vst v10;
	v3 =	vshll.u32 v30, $0x5;
	v10 =	vld.idx.msk [tilespmem:v20+s18+$0x0], $0xffff  }
0x11e: {  	s13 =	sor.u32 s9, s13;
	v13 =	vor.u32 $0xF, v55;
	s30 =	sor.u32 s29, s19;
	v3 =	vor.u32 v42, v3;
	v20 =	vld.idx.msk [tilespmem:v28+s18+$0x0], $0xffff  }
0x11f: {  	s31 =	smov.u32 s14;
	[tilespmem:s13+$0x0] =	vst v0;
	v28 =	vor.u32 $0x1E, v11;
	v0 =	vor.u32 s5, v3;
	v3 =	vld [tilespmem:s30+$0x0];
	s30 =	sadd.s32 $0x9700, s17;
	v23 =	vmul.f32 v23, v59  }
0x120: {  	v22 =	vld.idx.msk [tilespmem:v22+s18+$0x0], $0xffff;
	s16 =	sor.u32 s10, s30;
	[dreg:$0x1e] =	wrdreg s31  }
0x121: {  	v30 =	vor.u32 $0x8, v8;
	s19 =	sadd.s32 $0xB680, s14;
	s14 =	smov.u32 s22;
	v25 =	vmul.f32 v25, v15;
	[tilespmem:s16+$0x0] =	vst v23  }
0x122: {  	v31 =	vor.u32 $0x17, v14;
	s16 =	sor.u32 s22, s19;
	v23 =	vld.idx.msk [tilespmem:v9+s18+$0x0], $0xffff;
	[dreg:$0x1f] =	wrdreg s14  }
0x123: {  	[tilespmem:s16+$0x0] =	vst v25;
	v25 =	vor.u32 $0x7, v29;
	v13 =	vld.idx.msk [tilespmem:v13+s18+$0x0], $0xffff;
	v10 =	vmul.f32 v10, v60  }
0x124: {  	v32 =	vor.u32 $0xE, v21;
	v20 =	vmul.f32 v20, v18;
	s16 =	sadd.s32 $0xA700, s7;
	v28 =	vld.idx.msk [tilespmem:v28+s18+$0x0], $0xffff  }
0x125: {  	vm12 =	veq.s32 v24, $0x0;
	v24 =	vor.u32 $0x1, v9;
	v2 =	vmul.f32 v2, v6;
	v33 =	vld.idx.msk [tilespmem:v0+s18+$0x0], $0xffff;
	s22 =	sor.u32 s8, s16;
	[tilespmem:s0+$0x380] =	vst v10  }
0x126: {  	s29 =	sshra.s32 s5, $0x2;
	[tilespmem:s22+$0x0] =	vst v20;
	v20 =	vmul.f32 v27, v54;
	v10 =	vsel vm12, $0x0, v57;
	v27 =	vld.idx.msk [tilespmem:v30+s18+$0x0], $0xffff;
	v30 =	vor.u32 $0x10, v55  }
0x127: {  	s13 =	sor.u32 s23, s11;
	s5 =	sadd.s32 $0x8400, s29;
	[tilespmem:s12+$0x300] =	vst v2;
	v2 =	vmul.f32 v10, v23;
	v23 =	vld.idx.msk [tilespmem:v31+s18+$0x0], $0xffff;
	v31 =	vor.u32 $0x1F, v11  }
0x128: {  	s0 =	sadd.s32 $0x9780, s17;
	[tilespmem:s13+$0x0] =	vst v20;
	v20 =	vor.u32 $0x15, v19;
	s13 =	sor.u32 s1, s5;
	v25 =	vld.idx.msk [tilespmem:v25+s18+$0x0], $0xffff;
	v11 =	vmul.f32 v13, v59  }
0x129: {  	s11 =	sadd.s32 $0xB700, s31;
	vm13 =	veq.s32 v26, $0x0;
	s22 =	sor.u32 s10, s0;
	v13 =	vor.u32 $0x1, v0;
	v26 =	vld.idx.msk [tilespmem:v32+s18+$0x0], $0xffff;
	[tilespmem:s13+$0x0] =	vst v2;
	v2 =	vmul.f32 v28, v15  }
0x12a: {  	v5 =	vsel vm13, $0x0, v57;
	s14 =	sor.u32 s14, s11;
	v22 =	vmul.f32 v22, v53;
	v28 =	vor.u32 $0x9, v8;
	[tilespmem:s22+$0x0] =	vst v11;
	v24 =	vld.idx.msk [tilespmem:v24+s18+$0x0], $0xffff  }
0x12b: {  	v50 =	vor.u32 $0x18, v14;
	s6 =	sor.u32 s9, s6;
	v49 =	vmul.f32 v5, v33;
	[tilespmem:s14+$0x0] =	vst v2;
	v30 =	vld.idx.msk [tilespmem:v30+s18+$0x0], $0xffff  }
0x12c: {  	s31 =	sor.u32 s21, s5;
	[tilespmem:s6+$0x0] =	vst v22;
	v22 =	vor.u32 $0x8, v29;
	s5 =	sadd.s32 $0x9400, s28;
	v27 =	vmul.f32 v27, v60;
	v2 =	vld.idx.msk [tilespmem:v31+s18+$0x0], $0xffff  }
0x12d: {  	s22 =	sadd.s32 $0xA780, s7;
	[tilespmem:s31+$0x0] =	vst v49;
	s14 =	sor.u32 s26, s5;
	v31 =	vor.u32 $0xF, v21;
	v20 =	vld.idx.msk [tilespmem:v20+s18+$0x0], $0xffff;
	v23 =	vmul.f32 v23, v18  }
0x12e: {  	[tilespmem:s14+$0x0] =	vst v27;
	v13 =	vld.idx.msk [tilespmem:v13+s18+$0x0], $0xffff;
	v27 =	vor.u32 $0x2, v9;
	v25 =	vmul.f32 v25, v6;
	s14 =	sor.u32 s8, s22  }
0x12f: {  	v26 =	vmul.f32 v26, v54;
	[tilespmem:s14+$0x0] =	vst v23;
	v23 =	vld.idx.msk [tilespmem:v28+s18+$0x0], $0xffff;
	v28 =	vor.u32 $0x11, v55  }
0x130: {  	[tilespmem:s12+$0x380] =	vst v25;
	v25 =	vor.u32 $0x16, v19;
	s12 =	sor.u32 s23, s30;
	v24 =	vmul.f32 v24, v10;
	v51 =	vld.idx.msk [tilespmem:v50+s18+$0x0], $0xffff  }
0x131: {  	s30 =	sadd.s32 $0xA400, s17;
	[tilespmem:s12+$0x0] =	vst v26;
	v26 =	vor.u32 $0x2, v0;
	v22 =	vld.idx.msk [tilespmem:v22+s18+$0x0], $0xffff;
	v30 =	vmul.f32 v30, v59  }
0x132: {  	s14 =	sor.u32 s10, s30;
	[tilespmem:s13+$0x80] =	vst v24;
	v24 =	vld.idx.msk [tilespmem:v31+s18+$0x0], $0xffff;
	v31 =	vor.u32 $0xA, v8;
	v20 =	vmul.f32 v20, v53  }
0x133: {  	s12 =	sor.u32 s9, s24;
	[tilespmem:s14+$0x0] =	vst v30;
	v27 =	vld.idx.msk [tilespmem:v27+s18+$0x0], $0xffff;
	v13 =	vmul.f32 v13, v5;
	v30 =	vor.u32 $0x19, v14  }
0x134: {  	s6 =	sadd.s32 $0x9480, s28;
	[tilespmem:s12+$0x0] =	vst v20;
	v20 =	vor.u32 $0x9, v29;
	v28 =	vld.idx.msk [tilespmem:v28+s18+$0x0], $0xffff;
	v23 =	vmul.f32 v23, v60  }
0x135: {  	v52 =	vor.u32 $0x10, v21;
	s14 =	sor.u32 s26, s6;
	s12 =	sadd.s32 $0xB400, s7;
	[tilespmem:s31+$0x80] =	vst v13;
	v13 =	vld.idx.msk [tilespmem:v25+s18+$0x0], $0xffff;
	v25 =	vmul.f32 v51, v18  }
0x136: {  	[tilespmem:s14+$0x0] =	vst v23;
	v23 =	vld.idx.msk [tilespmem:v26+s18+$0x0], $0xffff;
	v26 =	vor.u32 $0x3, v9;
	v22 =	vmul.f32 v22, v6;
	s14 =	sor.u32 s8, s12  }
0x137: {  	s5 =	sor.u32 s2, s5;
	[tilespmem:s14+$0x0] =	vst v25;
	v25 =	vld.idx.msk [tilespmem:v31+s18+$0x0], $0xffff;
	v24 =	vmul.f32 v24, v54;
	v31 =	vor.u32 $0x12, v55  }
0x138: {  	s0 =	sor.u32 s23, s0;
	[tilespmem:s5+$0x0] =	vst v22;
	v22 =	vor.u32 $0x1B, v17;
	v27 =	vmul.f32 v27, v10;
	v30 =	vld.idx.msk [tilespmem:v30+s18+$0x0], $0xffff  }
0x139: {  	s24 =	sadd.s32 $0xA480, s17;
	[tilespmem:s0+$0x0] =	vst v24;
	v24 =	vor.u32 $0x17, v19;
	v20 =	vld.idx.msk [tilespmem:v20+s18+$0x0], $0xffff;
	v28 =	vmul.f32 v28, v59  }
0x13a: {  	v12 =	vmul.f32 v12, v16;
	v56 =	vor.u32 $0x3, v0;
	s14 =	sor.u32 s10, s24;
	[tilespmem:s13+$0x100] =	vst v27;
	v27 =	vld.idx.msk [tilespmem:v52+s18+$0x0], $0xffff  }
0x13b: {  	s5 =	sor.u32 s25, s3;
	v13 =	vmul.f32 v13, v53;
	[tilespmem:s14+$0x0] =	vst v28;
	v26 =	vld.idx.msk [tilespmem:v26+s18+$0x0], $0xffff;
	v28 =	vor.u32 $0xB, v8  }
0x13c: {  	[tilespmem:s5+$0x0] =	vst v12;
	s14 =	sor.u32 s9, s16;
	v12 =	vmul.f32 v23, v5;
	v23 =	vld.idx.msk [tilespmem:v31+s18+$0x0], $0xffff;
	v31 =	vor.u32 $0x1A, v14  }
0x13d: {  	s5 =	sadd.s32 $0x9500, s28;
	[tilespmem:s14+$0x0] =	vst v13;
	v13 =	vor.u32 $0xA, v29;
	v25 =	vmul.f32 v25, v60;
	v22 =	vld.idx.msk [tilespmem:v22+s18+$0x0], $0xffff  }
0x13e: {  	v58 =	vor.u32 $0x11, v21;
	s3 =	sadd.s32 $0xB480, s7;
	s16 =	sor.u32 s26, s5;
	[tilespmem:s31+$0x100] =	vst v12;
	v12 =	vld.idx.msk [tilespmem:v24+s18+$0x0], $0xffff;
	v24 =	vmul.f32 v30, v18  }
0x13f: {  	s14 =	sor.u32 s8, s3;
	[tilespmem:s16+$0x0] =	vst v25;
	v25 =	vld.idx.msk [tilespmem:v56+s18+$0x0], $0xffff;
	v30 =	vor.u32 $0x4, v9;
	v20 =	vmul.f32 v20, v6  }
0x140: {  	s16 =	sor.u32 s2, s6;
	v27 =	vmul.f32 v27, v54;
	[tilespmem:s14+$0x0] =	vst v24;
	v24 =	vld.idx.msk [tilespmem:v28+s18+$0x0], $0xffff;
	v28 =	vor.u32 $0x13, v55  }
0x141: {  	s6 =	sor.u32 s23, s30;
	[tilespmem:s16+$0x0] =	vst v20;
	v20 =	vor.u32 $0x1C, v17;
	v26 =	vmul.f32 v26, v10;
	v31 =	vld.idx.msk [tilespmem:v31+s18+$0x0], $0xffff  }
0x142: {  	s0 =	sadd.s32 $0xA500, s17;
	[tilespmem:s6+$0x0] =	vst v27;
	v27 =	vor.u32 $0x18, v19;
	v13 =	vld.idx.msk [tilespmem:v13+s18+$0x0], $0xffff;
	v23 =	vmul.f32 v23, v59  }
0x143: {  	v61 =	vor.u32 $0x4, v0;
	s14 =	sor.u32 s10, s0;
	[tilespmem:s13+$0x180] =	vst v26;
	v26 =	vld.idx.msk [tilespmem:v58+s18+$0x0], $0xffff;
	v22 =	vmul.f32 v22, v16  }
0x144: {  	s16 =	sor.u32 s25, s15;
	[tilespmem:s14+$0x0] =	vst v23;
	v23 =	vld.idx.msk [tilespmem:v30+s18+$0x0], $0xffff;
	v30 =	vor.u32 $0xC, v8;
	v12 =	vmul.f32 v12, v53  }
0x145: {  	s22 =	sor.u32 s9, s22;
	[tilespmem:s16+$0x0] =	vst v22;
	v22 =	vmul.f32 v25, v5;
	v25 =	vld.idx.msk [tilespmem:v28+s18+$0x0], $0xffff;
	v28 =	vor.u32 $0x1B, v14  }
0x146: {  	s6 =	sadd.s32 $0x9580, s28;
	[tilespmem:s22+$0x0] =	vst v12;
	v12 =	vor.u32 $0xB, v29;
	v24 =	vmul.f32 v24, v60;
	v20 =	vld.idx.msk [tilespmem:v20+s18+$0x0], $0xffff  }
0x147: {  	v62 =	vor.u32 $0x12, v21;
	s30 =	sor.u32 s26, s6;
	s22 =	sadd.s32 $0xB500, s7;
	[tilespmem:s31+$0x180] =	vst v22;
	v22 =	vld.idx.msk [tilespmem:v27+s18+$0x0], $0xffff;
	v27 =	vmul.f32 v31, v18  }
0x148: {  	v31 =	vor.u32 $0x5, v9;
	v13 =	vmul.f32 v13, v6;
	s14 =	sor.u32 s8, s22;
	[tilespmem:s30+$0x0] =	vst v24;
	v24 =	vld.idx.msk [tilespmem:v61+s18+$0x0], $0xffff  }
0x149: {  	s5 =	sor.u32 s2, s5;
	v26 =	vmul.f32 v26, v54;
	[tilespmem:s14+$0x0] =	vst v27;
	v27 =	vld.idx.msk [tilespmem:v30+s18+$0x0], $0xffff;
	v30 =	vor.u32 $0x14, v55  }
0x14a: {  	s16 =	sor.u32 s23, s24;
	[tilespmem:s5+$0x0] =	vst v13;
	v13 =	vor.u32 $0x1D, v17;
	v23 =	vmul.f32 v23, v10;
	v28 =	vld.idx.msk [tilespmem:v28+s18+$0x0], $0xffff  }
0x14b: {  	s15 =	sadd.s32 $0xA580, s17;
	[tilespmem:s16+$0x0] =	vst v26;
	v26 =	vor.u32 $0x19, v19;
	v12 =	vld.idx.msk [tilespmem:v12+s18+$0x0], $0xffff;
	v25 =	vmul.f32 v25, v59  }
0x14c: {  	s24 =	sor.u32 s10, s15;
	[tilespmem:s13+$0x200] =	vst v23;
	v23 =	vld.idx.msk [tilespmem:v62+s18+$0x0], $0xffff;
	v20 =	vmul.f32 v20, v16  }
0x14d: {  	v63 =	vor.u32 $0x5, v0;
	s30 =	sor.u32 s25, s20;
	v22 =	vmul.f32 v22, v53;
	[tilespmem:s24+$0x0] =	vst v25;
	v25 =	vld.idx.msk [tilespmem:v31+s18+$0x0], $0xffff  }
0x14e: {  	s12 =	sor.u32 s9, s12;
	v31 =	vor.u32 $0xD, v8;
	[tilespmem:s30+$0x0] =	vst v20;
	v20 =	vmul.f32 v24, v5;
	v24 =	vld.idx.msk [tilespmem:v30+s18+$0x0], $0xffff  }
0x14f: {  	s20 =	sadd.s32 $0x9600, s28;
	v30 =	vor.u32 $0x1C, v14;
	[tilespmem:s12+$0x0] =	vst v22;
	v27 =	vmul.f32 v27, v60;
	v13 =	vld.idx.msk [tilespmem:v13+s18+$0x0], $0xffff  }
0x150: {  	s14 =	sor.u32 s26, s20;
	s24 =	sadd.s32 $0xB580, s7;
	v22 =	vor.u32 $0xC, v29;
	[tilespmem:s31+$0x200] =	vst v20;
	v20 =	vld.idx.msk [tilespmem:v26+s18+$0x0], $0xffff;
	v26 =	vmul.f32 v28, v18  }
0x151: {  	s16 =	sor.u32 s8, s24;
	v28 =	vor.u32 $0x6, v9;
	[tilespmem:s14+$0x0] =	vst v27;
	v12 =	vmul.f32 v12, v6  }
0x152: {  	v36 =	vor.u32 $0x15, v55;
	s30 =	sor.u32 s2, s6;
	v27 =	vld.idx.msk [tilespmem:v63+s18+$0x0], $0xffff;
	v23 =	vmul.f32 v23, v54;
	[tilespmem:s16+$0x0] =	vst v26  }
0x153: {  	s0 =	sor.u32 s23, s0;
	v26 =	vor.u32 $0x13, v21;
	v31 =	vld.idx.msk [tilespmem:v31+s18+$0x0], $0xffff;
	v25 =	vmul.f32 v25, v10;
	[tilespmem:s30+$0x0] =	vst v12  }
0x154: {  	v12 =	vor.u32 $0x1E, v17;
	s16 =	sadd.s32 $0xA600, s17;
	[tilespmem:s0+$0x0] =	vst v23;
	v30 =	vld.idx.msk [tilespmem:v30+s18+$0x0], $0xffff;
	v24 =	vmul.f32 v24, v59  }
0x155: {  	v34 =	vld.idx.msk [tilespmem:v22+s18+$0x0], $0xffff;
	s6 =	sor.u32 s10, s16;
	v13 =	vmul.f32 v13, v16;
	[tilespmem:s13+$0x280] =	vst v25  }
0x156: {  	v37 =	vor.u32 $0x1A, v19;
	s12 =	sor.u32 s25, s19;
	v20 =	vmul.f32 v20, v53;
	[tilespmem:s6+$0x0] =	vst v24;
	v24 =	vld.idx.msk [tilespmem:v28+s18+$0x0], $0xffff  }
0x157: {  	s14 =	sor.u32 s9, s3;
	v25 =	vor.u32 $0xE, v8;
	[tilespmem:s12+$0x0] =	vst v13;
	v23 =	vld.idx.msk [tilespmem:v36+s18+$0x0], $0xffff  }
0x158: {  	s30 =	sadd.s32 $0xB600, s7;
	v28 =	vor.u32 $0x1D, v14;
	v27 =	vmul.f32 v27, v5;
	[tilespmem:s14+$0x0] =	vst v20;
	v26 =	vld.idx.msk [tilespmem:v26+s18+$0x0], $0xffff  }
0x159: {  	s3 =	sadd.s32 $0x9680, s28;
	v13 =	vor.u32 $0x6, v0;
	v31 =	vmul.f32 v31, v60;
	v22 =	vld.idx.msk [tilespmem:v12+s18+$0x0], $0xffff;
	[smem:$0x7FC] =	sst s30  }
0x15a: {  	s19 =	sor.u32 s26, s3;
	v12 =	vmul.f32 v30, v18;
	v30 =	vor.u32 $0x7, v9;
	[tilespmem:s31+$0x280] =	vst v27  }
0x15b: {  	v38 =	vor.u32 $0x16, v55;
	s6 =	sor.u32 s8, s30;
	s12 =	simm.s32 $0x1400;
	v20 =	vld.idx.msk [tilespmem:v37+s18+$0x0], $0xffff;
	[tilespmem:s19+$0x0] =	vst v31;
	v31 =	vmov s4  }
0x15c: {  	s0 =	sand.u32 $0xFFFFF000, s12;
	[tilespmem:s6+$0x0] =	vst v12;
	v12 =	vor.u32 $0xD, v29;
	v25 =	vld.idx.msk [tilespmem:v25+s18+$0x0], $0xffff;
	v31 =	vshll.u32 v31, $0x5;
	v24 =	vmul.f32 v24, v10  }
0x15d: {  	v39 =	vor.u32 $0x14, v21;
	s30 =	sadd.s32 $0xA680, s17;
	s19 =	smov.u32 s4;
	v27 =	vld.idx.msk [tilespmem:v28+s18+$0x0], $0xffff;
	v28 =	vor.u32 v42, v31;
	v23 =	vmul.f32 v23, v59;
	s4 =	rddreg [dreg:$0x5]  }
0x15e: {  	v34 =	vmul.f32 v34, v6;
	s14 =	sor.u32 s10, s30;
	v35 =	vld.idx.msk [tilespmem:v13+s18+$0x0], $0xffff;
	v31 =	vmov s4;
	v13 =	vor.u32 s0, v28;
	[tilespmem:s13+$0x300] =	vst v24  }
0x15f: {  	s6 =	sor.u32 s2, s20;
	v24 =	vmul.f32 v26, v54;
	v28 =	vor.u32 $0xF, v8;
	[tilespmem:s14+$0x0] =	vst v23;
	v23 =	vshll.u32 v31, $0x5;
	v26 =	vld.idx.msk [tilespmem:v30+s18+$0x0], $0xffff  }
0x160: {  	v40 =	vor.u32 $0x1E, v14;
	s12 =	sor.u32 s23, s15;
	[tilespmem:s6+$0x0] =	vst v34;
	v23 =	vor.u32 v42, v23;
	v31 =	vld.idx.msk [tilespmem:v38+s18+$0x0], $0xffff  }
0x161: {  	s5 =	sadd.s32 $0x9700, s28;
	s20 =	sadd.s32 $0xB680, s7;
	[tilespmem:s12+$0x0] =	vst v24;
	v12 =	vld.idx.msk [tilespmem:v12+s18+$0x0], $0xffff;
	v30 =	vor.u32 s0, v23;
	v23 =	vmul.f32 v25, v60  }
0x162: {  	s14 =	sor.u32 s26, s5;
	v24 =	vld.idx.msk [tilespmem:v39+s18+$0x0], $0xffff;
	[smem:$0x7FD] =	sst s20;
	v25 =	vmul.f32 v27, v18  }
0x163: {  	s12 =	sor.u32 s8, s20;
	v27 =	vor.u32 $0x8, v9;
	[tilespmem:s14+$0x0] =	vst v23;
	v23 =	vld.idx.msk [tilespmem:v13+s18+$0x0], $0xffff  }
0x164: {  	v41 =	vor.u32 $0x17, v55;
	[tilespmem:s12+$0x0] =	vst v25;
	v28 =	vld.idx.msk [tilespmem:v28+s18+$0x0], $0xffff;
	v26 =	vmul.f32 v26, v10  }
0x165: {  	v25 =	vor.u32 $0x7, v0;
	s12 =	sadd.s32 $0xA700, s17;
	v32 =	vld.idx.msk [tilespmem:v40+s18+$0x0], $0xffff;
	v31 =	vmul.f32 v31, v59  }
0x166: {  	v43 =	vor.u32 $0xE, v29;
	vm14 =	veq.s32 v1, $0x0;
	s14 =	sor.u32 s10, s12;
	[tilespmem:s13+$0x380] =	vst v26;
	v26 =	vmul.f32 v35, v5  }
0x167: {  	s15 =	smov.u32 s17;
	v1 =	vor.u32 $0x1, v13;
	s17 =	sshra.s32 s0, $0x2;
	v44 =	vld.idx.msk [tilespmem:v30+s18+$0x0], $0xffff;
	[tilespmem:s14+$0x0] =	vst v31;
	v31 =	vmul.f32 v12, v6;
	v12 =	vsel vm14, $0x0, v57  }
0x168: {  	v36 =	vor.u32 $0x10, v8;
	s6 =	sadd.s32 $0x9780, s28;
	s20 =	sor.u32 s2, s3;
	s13 =	sadd.s32 $0x8400, s17;
	v27 =	vld.idx.msk [tilespmem:v27+s18+$0x0], $0xffff;
	[tilespmem:s31+$0x300] =	vst v26;
	v23 =	vmul.f32 v12, v23  }
0x169: {  	v45 =	vor.u32 $0x1F, v14;
	s14 =	smov.u32 s17;
	s17 =	smov.u32 s19;
	s19 =	sor.u32 s19, s13;
	v26 =	vld.idx.msk [tilespmem:v41+s18+$0x0], $0xffff;
	[tilespmem:s20+$0x0] =	vst v31;
	v31 =	vor.u32 $0x15, v21;
	v14 =	vmul.f32 v28, v60  }
0x16a: {  	vm15 =	veq.s32 v3, $0x0;
	s3 =	sor.u32 s26, s6;
	v25 =	vld.idx.msk [tilespmem:v25+s18+$0x0], $0xffff;
	v28 =	vor.u32 $0x1, v30;
	s20 =	sadd.s32 $0xB700, s7;
	[tilespmem:s19+$0x0] =	vst v23;
	v3 =	vmul.f32 v32, v18  }
0x16b: {  	v46 =	vor.u32 $0x9, v9;
	v24 =	vmul.f32 v24, v54;
	v23 =	vld.idx.msk [tilespmem:v43+s18+$0x0], $0xffff;
	[tilespmem:s3+$0x0] =	vst v14;
	v14 =	vsel vm15, $0x0, v57;
	s3 =	sor.u32 s8, s20  }
0x16c: {  	v49 =	vor.u32 $0x18, v55;
	v1 =	vld.idx.msk [tilespmem:v1+s18+$0x0], $0xffff;
	[tilespmem:s3+$0x0] =	vst v3;
	s3 =	sor.u32 s23, s16;
	v47 =	vmul.f32 v14, v44  }
0x16d: {  	s13 =	sor.u32 s4, s13;
	v48 =	vld.idx.msk [tilespmem:v36+s18+$0x0], $0xffff;
	v27 =	vmul.f32 v27, v10;
	[tilespmem:s3+$0x0] =	vst v24;
	v24 =	vor.u32 $0x8, v0;
	s3 =	sadd.s32 $0x9400, s29  }
0x16e: {  	v50 =	vor.u32 $0xF, v29;
	s16 =	sadd.s32 $0xA780, s15;
	v26 =	vmul.f32 v26, v59;
	[tilespmem:s13+$0x0] =	vst v47;
	v31 =	vld.idx.msk [tilespmem:v31+s18+$0x0], $0xffff;
	s4 =	sor.u32 s1, s3  }
0x16f: {  	v25 =	vmul.f32 v25, v5;
	[tilespmem:s4+$0x0] =	vst v27;
	v27 =	vld.idx.msk [tilespmem:v28+s18+$0x0], $0xffff;
	v28 =	vor.u32 $0x2, v13;
	s4 =	sor.u32 s10, s16  }
0x170: {  	v51 =	vor.u32 $0x11, v8;
	v23 =	vmul.f32 v23, v6;
	[tilespmem:s4+$0x0] =	vst v26;
	v26 =	vld.idx.msk [tilespmem:v46+s18+$0x0], $0xffff  }
0x171: {  	s5 =	sor.u32 s2, s5;
	[tilespmem:s31+$0x380] =	vst v25;
	v25 =	vor.u32 $0x1F, v17;
	v1 =	vmul.f32 v1, v12;
	v52 =	vld.idx.msk [tilespmem:v49+s18+$0x0], $0xffff  }
0x172: {  	s31 =	sadd.s32 $0xA400, s28;
	[tilespmem:s5+$0x0] =	vst v23;
	v23 =	vor.u32 $0x16, v21;
	v17 =	vmul.f32 v48, v60;
	v24 =	vld.idx.msk [tilespmem:v24+s18+$0x0], $0xffff  }
0x173: {  	v22 =	vmul.f32 v22, v16;
	s4 =	sor.u32 s26, s31;
	[tilespmem:s19+$0x80] =	vst v1;
	v1 =	vld.idx.msk [tilespmem:v50+s18+$0x0], $0xffff  }
0x174: {  	s5 =	sor.u32 s25, s11;
	[tilespmem:s4+$0x0] =	vst v17;
	v31 =	vmul.f32 v31, v54;
	v28 =	vld.idx.msk [tilespmem:v28+s18+$0x0], $0xffff  }
0x175: {  	v33 =	vor.u32 $0x1E, v19;
	v56 =	vor.u32 $0x2, v30;
	s11 =	sor.u32 s23, s30;
	[tilespmem:s5+$0x0] =	vst v22;
	v27 =	vmul.f32 v27, v14;
	v32 =	vld.idx.msk [tilespmem:v51+s18+$0x0], $0xffff  }
0x176: {  	v63 =	vor.u32 $0x1F, v19;
	v38 =	vor.u32 $0xA, v9;
	[tilespmem:s11+$0x0] =	vst v31;
	v26 =	vmul.f32 v26, v10;
	v22 =	vld.idx.msk [tilespmem:v25+s18+$0x0], $0xffff;
	s11 =	sadd.s32 $0x9480, s29  }
0x177: {  	v37 =	vor.u32 $0x1C, v19;
	v39 =	vor.u32 $0x19, v55;
	s5 =	sadd.s32 $0xB400, s15;
	[tilespmem:s13+$0x80] =	vst v27;
	v25 =	vld.idx.msk [tilespmem:v23+s18+$0x0], $0xffff;
	v23 =	vmul.f32 v52, v59;
	s30 =	sor.u32 s1, s11  }
0x178: {  	v20 =	vmul.f32 v20, v53;
	v35 =	vor.u32 $0x1B, v19;
	s4 =	sor.u32 s10, s5;
	v31 =	vor.u32 $0x9, v0;
	[tilespmem:s30+$0x0] =	vst v26  }
0x179: {  	v3 =	vld.idx.msk [tilespmem:v45+s18+$0x0], $0xffff;
	v17 =	vor.u32 $0x1D, v19;
	v19 =	vor.u32 $0x10, v29;
	v24 =	vmul.f32 v24, v5;
	s30 =	sor.u32 s21, s3;
	s3 =	sor.u32 s2, s6;
	s6 =	sor.u32 s9, s22;
	[tilespmem:s4+$0x0] =	vst v23  }
0x17a: {  	v58 =	vor.u32 $0x3, v13;
	v27 =	vld.idx.msk [tilespmem:v56+s18+$0x0], $0xffff;
	v1 =	vmul.f32 v1, v6;
	[tilespmem:s6+$0x0] =	vst v20  }
0x17b: {  	v38 =	vld.idx.msk [tilespmem:v38+s18+$0x0], $0xffff;
	[tilespmem:s30+$0x0] =	vst v24;
	v24 =	vmul.f32 v28, v12  }
0x17c: {  	s0 =	sadd.s32 $0xA480, s28;
	v40 =	vor.u32 $0x12, v8;
	v39 =	vld.idx.msk [tilespmem:v39+s18+$0x0], $0xffff;
	[tilespmem:s3+$0x0] =	vst v1;
	v28 =	vmul.f32 v32, v60  }
0x17d: {  	v26 =	vor.u32 $0x17, v21;
	s4 =	sor.u32 s26, s0;
	v1 =	vld.idx.msk [tilespmem:v31+s18+$0x0], $0xffff;
	[tilespmem:s19+$0x100] =	vst v24  }
0x17e: {  	v4 =	vor.u32 $0x1F, v21;
	v7 =	vor.u32 $0x1E, v21;
	v19 =	vld.idx.msk [tilespmem:v19+s18+$0x0], $0xffff;
	[tilespmem:s4+$0x0] =	vst v28;
	v25 =	vmul.f32 v25, v54  }
0x17f: {  	v61 =	vor.u32 $0x1B, v21;
	s12 =	sor.u32 s23, s12;
	v43 =	vor.u32 $0x1D, v21;
	v24 =	vld.idx.msk [tilespmem:v58+s18+$0x0], $0xffff;
	[tilespmem:$0x1FDC0] =	vst v4;
	v20 =	vmul.f32 v27, v14  }
0x180: {  	v36 =	vor.u32 $0x18, v21;
	s3 =	sadd.s32 $0x9500, s29;
	v31 =	vor.u32 $0x3, v30;
	[tilespmem:s12+$0x0] =	vst v25;
	v38 =	vmul.f32 v38, v10  }
0x181: {  	v45 =	vor.u32 $0x1C, v21;
	v49 =	vor.u32 $0x1A, v21;
	v23 =	vor.u32 $0x19, v21;
	s22 =	sor.u32 s1, s3;
	v21 =	vld.idx.msk [tilespmem:v40+s18+$0x0], $0xffff;
	[tilespmem:s13+$0x100] =	vst v20  }
0x182: {  	v52 =	vor.u32 $0xB, v9;
	s30 =	sadd.s32 $0xB480, s15;
	v4 =	vor.u32 $0x14, v29;
	v20 =	vld.idx.msk [tilespmem:v26+s18+$0x0], $0xffff;
	v26 =	vmul.f32 v39, v59;
	[tilespmem:s22+$0x0] =	vst v38  }
0x183: {  	s4 =	sor.u32 s10, s30;
	v35 =	vld.idx.msk [tilespmem:v35+s18+$0x0], $0xffff;
	[tilespmem:$0x1FDD0] =	vst v4  }
0x184: {  	v1 =	vmul.f32 v1, v5;
	v4 =	vor.u32 $0x15, v29;
	[tilespmem:s4+$0x0] =	vst v26  }
0x185: {  	s11 =	sor.u32 s21, s11;
	v27 =	vor.u32 $0x1A, v55;
	v31 =	vld.idx.msk [tilespmem:v31+s18+$0x0], $0xffff;
	[tilespmem:$0x1FDE0] =	vst v4  }
0x186: {  	v56 =	vor.u32 $0xA, v0;
	[tilespmem:s11+$0x0] =	vst v1;
	v1 =	vor.u32 $0x16, v29  }
0x187: {  	v25 =	vor.u32 $0x11, v29;
	v19 =	vmul.f32 v19, v6;
	v26 =	vld.idx.msk [tilespmem:v52+s18+$0x0], $0xffff;
	[tilespmem:$0x1FDF0] =	vst v1;
	v1 =	vor.u32 $0x17, v29  }
0x188: {  	v58 =	vor.u32 $0x4, v13;
	s12 =	sor.u32 s2, s31;
	[tilespmem:$0x1FE00] =	vst v1  }
0x189: {  	v39 =	vor.u32 $0x13, v8;
	v4 =	vor.u32 $0x18, v29;
	v1 =	vmul.f32 v24, v12;
	[tilespmem:s12+$0x0] =	vst v19  }
0x18a: {  	v21 =	vmul.f32 v21, v60;
	s11 =	sadd.s32 $0xA500, s28;
	v24 =	vld.idx.msk [tilespmem:v27+s18+$0x0], $0xffff;
	[tilespmem:$0x1FE10] =	vst v4  }
0x18b: {  	v20 =	vmul.f32 v20, v54;
	s22 =	sor.u32 s26, s11;
	v19 =	vld.idx.msk [tilespmem:v56+s18+$0x0], $0xffff;
	[tilespmem:s19+$0x180] =	vst v1  }
0x18c: {  	s4 =	sor.u32 s23, s16;
	v1 =	vld.idx.msk [tilespmem:v25+s18+$0x0], $0xffff;
	v25 =	vmul.f32 v35, v53;
	[tilespmem:s22+$0x0] =	vst v21  }
0x18d: {  	v62 =	vor.u32 $0x1B, v29;
	s24 =	sor.u32 s9, s24;
	v41 =	vor.u32 $0xC, v9;
	[tilespmem:s4+$0x0] =	vst v20;
	v21 =	vld.idx.msk [tilespmem:v58+s18+$0x0], $0xffff  }
0x18e: {  	v27 =	vor.u32 $0x4, v30;
	v4 =	vor.u32 $0x1F, v29;
	[tilespmem:s24+$0x0] =	vst v25;
	v25 =	vmul.f32 v31, v14;
	v31 =	vld.idx.msk [tilespmem:v39+s18+$0x0], $0xffff  }
0x18f: {  	v44 =	vor.u32 $0x1E, v29;
	v46 =	vor.u32 $0x1D, v29;
	v26 =	vmul.f32 v26, v10;
	s24 =	sadd.s32 $0x9580, s29;
	v56 =	vld.idx.msk [tilespmem:v37+s18+$0x0], $0xffff;
	[tilespmem:$0x1FE20] =	vst v4  }
0x190: {  	v48 =	vor.u32 $0x1C, v29;
	v50 =	vor.u32 $0x1A, v29;
	s16 =	sadd.s32 $0xB500, s15;
	v24 =	vmul.f32 v24, v59;
	s12 =	sor.u32 s1, s24;
	[tilespmem:s13+$0x180] =	vst v25  }
0x191: {  	v51 =	vor.u32 $0x1B, v55;
	v28 =	vor.u32 $0x13, v29;
	v40 =	vor.u32 $0x12, v29;
	s22 =	sor.u32 s10, s16;
	[tilespmem:s12+$0x0] =	vst v26  }
0x192: {  	v52 =	vor.u32 $0x19, v29;
	v4 =	vor.u32 $0xD, v0;
	v25 =	vld.idx.msk [tilespmem:v36+s18+$0x0], $0xffff;
	v29 =	vmul.f32 v19, v5;
	[tilespmem:s22+$0x0] =	vst v24  }
0x193: {  	s3 =	sor.u32 s21, s3;
	v26 =	vld.idx.msk [tilespmem:v27+s18+$0x0], $0xffff;
	[tilespmem:$0x1FE30] =	vst v4  }
0x194: {  	v20 =	vor.u32 $0xB, v0;
	v58 =	vmul.f32 v1, v6;
	v1 =	vor.u32 $0xF, v0;
	[tilespmem:s3+$0x0] =	vst v29  }
0x195: {  	s0 =	sor.u32 s2, s0;
	v24 =	vld.idx.msk [tilespmem:v41+s18+$0x0], $0xffff;
	[tilespmem:$0x1FE40] =	vst v1  }
0x196: {  	v1 =	vor.u32 $0x10, v0;
	[tilespmem:s0+$0x0] =	vst v58  }
0x197: {  	v29 =	vld.idx.msk [tilespmem:v51+s18+$0x0], $0xffff;
	[tilespmem:$0x1FE50] =	vst v1;
	v1 =	vor.u32 $0x11, v0  }
0x198: {  	[tilespmem:$0x1FE60] =	vst v1;
	v1 =	vor.u32 $0x12, v0  }
0x199: {  	v21 =	vmul.f32 v21, v12;
	v20 =	vld.idx.msk [tilespmem:v20+s18+$0x0], $0xffff;
	[tilespmem:$0x1FE70] =	vst v1;
	v1 =	vor.u32 $0x13, v0  }
0x19a: {  	s22 =	sadd.s32 $0xA580, s28;
	v31 =	vmul.f32 v31, v60;
	[tilespmem:$0x1FE80] =	vst v1  }
0x19b: {  	s4 =	sor.u32 s26, s22;
	[tilespmem:s19+$0x200] =	vst v21  }
0x19c: {  	[tilespmem:s4+$0x0] =	vst v31  }
0x19d: {  	v27 =	vor.u32 $0x5, v13;
	s0 =	sld [smem:$0x7FC]  }
0x19e: {  	v1 =	vor.u32 $0x14, v0  }
0x19f: {  	v41 =	vor.u32 $0x14, v8;
	v47 =	vmul.f32 v56, v53;
	v21 =	vld.idx.msk [tilespmem:v40+s18+$0x0], $0xffff;
	[tilespmem:$0x1FE90] =	vst v1;
	v1 =	vor.u32 $0x15, v0  }
0x1a0: {  	[tilespmem:$0x1FEA0] =	vst v1;
	s0 =	sor.u32 s9, s0  }
0x1a1: {  	v1 =	vor.u32 $0x16, v0;
	[tilespmem:s0+$0x0] =	vst v47  }
0x1a2: {  	v27 =	vld.idx.msk [tilespmem:v27+s18+$0x0], $0xffff;
	[tilespmem:$0x1FEB0] =	vst v1;
	v1 =	vor.u32 $0x17, v0  }
0x1a3: {  	v25 =	vmul.f32 v25, v54;
	[tilespmem:$0x1FEC0] =	vst v1;
	v1 =	vor.u32 $0x18, v0  }
0x1a4: {  	s5 =	sor.u32 s23, s5;
	v31 =	vld.idx.msk [tilespmem:v41+s18+$0x0], $0xffff;
	[tilespmem:$0x1FED0] =	vst v1  }
0x1a5: {  	v1 =	vor.u32 $0x19, v0;
	[tilespmem:s5+$0x0] =	vst v25  }
0x1a6: {  	[tilespmem:$0x1FEE0] =	vst v1  }
0x1a7: {  	v2 =	vmul.f32 v2, v15;
	v15 =	vmul.f32 v3, v18;
	s5 =	sadd.s32 $0xB780, s7;
	v1 =	vor.u32 $0x1B, v0;
	s0 =	rddreg [dreg:$0x1e];
	v3 =	vld.idx.msk [tilespmem:v17+s18+$0x0], $0xffff  }
0x1a8: {  	v11 =	vor.u32 $0xE, v0;
	v36 =	vor.u32 $0xC, v0;
	v19 =	vor.u32 $0x1A, v0;
	s3 =	rddreg [dreg:$0x1f];
	s6 =	sor.u32 s8, s5;
	v17 =	vld.idx.msk [tilespmem:v23+s18+$0x0], $0xffff;
	[tilespmem:$0x1FEF0] =	vst v1;
	s0 =	sadd.s32 $0xB780, s0  }
0x1a9: {  	v56 =	vmul.f32 v22, v16;
	v22 =	vor.u32 $0x1D, v0;
	v58 =	vor.u32 $0x1F, v0;
	s3 =	sor.u32 s3, s0;
	[tilespmem:s6+$0x0] =	vst v15  }
0x1aa: {  	v16 =	vmul.f32 v26, v14;
	v47 =	vor.u32 $0x1E, v0;
	v1 =	vor.u32 $0xA, v30;
	[tilespmem:s3+$0x0] =	vst v2  }
0x1ab: {  	v23 =	vor.u32 $0x1C, v0;
	v0 =	vmul.f32 v20, v5;
	v20 =	vor.u32 $0x5, v30;
	[tilespmem:$0x1FF00] =	vst v1  }
0x1ac: {  	v1 =	vor.u32 $0xB, v30;
	[tilespmem:s13+$0x200] =	vst v16  }
0x1ad: {  	v18 =	vmul.f32 v24, v10;
	s3 =	sadd.s32 $0x9600, s29;
	[tilespmem:$0x1FF10] =	vst v1;
	v1 =	vor.u32 $0xC, v30  }
0x1ae: {  	s7 =	sor.u32 s1, s3;
	v38 =	vmul.f32 v17, v54;
	v17 =	vor.u32 $0xD, v9;
	[tilespmem:$0x1FF20] =	vst v1  }
0x1af: {  	v1 =	vor.u32 $0xE, v30;
	[tilespmem:s7+$0x0] =	vst v18  }
0x1b0: {  	v29 =	vmul.f32 v29, v59;
	s8 =	sadd.s32 $0xB580, s15;
	v18 =	vld.idx.msk [tilespmem:v20+s18+$0x0], $0xffff;
	[tilespmem:$0x1FF30] =	vst v1;
	v1 =	vor.u32 $0xF, v30  }
0x1b1: {  	s12 =	sor.u32 s10, s8;
	[tilespmem:$0x1FF40] =	vst v1  }
0x1b2: {  	v34 =	vor.u32 $0x1C, v55;
	v1 =	vor.u32 $0x10, v30;
	[tilespmem:s12+$0x0] =	vst v29  }
0x1b3: {  	v40 =	vld.idx.msk [tilespmem:v17+s18+$0x0], $0xffff;
	[tilespmem:$0x1FF50] =	vst v1;
	v1 =	vor.u32 $0x11, v30  }
0x1b4: {  	s24 =	sor.u32 s21, s24;
	[tilespmem:$0x1FF60] =	vst v1  }
0x1b5: {  	[tilespmem:s24+$0x0] =	vst v0  }
0x1b6: {  	s4 =	sor.u32 s2, s11;
	v0 =	vor.u32 $0x12, v30;
	s11 =	rddreg [dreg:$0x1b]  }
0x1b7: {  	v32 =	vmul.f32 v21, v6;
	v29 =	vld.idx.msk [tilespmem:v34+s18+$0x0], $0xffff;
	[tilespmem:$0x1FF70] =	vst v0;
	v0 =	vor.u32 $0x13, v30;
	s7 =	sshll.u32 s11, $0x6  }
0x1b8: {  	[tilespmem:$0x1FF80] =	vst v0;
	[dreg:$0x1c] =	wrdreg s7  }
0x1b9: {  	v0 =	vor.u32 $0x15, v30;
	[tilespmem:s4+$0x0] =	vst v32  }
0x1ba: {  	v34 =	vld.idx.msk [tilespmem:v36+s18+$0x0], $0xffff;
	[tilespmem:$0x1FF90] =	vst v0;
	v0 =	vor.u32 $0x16, v30  }
0x1bb: {  	v51 =	vor.u32 $0x6, v13;
	v35 =	vmul.f32 v27, v12;
	[tilespmem:$0x1FFA0] =	vst v0;
	v0 =	vor.u32 $0x17, v30  }
0x1bc: {  	[tilespmem:$0x1FFB0] =	vst v0  }
0x1bd: {  	v41 =	vor.u32 $0x15, v8;
	v31 =	vmul.f32 v31, v60;
	s11 =	sadd.s32 $0xA600, s28;
	s12 =	sld [smem:$0x7FD];
	v0 =	vor.u32 $0x1A, v30;
	[tilespmem:s19+$0x280] =	vst v35  }
0x1be: {  	v26 =	vor.u32 $0x8, v30;
	v24 =	vor.u32 $0x18, v30;
	v21 =	vor.u32 $0x1D, v30;
	s24 =	sor.u32 s26, s11;
	v32 =	vld.idx.msk [tilespmem:v28+s18+$0x0], $0xffff;
	[tilespmem:$0x1FFC0] =	vst v0  }
0x1bf: {  	s31 =	smov.u32 s29;
	v27 =	vor.u32 $0x6, v30;
	v25 =	vor.u32 $0x14, v30;
	s6 =	sor.u32 s21, s3;
	s7 =	sor.u32 s25, s0;
	v0 =	vor.u32 $0x1B, v30;
	[tilespmem:s24+$0x0] =	vst v31  }
0x1c0: {  	v15 =	vor.u32 $0x9, v30;
	v37 =	vmul.f32 v3, v53;
	s25 =	sor.u32 s9, s5;
	s4 =	sor.u32 s9, s20;
	s20 =	simm.s32 $0xC0;
	v36 =	vld.idx.msk [tilespmem:v51+s18+$0x0], $0xffff;
	[tilespmem:$0x1FFD0] =	vst v0;
	v0 =	vor.u32 $0x1C, v30  }
0x1c1: {  	v16 =	vor.u32 $0xD, v30;
	v3 =	vor.u32 $0x7, v30;
	v20 =	vor.u32 $0x1F, v30;
	s0 =	sor.u32 s9, s12;
	s9 =	smov.u32 s23;
	s23 =	simm.s32 $0xA;
	[tilespmem:$0x1FFE0] =	vst v0  }
0x1c2: {  	v17 =	vor.u32 $0x19, v30;
	v28 =	vmul.f32 v18, v14;
	v35 =	vmul.f32 v40, v10;
	s30 =	sor.u32 s9, s30;
	s29 =	sor.u32 s9, s16;
	s12 =	sor.u32 s9, s8;
	[tilespmem:s0+$0x0] =	vst v37;
	v31 =	vld.idx.msk [tilespmem:v41+s18+$0x0], $0xffff  }
0x1c3: {  	v2 =	vmovc v5;
	v18 =	vor.u32 $0x1D, v55;
	v51 =	vor.u32 $0x1E, v30;
	s24 =	sor.u32 s2, s11;
	s11 =	sadd.s32 $0x9680, s31;
	s0 =	sor.u32 s2, s22;
	[tilespmem:s30+$0x0] =	vst v38;
	v30 =	vld.idx.msk [tilespmem:v33+s18+$0x0], $0xffff;
	v33 =	vor.u32 $0xE, v9  }
.LBB2_3:
0x1c4: {  	_ =	sdelay $0x2  }
0x1c5: {  	v0 =	vmov v19  }
0x1c6: {  	[tilespmem:$0x1FCD0] =	vst v0;
	v0 =	vld [tilespmem:$0x1FFC0];
	_ =	sdelay $0x3  }
0x1c7: {  	[tilespmem:$0x1FD50] =	vst v52  }
0x1c8: {  	[tilespmem:$0x1FD30] =	vst v22;
	v1 =	vmov v0;
	v0 =	vmov v51  }
0x1c9: {  	[tilespmem:$0x1FDB0] =	vst v0;
	v0 =	vld [tilespmem:$0x1FE30]  }
0x1ca: {  	[tilespmem:$0x1FD40] =	vst v21  }
0x1cb: {  	[tilespmem:$0x1FD80] =	vst v7  }
0x1cc: {  	[tilespmem:s13+$0x280] =	vst v28;
	s3 =	sor.u32 s1, s11  }
0x1cd: {  	s22 =	sand.u32 $0x60, s20;
	s5 =	sadd.s32 $0xB600, s15;
	v29 =	vmul.f32 v29, v59;
	v38 =	vld.idx.msk [tilespmem:v27+s18+$0x0], $0xffff;
	[tilespmem:s3+$0x0] =	vst v35  }
0x1ce: {  	[tilespmem:$0x1FD10] =	vst v43;
	v34 =	vmul.f32 v34, v2;
	s23 =	sadd.s32 $0x2, s23;
	v37 =	vmov s22;
	s8 =	sor.u32 $0x10, s22;
	s16 =	sor.u32 s10, s5;
	v33 =	vld.idx.msk [tilespmem:v33+s18+$0x0], $0xffff  }
0x1cf: {  	s30 =	sor.u32 s21, s11;
	s11 =	sshll.u32 s23, $0x9;
	[tilespmem:s16+$0x0] =	vst v29;
	v28 =	vld.idx.msk [tilespmem:v49+s18+$0x0], $0xffff;
	v4 =	vmov v50;
	v49 =	vshll.u32 v37, $0x5;
	v50 =	vmov s8  }
0x1d0: {  	s3 =	sand.u32 $0xFFFFF000, s11;
	[tilespmem:s6+$0x0] =	vst v34;
	v37 =	vld.idx.msk [tilespmem:v18+s18+$0x0], $0xffff;
	v29 =	vor.u32 v42, v49;
	v51 =	vshll.u32 v50, $0x5  }
0x1d1: {  	[tilespmem:$0x1FD90] =	vst v44;
	v27 =	vor.u32 $0x7, v13;
	v18 =	vor.u32 v42, v51;
	v42 =	vor.u32 s3, v29;
	v35 =	vld.idx.msk [tilespmem:v0+s18+$0x0], $0xffff;
	v0 =	vmovc v16  }
0x1d2: {  	[tilespmem:$0x1FE30] =	vst v0;
	v0 =	vor.u32 $0x4, v42  }
0x1d3: {  	[dreg:$0xd] =	wrdreg s12;
	v41 =	vor.u32 $0x16, v8;
	v36 =	vmul.f32 v36, v12;
	[tilespmem:$0x1FD00] =	vst v0;
	v0 =	vor.u32 $0x5, v42  }
0x1d4: {  	s12 =	sadd.s32 $0xA680, s28;
	v31 =	vmul.f32 v31, v60;
	s5 =	sor.u32 s9, s5;
	s16 =	sshll.u32 s23, $0x4;
	v43 =	vor.u32 s3, v18;
	[tilespmem:$0x1FD60] =	vst v0;
	v0 =	vld [tilespmem:$0x1FDD0]  }
0x1d5: {  	[dreg:$0x7] =	wrdreg s5;
	s5 =	sor.u32 s26, s12;
	s16 =	sand.u32 $0x3FFFFF80, s16;
	[tilespmem:s19+$0x300] =	vst v36;
	v16 =	vor.u32 $0xF, v9  }
0x1d6: {  	v44 =	vld.idx.msk [tilespmem:v27+s18+$0x0], $0xffff;
	[tilespmem:s5+$0x0] =	vst v31;
	s5 =	sor.u32 s8, s16  }
0x1d7: {  	[tilespmem:$0x1FDA0] =	vst v47;
	s11 =	sadd.s32 $0x9700, s31;
	v52 =	vmul.f32 v33, v10;
	v33 =	vld [tilespmem:s5+$0x0]  }
0x1d8: {  	s6 =	sor.u32 s2, s12;
	s12 =	sor.u32 s1, s11;
	[tilespmem:$0x1FCE0] =	vst v4;
	v31 =	vld.idx.msk [tilespmem:v41+s18+$0x0], $0xffff  }
0x1d9: {  	v32 =	vmul.f32 v32, v6;
	v18 =	vmov v24;
	v24 =	vmov v20;
	v20 =	vld.idx.msk [tilespmem:v43+s18+$0x0], $0xffff;
	[tilespmem:s12+$0x0] =	vst v52  }
0x1da: {  	v30 =	vmul.f32 v30, v53;
	v21 =	vmov v61;
	[tilespmem:$0x1FCF0] =	vst v1;
	v61 =	vld.idx.msk [tilespmem:v16+s18+$0x0], $0xffff  }
0x1db: {  	v41 =	vor.u32 $0x1E, v55;
	[tilespmem:s0+$0x0] =	vst v32  }
0x1dc: {  	v29 =	vmov v45;
	vm0 =	veq.s32 v33, $0x0;
	v45 =	vld.idx.msk [tilespmem:v0+s18+$0x0], $0xffff;
	[tilespmem:s4+$0x0] =	vst v30  }
0x1dd: {  	v19 =	vmovc v23;
	v4 =	vsel vm0, $0x0, v57;
	s0 =	sor.u32 s22, s16;
	s16 =	sadd.s32 $0xB680, s15;
	v30 =	vmul.f32 v37, v59;
	v0 =	vmov v25;
	[tilespmem:s7+$0x0] =	vst v56  }
0x1de: {  	v23 =	vmovc v62;
	v62 =	vmov v54;
	v38 =	vmul.f32 v38, v14;
	v1 =	vld [tilespmem:$0x1FE90];
	s12 =	sor.u32 s10, s16;
	v54 =	vmul.f32 v4, v20;
	[tilespmem:$0x1FE90] =	vst v0  }
0x1df: {  	v20 =	vmul.f32 v61, v10;
	v61 =	vld [tilespmem:$0x1FDE0];
	v37 =	vor.u32 $0x8, v13;
	v0 =	vor.u32 $0xC, v42;
	[tilespmem:s12+$0x0] =	vst v30  }
0x1e0: {  	v47 =	vor.u32 $0x17, v8;
	v35 =	vmul.f32 v35, v2;
	[tilespmem:s13+$0x300] =	vst v38;
	v38 =	vmul.f32 v44, v12;
	v44 =	vld.idx.msk [tilespmem:v41+s18+$0x0], $0xffff  }
0x1e1: {  	v22 =	vmov v48;
	s4 =	sor.u32 s21, s11;
	[tilespmem:$0x1FD70] =	vst v0;
	v48 =	vld [tilespmem:s0+$0x0]  }
0x1e2: {  	v31 =	vmul.f32 v31, v60;
	s11 =	sor.u32 s9, s16;
	s16 =	smov.u32 s25;
	s0 =	sadd.s32 $0xA700, s28;
	v51 =	vld.idx.msk [tilespmem:v42+s18+$0x0], $0xffff;
	[tilespmem:s30+$0x0] =	vst v35;
	v0 =	vmov v53;
	v53 =	vor.u32 $0x1, v43  }
0x1e3: {  	v5 =	vor.u32 $0x10, v9;
	[dreg:$0xa] =	wrdreg s16;
	s16 =	sshra.s32 s3, $0x2;
	v35 =	vor.u32 $0x1F, v55;
	[tilespmem:s19+$0x380] =	vst v38;
	s5 =	sor.u32 s26, s0;
	v55 =	vld.idx.msk [tilespmem:v3+s18+$0x0], $0xffff  }
0x1e4: {  	v1 =	vmov v1;
	s25 =	smov.u32 s1;
	[dreg:$0x8] =	wrdreg s11;
	s3 =	sadd.s32 $0x8400, s16;
	v38 =	vld.idx.msk [tilespmem:v37+s18+$0x0], $0xffff;
	[tilespmem:s5+$0x0] =	vst v31  }
0x1e5: {  	[tilespmem:$0x1FDD0] =	vst v1;
	s7 =	sadd.s32 $0x9780, s31;
	s12 =	sadd.s32 $0xB700, s15;
	s19 =	sor.u32 s8, s3;
	v45 =	vmul.f32 v45, v6;
	v47 =	vld.idx.msk [tilespmem:v47+s18+$0x0], $0xffff  }
0x1e6: {  	s11 =	sor.u32 s2, s0;
	s5 =	sor.u32 s22, s3;
	s3 =	sor.u32 s1, s7;
	[tilespmem:s19+$0x0] =	vst v54;
	vm15 =	veq.s32 v48, $0x0;
	v48 =	vld.idx.msk [tilespmem:v11+s18+$0x0], $0xffff  }
0x1e7: {  	s1 =	smov.u32 s26;
	s26 =	smov.u32 s2;
	s2 =	smov.u32 s10;
	v1 =	vmul.f32 v44, v59;
	v53 =	vld.idx.msk [tilespmem:v53+s18+$0x0], $0xffff;
	[tilespmem:s3+$0x0] =	vst v20  }
0x1e8: {  	v7 =	vmov v8;
	v50 =	vor.u32 $0xE, v42;
	s10 =	smov.u32 s9;
	s9 =	smov.u32 s15;
	s15 =	sor.u32 s2, s12;
	[tilespmem:s24+$0x0] =	vst v45;
	v5 =	vld.idx.msk [tilespmem:v5+s18+$0x0], $0xffff  }
0x1e9: {  	v8 =	vmovc v9;
	v40 =	vor.u32 $0x1, v42;
	v49 =	vor.u32 $0x7, v42;
	v44 =	vsel vm15, $0x0, v57;
	v45 =	vmovc v50;
	[tilespmem:s15+$0x0] =	vst v1;
	v1 =	vld [tilespmem:$0x1FF30]  }
0x1ea: {  	v9 =	vmovc v13;
	v3 =	vmov v49;
	v49 =	vmul.f32 v44, v51;
	[tilespmem:$0x1FF30] =	vst v45;
	v45 =	vmul.f32 v47, v60;
	v47 =	vld [tilespmem:$0x1FEA0]  }
0x1eb: {  	v54 =	vor.u32 $0x9, v9  }
0x1ec: {  	s30 =	sor.u32 s21, s7;
	s7 =	sadd.s32 $0x9400, s14;
	v57 =	vor.u32 $0x18, v7;
	[tilespmem:s5+$0x0] =	vst v49  }
0x1ed: {  	s0 =	sor.u32 s10, s12;
	s12 =	smov.u32 s14;
	s14 =	rddreg [dreg:$0x5];
	v11 =	vmovc v17;
	v17 =	vmov v63;
	v63 =	vmov v59;
	v59 =	vmul.f32 v38, v12;
	v50 =	vld.idx.msk [tilespmem:v61+s18+$0x0], $0xffff  }
0x1ee: {  	s3 =	sor.u32 s14, s7;
	s15 =	sor.u32 s17, s7;
	s7 =	sadd.s32 $0xA780, s28;
	v25 =	vmov v1;
	v1 =	vld.idx.msk [tilespmem:v35+s18+$0x0], $0xffff  }
0x1ef: {  	v55 =	vmul.f32 v55, v14;
	s24 =	sor.u32 s26, s7;
	s7 =	sor.u32 s1, s7;
	[tilespmem:s15+$0x0] =	vst v59;
	v61 =	vmov v47;
	v47 =	vld.idx.msk [tilespmem:v40+s18+$0x0], $0xffff  }
0x1f0: {  	v53 =	vmul.f32 v53, v4;
	v54 =	vld.idx.msk [tilespmem:v54+s18+$0x0], $0xffff;
	[tilespmem:s7+$0x0] =	vst v45  }
0x1f1: {  	[tilespmem:s13+$0x380] =	vst v55;
	v55 =	vld.idx.msk [tilespmem:v57+s18+$0x0], $0xffff  }
0x1f2: {  	[tilespmem:s19+$0x80] =	vst v53;
	v53 =	vld [tilespmem:$0x1FE40]  }
0x1f3: {  	v13 =	vmov v43;
	v49 =	vor.u32 $0x1A, v42  }
0x1f4: {  	[tilespmem:$0x1FFC0] =	vst v49;
	v49 =	vor.u32 $0x2, v13;
	_ =	sdelay $0x1  }
0x1f5: {  	v59 =	vmul.f32 v48, v2  }
0x1f6: {  	v57 =	vld.idx.msk [tilespmem:v26+s18+$0x0], $0xffff  }
0x1f7: {  	s15 =	sadd.s32 $0xA400, s31;
	v5 =	vmul.f32 v5, v10;
	[tilespmem:s4+$0x0] =	vst v59;
	v59 =	vld [tilespmem:$0x1FF40]  }
0x1f8: {  	[tilespmem:$0x1FD20] =	vst v46;
	v46 =	vor.u32 $0x8, v42;
	v52 =	vor.u32 $0xF, v42;
	s13 =	smov.u32 s5;
	s5 =	sor.u32 s25, s15;
	v49 =	vld.idx.msk [tilespmem:v49+s18+$0x0], $0xffff  }
0x1f9: {  	v26 =	vmov v46;
	[tilespmem:s5+$0x0] =	vst v5;
	v46 =	vld.idx.msk [tilespmem:v53+s18+$0x0], $0xffff;
	v53 =	vmul.f32 v1, v63;
	v1 =	vmov v52  }
0x1fa: {  	v5 =	vmul.f32 v50, v6;
	[tilespmem:$0x1FF40] =	vst v1;
	v1 =	vld [tilespmem:$0x1FDC0];
	_ =	sdelay $0x1  }
0x1fb: {  	v63 =	vmov v59;
	[tilespmem:s6+$0x0] =	vst v5  }
0x1fc: {  	v5 =	vld.idx.msk [tilespmem:v17+s18+$0x0], $0xffff  }
0x1fd: {  	v17 =	vld [tilespmem:$0x1FE20]  }
0x1fe: {  	[tilespmem:$0x1FE40] =	vst v63;
	v63 =	vmov v1;
	v1 =	vmov v58  }
0x1ff: {  	[tilespmem:$0x1FE20] =	vst v1;
	v1 =	vld [tilespmem:$0x1FDF0];
	_ =	sdelay $0x2  }
0x200: {  	v17 =	vmov v17  }
0x201: {  	[tilespmem:$0x1FDC0] =	vst v17;
	v17 =	vld [tilespmem:$0x1FEB0]  }
0x202: {  	v39 =	vor.u32 $0x2, v42;
	v47 =	vmul.f32 v47, v44  }
0x203: {  	v34 =	vor.u32 $0x3, v42  }
0x204: {  	v27 =	vor.u32 $0x6, v42;
	v36 =	vor.u32 $0xA, v42;
	v20 =	vor.u32 $0x16, v42;
	v40 =	vld [tilespmem:$0x1FF90];
	[tilespmem:s13+$0x80] =	vst v47  }
0x205: {  	v33 =	vor.u32 $0x12, v42;
	v32 =	vor.u32 $0xB, v42;
	v16 =	vor.u32 $0xD, v42;
	v47 =	vld.idx.msk [tilespmem:v1+s18+$0x0], $0xffff;
	v1 =	vmovc v20  }
0x206: {  	v56 =	vor.u32 $0x9, v42;
	v48 =	vor.u32 $0x11, v8;
	v58 =	vmovc v17;
	v17 =	vld [tilespmem:$0x1FFA0];
	[tilespmem:$0x1FFA0] =	vst v1;
	v1 =	vmul.f32 v57, v14  }
0x207: {  	v30 =	vor.u32 $0x14, v42;
	v41 =	vor.u32 $0x10, v42;
	v43 =	vor.u32 $0x17, v42;
	v39 =	vld.idx.msk [tilespmem:v39+s18+$0x0], $0xffff  }
0x208: {  	v37 =	vor.u32 $0x11, v42;
	v31 =	vor.u32 $0x13, v42;
	v51 =	vor.u32 $0x15, v42;
	[tilespmem:s3+$0x0] =	vst v1;
	v1 =	vld [tilespmem:$0x1FE50]  }
0x209: {  	v38 =	vor.u32 $0x18, v42;
	v35 =	vor.u32 $0x19, v42;
	[tilespmem:$0x1FDE0] =	vst v61;
	s4 =	sadd.s32 $0xB780, s9;
	v61 =	vmovc v40;
	v52 =	vor.u32 $0xA, v9  }
0x20a: {  	[dreg:$0xb] =	wrdreg s29;
	s29 =	sor.u32 s21, s15;
	s7 =	sor.u32 s2, s4;
	[tilespmem:$0x1FEA0] =	vst v61;
	v61 =	vmul.f32 v28, v62;
	v28 =	vmovc v51;
	v59 =	vmovc v60;
	v60 =	vmov v10;
	v10 =	vmov v12  }
0x20b: {  	v45 =	vor.u32 $0x1B, v42;
	s2 =	smov.u32 s21;
	s21 =	smov.u32 s14;
	s14 =	sadd.s32 $0x9480, s12;
	v48 =	vld.idx.msk [tilespmem:v48+s18+$0x0], $0xffff;
	v40 =	vor.u32 $0x1C, v42;
	[tilespmem:$0x1FF90] =	vst v28;
	v12 =	vmovc v4;
	v4 =	vmul.f32 v54, v10  }
0x20c: {  	s15 =	sor.u32 s17, s14;
	v51 =	vor.u32 $0x1E, v42;
	v28 =	vor.u32 $0x1D, v42;
	v42 =	vor.u32 $0x1F, v42;
	[tilespmem:s7+$0x0] =	vst v53  }
0x20d: {  	[tilespmem:s15+$0x0] =	vst v4;
	v20 =	vmov v42;
	v42 =	vmul.f32 v46, v2  }
0x20e: {  	v4 =	vld.idx.msk [tilespmem:v52+s18+$0x0], $0xffff  }
0x20f: {  	v52 =	vld.idx.msk [tilespmem:v15+s18+$0x0], $0xffff;
	[tilespmem:s30+$0x0] =	vst v42  }
0x210: {  	v42 =	vmul.f32 v48, v60;
	v48 =	vld.idx.msk [tilespmem:v1+s18+$0x0], $0xffff  }
0x211: {  	v1 =	vld [tilespmem:$0x1FF50];
	_ =	sdelay $0x3  }
0x212: {  	v15 =	vmov v56;
	v56 =	vmul.f32 v5, v0;
	v0 =	vmov v41  }
0x213: {  	[tilespmem:$0x1FF50] =	vst v0;
	v0 =	vld [tilespmem:$0x1FEF0];
	v1 =	vmov v1  }
0x214: {  	[tilespmem:$0x1FE50] =	vst v1;
	v1 =	vld [tilespmem:$0x1FFD0]  }
0x215: {  	s9 =	smov.u32 s26;
	v53 =	vmul.f32 v55, v59  }
0x216: {  	s5 =	sor.u32 s10, s4;
	s10 =	smov.u32 s22;
	s4 =	smov.u32 s0  }
0x217: {  	s0 =	sadd.s32 $0xB400, s28;
	[dreg:$0x5] =	wrdreg s10;
	s10 =	smov.u32 s1  }
0x218: {  	s26 =	smov.u32 s25;
	v50 =	vor.u32 $0x19, v7;
	s25 =	smov.u32 s5;
	s5 =	sor.u32 s10, s0  }
0x219: {  	v54 =	vor.u32 $0x3, v13;
	[tilespmem:s5+$0x0] =	vst v53;
	v53 =	vmovc v62;
	v62 =	vmov v0;
	v0 =	vmov v1  }
0x21a: {  	[tilespmem:$0x1FEF0] =	vst v0;
	v0 =	vld [tilespmem:$0x1FE00]  }
0x21b: {  	v49 =	vmul.f32 v49, v12;
	s15 =	smov.u32 s28;
	s28 =	smov.u32 s31  }
0x21c: {  	s5 =	sadd.s32 $0xA480, s28  }
0x21d: {  	v50 =	vld.idx.msk [tilespmem:v50+s18+$0x0], $0xffff;
	[tilespmem:s19+$0x100] =	vst v49;
	s3 =	sor.u32 s26, s5  }
0x21e: {  	s7 =	rddreg [dreg:$0xb];
	v5 =	vld.idx.msk [tilespmem:v54+s18+$0x0], $0xffff;
	v49 =	vmul.f32 v47, v6;
	[tilespmem:s3+$0x0] =	vst v42  }
0x21f: {  	v39 =	vmul.f32 v39, v44;
	[tilespmem:s7+$0x0] =	vst v61  }
0x220: {  	[tilespmem:s11+$0x0] =	vst v49  }
0x221: {  	v46 =	vor.u32 $0x12, v8;
	v42 =	vld.idx.msk [tilespmem:v21+s18+$0x0], $0xffff;
	[tilespmem:s13+$0x100] =	vst v39  }
0x222: {  	v41 =	vor.u32 $0xB, v9;
	v39 =	vld.idx.msk [tilespmem:v0+s18+$0x0], $0xffff;
	v0 =	vmov v45  }
0x223: {  	s31 =	smov.u32 s12;
	[tilespmem:$0x1FFD0] =	vst v0;
	v0 =	vld [tilespmem:$0x1FF00]  }
0x224: {  	s1 =	smov.u32 s17;
	s17 =	smov.u32 s8;
	s8 =	sadd.s32 $0x9500, s31;
	v4 =	vmul.f32 v4, v10;
	v47 =	vor.u32 $0x1A, v7  }
0x225: {  	v54 =	vmov v6;
	s3 =	sor.u32 s1, s8;
	v1 =	vld [tilespmem:$0x1FEC0]  }
0x226: {  	v6 =	vmovc v2;
	v2 =	vmov v14;
	v14 =	vmov v44;
	v44 =	vmul.f32 v50, v59;
	v46 =	vld.idx.msk [tilespmem:v46+s18+$0x0], $0xffff;
	[tilespmem:s3+$0x0] =	vst v4;
	s11 =	sadd.s32 $0xB480, s15  }
0x227: {  	v4 =	vld.idx.msk [tilespmem:v41+s18+$0x0], $0xffff;
	s12 =	sor.u32 s10, s11  }
0x228: {  	v49 =	vmul.f32 v52, v2;
	v34 =	vld.idx.msk [tilespmem:v34+s18+$0x0], $0xffff;
	[tilespmem:s12+$0x0] =	vst v44  }
0x229: {  	s22 =	sor.u32 s21, s14;
	v44 =	vld.idx.msk [tilespmem:v47+s18+$0x0], $0xffff  }
0x22a: {  	v21 =	vmov v1;
	v1 =	vld [tilespmem:$0x1FFB0];
	[tilespmem:s22+$0x0] =	vst v49  }
0x22b: {  	v47 =	vld.idx.msk [tilespmem:v0+s18+$0x0], $0xffff;
	v0 =	vmov v36  }
0x22c: {  	[tilespmem:$0x1FF00] =	vst v0;
	v0 =	vld [tilespmem:$0x1FE60];
	_ =	sdelay $0x1  }
0x22d: {  	v17 =	vmov v17;
	_ =	sdelay $0x2  }
0x22e: {  	[tilespmem:$0x1FEB0] =	vst v17;
	v52 =	vmul.f32 v48, v6;
	v17 =	vmov v1;
	v1 =	vmov v43  }
0x22f: {  	v5 =	vmul.f32 v5, v12;
	[tilespmem:$0x1FFB0] =	vst v1  }
0x230: {  	v1 =	vld [tilespmem:$0x1FF60];
	[tilespmem:s29+$0x0] =	vst v52  }
0x231: {  	[tilespmem:s19+$0x180] =	vst v5;
	v5 =	vld.idx.msk [tilespmem:v0+s18+$0x0], $0xffff;
	v0 =	vmov v37  }
0x232: {  	[tilespmem:$0x1FF60] =	vst v0;
	v0 =	vld [tilespmem:$0x1FFE0];
	_ =	sdelay $0x4  }
0x233: {  	v61 =	vmov v23;
	v23 =	vmov v0;
	v0 =	vld [tilespmem:$0x1FE10];
	_ =	sdelay $0x2  }
0x234: {  	v48 =	vmul.f32 v42, v53;
	v1 =	vmov v1  }
0x235: {  	s14 =	smov.u32 s16;
	s16 =	sor.u32 s2, s5;
	s5 =	rddreg [dreg:$0xd];
	v39 =	vmul.f32 v39, v54;
	[tilespmem:$0x1FE60] =	vst v1  }
0x236: {  	v34 =	vmul.f32 v34, v14;
	[tilespmem:s5+$0x0] =	vst v48  }
0x237: {  	v1 =	vld [tilespmem:$0x1FED0];
	[tilespmem:s24+$0x0] =	vst v39  }
0x238: {  	v36 =	vld.idx.msk [tilespmem:v29+s18+$0x0], $0xffff;
	[tilespmem:s13+$0x180] =	vst v34  }
0x239: {  	v34 =	vld.idx.msk [tilespmem:v0+s18+$0x0], $0xffff;
	v0 =	vmov v18  }
0x23a: {  	[tilespmem:$0x1FED0] =	vst v0;
	v0 =	vld [tilespmem:$0x1FD00];
	_ =	sdelay $0x7  }
0x23b: {  	v29 =	vld.idx.msk [tilespmem:v0+s18+$0x0], $0xffff;
	v0 =	vmov v40  }
0x23c: {  	[tilespmem:$0x1FFE0] =	vst v0;
	v0 =	vld [tilespmem:$0x1FF10];
	_ =	sdelay $0x4  }
0x23d: {  	v39 =	vmul.f32 v44, v59;
	v44 =	vmul.f32 v47, v2  }
0x23e: {  	s6 =	sor.u32 s9, s0;
	s0 =	sor.u32 s21, s8  }
0x23f: {  	[tilespmem:s0+$0x0] =	vst v44  }
0x240: {  	v42 =	vld.idx.msk [tilespmem:v0+s18+$0x0], $0xffff;
	v0 =	vmov v32  }
0x241: {  	v43 =	vor.u32 $0x4, v13;
	[tilespmem:$0x1FF10] =	vst v0;
	v0 =	vld [tilespmem:$0x1FE70]  }
0x242: {  	v45 =	vor.u32 $0x13, v8;
	_ =	sdelay $0x1  }
0x243: {  	s30 =	sadd.s32 $0xA500, s28;
	v46 =	vmul.f32 v46, v60  }
0x244: {  	s3 =	sor.u32 s26, s30  }
0x245: {  	v1 =	vmov v1;
	v37 =	vld.idx.msk [tilespmem:v43+s18+$0x0], $0xffff;
	[tilespmem:s3+$0x0] =	vst v46;
	v5 =	vmul.f32 v5, v6  }
0x246: {  	v41 =	vld.idx.msk [tilespmem:v45+s18+$0x0], $0xffff;
	[tilespmem:$0x1FE10] =	vst v1  }
0x247: {  	v52 =	vor.u32 $0xC, v9;
	v1 =	vld [tilespmem:$0x1FF70];
	[tilespmem:s16+$0x0] =	vst v5  }
0x248: {  	[tilespmem:$0x1FDF0] =	vst v58;
	v43 =	vor.u32 $0x1B, v7;
	v32 =	vld.idx.msk [tilespmem:v0+s18+$0x0], $0xffff;
	v0 =	vmov v33  }
0x249: {  	v58 =	vmovc v24;
	v24 =	vmov v38;
	v38 =	vor.u32 $0x5, v13;
	s7 =	sadd.s32 $0x9580, s31;
	v4 =	vmul.f32 v4, v10;
	[tilespmem:$0x1FF70] =	vst v0;
	v0 =	vld [tilespmem:$0x1FD10]  }
0x24a: {  	s8 =	sor.u32 s9, s11;
	s11 =	sadd.s32 $0xB500, s15;
	s5 =	sor.u32 s1, s7  }
0x24b: {  	s12 =	sor.u32 s10, s11;
	[tilespmem:s5+$0x0] =	vst v4;
	v37 =	vmul.f32 v37, v12  }
0x24c: {  	s24 =	sadd.s32 $0xA580, s28;
	v4 =	vld.idx.msk [tilespmem:v52+s18+$0x0], $0xffff;
	[tilespmem:s12+$0x0] =	vst v39;
	v5 =	vmul.f32 v41, v60  }
0x24d: {  	s5 =	sor.u32 s26, s24;
	v39 =	vld.idx.msk [tilespmem:v43+s18+$0x0], $0xffff;
	[tilespmem:s19+$0x200] =	vst v37;
	v36 =	vmul.f32 v36, v53  }
0x24e: {  	s22 =	sor.u32 s2, s30;
	s30 =	rddreg [dreg:$0x7];
	v33 =	vld.idx.msk [tilespmem:v38+s18+$0x0], $0xffff;
	[tilespmem:s5+$0x0] =	vst v5;
	v5 =	vmul.f32 v34, v54  }
0x24f: {  	[tilespmem:s30+$0x0] =	vst v36  }
0x250: {  	[tilespmem:s6+$0x0] =	vst v5  }
0x251: {  	v5 =	vld.idx.msk [tilespmem:v0+s18+$0x0], $0xffff  }
0x252: {  	v0 =	vld [tilespmem:$0x1FD20];
	_ =	sdelay $0x4  }
0x253: {  	v43 =	vmov v0;
	v0 =	vld [tilespmem:$0x1FD30];
	_ =	sdelay $0x4  }
0x254: {  	v46 =	vmov v0;
	v0 =	vld [tilespmem:$0x1FD40];
	_ =	sdelay $0x4  }
0x255: {  	v45 =	vmov v22;
	v22 =	vmov v0;
	v0 =	vld [tilespmem:$0x1FD50];
	_ =	sdelay $0x4  }
0x256: {  	v29 =	vmul.f32 v29, v14;
	_ =	sdelay $0x1  }
0x257: {  	[tilespmem:s13+$0x200] =	vst v29  }
0x258: {  	v40 =	vld.idx.msk [tilespmem:v0+s18+$0x0], $0xffff  }
0x259: {  	v52 =	vor.u32 $0x14, v8;
	v0 =	vld [tilespmem:$0x1FEE0];
	_ =	sdelay $0x4  }
0x25a: {  	v38 =	vld.idx.msk [tilespmem:v52+s18+$0x0], $0xffff;
	v52 =	vmov v0;
	v0 =	vmov v11  }
0x25b: {  	[tilespmem:$0x1FEE0] =	vst v0;
	v0 =	vld [tilespmem:$0x1FD60];
	_ =	sdelay $0x7  }
0x25c: {  	v18 =	vld.idx.msk [tilespmem:v0+s18+$0x0], $0xffff  }
0x25d: {  	v0 =	vld [tilespmem:$0x1FF20]  }
0x25e: {  	v37 =	vor.u32 $0xD, v9  }
0x25f: {  	v1 =	vmov v1;
	v34 =	vor.u32 $0x1C, v7  }
0x260: {  	s3 =	sor.u32 s21, s7;
	s7 =	sadd.s32 $0x9600, s31;
	v4 =	vmul.f32 v4, v10;
	[tilespmem:$0x1FE70] =	vst v1;
	v1 =	vld [tilespmem:$0x1FD70]  }
0x261: {  	s29 =	sor.u32 s9, s11;
	s11 =	sadd.s32 $0xB580, s15;
	s5 =	sor.u32 s1, s7;
	v29 =	vmul.f32 v39, v59  }
0x262: {  	s16 =	sor.u32 s10, s11;
	v36 =	vmul.f32 v42, v2;
	[tilespmem:s5+$0x0] =	vst v4  }
0x263: {  	v4 =	vld.idx.msk [tilespmem:v37+s18+$0x0], $0xffff;
	[tilespmem:s16+$0x0] =	vst v29  }
0x264: {  	v29 =	vld.idx.msk [tilespmem:v34+s18+$0x0], $0xffff;
	[tilespmem:s3+$0x0] =	vst v36  }
0x265: {  	v34 =	vld.idx.msk [tilespmem:v0+s18+$0x0], $0xffff;
	v0 =	vmov v1  }
0x266: {  	[tilespmem:$0x1FF20] =	vst v0;
	v0 =	vld [tilespmem:$0x1FE80];
	_ =	sdelay $0x4  }
0x267: {  	[tilespmem:$0x1FE00] =	vst v21;
	v21 =	vmov v28;
	v28 =	vmul.f32 v32, v6;
	_ =	sdelay $0x1  }
0x268: {  	[tilespmem:s22+$0x0] =	vst v28;
	v1 =	vld [tilespmem:$0x1FF80]  }
0x269: {  	v32 =	vld.idx.msk [tilespmem:v0+s18+$0x0], $0xffff;
	v0 =	vmov v31  }
0x26a: {  	[tilespmem:$0x1FF80] =	vst v0;
	v0 =	vld [tilespmem:$0x1FD80];
	_ =	sdelay $0x3  }
0x26b: {  	v5 =	vmul.f32 v5, v53  }
0x26c: {  	s30 =	rddreg [dreg:$0x8];
	v11 =	vmov v25;
	v25 =	vmov v30;
	v30 =	vmul.f32 v40, v54  }
0x26d: {  	[tilespmem:s30+$0x0] =	vst v5  }
0x26e: {  	[tilespmem:s8+$0x0] =	vst v30  }
0x26f: {  	[tilespmem:$0x1FEC0] =	vst v17;
	v17 =	vmov v35;
	v35 =	vor.u32 $0x6, v13;
	v30 =	vld.idx.msk [tilespmem:v0+s18+$0x0], $0xffff  }
0x270: {  	v0 =	vld [tilespmem:$0x1FD90]  }
0x271: {  	v47 =	vmul.f32 v33, v12;
	_ =	sdelay $0x1  }
0x272: {  	[tilespmem:s19+$0x280] =	vst v47;
	s22 =	sadd.s32 $0xA600, s28;
	v28 =	vmul.f32 v38, v60  }
0x273: {  	v44 =	vor.u32 $0x15, v8;
	v36 =	vld.idx.msk [tilespmem:v35+s18+$0x0], $0xffff;
	s3 =	sor.u32 s26, s22  }
0x274: {  	v55 =	vmovc v7;
	[tilespmem:s3+$0x0] =	vst v28;
	v28 =	vmul.f32 v18, v14;
	v18 =	vor.u32 $0x1D, v7;
	v7 =	vmov v0;
	v0 =	vld [tilespmem:$0x1FDA0];
	_ =	sdelay $0x3  }
0x275: {  	v31 =	vld.idx.msk [tilespmem:v44+s18+$0x0], $0xffff  }
0x276: {  	p1 =	slt.u32 s23, $0x1E;
	v44 =	vmov v0;
	v0 =	vld [tilespmem:$0x1FDB0]  }
.Ltmp0:
0x277: {  	_ = 	snop;
	(pc) =	sbr.rel @p1 .LBB2_3-.Ltmp0, $4  }
0x278: {  	v50 =	vld [tilespmem:$0x1FCD0]  }
0x279: {  	s20 =	sadd.s32 $0x20, s20;
	v49 =	vld [tilespmem:$0x1FCE0]  }
0x27a: {  	v48 =	vmov v19;
	v19 =	vld [tilespmem:$0x1FCF0];
	s12 =	sor.u32 s9, s11;
	s0 =	sor.u32 s2, s24;
	s11 =	sadd.s32 $0x9680, s31;
	v1 =	vmov v1  }
0x27b: {  	v57 =	vimm.f32 $1.000000000e+00;
	v42 =	vld [tilespmem:$0x1FFF0];
	s6 =	sor.u32 s21, s7;
	s7 =	rddreg [dreg:$0xa];
	v33 =	vor.u32 $0xE, v9;
	v35 =	vmul.f32 v4, v10;
	s24 =	sor.u32 s2, s22;
	[tilespmem:$0x1FE80] =	vst v1;
	v47 =	vmovc v0  }
0x27c: {  	_ =	sdelay $0x2  }
0x27d: {  	[tilespmem:s13+$0x280] =	vst v28  }
0x27e: {  	v5 =	vor.u32 $0x7, v13;
	v4 =	vld.idx.msk [tilespmem:v27+s18+$0x0], $0xffff;
	_ =	sdelay $0x1  }
0x27f: {  	v27 =	vmul.f32 v36, v12;
	_ =	sdelay $0x1  }
0x280: {  	[tilespmem:s19+$0x300] =	vst v27  }
0x281: {  	v5 =	vld.idx.msk [tilespmem:v5+s18+$0x0], $0xffff;
	v4 =	vmul.f32 v4, v14;
	_ =	sdelay $0x1  }
0x282: {  	[tilespmem:s13+$0x300] =	vst v4  }
0x283: {  	v4 =	vor.u32 $0x8, v13;
	v3 =	vld.idx.msk [tilespmem:v3+s18+$0x0], $0xffff;
	_ =	sdelay $0x1  }
0x284: {  	v5 =	vmul.f32 v5, v12;
	_ =	sdelay $0x1  }
0x285: {  	[tilespmem:s19+$0x380] =	vst v5  }
0x286: {  	v4 =	vld.idx.msk [tilespmem:v4+s18+$0x0], $0xffff;
	v3 =	vmul.f32 v3, v14;
	_ =	sdelay $0x1  }
0x287: {  	[tilespmem:s13+$0x380] =	vst v3  }
0x288: {  	v3 =	vld.idx.msk [tilespmem:v26+s18+$0x0], $0xffff;
	_ =	sdelay $0x1  }
0x289: {  	s3 =	sadd.s32 $0x9400, s14;
	v5 =	vor.u32 $0x9, v13;
	v4 =	vmul.f32 v4, v12  }
0x28a: {  	s5 =	sor.u32 s17, s3  }
0x28b: {  	[tilespmem:s5+$0x0] =	vst v4  }
0x28c: {  	s8 =	smov.u32 s14;
	s14 =	rddreg [dreg:$0x5];
	v3 =	vmul.f32 v3, v14  }
0x28d: {  	s3 =	sor.u32 s14, s3  }
0x28e: {  	v4 =	vld.idx.msk [tilespmem:v5+s18+$0x0], $0xffff;
	[tilespmem:s3+$0x0] =	vst v3  }
0x28f: {  	v3 =	vld.idx.msk [tilespmem:v15+s18+$0x0], $0xffff;
	_ =	sdelay $0x3  }
0x290: {  	s30 =	sadd.s32 $0x9480, s8;
	v4 =	vmul.f32 v4, v12  }
0x291: {  	s13 =	sor.u32 s17, s30;
	v3 =	vmul.f32 v3, v14  }
0x292: {  	s3 =	sor.u32 s14, s30;
	[tilespmem:s13+$0x0] =	vst v4  }
0x293: {  	[tilespmem:s3+$0x0] =	vst v3  }
0x294: {  	v0 =	vld [tilespmem:$0x1FF00];
	_ =	sdelay $0x1  }
0x295: {  	v5 =	vor.u32 $0xA, v13;
	_ =	sdelay $0x4  }
0x296: {  	v4 =	vld.idx.msk [tilespmem:v5+s18+$0x0], $0xffff  }
0x297: {  	v3 =	vld.idx.msk [tilespmem:v0+s18+$0x0], $0xffff;
	_ =	sdelay $0x3  }
0x298: {  	s16 =	sadd.s32 $0x9500, s8;
	v4 =	vmul.f32 v4, v12  }
0x299: {  	s19 =	sor.u32 s17, s16;
	v3 =	vmul.f32 v3, v14  }
0x29a: {  	s3 =	sor.u32 s14, s16;
	[tilespmem:s19+$0x0] =	vst v4  }
0x29b: {  	[tilespmem:s3+$0x0] =	vst v3  }
0x29c: {  	v0 =	vld [tilespmem:$0x1FF10];
	_ =	sdelay $0x1  }
0x29d: {  	v5 =	vor.u32 $0xB, v13;
	_ =	sdelay $0x4  }
0x29e: {  	v4 =	vld.idx.msk [tilespmem:v5+s18+$0x0], $0xffff  }
0x29f: {  	v3 =	vld.idx.msk [tilespmem:v0+s18+$0x0], $0xffff;
	_ =	sdelay $0x3  }
0x2a0: {  	s20 =	sadd.s32 $0x9580, s8;
	v4 =	vmul.f32 v4, v12  }
0x2a1: {  	s22 =	sor.u32 s17, s20;
	v3 =	vmul.f32 v3, v14  }
0x2a2: {  	s3 =	sor.u32 s14, s20;
	[tilespmem:s22+$0x0] =	vst v4  }
0x2a3: {  	[tilespmem:s3+$0x0] =	vst v3  }
0x2a4: {  	v0 =	vld [tilespmem:$0x1FF20]  }
0x2a5: {  	v5 =	vor.u32 $0xC, v13;
	_ =	sdelay $0x4  }
0x2a6: {  	v4 =	vld.idx.msk [tilespmem:v5+s18+$0x0], $0xffff;
	_ =	sdelay $0x1  }
0x2a7: {  	v3 =	vld.idx.msk [tilespmem:v0+s18+$0x0], $0xffff;
	_ =	sdelay $0x2  }
0x2a8: {  	s23 =	sadd.s32 $0x9600, s8;
	v4 =	vmul.f32 v4, v12  }
0x2a9: {  	s30 =	sor.u32 s17, s23;
	v15 =	vmul.f32 v34, v2  }
0x2aa: {  	[tilespmem:s30+$0x0] =	vst v4;
	v3 =	vmul.f32 v3, v14  }
0x2ab: {  	s3 =	sor.u32 s14, s23;
	[tilespmem:s6+$0x0] =	vst v15  }
0x2ac: {  	[tilespmem:s3+$0x0] =	vst v3  }
0x2ad: {  	v5 =	vor.u32 $0xD, v13;
	v0 =	vld [tilespmem:$0x1FE30];
	_ =	sdelay $0x4  }
0x2ae: {  	v4 =	vld.idx.msk [tilespmem:v5+s18+$0x0], $0xffff;
	_ =	sdelay $0x1  }
0x2af: {  	v5 =	vld.idx.msk [tilespmem:v16+s18+$0x0], $0xffff  }
0x2b0: {  	v3 =	vld.idx.msk [tilespmem:v0+s18+$0x0], $0xffff;
	_ =	sdelay $0x1  }
0x2b1: {  	s13 =	sadd.s32 $0x9680, s8;
	v4 =	vmul.f32 v4, v12  }
0x2b2: {  	s16 =	sor.u32 s17, s13  }
0x2b3: {  	s6 =	sor.u32 s1, s11;
	[tilespmem:s16+$0x0] =	vst v4;
	v4 =	vmul.f32 v5, v14  }
0x2b4: {  	s3 =	sor.u32 s14, s13;
	[tilespmem:s6+$0x0] =	vst v35;
	v3 =	vmul.f32 v3, v2  }
0x2b5: {  	s19 =	sor.u32 s21, s11;
	[tilespmem:s3+$0x0] =	vst v4  }
0x2b6: {  	[tilespmem:s19+$0x0] =	vst v3  }
0x2b7: {  	v0 =	vld [tilespmem:$0x1FF30]  }
0x2b8: {  	v15 =	vor.u32 $0xE, v13;
	_ =	sdelay $0x3  }
0x2b9: {  	v16 =	vld.idx.msk [tilespmem:v33+s18+$0x0], $0xffff  }
0x2ba: {  	v3 =	vld.idx.msk [tilespmem:v15+s18+$0x0], $0xffff  }
0x2bb: {  	v1 =	vld.idx.msk [tilespmem:v11+s18+$0x0], $0xffff  }
0x2bc: {  	v11 =	vmov v2;
	v2 =	vld.idx.msk [tilespmem:v0+s18+$0x0], $0xffff;
	_ =	sdelay $0x1  }
0x2bd: {  	s20 =	sadd.s32 $0x9700, s31;
	v5 =	vmul.f32 v16, v10  }
0x2be: {  	s22 =	sor.u32 s1, s20;
	s23 =	sadd.s32 $0x9700, s8;
	v3 =	vmul.f32 v3, v12  }
0x2bf: {  	s30 =	sor.u32 s17, s23;
	[tilespmem:s22+$0x0] =	vst v5;
	v1 =	vmul.f32 v1, v11  }
0x2c0: {  	s3 =	sor.u32 s21, s20;
	[tilespmem:s30+$0x0] =	vst v3;
	v2 =	vmul.f32 v2, v14  }
0x2c1: {  	s6 =	sor.u32 s14, s23;
	[tilespmem:s3+$0x0] =	vst v1  }
0x2c2: {  	[tilespmem:s6+$0x0] =	vst v2  }
0x2c3: {  	v0 =	vld [tilespmem:$0x1FE40];
	_ =	sdelay $0x7  }
0x2c4: {  	v2 =	vld.idx.msk [tilespmem:v0+s18+$0x0], $0xffff  }
0x2c5: {  	v4 =	vor.u32 $0xF, v9;
	v0 =	vld [tilespmem:$0x1FF40]  }
0x2c6: {  	v15 =	vor.u32 $0xF, v13;
	_ =	sdelay $0x3  }
0x2c7: {  	v4 =	vld.idx.msk [tilespmem:v4+s18+$0x0], $0xffff  }
0x2c8: {  	v1 =	vld.idx.msk [tilespmem:v15+s18+$0x0], $0xffff;
	_ =	sdelay $0x1  }
0x2c9: {  	v5 =	vld.idx.msk [tilespmem:v0+s18+$0x0], $0xffff;
	_ =	sdelay $0x1  }
0x2ca: {  	s11 =	sadd.s32 $0x9780, s31;
	v4 =	vmul.f32 v4, v10  }
0x2cb: {  	s13 =	sor.u32 s1, s11;
	s16 =	sadd.s32 $0x9780, s8;
	v1 =	vmul.f32 v1, v12  }
0x2cc: {  	s19 =	sor.u32 s17, s16;
	[tilespmem:s13+$0x0] =	vst v4;
	v2 =	vmul.f32 v2, v11  }
0x2cd: {  	s3 =	sor.u32 s21, s11;
	[tilespmem:s19+$0x0] =	vst v1;
	v1 =	vmul.f32 v5, v14  }
0x2ce: {  	s20 =	sor.u32 s14, s16;
	[tilespmem:s3+$0x0] =	vst v2  }
0x2cf: {  	[tilespmem:s20+$0x0] =	vst v1  }
0x2d0: {  	v0 =	vld [tilespmem:$0x1FE50];
	_ =	sdelay $0x7  }
0x2d1: {  	v1 =	vld.idx.msk [tilespmem:v0+s18+$0x0], $0xffff  }
0x2d2: {  	v3 =	vor.u32 $0x10, v9;
	v0 =	vld [tilespmem:$0x1FF50]  }
0x2d3: {  	v15 =	vor.u32 $0x10, v13;
	_ =	sdelay $0x3  }
0x2d4: {  	v3 =	vld.idx.msk [tilespmem:v3+s18+$0x0], $0xffff  }
0x2d5: {  	v2 =	vld.idx.msk [tilespmem:v15+s18+$0x0], $0xffff;
	_ =	sdelay $0x1  }
0x2d6: {  	v5 =	vld.idx.msk [tilespmem:v0+s18+$0x0], $0xffff;
	_ =	sdelay $0x1  }
0x2d7: {  	s22 =	sadd.s32 $0xA400, s31;
	v3 =	vmul.f32 v3, v10  }
0x2d8: {  	s23 =	sor.u32 s1, s22;
	s30 =	sadd.s32 $0xA400, s8;
	v2 =	vmul.f32 v2, v12  }
0x2d9: {  	s11 =	sor.u32 s17, s30;
	[tilespmem:s23+$0x0] =	vst v3;
	v1 =	vmul.f32 v1, v11  }
0x2da: {  	s3 =	sor.u32 s21, s22;
	[tilespmem:s11+$0x0] =	vst v2;
	v2 =	vmul.f32 v5, v14  }
0x2db: {  	s13 =	sor.u32 s14, s30;
	[tilespmem:s3+$0x0] =	vst v1  }
0x2dc: {  	[tilespmem:s13+$0x0] =	vst v2  }
0x2dd: {  	v0 =	vld [tilespmem:$0x1FE60];
	_ =	sdelay $0x7  }
0x2de: {  	v2 =	vld.idx.msk [tilespmem:v0+s18+$0x0], $0xffff  }
0x2df: {  	v4 =	vor.u32 $0x11, v9;
	v0 =	vld [tilespmem:$0x1FF60]  }
0x2e0: {  	v15 =	vor.u32 $0x11, v13;
	_ =	sdelay $0x3  }
0x2e1: {  	v3 =	vld.idx.msk [tilespmem:v4+s18+$0x0], $0xffff  }
0x2e2: {  	v1 =	vld.idx.msk [tilespmem:v15+s18+$0x0], $0xffff;
	_ =	sdelay $0x1  }
0x2e3: {  	v5 =	vld.idx.msk [tilespmem:v0+s18+$0x0], $0xffff;
	_ =	sdelay $0x1  }
0x2e4: {  	s16 =	sadd.s32 $0xA480, s31;
	v3 =	vmul.f32 v3, v10  }
0x2e5: {  	s19 =	sor.u32 s1, s16;
	s20 =	sadd.s32 $0xA480, s8;
	v1 =	vmul.f32 v1, v12  }
0x2e6: {  	s22 =	sor.u32 s17, s20;
	[tilespmem:s19+$0x0] =	vst v3;
	v2 =	vmul.f32 v2, v11  }
0x2e7: {  	s3 =	sor.u32 s21, s16;
	[tilespmem:s22+$0x0] =	vst v1;
	v1 =	vmul.f32 v5, v14  }
0x2e8: {  	s23 =	sor.u32 s14, s20;
	[tilespmem:s3+$0x0] =	vst v2  }
0x2e9: {  	[tilespmem:s23+$0x0] =	vst v1  }
0x2ea: {  	v0 =	vld [tilespmem:$0x1FE70];
	_ =	sdelay $0x7  }
0x2eb: {  	v1 =	vld.idx.msk [tilespmem:v0+s18+$0x0], $0xffff  }
0x2ec: {  	v4 =	vor.u32 $0x12, v9;
	v0 =	vld [tilespmem:$0x1FF70]  }
0x2ed: {  	v15 =	vor.u32 $0x12, v13;
	_ =	sdelay $0x3  }
0x2ee: {  	v3 =	vld.idx.msk [tilespmem:v4+s18+$0x0], $0xffff  }
0x2ef: {  	v2 =	vld.idx.msk [tilespmem:v15+s18+$0x0], $0xffff;
	_ =	sdelay $0x1  }
0x2f0: {  	v0 =	vld.idx.msk [tilespmem:v0+s18+$0x0], $0xffff;
	_ =	sdelay $0x1  }
0x2f1: {  	s30 =	sadd.s32 $0xA500, s31;
	v4 =	vor.u32 $0x13, v9;
	v3 =	vmul.f32 v3, v10  }
0x2f2: {  	s11 =	sor.u32 s1, s30;
	s13 =	sadd.s32 $0xA500, s8;
	v2 =	vmul.f32 v2, v12  }
0x2f3: {  	s16 =	sor.u32 s17, s13;
	[tilespmem:s11+$0x0] =	vst v3;
	v1 =	vmul.f32 v1, v11  }
0x2f4: {  	s3 =	sor.u32 s21, s30;
	[tilespmem:s16+$0x0] =	vst v2;
	v0 =	vmul.f32 v0, v14  }
0x2f5: {  	s19 =	sor.u32 s14, s13;
	[tilespmem:s3+$0x0] =	vst v1  }
0x2f6: {  	v3 =	vld.idx.msk [tilespmem:v4+s18+$0x0], $0xffff;
	[tilespmem:s19+$0x0] =	vst v0  }
0x2f7: {  	v0 =	vld [tilespmem:$0x1FE80]  }
0x2f8: {  	v4 =	vld [tilespmem:$0x1FF80]  }
0x2f9: {  	v5 =	vor.u32 $0x13, v13;
	_ =	sdelay $0x4  }
0x2fa: {  	v1 =	vld.idx.msk [tilespmem:v5+s18+$0x0], $0xffff  }
0x2fb: {  	v0 =	vld.idx.msk [tilespmem:v0+s18+$0x0], $0xffff  }
0x2fc: {  	v4 =	vld.idx.msk [tilespmem:v4+s18+$0x0], $0xffff  }
0x2fd: {  	s20 =	sadd.s32 $0xA580, s31;
	v3 =	vmul.f32 v3, v10  }
0x2fe: {  	s22 =	sor.u32 s1, s20;
	v15 =	vmul.f32 v32, v6  }
0x2ff: {  	s23 =	sadd.s32 $0xA580, s8;
	v1 =	vmul.f32 v1, v12;
	[tilespmem:s22+$0x0] =	vst v3  }
0x300: {  	s30 =	sor.u32 s17, s23;
	[tilespmem:s0+$0x0] =	vst v15;
	v0 =	vmul.f32 v0, v11  }
0x301: {  	s6 =	sor.u32 s21, s20;
	[tilespmem:s30+$0x0] =	vst v1;
	v3 =	vmul.f32 v4, v14  }
0x302: {  	s11 =	sor.u32 s14, s23;
	v1 =	vld [tilespmem:$0x1FDD0];
	[tilespmem:s6+$0x0] =	vst v0  }
0x303: {  	[tilespmem:s11+$0x0] =	vst v3  }
0x304: {  	v2 =	vor.u32 $0x14, v9;
	v4 =	vld [tilespmem:$0x1FE90];
	_ =	sdelay $0x1  }
0x305: {  	v5 =	vor.u32 $0x14, v13;
	_ =	sdelay $0x2  }
0x306: {  	v2 =	vld.idx.msk [tilespmem:v2+s18+$0x0], $0xffff  }
0x307: {  	v1 =	vld.idx.msk [tilespmem:v1+s18+$0x0], $0xffff  }
0x308: {  	v0 =	vld.idx.msk [tilespmem:v5+s18+$0x0], $0xffff  }
0x309: {  	v4 =	vld.idx.msk [tilespmem:v4+s18+$0x0], $0xffff;
	_ =	sdelay $0x1  }
0x30a: {  	s13 =	sadd.s32 $0xA600, s31;
	v2 =	vmul.f32 v2, v10  }
0x30b: {  	s16 =	sor.u32 s1, s13;
	v1 =	vmul.f32 v1, v6  }
0x30c: {  	s19 =	sadd.s32 $0xA600, s8;
	[tilespmem:s16+$0x0] =	vst v2;
	v0 =	vmul.f32 v0, v12  }
0x30d: {  	s20 =	sor.u32 s17, s19;
	[tilespmem:s24+$0x0] =	vst v1;
	v2 =	vmul.f32 v4, v11  }
0x30e: {  	s0 =	sor.u32 s21, s13;
	v4 =	vld [tilespmem:$0x1FDE0];
	[tilespmem:s20+$0x0] =	vst v0  }
0x30f: {  	[tilespmem:s0+$0x0] =	vst v2  }
0x310: {  	v3 =	vor.u32 $0x15, v9;
	v16 =	vld [tilespmem:$0x1FEA0];
	_ =	sdelay $0x1  }
0x311: {  	v15 =	vor.u32 $0x15, v13;
	v5 =	vld.idx.msk [tilespmem:v25+s18+$0x0], $0xffff;
	_ =	sdelay $0x2  }
0x312: {  	v1 =	vld.idx.msk [tilespmem:v3+s18+$0x0], $0xffff  }
0x313: {  	v4 =	vld.idx.msk [tilespmem:v4+s18+$0x0], $0xffff  }
0x314: {  	v0 =	vmul.f32 v5, v14;
	v2 =	vld.idx.msk [tilespmem:v15+s18+$0x0], $0xffff  }
0x315: {  	s23 =	sadd.s32 $0xA680, s28;
	s22 =	sor.u32 s14, s19;
	v5 =	vmul.f32 v31, v60;
	v16 =	vld.idx.msk [tilespmem:v16+s18+$0x0], $0xffff  }
0x316: {  	s24 =	sor.u32 s26, s23;
	[tilespmem:s22+$0x0] =	vst v0  }
0x317: {  	s30 =	sadd.s32 $0xA680, s31;
	v1 =	vmul.f32 v1, v10;
	v0 =	vld [tilespmem:$0x1FF90];
	[tilespmem:s24+$0x0] =	vst v5;
	v5 =	vor.u32 $0x16, v13  }
0x318: {  	s6 =	sor.u32 s1, s30;
	v4 =	vmul.f32 v4, v6  }
0x319: {  	s3 =	sor.u32 s2, s23;
	s11 =	sadd.s32 $0xA680, s8;
	[tilespmem:s6+$0x0] =	vst v1;
	v1 =	vmul.f32 v2, v12  }
0x31a: {  	s13 =	sor.u32 s17, s11;
	[tilespmem:s3+$0x0] =	vst v4;
	v4 =	vmul.f32 v16, v11  }
0x31b: {  	v3 =	vor.u32 $0x16, v8;
	s0 =	sor.u32 s21, s30;
	v16 =	vld [tilespmem:$0x1FDF0];
	[tilespmem:s13+$0x0] =	vst v1  }
0x31c: {  	v1 =	vld.idx.msk [tilespmem:v5+s18+$0x0], $0xffff;
	[tilespmem:s0+$0x0] =	vst v4  }
0x31d: {  	v15 =	vor.u32 $0x16, v9;
	v5 =	vld [tilespmem:$0x1FEB0];
	_ =	sdelay $0x1  }
0x31e: {  	v0 =	vld.idx.msk [tilespmem:v0+s18+$0x0], $0xffff  }
0x31f: {  	v3 =	vld.idx.msk [tilespmem:v3+s18+$0x0], $0xffff;
	_ =	sdelay $0x1  }
0x320: {  	v2 =	vld.idx.msk [tilespmem:v15+s18+$0x0], $0xffff  }
0x321: {  	v15 =	vor.u32 $0x17, v8;
	v16 =	vld.idx.msk [tilespmem:v16+s18+$0x0], $0xffff  }
0x322: {  	v0 =	vmul.f32 v0, v14  }
0x323: {  	s19 =	sadd.s32 $0xA700, s28;
	s16 =	sor.u32 s14, s11;
	v3 =	vmul.f32 v3, v60;
	v4 =	vor.u32 $0x17, v9;
	v5 =	vld.idx.msk [tilespmem:v5+s18+$0x0], $0xffff  }
0x324: {  	s20 =	sor.u32 s26, s19;
	[tilespmem:s16+$0x0] =	vst v0  }
0x325: {  	s22 =	sadd.s32 $0xA700, s31;
	v2 =	vmul.f32 v2, v10;
	v0 =	vld [tilespmem:$0x1FFA0];
	[tilespmem:s20+$0x0] =	vst v3;
	v3 =	vor.u32 $0x17, v13  }
0x326: {  	s23 =	sor.u32 s1, s22;
	v15 =	vld.idx.msk [tilespmem:v15+s18+$0x0], $0xffff;
	v16 =	vmul.f32 v16, v6  }
0x327: {  	s24 =	sadd.s32 $0xA700, s8;
	s3 =	sor.u32 s2, s19;
	[tilespmem:s23+$0x0] =	vst v2;
	v1 =	vmul.f32 v1, v12  }
0x328: {  	s30 =	sor.u32 s17, s24;
	v2 =	vld.idx.msk [tilespmem:v4+s18+$0x0], $0xffff;
	[tilespmem:s3+$0x0] =	vst v16;
	v4 =	vmul.f32 v5, v11  }
0x329: {  	s0 =	sor.u32 s21, s22;
	v16 =	vld [tilespmem:$0x1FE00];
	[tilespmem:s30+$0x0] =	vst v1  }
0x32a: {  	v1 =	vld.idx.msk [tilespmem:v3+s18+$0x0], $0xffff;
	[tilespmem:s0+$0x0] =	vst v4  }
0x32b: {  	v3 =	vmul.f32 v15, v60;
	v15 =	vld [tilespmem:$0x1FEC0];
	_ =	sdelay $0x1  }
0x32c: {  	v0 =	vld.idx.msk [tilespmem:v0+s18+$0x0], $0xffff;
	_ =	sdelay $0x3  }
0x32d: {  	v5 =	vor.u32 $0x18, v8;
	v16 =	vld.idx.msk [tilespmem:v16+s18+$0x0], $0xffff  }
0x32e: {  	v0 =	vmul.f32 v0, v14  }
0x32f: {  	s5 =	sadd.s32 $0xA780, s28;
	s3 =	sor.u32 s14, s24;
	v4 =	vor.u32 $0x18, v9;
	v15 =	vld.idx.msk [tilespmem:v15+s18+$0x0], $0xffff  }
0x330: {  	s6 =	sor.u32 s26, s5;
	[tilespmem:s3+$0x0] =	vst v0  }
0x331: {  	s11 =	sadd.s32 $0xA780, s31;
	v2 =	vmul.f32 v2, v10;
	v0 =	vld [tilespmem:$0x1FFB0];
	[tilespmem:s6+$0x0] =	vst v3;
	v3 =	vor.u32 $0x18, v13  }
0x332: {  	s13 =	sor.u32 s1, s11;
	v5 =	vld.idx.msk [tilespmem:v5+s18+$0x0], $0xffff;
	v16 =	vmul.f32 v16, v6  }
0x333: {  	s16 =	sadd.s32 $0xA780, s8;
	s3 =	sor.u32 s2, s5;
	[tilespmem:s13+$0x0] =	vst v2;
	v1 =	vmul.f32 v1, v12  }
0x334: {  	s19 =	sor.u32 s17, s16;
	v2 =	vld.idx.msk [tilespmem:v4+s18+$0x0], $0xffff;
	[tilespmem:s3+$0x0] =	vst v16;
	v4 =	vmul.f32 v15, v11  }
0x335: {  	s0 =	sor.u32 s21, s11;
	v16 =	vld [tilespmem:$0x1FE10];
	[tilespmem:s19+$0x0] =	vst v1  }
0x336: {  	v1 =	vld.idx.msk [tilespmem:v3+s18+$0x0], $0xffff;
	[tilespmem:s0+$0x0] =	vst v4  }
0x337: {  	v3 =	vmul.f32 v5, v60;
	v5 =	vld [tilespmem:$0x1FED0];
	_ =	sdelay $0x3  }
0x338: {  	v0 =	vld.idx.msk [tilespmem:v0+s18+$0x0], $0xffff;
	_ =	sdelay $0x1  }
0x339: {  	v15 =	vor.u32 $0x19, v8  }
0x33a: {  	v16 =	vld.idx.msk [tilespmem:v16+s18+$0x0], $0xffff  }
0x33b: {  	s22 =	sadd.s32 $0xB400, s28;
	v4 =	vor.u32 $0x19, v9;
	v5 =	vld.idx.msk [tilespmem:v5+s18+$0x0], $0xffff  }
0x33c: {  	s23 =	sor.u32 s26, s22;
	v0 =	vmul.f32 v0, v14  }
0x33d: {  	s20 =	sor.u32 s14, s16;
	s24 =	sadd.s32 $0xB400, s31;
	v2 =	vmul.f32 v2, v10;
	[tilespmem:s23+$0x0] =	vst v3;
	v3 =	vor.u32 $0x19, v13  }
0x33e: {  	s30 =	sor.u32 s1, s24;
	s6 =	sadd.s32 $0xB400, s8;
	[tilespmem:s20+$0x0] =	vst v0;
	v15 =	vld.idx.msk [tilespmem:v15+s18+$0x0], $0xffff;
	v1 =	vmul.f32 v1, v12  }
0x33f: {  	s11 =	sor.u32 s17, s6;
	[tilespmem:s30+$0x0] =	vst v2;
	v16 =	vmul.f32 v16, v6  }
0x340: {  	s3 =	sor.u32 s2, s22;
	v2 =	vld.idx.msk [tilespmem:v4+s18+$0x0], $0xffff;
	[tilespmem:s11+$0x0] =	vst v1;
	v4 =	vmul.f32 v5, v11  }
0x341: {  	s0 =	sor.u32 s21, s24;
	v0 =	vld.idx.msk [tilespmem:v24+s18+$0x0], $0xffff;
	[tilespmem:s3+$0x0] =	vst v16  }
0x342: {  	v1 =	vld.idx.msk [tilespmem:v3+s18+$0x0], $0xffff;
	[tilespmem:s0+$0x0] =	vst v4  }
0x343: {  	v3 =	vmul.f32 v15, v60;
	v15 =	vld [tilespmem:$0x1FEE0];
	_ =	sdelay $0x3  }
0x344: {  	v0 =	vmul.f32 v0, v14  }
0x345: {  	s13 =	sor.u32 s14, s6  }
0x346: {  	v5 =	vor.u32 $0x1A, v8;
	v16 =	vld.idx.msk [tilespmem:v52+s18+$0x0], $0xffff;
	[tilespmem:s13+$0x0] =	vst v0  }
0x347: {  	s16 =	sadd.s32 $0xB480, s28;
	v17 =	vld.idx.msk [tilespmem:v17+s18+$0x0], $0xffff  }
0x348: {  	s22 =	sadd.s32 $0xB480, s31;
	s19 =	sor.u32 s26, s16;
	v2 =	vmul.f32 v2, v10;
	v4 =	vor.u32 $0x1A, v9;
	v15 =	vld.idx.msk [tilespmem:v15+s18+$0x0], $0xffff  }
0x349: {  	s23 =	sor.u32 s1, s22;
	s0 =	sadd.s32 $0xB600, s15;
	v0 =	vmul.f32 v29, v59;
	[tilespmem:s19+$0x0] =	vst v3  }
0x34a: {  	s24 =	sadd.s32 $0xB480, s8;
	v1 =	vmul.f32 v1, v12;
	s20 =	sor.u32 s10, s0;
	[tilespmem:s23+$0x0] =	vst v2  }
0x34b: {  	s30 =	sor.u32 s17, s24;
	[tilespmem:s20+$0x0] =	vst v0;
	v0 =	vld.idx.msk [tilespmem:v5+s18+$0x0], $0xffff;
	v5 =	vmul.f32 v16, v6  }
0x34c: {  	s3 =	sor.u32 s2, s16;
	[tilespmem:s30+$0x0] =	vst v1;
	v16 =	vld.idx.msk [tilespmem:v49+s18+$0x0], $0xffff;
	v1 =	vmul.f32 v17, v14;
	v17 =	vmul.f32 v30, v53  }
0x34d: {  	[tilespmem:s3+$0x0] =	vst v5;
	v2 =	vld.idx.msk [tilespmem:v4+s18+$0x0], $0xffff;
	v4 =	vmul.f32 v15, v11  }
0x34e: {  	s5 =	sor.u32 s21, s22;
	[tilespmem:s4+$0x0] =	vst v17  }
0x34f: {  	[tilespmem:s5+$0x0] =	vst v4;
	s5 =	sor.u32 s14, s24  }
0x350: {  	[tilespmem:s5+$0x0] =	vst v1  }
0x351: {  	v3 =	vor.u32 $0x1A, v13;
	v1 =	vmul.f32 v16, v54;
	v16 =	vld [tilespmem:$0x1FFC0];
	_ =	sdelay $0x3  }
0x352: {  	v5 =	vor.u32 $0x1B, v8;
	v15 =	vld.idx.msk [tilespmem:v50+s18+$0x0], $0xffff  }
0x353: {  	v3 =	vld.idx.msk [tilespmem:v3+s18+$0x0], $0xffff  }
0x354: {  	s6 =	sadd.s32 $0xB500, s28;
	v0 =	vmul.f32 v0, v60;
	v4 =	vor.u32 $0x1B, v9;
	v19 =	vld.idx.msk [tilespmem:v19+s18+$0x0], $0xffff  }
0x355: {  	s11 =	sor.u32 s26, s6  }
0x356: {  	s13 =	sadd.s32 $0xB500, s31;
	[tilespmem:s11+$0x0] =	vst v0;
	v0 =	vmul.f32 v2, v10;
	v16 =	vld.idx.msk [tilespmem:v16+s18+$0x0], $0xffff  }
0x357: {  	s16 =	sor.u32 s1, s13;
	[tilespmem:s29+$0x0] =	vst v1;
	v1 =	vld.idx.msk [tilespmem:v5+s18+$0x0], $0xffff;
	v5 =	vmul.f32 v15, v6  }
0x358: {  	s19 =	sadd.s32 $0xB500, s8;
	s5 =	sor.u32 s2, s6;
	v15 =	vld.idx.msk [tilespmem:v61+s18+$0x0], $0xffff;
	[tilespmem:s16+$0x0] =	vst v0;
	v0 =	vmul.f32 v3, v12  }
0x359: {  	s20 =	sor.u32 s17, s19;
	[tilespmem:s5+$0x0] =	vst v5;
	v3 =	vld.idx.msk [tilespmem:v4+s18+$0x0], $0xffff;
	v4 =	vmul.f32 v19, v11  }
0x35a: {  	s3 =	sor.u32 s21, s13;
	[tilespmem:s20+$0x0] =	vst v0  }
0x35b: {  	[tilespmem:s3+$0x0] =	vst v4;
	v0 =	vmul.f32 v16, v14  }
0x35c: {  	s22 =	sor.u32 s14, s19;
	v16 =	vld [tilespmem:$0x1FEF0];
	[tilespmem:s7+$0x0] =	vst v56  }
0x35d: {  	[tilespmem:s22+$0x0] =	vst v0  }
0x35e: {  	v0 =	vmul.f32 v15, v54;
	v15 =	vld [tilespmem:$0x1FFD0]  }
0x35f: {  	v2 =	vor.u32 $0x1B, v13;
	_ =	sdelay $0x3  }
0x360: {  	v5 =	vor.u32 $0x1C, v8;
	v17 =	vld.idx.msk [tilespmem:v62+s18+$0x0], $0xffff  }
0x361: {  	v2 =	vld.idx.msk [tilespmem:v2+s18+$0x0], $0xffff  }
0x362: {  	s23 =	sadd.s32 $0xB580, s28;
	v1 =	vmul.f32 v1, v60;
	v16 =	vld.idx.msk [tilespmem:v16+s18+$0x0], $0xffff  }
0x363: {  	s24 =	sor.u32 s26, s23;
	v15 =	vld.idx.msk [tilespmem:v15+s18+$0x0], $0xffff  }
0x364: {  	s30 =	sadd.s32 $0xB580, s31;
	v18 =	vld.idx.msk [tilespmem:v18+s18+$0x0], $0xffff;
	[tilespmem:s24+$0x0] =	vst v1;
	v1 =	vmul.f32 v3, v10  }
0x365: {  	s4 =	sor.u32 s1, s30;
	[tilespmem:s12+$0x0] =	vst v0;
	v0 =	vld.idx.msk [tilespmem:v5+s18+$0x0], $0xffff;
	v5 =	vmul.f32 v17, v6  }
0x366: {  	s5 =	sor.u32 s2, s23;
	s7 =	sadd.s32 $0xB580, s8;
	[tilespmem:s4+$0x0] =	vst v1;
	v1 =	vmul.f32 v2, v12  }
0x367: {  	s11 =	sor.u32 s17, s7;
	[tilespmem:s5+$0x0] =	vst v5;
	v5 =	vmul.f32 v16, v11  }
0x368: {  	s3 =	sor.u32 s21, s30;
	[tilespmem:s11+$0x0] =	vst v1;
	v1 =	vmul.f32 v15, v14  }
0x369: {  	v4 =	vor.u32 $0x1C, v9;
	s12 =	sor.u32 s14, s7;
	s5 =	sadd.s32 $0xB680, s15;
	[tilespmem:s3+$0x0] =	vst v5;
	v15 =	vmul.f32 v18, v59  }
0x36a: {  	s13 =	sor.u32 s10, s5;
	[tilespmem:s12+$0x0] =	vst v1  }
0x36b: {  	v17 =	vld.idx.msk [tilespmem:v45+s18+$0x0], $0xffff;
	[tilespmem:s13+$0x0] =	vst v15  }
0x36c: {  	v3 =	vor.u32 $0x1C, v13;
	v15 =	vld [tilespmem:$0x1FFE0];
	_ =	sdelay $0x1  }
0x36d: {  	v4 =	vld.idx.msk [tilespmem:v4+s18+$0x0], $0xffff;
	v16 =	vor.u32 $0x1D, v8;
	_ =	sdelay $0x1  }
0x36e: {  	s16 =	sadd.s32 $0xB600, s28;
	v2 =	vor.u32 $0x1E, v55;
	v19 =	vld.idx.msk [tilespmem:v48+s18+$0x0], $0xffff;
	v0 =	vmul.f32 v0, v60  }
0x36f: {  	s19 =	sor.u32 s26, s16;
	v3 =	vld.idx.msk [tilespmem:v3+s18+$0x0], $0xffff;
	v5 =	vor.u32 $0x1D, v9;
	v1 =	vmul.f32 v17, v54  }
0x370: {  	s0 =	sor.u32 s9, s0;
	v18 =	vld.idx.msk [tilespmem:v23+s18+$0x0], $0xffff;
	[tilespmem:s19+$0x0] =	vst v0  }
0x371: {  	s20 =	sadd.s32 $0xB600, s31;
	v0 =	vmul.f32 v4, v10;
	[tilespmem:s0+$0x0] =	vst v1;
	v1 =	vld.idx.msk [tilespmem:v16+s18+$0x0], $0xffff  }
0x372: {  	s22 =	sor.u32 s1, s20;
	v4 =	vor.u32 $0x1D, v13;
	v15 =	vld.idx.msk [tilespmem:v15+s18+$0x0], $0xffff  }
0x373: {  	v2 =	vld.idx.msk [tilespmem:v2+s18+$0x0], $0xffff;
	v16 =	vmul.f32 v19, v6;
	[tilespmem:s22+$0x0] =	vst v0  }
0x374: {  	s23 =	sor.u32 s2, s16;
	s24 =	sadd.s32 $0xB600, s8;
	v0 =	vmul.f32 v3, v12;
	v5 =	vld.idx.msk [tilespmem:v5+s18+$0x0], $0xffff  }
0x375: {  	s30 =	sor.u32 s17, s24;
	v17 =	vld.idx.msk [tilespmem:v43+s18+$0x0], $0xffff;
	[tilespmem:s23+$0x0] =	vst v16;
	v16 =	vmul.f32 v18, v11  }
0x376: {  	s3 =	sor.u32 s21, s20;
	s12 =	sadd.s32 $0xB680, s28;
	v3 =	vor.u32 $0x1F, v55;
	[tilespmem:s30+$0x0] =	vst v0;
	v1 =	vmul.f32 v1, v60  }
0x377: {  	s13 =	sor.u32 s26, s12;
	v18 =	vor.u32 $0x1E, v8;
	[tilespmem:s3+$0x0] =	vst v16;
	v4 =	vld.idx.msk [tilespmem:v4+s18+$0x0], $0xffff;
	v0 =	vmul.f32 v15, v14  }
0x378: {  	s4 =	sadd.s32 $0xB700, s15;
	s0 =	sor.u32 s14, s24;
	v19 =	vld.idx.msk [tilespmem:v46+s18+$0x0], $0xffff;
	v2 =	vmul.f32 v2, v59;
	[tilespmem:s13+$0x0] =	vst v1  }
0x379: {  	s11 =	sor.u32 s10, s4;
	s19 =	sadd.s32 $0xB680, s31;
	v16 =	vld.idx.msk [tilespmem:v22+s18+$0x0], $0xffff;
	v1 =	vmul.f32 v5, v10;
	v15 =	vor.u32 $0x1E, v9;
	[tilespmem:s0+$0x0] =	vst v0  }
0x37a: {  	s20 =	sor.u32 s1, s19;
	[tilespmem:s11+$0x0] =	vst v2;
	v0 =	vmul.f32 v17, v54;
	v2 =	vld.idx.msk [tilespmem:v21+s18+$0x0], $0xffff  }
0x37b: {  	s16 =	sor.u32 s9, s5;
	v3 =	vld.idx.msk [tilespmem:v3+s18+$0x0], $0xffff;
	[tilespmem:s20+$0x0] =	vst v1  }
0x37c: {  	s23 =	sadd.s32 $0xB680, s8;
	v1 =	vmul.f32 v4, v12;
	[tilespmem:s16+$0x0] =	vst v0;
	v0 =	vld.idx.msk [tilespmem:v18+s18+$0x0], $0xffff  }
0x37d: {  	s24 =	sor.u32 s17, s23;
	v17 =	vmul.f32 v19, v6;
	v18 =	vld.idx.msk [tilespmem:v7+s18+$0x0], $0xffff  }
0x37e: {  	s22 =	sor.u32 s2, s12;
	[tilespmem:s24+$0x0] =	vst v1;
	v4 =	vld.idx.msk [tilespmem:v15+s18+$0x0], $0xffff;
	v15 =	vmul.f32 v16, v11  }
0x37f: {  	s0 =	sor.u32 s21, s19;
	[tilespmem:s22+$0x0] =	vst v17;
	v1 =	vmul.f32 v2, v14  }
0x380: {  	s30 =	sadd.s32 $0xB780, s15;
	s7 =	sor.u32 s14, s23;
	[tilespmem:s0+$0x0] =	vst v15;
	v2 =	vmul.f32 v3, v59  }
0x381: {  	s12 =	sadd.s32 $0xB700, s28;
	s11 =	sor.u32 s10, s30;
	v0 =	vmul.f32 v0, v60;
	[tilespmem:s7+$0x0] =	vst v1  }
0x382: {  	s13 =	sor.u32 s26, s12;
	[tilespmem:s11+$0x0] =	vst v2;
	v1 =	vmul.f32 v18, v54  }
0x383: {  	s15 =	sor.u32 s9, s4;
	[tilespmem:s13+$0x0] =	vst v0  }
0x384: {  	[tilespmem:s15+$0x0] =	vst v1  }
0x385: {  	v7 =	vld [tilespmem:$0x1FDC0]  }
0x386: {  	v8 =	vor.u32 $0x1F, v8;
	v16 =	vld.idx.msk [tilespmem:v44+s18+$0x0], $0xffff;
	_ =	sdelay $0x3  }
0x387: {  	v5 =	vor.u32 $0x1E, v13;
	s16 =	sadd.s32 $0xB700, s31;
	v0 =	vmul.f32 v4, v10  }
0x388: {  	s19 =	sor.u32 s1, s16;
	v1 =	vld.idx.msk [tilespmem:v8+s18+$0x0], $0xffff;
	v8 =	vmul.f32 v16, v6  }
0x389: {  	s4 =	sor.u32 s2, s12;
	[tilespmem:s19+$0x0] =	vst v0  }
0x38a: {  	v4 =	vor.u32 $0x1F, v13;
	[tilespmem:s4+$0x0] =	vst v8;
	v13 =	vld.idx.msk [tilespmem:v7+s18+$0x0], $0xffff  }
0x38b: {  	v7 =	vld [tilespmem:$0x1FE20]  }
0x38c: {  	v3 =	vld.idx.msk [tilespmem:v5+s18+$0x0], $0xffff  }
0x38d: {  	v5 =	vor.u32 $0x1F, v9;
	v9 =	vld.idx.msk [tilespmem:v47+s18+$0x0], $0xffff;
	_ =	sdelay $0x1  }
0x38e: {  	v2 =	vld.idx.msk [tilespmem:v51+s18+$0x0], $0xffff  }
0x38f: {  	v15 =	vld.idx.msk [tilespmem:v63+s18+$0x0], $0xffff  }
0x390: {  	s20 =	sadd.s32 $0xB700, s8;
	v0 =	vmul.f32 v3, v12  }
0x391: {  	s22 =	sor.u32 s17, s20;
	v3 =	vld.idx.msk [tilespmem:v5+s18+$0x0], $0xffff;
	v5 =	vmul.f32 v9, v11  }
0x392: {  	s24 =	sadd.s32 $0xB780, s28;
	s0 =	sor.u32 s21, s16;
	v1 =	vmul.f32 v1, v60;
	[tilespmem:s22+$0x0] =	vst v0;
	v8 =	vld.idx.msk [tilespmem:v7+s18+$0x0], $0xffff  }
0x393: {  	s26 =	sor.u32 s26, s24;
	v0 =	vmul.f32 v2, v14;
	[tilespmem:s0+$0x0] =	vst v5  }
0x394: {  	s23 =	sor.u32 s14, s20;
	v2 =	vmul.f32 v15, v53;
	[tilespmem:s26+$0x0] =	vst v1;
	v4 =	vld.idx.msk [tilespmem:v4+s18+$0x0], $0xffff  }
0x395: {  	v5 =	vld.idx.msk [tilespmem:v58+s18+$0x0], $0xffff;
	[tilespmem:s23+$0x0] =	vst v0;
	v0 =	vmul.f32 v13, v54  }
0x396: {  	s5 =	sadd.s32 $0xB780, s31;
	s30 =	sor.u32 s9, s30;
	v1 =	vmul.f32 v3, v10;
	[tilespmem:s25+$0x0] =	vst v2;
	v2 =	vld.idx.msk [tilespmem:v20+s18+$0x0], $0xffff  }
0x397: {  	s6 =	sor.u32 s1, s5;
	[tilespmem:s30+$0x0] =	vst v0;
	v0 =	vmul.f32 v8, v6  }
0x398: {  	s7 =	sor.u32 s2, s24;
	[tilespmem:s6+$0x0] =	vst v1  }
0x399: {  	s9 =	sadd.s32 $0xB780, s8;
	v1 =	vmul.f32 v4, v12;
	s10 =	rddreg [dreg:$0x1b];
	[tilespmem:s7+$0x0] =	vst v0  }
0x39a: {  	s11 =	sor.u32 s17, s9;
	v0 =	vmul.f32 v5, v11;
	s3 =	rddreg [dreg:$0x14]  }
0x39b: {  	s0 =	sor.u32 s21, s5;
	p1 =	seq.s32 s10, $0x18;
	s4 =	rddreg [dreg:$0x1c];
	[tilespmem:s11+$0x0] =	vst v1;
	v1 =	vmul.f32 v2, v14  }
0x39c: {  	s1 =	sor.u32 s14, s9;
	s3 =	sadd.s32 @!p1 s3, s4;
	[tilespmem:s0+$0x0] =	vst v0  }
0x39d: {  	s2 =	sshll.u32 @!p1 s3, $0x6;
	[tilespmem:s1+$0x0] =	vst v1  }
0x39e: {  	s0 =	sand.u32 @!p1 $0x3F600, s2;
	s1 =	rddreg [dreg:$0x16]  }
0x39f: {  	s12 =	rddreg [dreg:$0x10];
	s0 =	sadd.s32 @!p1 s0, s1;
	s1 =	simm.s32 @!p1 $0x0  }
0x3a0: {  	[tilespmem:s1], [sflag:$0x1] =	stream.linear.gather @!p1 [hbm4b:s0+s1], $0x200, $0x38;
	[tilespmem:$0x10400] =	vst v63  }
0x3a1: {  	s0 =	sor.u32 s12, s4  }
0x3a2: {  	p2 =	seq.s32 s0, $0x0  }
0x3a3: {  	p2 =	por !p0, !p2  }
0x3a4: {  	s2 =	simm.s32 $0x1;
	p2 =	por !p2, !p2  }
0x3a5: {  	s0 =	sshrl.u32 s0, $0x3;
	s2 =	simm.s32 @!p2 $0x0  }
0x3a6: {  	s0 =	ssub.s32 s0, s2  }
0x3a7: {  	s13 =	rddreg [dreg:$0x17];
	s0 =	sshll.u32 s0, $0x11  }
0x3a8: {  	s0 =	sor.u32 s13, s0  }
0x3a9: {  	s14 =	rddreg [dreg:$0x1];
	s16 =	simm.s32 $0x8000;
	s0 =	sshrl.u32 s0, $0x3  }
0x3aa: {  	s17 =	simm.s32 $0x8400;
	s15 =	simm.s32 $0x1000;
	s0 =	sadd.s32 s14, s0  }
0x3ab: {  	[hbm4b:s0+s15] =	stream.strided.scatter [tilespmem:s17], [sflag:$0x5], $0x4000, s16, s15, $0x38;
	[tilespmem:$0x10400] =	vst v63  }
0x3ac: {  	s0 =	simm.s32 @!p1 $0x1  }
0x3ad: {  	_ =	swait.ge @!p1 [sflag:s0], $0x200  }
0x3ae: {  	[sflag:s0] =	ssyncset.done @!p1 $0x0  }
0x3af: {  	[sflag:s0] =	ssyncadd.s32 @!p1 $0xFFFFFE00;
	s0 =	simm.s32 @!p1 $0x5  }
0x3b0: {  	_ =	swait.ge @!p1 [sflag:s0], $0x4000  }
0x3b1: {  	s2 =	simm.s32 @!p1 $0x400;
	[sflag:s0] =	ssyncset.done @!p1 $0x0  }
0x3b2: {  	s3 =	rddreg [dreg:$0x11];
	[sflag:s0] =	ssyncadd.s32 @!p1 $0xFFFFC000;
	s0 =	simm.s32 @!p1 $0x80  }
0x3b3: {  	[tilespmem:s2], [sflag:$0x3] =	stream.indirect.gather @!p1 [hbm4b:s3+s0], $0x20, s1, s0, $0xb8;
	[tilespmem:$0x10400] =	vst v63  }
0x3b4: {  	s1 =	simm.s32 @!p1 $0x1400  }
0x3b5: {  	[tilespmem:s1], [sflag:$0x3] =	stream.indirect.gather @!p1 [hbm4b:s3+s0], $0x20, s0, s0, $0xb8;
	[tilespmem:$0x10400] =	vst v63  }
0x3b6: {  	s2 =	simm.s32 @!p1 $0x2400;
	s1 =	simm.s32 @!p1 $0x100  }
0x3b7: {  	[tilespmem:s2], [sflag:$0x3] =	stream.indirect.gather @!p1 [hbm4b:s3+s0], $0x20, s1, s0, $0xb8;
	[tilespmem:$0x10400] =	vst v63  }
0x3b8: {  	s18 =	simm.s32 $0x4;
	s1 =	simm.s32 @!p1 $0x180;
	s2 =	simm.s32 @!p1 $0x3400  }
0x3b9: {  	[tilespmem:s2], [sflag:$0x3] =	stream.indirect.gather @!p1 [hbm4b:s3+s0], $0x20, s1, s0, $0xb8;
	[tilespmem:$0x10400] =	vst v63  }
0x3ba: {  	_ =	swait.ge [sflag:s18], $0x1000  }
0x3bb: {  	[sflag:s18] =	ssyncset.done $0x0  }
0x3bc: {  	[sflag:s18] =	ssyncadd.s32 $0xFFFFF000  }
0x3bd: {  	s19 =	simm.s32 $0x0;
	_ =	swait.ge [sflag:s18], $0x1000  }
0x3be: {  	s23 =	sand.u32 $0x60, s19;
	[sflag:s18] =	ssyncset.done $0x0  }
0x3bf: {  	s12 =	sor.u32 $0x10, s23;
	[sflag:s18] =	ssyncadd.s32 $0xFFFFF000  }
0x3c0: {  	v0 =	vmov s12;
	_ =	swait.ge [sflag:s18], $0x1000  }
0x3c1: {  	s20 =	simm.s32 $0x0;
	v0 =	vshll.u32 v0, $0x5;
	[sflag:s18] =	ssyncset.done $0x0  }
0x3c2: {  	s21 =	simm.s32 $0x0;
	v0 =	vor.u32 v42, v0;
	s0 =	sand.u32 $0xFFFFF000, s20;
	[sflag:s18] =	ssyncadd.s32 $0xFFFFF000  }
0x3c3: {  	s1 =	sand.u32 $0x3FFFFF80, s21;
	v11 =	vor.u32 s0, v0;
	_ =	swait.ge [sflag:s18], $0x1000  }
0x3c4: {  	s1 =	sadd.s32 $0x200, s1;
	[sflag:s18] =	ssyncset.done $0x0  }
0x3c5: {  	s22 =	sor.u32 s12, s1;
	[sflag:s18] =	ssyncadd.s32 $0xFFFFF000  }
0x3c6: {  	v0 =	vld [tilespmem:s22+$0x0]  }
0x3c7: {  	s25 =	simm.s32 $0x4400  }
0x3c8: {  	v1 =	vld.idx.msk [tilespmem:v11+s25+$0x0], $0xffff;
	_ =	sdelay $0x1  }
0x3c9: {  	v2 =	vmov s23  }
0x3ca: {  	v2 =	vshll.u32 v2, $0x5;
	vm0 =	veq.s32 v0, $0x0;
	v0 =	vor.u32 $0x1, v11  }
0x3cb: {  	v2 =	vor.u32 v42, v2;
	s5 =	sshra.s32 s0, $0x2;
	v15 =	vsel vm0, $0x0, v57  }
0x3cc: {  	v17 =	vor.u32 s0, v2;
	s24 =	sadd.s32 $0xC400, s5;
	v1 =	vmul.f32 v15, v1  }
0x3cd: {  	s1 =	sor.u32 s23, s1;
	s26 =	sor.u32 s12, s24  }
0x3ce: {  	v2 =	vld [tilespmem:s1+$0x0];
	[tilespmem:s26+$0x0] =	vst v1  }
0x3cf: {  	v0 =	vld.idx.msk [tilespmem:v0+s25+$0x0], $0xffff;
	_ =	sdelay $0x1  }
0x3d0: {  	v1 =	vld.idx.msk [tilespmem:v17+s25+$0x0], $0xffff  }
0x3d1: {  	v3 =	vor.u32 $0x2, v11;
	_ =	sdelay $0x1  }
0x3d2: {  	v4 =	vor.u32 $0x1, v17;
	vm5 =	veq.s32 v2, $0x0;
	v0 =	vmul.f32 v0, v15  }
0x3d3: {  	v16 =	vsel vm5, $0x0, v57  }
0x3d4: {  	v1 =	vmul.f32 v16, v1;
	[tilespmem:s26+$0x80] =	vst v0  }
0x3d5: {  	s30 =	sor.u32 s23, s24;
	v0 =	vld.idx.msk [tilespmem:v3+s25+$0x0], $0xffff  }
0x3d6: {  	[tilespmem:s30+$0x0] =	vst v1  }
0x3d7: {  	v1 =	vld.idx.msk [tilespmem:v4+s25+$0x0], $0xffff  }
0x3d8: {  	v2 =	vor.u32 $0x3, v11;
	_ =	sdelay $0x1  }
0x3d9: {  	v3 =	vor.u32 $0x2, v17;
	v0 =	vmul.f32 v0, v15;
	_ =	sdelay $0x1  }
0x3da: {  	v1 =	vmul.f32 v1, v16;
	[tilespmem:s26+$0x100] =	vst v0  }
0x3db: {  	v0 =	vld.idx.msk [tilespmem:v2+s25+$0x0], $0xffff  }
0x3dc: {  	[tilespmem:s30+$0x80] =	vst v1  }
0x3dd: {  	v1 =	vld.idx.msk [tilespmem:v3+s25+$0x0], $0xffff  }
0x3de: {  	v2 =	vor.u32 $0x4, v11;
	_ =	sdelay $0x1  }
0x3df: {  	v3 =	vor.u32 $0x3, v17;
	v0 =	vmul.f32 v0, v15;
	_ =	sdelay $0x1  }
0x3e0: {  	v1 =	vmul.f32 v1, v16;
	[tilespmem:s26+$0x180] =	vst v0  }
0x3e1: {  	v0 =	vld.idx.msk [tilespmem:v2+s25+$0x0], $0xffff  }
0x3e2: {  	[tilespmem:s30+$0x100] =	vst v1  }
0x3e3: {  	v1 =	vld.idx.msk [tilespmem:v3+s25+$0x0], $0xffff  }
0x3e4: {  	v2 =	vor.u32 $0x5, v11;
	_ =	sdelay $0x1  }
0x3e5: {  	v3 =	vor.u32 $0x4, v17;
	v0 =	vmul.f32 v0, v15;
	_ =	sdelay $0x1  }
0x3e6: {  	v1 =	vmul.f32 v1, v16;
	[tilespmem:s26+$0x200] =	vst v0  }
0x3e7: {  	v0 =	vld.idx.msk [tilespmem:v2+s25+$0x0], $0xffff  }
0x3e8: {  	[tilespmem:s30+$0x180] =	vst v1  }
0x3e9: {  	v1 =	vld.idx.msk [tilespmem:v3+s25+$0x0], $0xffff  }
0x3ea: {  	v2 =	vor.u32 $0x6, v11;
	_ =	sdelay $0x1  }
0x3eb: {  	v3 =	vor.u32 $0x5, v17;
	v0 =	vmul.f32 v0, v15;
	_ =	sdelay $0x1  }
0x3ec: {  	s6 =	simm.s32 $0x20;
	v1 =	vmul.f32 v1, v16;
	[tilespmem:s26+$0x280] =	vst v0  }
0x3ed: {  	s10 =	sand.u32 $0x60, s6;
	v0 =	vld.idx.msk [tilespmem:v2+s25+$0x0], $0xffff  }
0x3ee: {  	s9 =	sor.u32 $0x10, s10;
	[tilespmem:s30+$0x200] =	vst v1  }
0x3ef: {  	v1 =	vld.idx.msk [tilespmem:v3+s25+$0x0], $0xffff;
	v3 =	vmov s9  }
0x3f0: {  	s7 =	simm.s32 $0x400;
	v2 =	vor.u32 $0x7, v11;
	v3 =	vshll.u32 v3, $0x5  }
0x3f1: {  	s2 =	sand.u32 $0xFFFFF000, s7;
	v3 =	vor.u32 v42, v3  }
0x3f2: {  	s8 =	simm.s32 $0x20;
	v14 =	vor.u32 s2, v3;
	v0 =	vmul.f32 v0, v15  }
0x3f3: {  	s3 =	sand.u32 $0x3FFFFF80, s8;
	v4 =	vor.u32 $0x6, v17  }
0x3f4: {  	s3 =	sadd.s32 $0x200, s3;
	v1 =	vmul.f32 v1, v16;
	[tilespmem:s26+$0x300] =	vst v0  }
0x3f5: {  	s11 =	sor.u32 s9, s3;
	v0 =	vld.idx.msk [tilespmem:v2+s25+$0x0], $0xffff  }
0x3f6: {  	[tilespmem:s30+$0x280] =	vst v1;
	v1 =	vld [tilespmem:s11+$0x0]  }
0x3f7: {  	v3 =	vld.idx.msk [tilespmem:v14+s25+$0x0], $0xffff  }
0x3f8: {  	v2 =	vld.idx.msk [tilespmem:v4+s25+$0x0], $0xffff;
	v4 =	vor.u32 $0x8, v11;
	_ =	sdelay $0x1  }
0x3f9: {  	v0 =	vmul.f32 v0, v15  }
0x3fa: {  	v5 =	vmov s10;
	vm6 =	veq.s32 v1, $0x0;
	v1 =	vor.u32 $0x1, v14  }
0x3fb: {  	v5 =	vshll.u32 v5, $0x5;
	s20 =	sshra.s32 s2, $0x2;
	v18 =	vsel vm6, $0x0, v57;
	[tilespmem:s26+$0x380] =	vst v0  }
0x3fc: {  	s13 =	sadd.s32 $0xC400, s20;
	v3 =	vmul.f32 v18, v3;
	v0 =	vor.u32 v42, v5;
	v4 =	vld.idx.msk [tilespmem:v4+s25+$0x0], $0xffff  }
0x3fd: {  	s0 =	sor.u32 s9, s13;
	v19 =	vor.u32 s2, v0  }
0x3fe: {  	[tilespmem:s0+$0x0] =	vst v3  }
0x3ff: {  	s14 =	sor.u32 s10, s3;
	v0 =	vld.idx.msk [tilespmem:v1+s25+$0x0], $0xffff;
	v1 =	vor.u32 $0x9, v11  }
0x400: {  	v3 =	vld [tilespmem:s14+$0x0]  }
0x401: {  	s15 =	sadd.s32 $0xD400, s5;
	v4 =	vmul.f32 v4, v15  }
0x402: {  	s16 =	sor.u32 s12, s15;
	v6 =	vor.u32 $0x2, v14;
	v5 =	vld.idx.msk [tilespmem:v19+s25+$0x0], $0xffff  }
0x403: {  	v7 =	vor.u32 $0x7, v17;
	[tilespmem:s16+$0x0] =	vst v4  }
0x404: {  	v0 =	vmul.f32 v0, v18;
	v1 =	vld.idx.msk [tilespmem:v1+s25+$0x0], $0xffff  }
0x405: {  	v2 =	vmul.f32 v2, v16;
	vm7 =	veq.s32 v3, $0x0;
	v4 =	vor.u32 $0x1, v19  }
0x406: {  	v53 =	vsel vm7, $0x0, v57;
	[tilespmem:s0+$0x80] =	vst v0  }
0x407: {  	[tilespmem:s30+$0x300] =	vst v2;
	v3 =	vor.u32 $0xA, v11;
	v2 =	vld.idx.msk [tilespmem:v6+s25+$0x0], $0xffff;
	v0 =	vmul.f32 v53, v5  }
0x408: {  	s2 =	sor.u32 s10, s13;
	v5 =	vld.idx.msk [tilespmem:v7+s25+$0x0], $0xffff  }
0x409: {  	s17 =	sadd.s32 $0xD480, s5;
	[tilespmem:s2+$0x0] =	vst v0;
	v0 =	vmul.f32 v1, v15  }
0x40a: {  	s18 =	sor.u32 s12, s17;
	v1 =	vld.idx.msk [tilespmem:v4+s25+$0x0], $0xffff;
	v4 =	vor.u32 $0x3, v14  }
0x40b: {  	v6 =	vor.u32 $0x8, v17;
	[tilespmem:s18+$0x0] =	vst v0  }
0x40c: {  	v2 =	vmul.f32 v2, v18;
	v0 =	vld.idx.msk [tilespmem:v3+s25+$0x0], $0xffff  }
0x40d: {  	v5 =	vmul.f32 v5, v16;
	v3 =	vor.u32 $0x2, v19  }
0x40e: {  	[tilespmem:s0+$0x100] =	vst v2  }
0x40f: {  	[tilespmem:s30+$0x380] =	vst v5;
	v1 =	vmul.f32 v1, v53;
	v2 =	vld.idx.msk [tilespmem:v4+s25+$0x0], $0xffff;
	v4 =	vor.u32 $0xB, v11  }
0x410: {  	v5 =	vld.idx.msk [tilespmem:v6+s25+$0x0], $0xffff  }
0x411: {  	s19 =	sadd.s32 $0xD500, s5;
	[tilespmem:s2+$0x80] =	vst v1;
	v0 =	vmul.f32 v0, v15  }
0x412: {  	s21 =	sor.u32 s12, s19;
	v1 =	vld.idx.msk [tilespmem:v3+s25+$0x0], $0xffff;
	v3 =	vor.u32 $0x4, v14  }
0x413: {  	v6 =	vor.u32 $0x9, v17;
	[tilespmem:s21+$0x0] =	vst v0  }
0x414: {  	v2 =	vmul.f32 v2, v18;
	v0 =	vld.idx.msk [tilespmem:v4+s25+$0x0], $0xffff  }
0x415: {  	v5 =	vmul.f32 v5, v16;
	v4 =	vor.u32 $0x3, v19  }
0x416: {  	s3 =	sor.u32 s23, s15;
	[tilespmem:s0+$0x180] =	vst v2  }
0x417: {  	[tilespmem:s3+$0x0] =	vst v5;
	v1 =	vmul.f32 v1, v53;
	v2 =	vld.idx.msk [tilespmem:v3+s25+$0x0], $0xffff;
	v3 =	vor.u32 $0xC, v11  }
0x418: {  	v5 =	vld.idx.msk [tilespmem:v6+s25+$0x0], $0xffff  }
0x419: {  	s22 =	sadd.s32 $0xD580, s5;
	[tilespmem:s2+$0x100] =	vst v1;
	v0 =	vmul.f32 v0, v15  }
0x41a: {  	s24 =	sor.u32 s12, s22;
	v1 =	vld.idx.msk [tilespmem:v4+s25+$0x0], $0xffff;
	v4 =	vor.u32 $0x5, v14  }
0x41b: {  	v6 =	vor.u32 $0xA, v17;
	[tilespmem:s24+$0x0] =	vst v0  }
0x41c: {  	v2 =	vmul.f32 v2, v18;
	v0 =	vld.idx.msk [tilespmem:v3+s25+$0x0], $0xffff  }
0x41d: {  	v5 =	vmul.f32 v5, v16;
	v3 =	vor.u32 $0x4, v19  }
0x41e: {  	s4 =	sor.u32 s23, s17;
	[tilespmem:s0+$0x200] =	vst v2  }
0x41f: {  	[tilespmem:s4+$0x0] =	vst v5;
	v1 =	vmul.f32 v1, v53;
	v2 =	vld.idx.msk [tilespmem:v4+s25+$0x0], $0xffff;
	v4 =	vor.u32 $0xD, v11  }
0x420: {  	v5 =	vld.idx.msk [tilespmem:v6+s25+$0x0], $0xffff  }
0x421: {  	s26 =	sadd.s32 $0xD600, s5;
	[tilespmem:s2+$0x180] =	vst v1;
	v0 =	vmul.f32 v0, v15  }
0x422: {  	s30 =	sor.u32 s12, s26;
	v1 =	vld.idx.msk [tilespmem:v3+s25+$0x0], $0xffff;
	v3 =	vor.u32 $0x6, v14  }
0x423: {  	v6 =	vor.u32 $0xB, v17;
	[tilespmem:s30+$0x0] =	vst v0  }
0x424: {  	v2 =	vmul.f32 v2, v18;
	v0 =	vld.idx.msk [tilespmem:v4+s25+$0x0], $0xffff  }
0x425: {  	v5 =	vmul.f32 v5, v16;
	v4 =	vor.u32 $0x5, v19  }
0x426: {  	s1 =	sor.u32 s23, s19;
	[tilespmem:s0+$0x280] =	vst v2  }
0x427: {  	[tilespmem:s1+$0x0] =	vst v5;
	v1 =	vmul.f32 v1, v53;
	v2 =	vld.idx.msk [tilespmem:v3+s25+$0x0], $0xffff;
	v3 =	vor.u32 $0xE, v11  }
0x428: {  	s6 =	simm.s32 $0x40;
	v5 =	vld.idx.msk [tilespmem:v6+s25+$0x0], $0xffff  }
0x429: {  	s14 =	sand.u32 $0x60, s6;
	s1 =	sadd.s32 $0xD680, s5;
	[tilespmem:s2+$0x200] =	vst v1;
	v0 =	vmul.f32 v0, v15  }
0x42a: {  	s18 =	sor.u32 $0x10, s14;
	s8 =	sor.u32 s12, s1;
	v1 =	vld.idx.msk [tilespmem:v4+s25+$0x0], $0xffff;
	v4 =	vor.u32 $0x7, v14  }
0x42b: {  	v6 =	vor.u32 $0xC, v17;
	[tilespmem:s8+$0x0] =	vst v0;
	v0 =	vmov s18  }
0x42c: {  	s11 =	simm.s32 $0x800;
	v2 =	vmul.f32 v2, v18;
	v3 =	vld.idx.msk [tilespmem:v3+s25+$0x0], $0xffff;
	v0 =	vshll.u32 v0, $0x5  }
0x42d: {  	s15 =	simm.s32 $0x40;
	s13 =	sand.u32 $0xFFFFF000, s11;
	v7 =	vor.u32 $0x6, v19;
	v8 =	vmul.f32 v5, v16;
	v0 =	vor.u32 v42, v0  }
0x42e: {  	s6 =	sand.u32 $0x3FFFFF80, s15;
	s3 =	sor.u32 s23, s22;
	[tilespmem:s0+$0x300] =	vst v2;
	v55 =	vor.u32 s13, v0  }
0x42f: {  	s16 =	sadd.s32 $0x200, s6;
	[tilespmem:s3+$0x0] =	vst v8;
	v2 =	vor.u32 $0xF, v11;
	v0 =	vmul.f32 v1, v53;
	v1 =	vld.idx.msk [tilespmem:v4+s25+$0x0], $0xffff  }
0x430: {  	s17 =	sor.u32 s18, s16;
	v4 =	vld.idx.msk [tilespmem:v6+s25+$0x0], $0xffff  }
0x431: {  	s19 =	sadd.s32 $0xD700, s5;
	v6 =	vld [tilespmem:s17+$0x0];
	[tilespmem:s2+$0x280] =	vst v0;
	v0 =	vmov s14;
	v3 =	vmul.f32 v3, v15  }
0x432: {  	s21 =	sor.u32 s12, s19;
	v8 =	vor.u32 $0x8, v14;
	v7 =	vld.idx.msk [tilespmem:v7+s25+$0x0], $0xffff;
	v0 =	vshll.u32 v0, $0x5  }
0x433: {  	v9 =	vor.u32 $0xD, v17;
	v0 =	vor.u32 v42, v0;
	v10 =	vld.idx.msk [tilespmem:v55+s25+$0x0], $0xffff;
	[tilespmem:s21+$0x0] =	vst v3  }
0x434: {  	v21 =	vor.u32 s13, v0;
	v1 =	vmul.f32 v1, v18;
	v0 =	vld.idx.msk [tilespmem:v2+s25+$0x0], $0xffff  }
0x435: {  	s3 =	sor.u32 s14, s16;
	v3 =	vmul.f32 v4, v16;
	v2 =	vor.u32 $0x7, v19  }
0x436: {  	s7 =	sor.u32 s23, s26;
	v12 =	vld [tilespmem:s3+$0x0];
	vm8 =	veq.s32 v6, $0x0;
	v6 =	vor.u32 $0x1, v55;
	[tilespmem:s0+$0x380] =	vst v1  }
0x437: {  	s4 =	sshra.s32 s13, $0x2;
	v59 =	vsel vm8, $0x0, v57;
	[tilespmem:s7+$0x0] =	vst v3;
	v1 =	vmul.f32 v7, v53;
	v3 =	vld.idx.msk [tilespmem:v8+s25+$0x0], $0xffff;
	v7 =	vor.u32 $0x10, v11  }
0x438: {  	s22 =	sadd.s32 $0xC400, s4;
	v8 =	vld.idx.msk [tilespmem:v9+s25+$0x0], $0xffff;
	v9 =	vmul.f32 v59, v10  }
0x439: {  	s24 =	sadd.s32 $0xD780, s5;
	s0 =	sor.u32 s18, s22;
	[tilespmem:s2+$0x300] =	vst v1;
	v1 =	vld.idx.msk [tilespmem:v21+s25+$0x0], $0xffff;
	v0 =	vmul.f32 v0, v15  }
0x43a: {  	s26 =	sor.u32 s12, s24;
	v2 =	vld.idx.msk [tilespmem:v2+s25+$0x0], $0xffff;
	[tilespmem:s0+$0x0] =	vst v9;
	v9 =	vor.u32 $0x9, v14  }
0x43b: {  	v10 =	vor.u32 $0xE, v17;
	v6 =	vld.idx.msk [tilespmem:v6+s25+$0x0], $0xffff;
	[tilespmem:s26+$0x0] =	vst v0  }
0x43c: {  	s30 =	sadd.s32 $0xD400, s20;
	vm9 =	veq.s32 v12, $0x0;
	v0 =	vor.u32 $0x1, v21;
	v3 =	vmul.f32 v3, v18;
	v7 =	vld.idx.msk [tilespmem:v7+s25+$0x0], $0xffff  }
0x43d: {  	v12 =	vor.u32 $0x8, v19;
	v54 =	vsel vm9, $0x0, v57;
	s7 =	sor.u32 s9, s30;
	v8 =	vmul.f32 v8, v16  }
0x43e: {  	s1 =	sor.u32 s23, s1;
	v13 =	vor.u32 $0x2, v55;
	v1 =	vmul.f32 v54, v1;
	[tilespmem:s7+$0x0] =	vst v3  }
0x43f: {  	[tilespmem:s1+$0x0] =	vst v8;
	s1 =	sor.u32 s14, s22;
	v8 =	vor.u32 $0x11, v11;
	v2 =	vmul.f32 v2, v53;
	v3 =	vld.idx.msk [tilespmem:v9+s25+$0x0], $0xffff  }
0x440: {  	v9 =	vld.idx.msk [tilespmem:v10+s25+$0x0], $0xffff;
	[tilespmem:s1+$0x0] =	vst v1;
	v1 =	vmul.f32 v6, v59  }
0x441: {  	v0 =	vld.idx.msk [tilespmem:v0+s25+$0x0], $0xffff;
	[tilespmem:s2+$0x380] =	vst v2;
	s2 =	sadd.s32 $0xE400, s5;
	v2 =	vmul.f32 v7, v15  }
0x442: {  	v6 =	vld.idx.msk [tilespmem:v12+s25+$0x0], $0xffff;
	s13 =	sor.u32 s12, s2;
	[tilespmem:s0+$0x80] =	vst v1;
	v1 =	vor.u32 $0xA, v14  }
0x443: {  	v7 =	vor.u32 $0xF, v17;
	v10 =	vld.idx.msk [tilespmem:v13+s25+$0x0], $0xffff;
	[tilespmem:s13+$0x0] =	vst v2  }
0x444: {  	s15 =	sadd.s32 $0xD480, s20;
	v2 =	vor.u32 $0x2, v21;
	v8 =	vld.idx.msk [tilespmem:v8+s25+$0x0], $0xffff;
	v3 =	vmul.f32 v3, v18  }
0x445: {  	s16 =	sor.u32 s9, s15;
	v12 =	vor.u32 $0x9, v19;
	v9 =	vmul.f32 v9, v16  }
0x446: {  	s6 =	sor.u32 s23, s19;
	v13 =	vor.u32 $0x3, v55;
	v0 =	vmul.f32 v0, v54;
	[tilespmem:s16+$0x0] =	vst v3  }
0x447: {  	[tilespmem:s6+$0x0] =	vst v9;
	v3 =	vmul.f32 v6, v53;
	v6 =	vor.u32 $0x12, v11;
	v1 =	vld.idx.msk [tilespmem:v1+s25+$0x0], $0xffff  }
0x448: {  	s17 =	sor.u32 s10, s30;
	v7 =	vld.idx.msk [tilespmem:v7+s25+$0x0], $0xffff;
	[tilespmem:s1+$0x80] =	vst v0;
	v0 =	vmul.f32 v10, v59  }
0x449: {  	s19 =	sadd.s32 $0xE480, s5;
	v2 =	vld.idx.msk [tilespmem:v2+s25+$0x0], $0xffff;
	[tilespmem:s17+$0x0] =	vst v3;
	v3 =	vmul.f32 v8, v15  }
0x44a: {  	s26 =	sor.u32 s12, s19;
	v8 =	vld.idx.msk [tilespmem:v12+s25+$0x0], $0xffff;
	[tilespmem:s0+$0x100] =	vst v0;
	v0 =	vor.u32 $0xB, v14  }
0x44b: {  	v9 =	vor.u32 $0x10, v17;
	v10 =	vld.idx.msk [tilespmem:v13+s25+$0x0], $0xffff;
	[tilespmem:s26+$0x0] =	vst v3  }
0x44c: {  	s30 =	sadd.s32 $0xD500, s20;
	v3 =	vor.u32 $0x3, v21;
	v6 =	vld.idx.msk [tilespmem:v6+s25+$0x0], $0xffff;
	v1 =	vmul.f32 v1, v18  }
0x44d: {  	s7 =	sor.u32 s9, s30;
	v12 =	vor.u32 $0xA, v19;
	v7 =	vmul.f32 v7, v16  }
0x44e: {  	s8 =	sor.u32 s23, s24;
	v13 =	vor.u32 $0x4, v55;
	v2 =	vmul.f32 v2, v54;
	[tilespmem:s7+$0x0] =	vst v1  }
0x44f: {  	[tilespmem:s8+$0x0] =	vst v7;
	v1 =	vmul.f32 v8, v53;
	v7 =	vor.u32 $0x13, v11;
	v0 =	vld.idx.msk [tilespmem:v0+s25+$0x0], $0xffff  }
0x450: {  	s3 =	sor.u32 s10, s15;
	v8 =	vld.idx.msk [tilespmem:v9+s25+$0x0], $0xffff;
	[tilespmem:s1+$0x100] =	vst v2;
	v2 =	vmul.f32 v10, v59  }
0x451: {  	s15 =	sadd.s32 $0xE500, s5;
	v3 =	vld.idx.msk [tilespmem:v3+s25+$0x0], $0xffff;
	[tilespmem:s3+$0x0] =	vst v1;
	v1 =	vmul.f32 v6, v15  }
0x452: {  	s21 =	sor.u32 s12, s15;
	v6 =	vld.idx.msk [tilespmem:v12+s25+$0x0], $0xffff;
	[tilespmem:s0+$0x180] =	vst v2;
	v2 =	vor.u32 $0xC, v14  }
0x453: {  	v9 =	vor.u32 $0x11, v17;
	v10 =	vld.idx.msk [tilespmem:v13+s25+$0x0], $0xffff;
	[tilespmem:s21+$0x0] =	vst v1  }
0x454: {  	s22 =	sadd.s32 $0xD580, s20;
	v1 =	vor.u32 $0x4, v21;
	v7 =	vld.idx.msk [tilespmem:v7+s25+$0x0], $0xffff;
	v0 =	vmul.f32 v0, v18  }
0x455: {  	s24 =	sor.u32 s9, s22;
	v12 =	vor.u32 $0xB, v19;
	v8 =	vmul.f32 v8, v16  }
0x456: {  	s2 =	sor.u32 s23, s2;
	v13 =	vor.u32 $0x5, v55;
	v3 =	vmul.f32 v3, v54;
	[tilespmem:s24+$0x0] =	vst v0  }
0x457: {  	[tilespmem:s2+$0x0] =	vst v8;
	v0 =	vmul.f32 v6, v53;
	v6 =	vor.u32 $0x14, v11;
	v2 =	vld.idx.msk [tilespmem:v2+s25+$0x0], $0xffff  }
0x458: {  	s26 =	sor.u32 s10, s30;
	v8 =	vld.idx.msk [tilespmem:v9+s25+$0x0], $0xffff;
	[tilespmem:s1+$0x180] =	vst v3;
	v3 =	vmul.f32 v10, v59  }
0x459: {  	s6 =	sadd.s32 $0xE580, s5;
	v1 =	vld.idx.msk [tilespmem:v1+s25+$0x0], $0xffff;
	[tilespmem:s26+$0x0] =	vst v0;
	v0 =	vmul.f32 v7, v15  }
0x45a: {  	s30 =	sor.u32 s12, s6;
	v7 =	vld.idx.msk [tilespmem:v12+s25+$0x0], $0xffff;
	[tilespmem:s0+$0x200] =	vst v3;
	v3 =	vor.u32 $0xD, v14  }
0x45b: {  	v9 =	vor.u32 $0x12, v17;
	v10 =	vld.idx.msk [tilespmem:v13+s25+$0x0], $0xffff;
	[tilespmem:s30+$0x0] =	vst v0  }
0x45c: {  	s7 =	sadd.s32 $0xD600, s20;
	v0 =	vor.u32 $0x5, v21;
	v6 =	vld.idx.msk [tilespmem:v6+s25+$0x0], $0xffff;
	v2 =	vmul.f32 v2, v18  }
0x45d: {  	s13 =	sor.u32 s9, s7;
	v12 =	vor.u32 $0xC, v19;
	v8 =	vmul.f32 v8, v16  }
0x45e: {  	s11 =	sor.u32 s23, s19;
	v13 =	vor.u32 $0x6, v55;
	v1 =	vmul.f32 v1, v54;
	[tilespmem:s13+$0x0] =	vst v2  }
0x45f: {  	[tilespmem:s11+$0x0] =	vst v8;
	v2 =	vmul.f32 v7, v53;
	v7 =	vor.u32 $0x15, v11;
	v3 =	vld.idx.msk [tilespmem:v3+s25+$0x0], $0xffff  }
0x460: {  	s16 =	sor.u32 s10, s22;
	v8 =	vld.idx.msk [tilespmem:v9+s25+$0x0], $0xffff;
	[tilespmem:s1+$0x200] =	vst v1;
	v1 =	vmul.f32 v10, v59  }
0x461: {  	s13 =	sadd.s32 $0xE600, s5;
	v0 =	vld.idx.msk [tilespmem:v0+s25+$0x0], $0xffff;
	[tilespmem:s16+$0x0] =	vst v2;
	v2 =	vmul.f32 v6, v15  }
0x462: {  	s17 =	sor.u32 s12, s13;
	v6 =	vld.idx.msk [tilespmem:v12+s25+$0x0], $0xffff;
	[tilespmem:s0+$0x280] =	vst v1;
	v1 =	vor.u32 $0xE, v14  }
0x463: {  	s19 =	simm.s32 $0x60;
	v9 =	vor.u32 $0x13, v17;
	v10 =	vld.idx.msk [tilespmem:v13+s25+$0x0], $0xffff;
	[tilespmem:s17+$0x0] =	vst v2  }
0x464: {  	s2 =	sand.u32 $0x60, s19;
	s11 =	sadd.s32 $0xD680, s20;
	v2 =	vor.u32 $0x6, v21;
	v7 =	vld.idx.msk [tilespmem:v7+s25+$0x0], $0xffff;
	v3 =	vmul.f32 v3, v18  }
0x465: {  	s26 =	sor.u32 $0x10, s2;
	s21 =	sor.u32 s9, s11;
	v12 =	vor.u32 $0xD, v19;
	v8 =	vmul.f32 v8, v16  }
0x466: {  	s8 =	sor.u32 s23, s15;
	v13 =	vor.u32 $0x7, v55;
	v0 =	vmul.f32 v0, v54;
	[tilespmem:s21+$0x0] =	vst v3;
	v3 =	vmov s26  }
0x467: {  	v20 =	vor.u32 $0x16, v11;
	s22 =	simm.s32 $0xC00;
	[tilespmem:s8+$0x0] =	vst v8;
	v6 =	vmul.f32 v6, v53;
	v1 =	vld.idx.msk [tilespmem:v1+s25+$0x0], $0xffff;
	v3 =	vshll.u32 v3, $0x5  }
0x468: {  	s3 =	sand.u32 $0xFFFFF000, s22;
	s24 =	sor.u32 s10, s7;
	v9 =	vld.idx.msk [tilespmem:v9+s25+$0x0], $0xffff;
	[tilespmem:s1+$0x280] =	vst v0;
	v0 =	vmul.f32 v10, v59;
	v3 =	vor.u32 v42, v3  }
0x469: {  	s30 =	simm.s32 $0x60;
	s8 =	sadd.s32 $0xE680, s5;
	v2 =	vld.idx.msk [tilespmem:v2+s25+$0x0], $0xffff;
	[tilespmem:s24+$0x0] =	vst v6;
	v6 =	vmul.f32 v7, v15;
	v8 =	vor.u32 s3, v3  }
0x46a: {  	s15 =	sand.u32 $0x3FFFFF80, s30;
	s16 =	sor.u32 s12, s8;
	v3 =	vmov s2;
	v7 =	vld.idx.msk [tilespmem:v12+s25+$0x0], $0xffff;
	[tilespmem:s0+$0x300] =	vst v0;
	v0 =	vor.u32 $0xF, v14  }
0x46b: {  	s15 =	sadd.s32 $0x200, s15;
	v3 =	vshll.u32 v3, $0x5;
	v10 =	vld.idx.msk [tilespmem:v13+s25+$0x0], $0xffff;
	[tilespmem:s16+$0x0] =	vst v6  }
0x46c: {  	s7 =	sor.u32 s26, s15;
	v6 =	vor.u32 $0x14, v17;
	v3 =	vor.u32 v42, v3;
	s16 =	sadd.s32 $0xD700, s20;
	v12 =	vld.idx.msk [tilespmem:v20+s25+$0x0], $0xffff;
	v1 =	vmul.f32 v1, v18  }
0x46d: {  	v29 =	vor.u32 s3, v3;
	v3 =	vld [tilespmem:s7+$0x0];
	s19 =	sor.u32 s9, s16  }
0x46e: {  	v9 =	vmul.f32 v9, v16;
	v20 =	vor.u32 $0x8, v55;
	v13 =	vld.idx.msk [tilespmem:v8+s25+$0x0], $0xffff;
	[tilespmem:s19+$0x0] =	vst v1  }
0x46f: {  	s6 =	sor.u32 s23, s6;
	s15 =	sor.u32 s2, s15;
	v1 =	vor.u32 $0x17, v11;
	v0 =	vld.idx.msk [tilespmem:v0+s25+$0x0], $0xffff  }
0x470: {  	v22 =	vor.u32 $0x7, v21;
	[tilespmem:s6+$0x0] =	vst v9;
	v9 =	vmul.f32 v10, v59;
	v10 =	vld [tilespmem:s15+$0x0]  }
0x471: {  	v23 =	vor.u32 $0xE, v19;
	s6 =	sadd.s32 $0xE700, s5;
	v24 =	vld.idx.msk [tilespmem:v6+s25+$0x0], $0xffff;
	v12 =	vmul.f32 v12, v15  }
0x472: {  	v2 =	vmul.f32 v2, v54;
	s21 =	sor.u32 s12, s6;
	v25 =	vld.idx.msk [tilespmem:v29+s25+$0x0], $0xffff;
	vm10 =	veq.s32 v3, $0x0;
	v3 =	vor.u32 $0x1, v8;
	[tilespmem:s0+$0x380] =	vst v9  }
0x473: {  	s28 =	sshra.s32 s3, $0x2;
	v7 =	vmul.f32 v7, v53;
	v60 =	vsel vm10, $0x0, v57;
	v9 =	vld.idx.msk [tilespmem:v20+s25+$0x0], $0xffff;
	v20 =	vor.u32 $0x10, v14;
	[tilespmem:s21+$0x0] =	vst v12  }
0x474: {  	s22 =	sor.u32 s10, s11;
	s3 =	sadd.s32 $0xC400, s28;
	[tilespmem:s1+$0x300] =	vst v2;
	v12 =	vor.u32 $0x15, v17;
	v2 =	vmul.f32 v60, v13;
	v1 =	vld.idx.msk [tilespmem:v1+s25+$0x0], $0xffff  }
0x475: {  	s17 =	sadd.s32 $0xD780, s20;
	s11 =	sor.u32 s26, s3;
	[tilespmem:s22+$0x0] =	vst v7;
	v22 =	vld.idx.msk [tilespmem:v22+s25+$0x0], $0xffff;
	v13 =	vor.u32 $0x1, v29;
	v0 =	vmul.f32 v0, v18;
	vm11 =	veq.s32 v10, $0x0  }
0x476: {  	s24 =	sor.u32 s9, s17;
	[tilespmem:s11+$0x0] =	vst v2;
	v2 =	vld.idx.msk [tilespmem:v23+s25+$0x0], $0xffff;
	v10 =	vor.u32 $0x9, v55;
	v23 =	vmul.f32 v24, v16;
	v6 =	vsel vm11, $0x0, v57  }
0x477: {  	s13 =	sor.u32 s23, s13;
	v24 =	vor.u32 $0x18, v11;
	v3 =	vld.idx.msk [tilespmem:v3+s25+$0x0], $0xffff;
	[tilespmem:s24+$0x0] =	vst v0;
	v0 =	vmul.f32 v6, v25  }
0x478: {  	s7 =	smov.u32 s5;
	s5 =	sor.u32 s2, s3;
	s3 =	sadd.s32 $0xD400, s4;
	v25 =	vor.u32 $0x8, v21;
	[tilespmem:s13+$0x0] =	vst v23;
	v20 =	vld.idx.msk [tilespmem:v20+s25+$0x0], $0xffff;
	v9 =	vmul.f32 v9, v59  }
0x479: {  	s30 =	sor.u32 s18, s3;
	s15 =	sadd.s32 $0xE780, s7;
	v23 =	vor.u32 $0xF, v19;
	[tilespmem:s5+$0x0] =	vst v0;
	v0 =	vld.idx.msk [tilespmem:v12+s25+$0x0], $0xffff;
	v1 =	vmul.f32 v1, v15  }
0x47a: {  	s0 =	sor.u32 s12, s15;
	v22 =	vmul.f32 v22, v54;
	v12 =	vld.idx.msk [tilespmem:v13+s25+$0x0], $0xffff;
	v13 =	vor.u32 $0x2, v8;
	[tilespmem:s30+$0x0] =	vst v9  }
0x47b: {  	v2 =	vmul.f32 v2, v53;
	v9 =	vld.idx.msk [tilespmem:v10+s25+$0x0], $0xffff;
	v10 =	vor.u32 $0x11, v14;
	[tilespmem:s0+$0x0] =	vst v1  }
0x47c: {  	s19 =	sor.u32 s10, s16;
	[tilespmem:s1+$0x380] =	vst v22;
	v1 =	vor.u32 $0x16, v17;
	v3 =	vmul.f32 v3, v60;
	v22 =	vld.idx.msk [tilespmem:v24+s25+$0x0], $0xffff  }
0x47d: {  	s16 =	sadd.s32 $0xE400, s20;
	v24 =	vor.u32 $0x2, v29;
	v25 =	vld.idx.msk [tilespmem:v25+s25+$0x0], $0xffff;
	[tilespmem:s19+$0x0] =	vst v2;
	v2 =	vmul.f32 v20, v18  }
0x47e: {  	s21 =	sor.u32 s9, s16;
	[tilespmem:s11+$0x80] =	vst v3;
	v3 =	vld.idx.msk [tilespmem:v23+s25+$0x0], $0xffff;
	v20 =	vor.u32 $0xA, v55;
	v0 =	vmul.f32 v0, v16  }
0x47f: {  	s8 =	sor.u32 s23, s8;
	v13 =	vld.idx.msk [tilespmem:v13+s25+$0x0], $0xffff;
	[tilespmem:s21+$0x0] =	vst v2;
	v2 =	vmul.f32 v12, v6;
	v12 =	vor.u32 $0x19, v11  }
0x480: {  	s19 =	sadd.s32 $0xD480, s4;
	v23 =	vor.u32 $0x9, v21;
	v10 =	vld.idx.msk [tilespmem:v10+s25+$0x0], $0xffff;
	v9 =	vmul.f32 v9, v59;
	[tilespmem:s8+$0x0] =	vst v0  }
0x481: {  	s1 =	sadd.s32 $0xF400, s7;
	s22 =	sor.u32 s18, s19;
	v0 =	vor.u32 $0x10, v19;
	[tilespmem:s5+$0x80] =	vst v2;
	v1 =	vld.idx.msk [tilespmem:v1+s25+$0x0], $0xffff;
	v2 =	vmul.f32 v22, v15  }
0x482: {  	s24 =	sor.u32 s12, s1;
	v25 =	vmul.f32 v25, v54;
	v22 =	vld.idx.msk [tilespmem:v24+s25+$0x0], $0xffff;
	v24 =	vor.u32 $0x3, v8;
	[tilespmem:s22+$0x0] =	vst v9  }
0x483: {  	s3 =	sor.u32 s14, s3;
	v3 =	vmul.f32 v3, v53;
	v9 =	vld.idx.msk [tilespmem:v20+s25+$0x0], $0xffff;
	v20 =	vor.u32 $0x12, v14;
	[tilespmem:s24+$0x0] =	vst v2  }
0x484: {  	s30 =	sor.u32 s10, s17;
	v2 =	vor.u32 $0x17, v17;
	[tilespmem:s3+$0x0] =	vst v25;
	v13 =	vmul.f32 v13, v60;
	v12 =	vld.idx.msk [tilespmem:v12+s25+$0x0], $0xffff  }
0x485: {  	s17 =	sadd.s32 $0xE480, s20;
	v25 =	vor.u32 $0x3, v29;
	v23 =	vld.idx.msk [tilespmem:v23+s25+$0x0], $0xffff;
	[tilespmem:s30+$0x0] =	vst v3;
	v3 =	vmul.f32 v10, v18  }
0x486: {  	s0 =	sor.u32 s9, s17;
	v0 =	vld.idx.msk [tilespmem:v0+s25+$0x0], $0xffff;
	v10 =	vor.u32 $0xB, v55;
	[tilespmem:s11+$0x100] =	vst v13;
	v1 =	vmul.f32 v1, v16  }
0x487: {  	s6 =	sor.u32 s23, s6;
	v13 =	vld.idx.msk [tilespmem:v24+s25+$0x0], $0xffff;
	[tilespmem:s0+$0x0] =	vst v3;
	v3 =	vmul.f32 v22, v6;
	v22 =	vor.u32 $0x1A, v11  }
0x488: {  	s3 =	sadd.s32 $0xD500, s4;
	v24 =	vor.u32 $0xA, v21;
	v20 =	vld.idx.msk [tilespmem:v20+s25+$0x0], $0xffff;
	v9 =	vmul.f32 v9, v59;
	[tilespmem:s6+$0x0] =	vst v1  }
0x489: {  	s13 =	sadd.s32 $0xF480, s7;
	s8 =	sor.u32 s18, s3;
	v1 =	vor.u32 $0x11, v19;
	[tilespmem:s5+$0x100] =	vst v3;
	v2 =	vld.idx.msk [tilespmem:v2+s25+$0x0], $0xffff;
	v3 =	vmul.f32 v12, v15  }
0x48a: {  	s21 =	sor.u32 s12, s13;
	v23 =	vmul.f32 v23, v54;
	v12 =	vld.idx.msk [tilespmem:v25+s25+$0x0], $0xffff;
	v25 =	vor.u32 $0x4, v8;
	[tilespmem:s8+$0x0] =	vst v9  }
0x48b: {  	s22 =	sor.u32 s14, s19;
	v0 =	vmul.f32 v0, v53;
	v9 =	vld.idx.msk [tilespmem:v10+s25+$0x0], $0xffff;
	v10 =	vor.u32 $0x13, v14;
	[tilespmem:s21+$0x0] =	vst v3  }
0x48c: {  	s24 =	sor.u32 s10, s16;
	v3 =	vor.u32 $0x18, v17;
	[tilespmem:s22+$0x0] =	vst v23;
	v13 =	vmul.f32 v13, v60;
	v22 =	vld.idx.msk [tilespmem:v22+s25+$0x0], $0xffff  }
0x48d: {  	s6 =	sadd.s32 $0xE500, s20;
	v23 =	vor.u32 $0x4, v29;
	v24 =	vld.idx.msk [tilespmem:v24+s25+$0x0], $0xffff;
	[tilespmem:s24+$0x0] =	vst v0;
	v0 =	vmul.f32 v20, v18  }
0x48e: {  	s30 =	sor.u32 s9, s6;
	v1 =	vld.idx.msk [tilespmem:v1+s25+$0x0], $0xffff;
	[tilespmem:s11+$0x180] =	vst v13;
	v13 =	vor.u32 $0xC, v55;
	v2 =	vmul.f32 v2, v16  }
0x48f: {  	s15 =	sor.u32 s23, s15;
	v20 =	vld.idx.msk [tilespmem:v25+s25+$0x0], $0xffff;
	[tilespmem:s30+$0x0] =	vst v0;
	v0 =	vmul.f32 v12, v6;
	v12 =	vor.u32 $0x1B, v11  }
0x490: {  	s19 =	sadd.s32 $0xD580, s4;
	v25 =	vor.u32 $0xB, v21;
	v10 =	vld.idx.msk [tilespmem:v10+s25+$0x0], $0xffff;
	v9 =	vmul.f32 v9, v59;
	[tilespmem:s15+$0x0] =	vst v2  }
0x491: {  	s0 =	sor.u32 s18, s19;
	s8 =	sadd.s32 $0xF500, s7;
	v2 =	vor.u32 $0x12, v19;
	[tilespmem:s5+$0x180] =	vst v0;
	v0 =	vld.idx.msk [tilespmem:v3+s25+$0x0], $0xffff;
	v3 =	vmul.f32 v22, v15  }
0x492: {  	s16 =	sor.u32 s12, s8;
	v24 =	vmul.f32 v24, v54;
	v22 =	vld.idx.msk [tilespmem:v23+s25+$0x0], $0xffff;
	v23 =	vor.u32 $0x5, v8;
	[tilespmem:s0+$0x0] =	vst v9  }
0x493: {  	s3 =	sor.u32 s14, s3;
	v1 =	vmul.f32 v1, v53;
	v9 =	vld.idx.msk [tilespmem:v13+s25+$0x0], $0xffff;
	v13 =	vor.u32 $0x14, v14;
	[tilespmem:s16+$0x0] =	vst v3  }
0x494: {  	s21 =	sor.u32 s10, s17;
	v3 =	vor.u32 $0x19, v17;
	[tilespmem:s3+$0x0] =	vst v24;
	v20 =	vmul.f32 v20, v60;
	v12 =	vld.idx.msk [tilespmem:v12+s25+$0x0], $0xffff  }
0x495: {  	v24 =	vor.u32 $0x5, v29;
	s16 =	sadd.s32 $0xE580, s20;
	v25 =	vld.idx.msk [tilespmem:v25+s25+$0x0], $0xffff;
	[tilespmem:s21+$0x0] =	vst v1;
	v1 =	vmul.f32 v10, v18  }
0x496: {  	s22 =	sor.u32 s9, s16;
	v2 =	vld.idx.msk [tilespmem:v2+s25+$0x0], $0xffff;
	v10 =	vor.u32 $0xD, v55;
	[tilespmem:s11+$0x200] =	vst v20;
	v0 =	vmul.f32 v0, v16  }
0x497: {  	s1 =	sor.u32 s23, s1;
	v20 =	vld.idx.msk [tilespmem:v23+s25+$0x0], $0xffff;
	[tilespmem:s22+$0x0] =	vst v1;
	v1 =	vmul.f32 v22, v6;
	v22 =	vor.u32 $0x1C, v11  }
0x498: {  	s17 =	sadd.s32 $0xD600, s4;
	v23 =	vor.u32 $0xC, v21;
	v13 =	vld.idx.msk [tilespmem:v13+s25+$0x0], $0xffff;
	v9 =	vmul.f32 v9, v59;
	[tilespmem:s1+$0x0] =	vst v0  }
0x499: {  	s24 =	sor.u32 s18, s17;
	s15 =	sadd.s32 $0xF580, s7;
	v0 =	vor.u32 $0x13, v19;
	[tilespmem:s5+$0x200] =	vst v1;
	v1 =	vld.idx.msk [tilespmem:v3+s25+$0x0], $0xffff;
	v3 =	vmul.f32 v12, v15  }
0x49a: {  	s30 =	sor.u32 s12, s15;
	v25 =	vmul.f32 v25, v54;
	v12 =	vld.idx.msk [tilespmem:v24+s25+$0x0], $0xffff;
	v24 =	vor.u32 $0x6, v8;
	[tilespmem:s24+$0x0] =	vst v9  }
0x49b: {  	s0 =	sor.u32 s14, s19;
	v2 =	vmul.f32 v2, v53;
	v9 =	vld.idx.msk [tilespmem:v10+s25+$0x0], $0xffff;
	v10 =	vor.u32 $0x15, v14;
	[tilespmem:s30+$0x0] =	vst v3  }
0x49c: {  	s6 =	sor.u32 s10, s6;
	[tilespmem:s0+$0x0] =	vst v25;
	v3 =	vmul.f32 v20, v60;
	v20 =	vld.idx.msk [tilespmem:v22+s25+$0x0], $0xffff  }
0x49d: {  	s19 =	simm.s32 $0x80;
	s21 =	simm.s32 $0x80;
	v22 =	vld.idx.msk [tilespmem:v23+s25+$0x0], $0xffff;
	[tilespmem:s6+$0x0] =	vst v2;
	s6 =	sadd.s32 $0xE600, s20;
	v2 =	vmul.f32 v13, v18  }
0x49e: {  	s29 =	sand.u32 $0x60, s19;
	s3 =	sand.u32 $0x3FFFFF80, s21;
	v0 =	vld.idx.msk [tilespmem:v0+s25+$0x0], $0xffff;
	s22 =	sor.u32 s9, s6;
	[tilespmem:s11+$0x280] =	vst v3  }
0x49f: {  	s3 =	sadd.s32 $0x200, s3;
	s1 =	sor.u32 $0x10, s29;
	s24 =	simm.s32 $0xA0;
	v13 =	vld.idx.msk [tilespmem:v24+s25+$0x0], $0xffff;
	[tilespmem:s22+$0x0] =	vst v2  }
0x4a0: {  	s30 =	simm.s32 $0xA0;
	s0 =	sand.u32 $0x60, s24;
	v3 =	vor.u32 $0x1A, v17;
	s22 =	sor.u32 s1, s3;
	v10 =	vld.idx.msk [tilespmem:v10+s25+$0x0], $0xffff  }
0x4a1: {  	s21 =	sand.u32 $0x3FFFFF80, s30;
	v2 =	vor.u32 $0x6, v29;
	v24 =	vld [tilespmem:s22+$0x0];
	s22 =	sor.u32 $0x10, s0;
	[smem:$0x7F7] =	sst s0  }
0x4a2: {  	v23 =	vor.u32 $0xE, v55;
	s19 =	sadd.s32 $0x200, s21;
	v1 =	vmul.f32 v1, v16;
	s3 =	sor.u32 s29, s3;
	[smem:$0x7F6] =	sst s22  }
0x4a3: {  	s13 =	sor.u32 s23, s13;
	v25 =	vor.u32 $0x1D, v11;
	v12 =	vmul.f32 v12, v6;
	s24 =	sor.u32 s22, s19;
	v26 =	vld [tilespmem:s3+$0x0]  }
0x4a4: {  	v27 =	vor.u32 $0xD, v21;
	v9 =	vmul.f32 v9, v59;
	[tilespmem:s13+$0x0] =	vst v1;
	s13 =	sadd.s32 $0xD680, s4;
	v1 =	vld [tilespmem:s24+$0x0]  }
0x4a5: {  	[tilespmem:s5+$0x280] =	vst v12;
	s3 =	sadd.s32 $0xF600, s7;
	s30 =	sor.u32 s18, s13;
	v12 =	vld.idx.msk [tilespmem:v3+s25+$0x0], $0xffff;
	v3 =	vmul.f32 v20, v15;
	v20 =	vor.u32 $0x7, v8  }
0x4a6: {  	v28 =	vor.u32 $0x16, v14;
	s22 =	sor.u32 s12, s3;
	[tilespmem:s30+$0x0] =	vst v9;
	v2 =	vld.idx.msk [tilespmem:v2+s25+$0x0], $0xffff;
	v9 =	vmul.f32 v22, v54  }
0x4a7: {  	s17 =	sor.u32 s14, s17;
	s24 =	simm.s32 $0x1000;
	v22 =	vmov s1;
	v13 =	vmul.f32 v13, v60;
	[tilespmem:s22+$0x0] =	vst v3;
	v23 =	vld.idx.msk [tilespmem:v23+s25+$0x0], $0xffff  }
0x4a8: {  	v3 =	vshll.u32 v22, $0x5;
	v22 =	vor.u32 $0x14, v19;
	v10 =	vmul.f32 v10, v18;
	[tilespmem:s17+$0x0] =	vst v9;
	v25 =	vld.idx.msk [tilespmem:v25+s25+$0x0], $0xffff;
	s17 =	sand.u32 $0xFFFFF000, s24;
	s24 =	sadd.s32 $0xE680, s20  }
0x4a9: {  	v30 =	vmov s29;
	v3 =	vor.u32 v42, v3;
	[tilespmem:s11+$0x300] =	vst v13;
	v27 =	vld.idx.msk [tilespmem:v27+s25+$0x0], $0xffff;
	s30 =	sor.u32 s9, s24  }
0x4aa: {  	v0 =	vmul.f32 v0, v53;
	v9 =	vor.u32 s17, v3;
	v3 =	vshll.u32 v30, $0x5;
	[tilespmem:s30+$0x0] =	vst v10;
	v10 =	vld.idx.msk [tilespmem:v20+s25+$0x0], $0xffff  }
0x4ab: {  	s16 =	sor.u32 s10, s16;
	s19 =	sor.u32 s0, s19;
	v13 =	vor.u32 $0xF, v55;
	v3 =	vor.u32 v42, v3;
	v20 =	vld.idx.msk [tilespmem:v28+s25+$0x0], $0xffff  }
0x4ac: {  	[tilespmem:s16+$0x0] =	vst v0;
	s30 =	sadd.s32 $0xD700, s4;
	v28 =	vor.u32 $0x1E, v11;
	v0 =	vor.u32 s17, v3;
	v3 =	vld [tilespmem:s19+$0x0];
	v23 =	vmul.f32 v23, v59  }
0x4ad: {  	s22 =	sor.u32 s18, s30;
	v22 =	vld.idx.msk [tilespmem:v22+s25+$0x0], $0xffff;
	[dreg:$0x1d] =	wrdreg s7  }
0x4ae: {  	v30 =	vor.u32 $0x8, v8;
	s19 =	sadd.s32 $0xF680, s7;
	v25 =	vmul.f32 v25, v15;
	[tilespmem:s22+$0x0] =	vst v23  }
0x4af: {  	v31 =	vor.u32 $0x17, v14;
	s0 =	sor.u32 s12, s19;
	v23 =	vld.idx.msk [tilespmem:v9+s25+$0x0], $0xffff;
	[smem:$0x7FA] =	sst s12  }
0x4b0: {  	v10 =	vmul.f32 v10, v60;
	[tilespmem:s0+$0x0] =	vst v25;
	v25 =	vor.u32 $0x7, v29;
	v13 =	vld.idx.msk [tilespmem:v13+s25+$0x0], $0xffff  }
0x4b1: {  	v37 =	vor.u32 $0xE, v21;
	s16 =	sadd.s32 $0xE700, s20;
	v20 =	vmul.f32 v20, v18;
	v28 =	vld.idx.msk [tilespmem:v28+s25+$0x0], $0xffff  }
0x4b2: {  	vm12 =	veq.s32 v24, $0x0;
	s21 =	sor.u32 s9, s16;
	v24 =	vor.u32 $0x1, v9;
	v2 =	vmul.f32 v2, v6;
	v38 =	vld.idx.msk [tilespmem:v0+s25+$0x0], $0xffff;
	[tilespmem:s11+$0x380] =	vst v10  }
0x4b3: {  	v10 =	vsel vm12, $0x0, v57;
	[tilespmem:s21+$0x0] =	vst v20;
	v20 =	vmul.f32 v27, v54;
	s21 =	sshra.s32 s17, $0x2;
	v27 =	vld.idx.msk [tilespmem:v30+s25+$0x0], $0xffff;
	v30 =	vor.u32 $0x10, v55  }
0x4b4: {  	s22 =	sor.u32 s14, s13;
	[tilespmem:s5+$0x300] =	vst v2;
	v2 =	vmul.f32 v10, v23;
	v23 =	vld.idx.msk [tilespmem:v31+s25+$0x0], $0xffff;
	v31 =	vor.u32 $0x1F, v11;
	s17 =	sadd.s32 $0xC400, s21  }
0x4b5: {  	s31 =	sadd.s32 $0xD780, s4;
	[tilespmem:s22+$0x0] =	vst v20;
	v20 =	vor.u32 $0x15, v19;
	s13 =	sor.u32 s1, s17;
	v25 =	vld.idx.msk [tilespmem:v25+s25+$0x0], $0xffff;
	v11 =	vmul.f32 v13, v59  }
0x4b6: {  	vm13 =	veq.s32 v26, $0x0;
	s0 =	sor.u32 s18, s31;
	s11 =	sadd.s32 $0xF700, s7;
	v13 =	vor.u32 $0x1, v0;
	[tilespmem:s13+$0x0] =	vst v2;
	v26 =	vld.idx.msk [tilespmem:v37+s25+$0x0], $0xffff;
	v2 =	vmul.f32 v28, v15  }
0x4b7: {  	v63 =	vsel vm13, $0x0, v57;
	v22 =	vmul.f32 v22, v53;
	s7 =	sor.u32 s12, s11;
	v24 =	vld.idx.msk [tilespmem:v24+s25+$0x0], $0xffff;
	v28 =	vor.u32 $0x9, v8;
	[tilespmem:s0+$0x0] =	vst v11  }
0x4b8: {  	v40 =	vor.u32 $0x18, v14;
	s6 =	sor.u32 s10, s6;
	v39 =	vmul.f32 v63, v38;
	[tilespmem:s7+$0x0] =	vst v2;
	v30 =	vld.idx.msk [tilespmem:v30+s25+$0x0], $0xffff  }
0x4b9: {  	[tilespmem:s6+$0x0] =	vst v22;
	v22 =	vor.u32 $0x8, v29;
	v27 =	vmul.f32 v27, v60;
	s0 =	sadd.s32 $0xD400, s28;
	s7 =	sor.u32 s29, s17;
	v2 =	vld.idx.msk [tilespmem:v31+s25+$0x0], $0xffff  }
0x4ba: {  	s22 =	sadd.s32 $0xE780, s20;
	v23 =	vmul.f32 v23, v18;
	s12 =	sor.u32 s26, s0;
	v31 =	vor.u32 $0xF, v21;
	[tilespmem:s7+$0x0] =	vst v39;
	v20 =	vld.idx.msk [tilespmem:v20+s25+$0x0], $0xffff  }
0x4bb: {  	s17 =	sor.u32 s9, s22;
	[tilespmem:s12+$0x0] =	vst v27;
	v27 =	vor.u32 $0x2, v9;
	v13 =	vld.idx.msk [tilespmem:v13+s25+$0x0], $0xffff;
	v25 =	vmul.f32 v25, v6  }
0x4bc: {  	[tilespmem:s17+$0x0] =	vst v23;
	v26 =	vmul.f32 v26, v54;
	v23 =	vld.idx.msk [tilespmem:v28+s25+$0x0], $0xffff;
	v28 =	vor.u32 $0x11, v55  }
0x4bd: {  	s6 =	sor.u32 s14, s30;
	v24 =	vmul.f32 v24, v10;
	v41 =	vld.idx.msk [tilespmem:v40+s25+$0x0], $0xffff;
	[tilespmem:s5+$0x380] =	vst v25;
	v25 =	vor.u32 $0x16, v19  }
0x4be: {  	[tilespmem:s6+$0x0] =	vst v26;
	v26 =	vor.u32 $0x2, v0;
	s5 =	sadd.s32 $0xE400, s4;
	v22 =	vld.idx.msk [tilespmem:v22+s25+$0x0], $0xffff;
	v30 =	vmul.f32 v30, v59  }
0x4bf: {  	[tilespmem:s13+$0x80] =	vst v24;
	s17 =	sor.u32 s18, s5;
	v24 =	vld.idx.msk [tilespmem:v31+s25+$0x0], $0xffff;
	v31 =	vor.u32 $0xA, v8;
	v20 =	vmul.f32 v20, v53  }
0x4c0: {  	s30 =	sor.u32 s10, s24;
	v27 =	vld.idx.msk [tilespmem:v27+s25+$0x0], $0xffff;
	[tilespmem:s17+$0x0] =	vst v30;
	v13 =	vmul.f32 v13, v63;
	v30 =	vor.u32 $0x19, v14  }
0x4c1: {  	s24 =	sadd.s32 $0xD480, s28;
	[tilespmem:s30+$0x0] =	vst v20;
	v20 =	vor.u32 $0x9, v29;
	v28 =	vld.idx.msk [tilespmem:v28+s25+$0x0], $0xffff;
	v23 =	vmul.f32 v23, v60  }
0x4c2: {  	v43 =	vor.u32 $0x10, v21;
	s6 =	sadd.s32 $0xF400, s20;
	s17 =	sor.u32 s26, s24;
	[tilespmem:s7+$0x80] =	vst v13;
	v13 =	vld.idx.msk [tilespmem:v25+s25+$0x0], $0xffff;
	v25 =	vmul.f32 v41, v18  }
0x4c3: {  	[tilespmem:s17+$0x0] =	vst v23;
	v23 =	vld.idx.msk [tilespmem:v26+s25+$0x0], $0xffff;
	v26 =	vor.u32 $0x3, v9;
	v22 =	vmul.f32 v22, v6;
	s17 =	sor.u32 s9, s6  }
0x4c4: {  	s0 =	sor.u32 s2, s0;
	[tilespmem:s17+$0x0] =	vst v25;
	v25 =	vld.idx.msk [tilespmem:v31+s25+$0x0], $0xffff;
	v24 =	vmul.f32 v24, v54;
	v31 =	vor.u32 $0x12, v55  }
0x4c5: {  	s30 =	sor.u32 s14, s31;
	v27 =	vmul.f32 v27, v10;
	[tilespmem:s0+$0x0] =	vst v22;
	v22 =	vor.u32 $0x1B, v17;
	v30 =	vld.idx.msk [tilespmem:v30+s25+$0x0], $0xffff  }
0x4c6: {  	[tilespmem:s30+$0x0] =	vst v24;
	v24 =	vor.u32 $0x17, v19;
	v20 =	vld.idx.msk [tilespmem:v20+s25+$0x0], $0xffff;
	v28 =	vmul.f32 v28, v59;
	s30 =	sadd.s32 $0xE480, s4  }
0x4c7: {  	v12 =	vmul.f32 v12, v16;
	v44 =	vor.u32 $0x3, v0;
	[tilespmem:s13+$0x100] =	vst v27;
	v27 =	vld.idx.msk [tilespmem:v43+s25+$0x0], $0xffff;
	s17 =	sor.u32 s18, s30  }
0x4c8: {  	v13 =	vmul.f32 v13, v53;
	[tilespmem:s17+$0x0] =	vst v28;
	s17 =	sor.u32 s23, s8;
	v26 =	vld.idx.msk [tilespmem:v26+s25+$0x0], $0xffff;
	v28 =	vor.u32 $0xB, v8  }
0x4c9: {  	s8 =	sor.u32 s10, s16;
	[tilespmem:s17+$0x0] =	vst v12;
	v12 =	vmul.f32 v23, v63;
	v23 =	vld.idx.msk [tilespmem:v31+s25+$0x0], $0xffff;
	v31 =	vor.u32 $0x1A, v14  }
0x4ca: {  	s0 =	sadd.s32 $0xD500, s28;
	[tilespmem:s8+$0x0] =	vst v13;
	v13 =	vor.u32 $0xA, v29;
	v25 =	vmul.f32 v25, v60;
	v22 =	vld.idx.msk [tilespmem:v22+s25+$0x0], $0xffff  }
0x4cb: {  	v45 =	vor.u32 $0x11, v21;
	s31 =	sadd.s32 $0xF480, s20;
	s16 =	sor.u32 s26, s0;
	[tilespmem:s7+$0x100] =	vst v12;
	v12 =	vld.idx.msk [tilespmem:v24+s25+$0x0], $0xffff;
	v24 =	vmul.f32 v30, v18  }
0x4cc: {  	s17 =	sor.u32 s9, s31;
	[tilespmem:s16+$0x0] =	vst v25;
	v30 =	vor.u32 $0x4, v9;
	v20 =	vmul.f32 v20, v6;
	v25 =	vld.idx.msk [tilespmem:v44+s25+$0x0], $0xffff  }
0x4cd: {  	s24 =	sor.u32 s2, s24;
	v27 =	vmul.f32 v27, v54;
	[tilespmem:s17+$0x0] =	vst v24;
	v24 =	vld.idx.msk [tilespmem:v28+s25+$0x0], $0xffff;
	v28 =	vor.u32 $0x13, v55  }
0x4ce: {  	s5 =	sor.u32 s14, s5;
	[tilespmem:s24+$0x0] =	vst v20;
	v20 =	vor.u32 $0x1C, v17;
	v26 =	vmul.f32 v26, v10;
	v31 =	vld.idx.msk [tilespmem:v31+s25+$0x0], $0xffff  }
0x4cf: {  	s24 =	sadd.s32 $0xE500, s4;
	[tilespmem:s5+$0x0] =	vst v27;
	v27 =	vor.u32 $0x18, v19;
	v13 =	vld.idx.msk [tilespmem:v13+s25+$0x0], $0xffff;
	v23 =	vmul.f32 v23, v59  }
0x4d0: {  	s16 =	sor.u32 s18, s24;
	[tilespmem:s13+$0x180] =	vst v26;
	v26 =	vld.idx.msk [tilespmem:v45+s25+$0x0], $0xffff;
	v22 =	vmul.f32 v22, v16  }
0x4d1: {  	v46 =	vor.u32 $0x4, v0;
	s17 =	sor.u32 s23, s15;
	[tilespmem:s16+$0x0] =	vst v23;
	v23 =	vld.idx.msk [tilespmem:v30+s25+$0x0], $0xffff;
	v12 =	vmul.f32 v12, v53  }
0x4d2: {  	s22 =	sor.u32 s10, s22;
	v30 =	vor.u32 $0xC, v8;
	[tilespmem:s17+$0x0] =	vst v22;
	v22 =	vmul.f32 v25, v63;
	v25 =	vld.idx.msk [tilespmem:v28+s25+$0x0], $0xffff  }
0x4d3: {  	s5 =	sadd.s32 $0xD580, s28;
	v28 =	vor.u32 $0x1B, v14;
	[tilespmem:s22+$0x0] =	vst v12;
	v24 =	vmul.f32 v24, v60;
	v20 =	vld.idx.msk [tilespmem:v20+s25+$0x0], $0xffff  }
0x4d4: {  	s8 =	sor.u32 s26, s5;
	v12 =	vor.u32 $0xB, v29;
	s22 =	sadd.s32 $0xF500, s20;
	[tilespmem:s7+$0x180] =	vst v22;
	v22 =	vld.idx.msk [tilespmem:v27+s25+$0x0], $0xffff;
	v27 =	vmul.f32 v31, v18  }
0x4d5: {  	v47 =	vor.u32 $0x12, v21;
	v13 =	vmul.f32 v13, v6;
	s16 =	sor.u32 s9, s22;
	[tilespmem:s8+$0x0] =	vst v24  }
0x4d6: {  	s0 =	sor.u32 s2, s0;
	v31 =	vor.u32 $0x5, v9;
	v24 =	vld.idx.msk [tilespmem:v46+s25+$0x0], $0xffff;
	v26 =	vmul.f32 v26, v54;
	[tilespmem:s16+$0x0] =	vst v27  }
0x4d7: {  	s17 =	sor.u32 s14, s30;
	v27 =	vld.idx.msk [tilespmem:v30+s25+$0x0], $0xffff;
	v30 =	vor.u32 $0x14, v55;
	[tilespmem:s0+$0x0] =	vst v13;
	v23 =	vmul.f32 v23, v10  }
0x4d8: {  	s15 =	sadd.s32 $0xE580, s4;
	v13 =	vor.u32 $0x1D, v17;
	[tilespmem:s17+$0x0] =	vst v26;
	v28 =	vld.idx.msk [tilespmem:v28+s25+$0x0], $0xffff;
	v25 =	vmul.f32 v25, v59  }
0x4d9: {  	s30 =	sor.u32 s18, s15;
	v26 =	vor.u32 $0x19, v19;
	v12 =	vld.idx.msk [tilespmem:v12+s25+$0x0], $0xffff;
	[tilespmem:s13+$0x200] =	vst v23;
	v20 =	vmul.f32 v20, v16  }
0x4da: {  	s3 =	sor.u32 s23, s3;
	v23 =	vld.idx.msk [tilespmem:v47+s25+$0x0], $0xffff;
	v22 =	vmul.f32 v22, v53;
	[tilespmem:s30+$0x0] =	vst v25  }
0x4db: {  	v48 =	vor.u32 $0x5, v0;
	s8 =	sor.u32 s10, s6;
	v25 =	vld.idx.msk [tilespmem:v31+s25+$0x0], $0xffff;
	[tilespmem:s3+$0x0] =	vst v20;
	v20 =	vmul.f32 v24, v63  }
0x4dc: {  	v31 =	vor.u32 $0xD, v8;
	v24 =	vld.idx.msk [tilespmem:v30+s25+$0x0], $0xffff;
	[tilespmem:s8+$0x0] =	vst v22  }
0x4dd: {  	s0 =	sadd.s32 $0xD600, s28;
	s17 =	sadd.s32 $0xF580, s20;
	v30 =	vor.u32 $0x1C, v14;
	v27 =	vmul.f32 v27, v60;
	v13 =	vld.idx.msk [tilespmem:v13+s25+$0x0], $0xffff;
	[tilespmem:s7+$0x200] =	vst v20  }
0x4de: {  	s16 =	sor.u32 s26, s0;
	v22 =	vor.u32 $0xC, v29;
	v20 =	vld.idx.msk [tilespmem:v26+s25+$0x0], $0xffff;
	v26 =	vmul.f32 v28, v18;
	[smem:$0x7F8] =	sst s17  }
0x4df: {  	s30 =	sor.u32 s9, s17;
	v28 =	vor.u32 $0x6, v9;
	v12 =	vmul.f32 v12, v6;
	[tilespmem:s16+$0x0] =	vst v27  }
0x4e0: {  	v49 =	vor.u32 $0x15, v55;
	s6 =	sor.u32 s2, s5;
	v23 =	vmul.f32 v23, v54;
	v27 =	vld.idx.msk [tilespmem:v48+s25+$0x0], $0xffff;
	[tilespmem:s30+$0x0] =	vst v26  }
0x4e1: {  	s17 =	sor.u32 s14, s24;
	v26 =	vor.u32 $0x13, v21;
	v31 =	vld.idx.msk [tilespmem:v31+s25+$0x0], $0xffff;
	v25 =	vmul.f32 v25, v10;
	[tilespmem:s6+$0x0] =	vst v12  }
0x4e2: {  	s16 =	sadd.s32 $0xE600, s4;
	v12 =	vor.u32 $0x1E, v17;
	[tilespmem:s17+$0x0] =	vst v23;
	v30 =	vld.idx.msk [tilespmem:v30+s25+$0x0], $0xffff;
	v24 =	vmul.f32 v24, v59  }
0x4e3: {  	s8 =	sor.u32 s18, s16;
	v51 =	vld.idx.msk [tilespmem:v22+s25+$0x0], $0xffff;
	v13 =	vmul.f32 v13, v16;
	[tilespmem:s13+$0x280] =	vst v25  }
0x4e4: {  	s24 =	sor.u32 s23, s19;
	v20 =	vmul.f32 v20, v53;
	[tilespmem:s8+$0x0] =	vst v24;
	v24 =	vld.idx.msk [tilespmem:v28+s25+$0x0], $0xffff  }
0x4e5: {  	s30 =	sor.u32 s10, s31;
	[tilespmem:s24+$0x0] =	vst v13;
	v23 =	vld.idx.msk [tilespmem:v49+s25+$0x0], $0xffff  }
0x4e6: {  	v50 =	vor.u32 $0x1A, v19;
	s19 =	sadd.s32 $0xD680, s28;
	s6 =	sadd.s32 $0xF600, s20;
	[tilespmem:s30+$0x0] =	vst v20;
	v26 =	vld.idx.msk [tilespmem:v26+s25+$0x0], $0xffff;
	v31 =	vmul.f32 v31, v60  }
0x4e7: {  	s5 =	sor.u32 s26, s19;
	v25 =	vor.u32 $0xE, v8;
	v22 =	vld.idx.msk [tilespmem:v12+s25+$0x0], $0xffff;
	[smem:$0x7F9] =	sst s6;
	v12 =	vmul.f32 v30, v18  }
0x4e8: {  	v28 =	vor.u32 $0x1D, v14;
	s8 =	sor.u32 s9, s6;
	v27 =	vmul.f32 v27, v63;
	[tilespmem:s5+$0x0] =	vst v31  }
0x4e9: {  	s12 =	smov.u32 s14;
	v30 =	vor.u32 $0x7, v9;
	s14 =	sld [smem:$0x7F6];
	[tilespmem:s8+$0x0] =	vst v12  }
0x4ea: {  	v13 =	vor.u32 $0x6, v0;
	[tilespmem:s7+$0x280] =	vst v27  }
0x4eb: {  	v20 =	vld.idx.msk [tilespmem:v50+s25+$0x0], $0xffff;
	v12 =	vor.u32 $0xD, v29;
	v24 =	vmul.f32 v24, v10;
	s6 =	sld [smem:$0x7F7]  }
0x4ec: {  	v52 =	vor.u32 $0x16, v55;
	v34 =	vmul.f32 v51, v6;
	v25 =	vld.idx.msk [tilespmem:v25+s25+$0x0], $0xffff;
	v31 =	vmov s14  }
0x4ed: {  	v56 =	vor.u32 $0x14, v21;
	s0 =	sor.u32 s2, s0;
	s17 =	simm.s32 $0x1400;
	s30 =	sadd.s32 $0xE680, s4;
	v27 =	vld.idx.msk [tilespmem:v28+s25+$0x0], $0xffff;
	v23 =	vmul.f32 v23, v59;
	[tilespmem:s13+$0x300] =	vst v24;
	v31 =	vshll.u32 v31, $0x5  }
0x4ee: {  	s24 =	sor.u32 s18, s30;
	s5 =	sand.u32 $0xFFFFF000, s17;
	[tilespmem:s0+$0x0] =	vst v34;
	v24 =	vmul.f32 v26, v54;
	v26 =	vld.idx.msk [tilespmem:v30+s25+$0x0], $0xffff;
	v28 =	vor.u32 v42, v31;
	v31 =	vmov s6  }
0x4ef: {  	v58 =	vld.idx.msk [tilespmem:v13+s25+$0x0], $0xffff;
	[tilespmem:s24+$0x0] =	vst v23;
	v13 =	vor.u32 s5, v28;
	v23 =	vshll.u32 v31, $0x5  }
0x4f0: {  	s8 =	sor.u32 s12, s15;
	v12 =	vld.idx.msk [tilespmem:v12+s25+$0x0], $0xffff;
	v28 =	vor.u32 $0xF, v8;
	v23 =	vor.u32 v42, v23  }
0x4f1: {  	v61 =	vor.u32 $0x1E, v14;
	s3 =	sadd.s32 $0xD700, s28;
	s24 =	sadd.s32 $0xF680, s20;
	[tilespmem:s8+$0x0] =	vst v24;
	v31 =	vld.idx.msk [tilespmem:v52+s25+$0x0], $0xffff;
	v30 =	vor.u32 s5, v23;
	v23 =	vmul.f32 v25, v60  }
0x4f2: {  	s17 =	sor.u32 s26, s3;
	v24 =	vld.idx.msk [tilespmem:v56+s25+$0x0], $0xffff;
	[smem:$0x7FB] =	sst s24;
	v25 =	vmul.f32 v27, v18;
	v27 =	vor.u32 $0x8, v9  }
0x4f3: {  	s8 =	sor.u32 s9, s24;
	v26 =	vmul.f32 v26, v10;
	[tilespmem:s17+$0x0] =	vst v23  }
0x4f4: {  	v62 =	vor.u32 $0x17, v55;
	[tilespmem:s8+$0x0] =	vst v25;
	v23 =	vld.idx.msk [tilespmem:v13+s25+$0x0], $0xffff  }
0x4f5: {  	s15 =	smov.u32 s4;
	[tilespmem:s13+$0x380] =	vst v26;
	v26 =	vmul.f32 v58, v63;
	v28 =	vld.idx.msk [tilespmem:v28+s25+$0x0], $0xffff  }
0x4f6: {  	v25 =	vor.u32 $0x7, v0;
	s8 =	sadd.s32 $0xE700, s15;
	v32 =	vld.idx.msk [tilespmem:v61+s25+$0x0], $0xffff;
	v31 =	vmul.f32 v31, v59  }
0x4f7: {  	vm14 =	veq.s32 v1, $0x0;
	v40 =	vor.u32 $0xE, v29;
	v24 =	vmul.f32 v24, v54;
	s17 =	sor.u32 s18, s8;
	[tilespmem:s7+$0x300] =	vst v26;
	v27 =	vld.idx.msk [tilespmem:v27+s25+$0x0], $0xffff  }
0x4f8: {  	s16 =	sor.u32 s12, s16;
	v1 =	vor.u32 $0x1, v13;
	s5 =	sshra.s32 s5, $0x2;
	v41 =	vld.idx.msk [tilespmem:v30+s25+$0x0], $0xffff;
	[tilespmem:s17+$0x0] =	vst v31;
	v31 =	vmul.f32 v12, v6;
	v12 =	vsel vm14, $0x0, v57  }
0x4f9: {  	v43 =	vor.u32 $0x10, v8;
	s24 =	sor.u32 s2, s19;
	s4 =	smov.u32 s5;
	s5 =	sadd.s32 $0xC400, s5;
	[tilespmem:s16+$0x0] =	vst v24;
	v26 =	vld.idx.msk [tilespmem:v62+s25+$0x0], $0xffff;
	v23 =	vmul.f32 v12, v23  }
0x4fa: {  	v44 =	vor.u32 $0x1F, v14;
	s31 =	sadd.s32 $0xD780, s28;
	s19 =	sor.u32 s14, s5;
	[tilespmem:s24+$0x0] =	vst v31;
	v31 =	vor.u32 $0x15, v21;
	v14 =	vmul.f32 v28, v60  }
0x4fb: {  	vm15 =	veq.s32 v3, $0x0;
	v45 =	vor.u32 $0x9, v9;
	s13 =	sor.u32 s26, s31;
	v25 =	vld.idx.msk [tilespmem:v25+s25+$0x0], $0xffff;
	s24 =	sadd.s32 $0xF700, s20;
	v3 =	vmul.f32 v32, v18;
	[tilespmem:s19+$0x0] =	vst v23  }
0x4fc: {  	s0 =	sadd.s32 $0xD400, s21;
	s17 =	smov.u32 s14;
	v28 =	vor.u32 $0x1, v30;
	s14 =	sor.u32 s9, s24;
	v23 =	vld.idx.msk [tilespmem:v40+s25+$0x0], $0xffff;
	[tilespmem:s13+$0x0] =	vst v14;
	v14 =	vsel vm15, $0x0, v57;
	v27 =	vmul.f32 v27, v10  }
0x4fd: {  	[tilespmem:s14+$0x0] =	vst v3;
	s14 =	smov.u32 s6;
	s13 =	sor.u32 s6, s5;
	s6 =	sor.u32 s1, s0;
	v1 =	vld.idx.msk [tilespmem:v1+s25+$0x0], $0xffff;
	v46 =	vmul.f32 v14, v41  }
0x4fe: {  	v24 =	vor.u32 $0x8, v0;
	s16 =	sadd.s32 $0xE780, s15;
	v47 =	vld.idx.msk [tilespmem:v43+s25+$0x0], $0xffff;
	v26 =	vmul.f32 v26, v59;
	[tilespmem:s6+$0x0] =	vst v27  }
0x4ff: {  	v48 =	vor.u32 $0x18, v55;
	v31 =	vld.idx.msk [tilespmem:v31+s25+$0x0], $0xffff;
	s6 =	sor.u32 s18, s16;
	[tilespmem:s13+$0x0] =	vst v46  }
0x500: {  	v49 =	vor.u32 $0xF, v29;
	v25 =	vmul.f32 v25, v63;
	[tilespmem:s6+$0x0] =	vst v26;
	v26 =	vld.idx.msk [tilespmem:v45+s25+$0x0], $0xffff  }
0x501: {  	v22 =	vmul.f32 v22, v16;
	v27 =	vld.idx.msk [tilespmem:v28+s25+$0x0], $0xffff;
	v28 =	vor.u32 $0x2, v13  }
0x502: {  	s11 =	sor.u32 s23, s11;
	v50 =	vor.u32 $0x11, v8;
	[tilespmem:s7+$0x380] =	vst v25;
	v23 =	vmul.f32 v23, v6  }
0x503: {  	s3 =	sor.u32 s2, s3;
	[tilespmem:s11+$0x0] =	vst v22;
	v25 =	vor.u32 $0x1F, v17;
	v24 =	vld.idx.msk [tilespmem:v24+s25+$0x0], $0xffff;
	v1 =	vmul.f32 v1, v12  }
0x504: {  	v51 =	vld.idx.msk [tilespmem:v48+s25+$0x0], $0xffff;
	s7 =	sadd.s32 $0xE400, s28;
	v17 =	vmul.f32 v47, v60;
	[tilespmem:s3+$0x0] =	vst v23;
	v23 =	vor.u32 $0x16, v21  }
0x505: {  	v38 =	vor.u32 $0xA, v9;
	s6 =	sor.u32 s26, s7;
	v31 =	vmul.f32 v31, v54;
	[tilespmem:s19+$0x80] =	vst v1;
	v1 =	vld.idx.msk [tilespmem:v49+s25+$0x0], $0xffff  }
0x506: {  	v33 =	vor.u32 $0x1E, v19;
	s5 =	sor.u32 s12, s30;
	s3 =	sadd.s32 $0xD480, s21;
	[tilespmem:s6+$0x0] =	vst v17;
	v26 =	vmul.f32 v26, v10;
	v28 =	vld.idx.msk [tilespmem:v28+s25+$0x0], $0xffff  }
0x507: {  	v7 =	vor.u32 $0x1F, v19;
	v56 =	vor.u32 $0x2, v30;
	s6 =	sor.u32 s1, s3;
	v27 =	vmul.f32 v27, v14;
	v32 =	vld.idx.msk [tilespmem:v50+s25+$0x0], $0xffff;
	[tilespmem:s5+$0x0] =	vst v31  }
0x508: {  	v37 =	vor.u32 $0x1C, v19;
	v39 =	vor.u32 $0x19, v55;
	v22 =	vld.idx.msk [tilespmem:v25+s25+$0x0], $0xffff;
	[tilespmem:s6+$0x0] =	vst v26;
	v24 =	vmul.f32 v24, v63  }
0x509: {  	v52 =	vor.u32 $0x1B, v19;
	s11 =	sadd.s32 $0xF400, s15;
	s0 =	sor.u32 s29, s0;
	v31 =	vor.u32 $0x9, v0;
	[tilespmem:s13+$0x80] =	vst v27;
	v25 =	vld.idx.msk [tilespmem:v23+s25+$0x0], $0xffff;
	v23 =	vmul.f32 v51, v59  }
0x50a: {  	s30 =	sor.u32 s18, s11;
	v17 =	vor.u32 $0x1D, v19;
	v19 =	vor.u32 $0x10, v29;
	v38 =	vld.idx.msk [tilespmem:v38+s25+$0x0], $0xffff;
	[tilespmem:s0+$0x0] =	vst v24;
	v1 =	vmul.f32 v1, v6  }
0x50b: {  	v58 =	vor.u32 $0x3, v13;
	v3 =	vld.idx.msk [tilespmem:v44+s25+$0x0], $0xffff;
	s5 =	sor.u32 s2, s31;
	[tilespmem:s30+$0x0] =	vst v23;
	v24 =	vmul.f32 v28, v12  }
0x50c: {  	v27 =	vld.idx.msk [tilespmem:v56+s25+$0x0], $0xffff;
	v28 =	vmul.f32 v32, v60;
	s30 =	sadd.s32 $0xE480, s28;
	[tilespmem:s5+$0x0] =	vst v1  }
0x50d: {  	v20 =	vmul.f32 v20, v53;
	v40 =	vor.u32 $0x12, v8;
	v39 =	vld.idx.msk [tilespmem:v39+s25+$0x0], $0xffff;
	s6 =	sor.u32 s26, s30;
	[tilespmem:s19+$0x100] =	vst v24  }
0x50e: {  	v26 =	vor.u32 $0x17, v21;
	v1 =	vld.idx.msk [tilespmem:v31+s25+$0x0], $0xffff;
	s5 =	sor.u32 s10, s22;
	[tilespmem:s6+$0x0] =	vst v28  }
0x50f: {  	v36 =	vor.u32 $0x18, v21;
	v4 =	vor.u32 $0x1F, v21;
	s31 =	sadd.s32 $0xD500, s21;
	v19 =	vld.idx.msk [tilespmem:v19+s25+$0x0], $0xffff;
	[tilespmem:s5+$0x0] =	vst v20;
	v38 =	vmul.f32 v38, v10  }
0x510: {  	v61 =	vor.u32 $0x1B, v21;
	v44 =	vor.u32 $0x1D, v21;
	s6 =	sor.u32 s12, s8;
	s8 =	sor.u32 s1, s31;
	v24 =	vld.idx.msk [tilespmem:v58+s25+$0x0], $0xffff;
	v25 =	vmul.f32 v25, v54;
	[tilespmem:$0x1FA90] =	vst v4  }
0x511: {  	v43 =	vor.u32 $0x1E, v21;
	v31 =	vor.u32 $0x3, v30;
	v20 =	vmul.f32 v27, v14;
	[tilespmem:s8+$0x0] =	vst v38  }
0x512: {  	v46 =	vor.u32 $0x1C, v21;
	v49 =	vor.u32 $0x1A, v21;
	v23 =	vor.u32 $0x19, v21;
	v21 =	vld.idx.msk [tilespmem:v40+s25+$0x0], $0xffff;
	[tilespmem:s6+$0x0] =	vst v25  }
0x513: {  	v62 =	vor.u32 $0xB, v9;
	v4 =	vor.u32 $0x14, v29;
	[tilespmem:s13+$0x100] =	vst v20;
	s6 =	sadd.s32 $0xF480, s15;
	v20 =	vld.idx.msk [tilespmem:v26+s25+$0x0], $0xffff;
	v26 =	vmul.f32 v39, v59  }
0x514: {  	v35 =	vld.idx.msk [tilespmem:v52+s25+$0x0], $0xffff;
	[tilespmem:$0x1FAA0] =	vst v4;
	s22 =	sor.u32 s18, s6  }
0x515: {  	v1 =	vmul.f32 v1, v63;
	v4 =	vor.u32 $0x15, v29;
	[tilespmem:s22+$0x0] =	vst v26  }
0x516: {  	s3 =	sor.u32 s29, s3;
	v27 =	vor.u32 $0x1A, v55;
	v31 =	vld.idx.msk [tilespmem:v31+s25+$0x0], $0xffff;
	[tilespmem:$0x1FAB0] =	vst v4  }
0x517: {  	[tilespmem:s3+$0x0] =	vst v1;
	v1 =	vor.u32 $0x16, v29  }
0x518: {  	v19 =	vmul.f32 v19, v6;
	v26 =	vld.idx.msk [tilespmem:v62+s25+$0x0], $0xffff;
	[tilespmem:$0x1FAC0] =	vst v1;
	v1 =	vor.u32 $0x17, v29  }
0x519: {  	s5 =	sor.u32 s2, s7;
	[tilespmem:$0x1FAD0] =	vst v1  }
0x51a: {  	v45 =	vor.u32 $0xA, v0;
	v4 =	vor.u32 $0x18, v29;
	v1 =	vmul.f32 v24, v12;
	[tilespmem:s5+$0x0] =	vst v19  }
0x51b: {  	s8 =	sadd.s32 $0xE500, s28;
	v25 =	vor.u32 $0x11, v29;
	v21 =	vmul.f32 v21, v60;
	v24 =	vld.idx.msk [tilespmem:v27+s25+$0x0], $0xffff;
	[tilespmem:$0x1FAE0] =	vst v4  }
0x51c: {  	v47 =	vor.u32 $0x4, v13;
	s7 =	sor.u32 s26, s8;
	[tilespmem:s19+$0x180] =	vst v1  }
0x51d: {  	v56 =	vor.u32 $0x13, v8;
	[tilespmem:s7+$0x0] =	vst v21  }
0x51e: {  	s0 =	sld [smem:$0x7F8]  }
0x51f: {  	v20 =	vmul.f32 v20, v54;
	v19 =	vld.idx.msk [tilespmem:v45+s25+$0x0], $0xffff  }
0x520: {  	s22 =	sor.u32 s12, s16;
	v1 =	vld.idx.msk [tilespmem:v25+s25+$0x0], $0xffff;
	v25 =	vmul.f32 v35, v53  }
0x521: {  	v48 =	vor.u32 $0x1C, v29;
	v21 =	vld.idx.msk [tilespmem:v47+s25+$0x0], $0xffff;
	[tilespmem:s22+$0x0] =	vst v20;
	s0 =	sor.u32 s10, s0  }
0x522: {  	v27 =	vor.u32 $0x4, v30;
	v4 =	vor.u32 $0x1F, v29;
	[tilespmem:s0+$0x0] =	vst v25;
	v25 =	vmul.f32 v31, v14;
	v31 =	vld.idx.msk [tilespmem:v56+s25+$0x0], $0xffff  }
0x523: {  	v50 =	vor.u32 $0x1A, v29;
	v28 =	vor.u32 $0x13, v29;
	v26 =	vmul.f32 v26, v10;
	s22 =	sadd.s32 $0xD580, s21;
	v51 =	vld.idx.msk [tilespmem:v37+s25+$0x0], $0xffff;
	[tilespmem:$0x1FAF0] =	vst v4  }
0x524: {  	v58 =	vor.u32 $0xC, v9;
	v40 =	vor.u32 $0x12, v29;
	s16 =	sadd.s32 $0xF500, s15;
	s3 =	sor.u32 s1, s22;
	v24 =	vmul.f32 v24, v59;
	[tilespmem:s13+$0x180] =	vst v25  }
0x525: {  	v52 =	vor.u32 $0x19, v29;
	v62 =	vor.u32 $0x1B, v29;
	s5 =	sor.u32 s18, s16;
	v45 =	vor.u32 $0x1E, v29;
	[tilespmem:s3+$0x0] =	vst v26  }
0x526: {  	v47 =	vor.u32 $0x1D, v29;
	v29 =	vmul.f32 v19, v63;
	v4 =	vor.u32 $0xD, v0;
	v25 =	vld.idx.msk [tilespmem:v36+s25+$0x0], $0xffff;
	[tilespmem:s5+$0x0] =	vst v24  }
0x527: {  	v41 =	vor.u32 $0x1B, v55;
	s7 =	sor.u32 s29, s31;
	v26 =	vld.idx.msk [tilespmem:v27+s25+$0x0], $0xffff;
	[tilespmem:$0x1FB00] =	vst v4  }
0x528: {  	v56 =	vmul.f32 v1, v6;
	v1 =	vor.u32 $0xE, v0;
	[tilespmem:s7+$0x0] =	vst v29  }
0x529: {  	v20 =	vor.u32 $0xB, v0;
	v24 =	vld.idx.msk [tilespmem:v58+s25+$0x0], $0xffff;
	[tilespmem:$0x1FB10] =	vst v1;
	v1 =	vor.u32 $0xF, v0  }
0x52a: {  	s30 =	sor.u32 s2, s30;
	[tilespmem:$0x1FB20] =	vst v1  }
0x52b: {  	v1 =	vor.u32 $0x10, v0;
	[tilespmem:s30+$0x0] =	vst v56  }
0x52c: {  	v29 =	vld.idx.msk [tilespmem:v41+s25+$0x0], $0xffff;
	[tilespmem:$0x1FB30] =	vst v1;
	v1 =	vor.u32 $0x11, v0  }
0x52d: {  	[tilespmem:$0x1FB40] =	vst v1;
	v1 =	vor.u32 $0x12, v0  }
0x52e: {  	v21 =	vmul.f32 v21, v12;
	v20 =	vld.idx.msk [tilespmem:v20+s25+$0x0], $0xffff;
	[tilespmem:$0x1FB50] =	vst v1;
	v1 =	vor.u32 $0x13, v0  }
0x52f: {  	s7 =	sadd.s32 $0xE580, s28;
	v31 =	vmul.f32 v31, v60;
	[tilespmem:$0x1FB60] =	vst v1  }
0x530: {  	s3 =	sor.u32 s26, s7;
	[tilespmem:s19+$0x200] =	vst v21  }
0x531: {  	[tilespmem:s3+$0x0] =	vst v31  }
0x532: {  	v27 =	vor.u32 $0x5, v13;
	s0 =	sld [smem:$0x7F9]  }
0x533: {  	v1 =	vor.u32 $0x14, v0  }
0x534: {  	v58 =	vor.u32 $0x14, v8;
	v41 =	vmul.f32 v51, v53;
	v21 =	vld.idx.msk [tilespmem:v40+s25+$0x0], $0xffff;
	[tilespmem:$0x1FB70] =	vst v1;
	v1 =	vor.u32 $0x15, v0  }
0x535: {  	[tilespmem:$0x1FB80] =	vst v1;
	s0 =	sor.u32 s10, s0  }
0x536: {  	v1 =	vor.u32 $0x16, v0;
	[tilespmem:s0+$0x0] =	vst v41  }
0x537: {  	v27 =	vld.idx.msk [tilespmem:v27+s25+$0x0], $0xffff;
	[tilespmem:$0x1FB90] =	vst v1;
	v1 =	vor.u32 $0x17, v0  }
0x538: {  	v25 =	vmul.f32 v25, v54;
	[tilespmem:$0x1FBA0] =	vst v1;
	v1 =	vor.u32 $0x18, v0  }
0x539: {  	s5 =	sor.u32 s12, s11;
	v31 =	vld.idx.msk [tilespmem:v58+s25+$0x0], $0xffff;
	[tilespmem:$0x1FBB0] =	vst v1  }
0x53a: {  	[tilespmem:s5+$0x0] =	vst v25  }
0x53b: {  	v1 =	vor.u32 $0x1A, v0;
	s11 =	sld [smem:$0x7FA]  }
0x53c: {  	v2 =	vmul.f32 v2, v15;
	v15 =	vmul.f32 v3, v18;
	v3 =	vld.idx.msk [tilespmem:v17+s25+$0x0], $0xffff;
	s5 =	sadd.s32 $0xF780, s20;
	[tilespmem:$0x1FBC0] =	vst v1;
	v1 =	vor.u32 $0x1B, v0;
	s0 =	rddreg [dreg:$0x1d]  }
0x53d: {  	v11 =	vor.u32 $0x1E, v0;
	v19 =	vor.u32 $0x19, v0;
	v36 =	vor.u32 $0xC, v0;
	s20 =	sor.u32 s9, s5;
	v17 =	vld.idx.msk [tilespmem:v23+s25+$0x0], $0xffff;
	[tilespmem:$0x1FBD0] =	vst v1;
	s0 =	sadd.s32 $0xF780, s0  }
0x53e: {  	v56 =	vmul.f32 v22, v16;
	v22 =	vor.u32 $0x1D, v0;
	v16 =	vmul.f32 v26, v14;
	[tilespmem:s20+$0x0] =	vst v15;
	s3 =	sor.u32 s11, s0  }
0x53f: {  	v58 =	vor.u32 $0x1F, v0;
	v23 =	vor.u32 $0x1C, v0;
	v1 =	vor.u32 $0x9, v30;
	[tilespmem:s3+$0x0] =	vst v2  }
0x540: {  	v0 =	vmul.f32 v20, v63;
	v20 =	vor.u32 $0x5, v30;
	[tilespmem:$0x1FBE0] =	vst v1;
	v1 =	vor.u32 $0xA, v30  }
0x541: {  	[tilespmem:$0x1FBF0] =	vst v1  }
0x542: {  	v18 =	vmul.f32 v24, v10;
	s3 =	sadd.s32 $0xD600, s21;
	v1 =	vor.u32 $0xB, v30;
	[tilespmem:s13+$0x200] =	vst v16  }
0x543: {  	s30 =	sor.u32 s1, s3;
	v38 =	vmul.f32 v17, v54;
	v17 =	vor.u32 $0xD, v9;
	[tilespmem:$0x1FC00] =	vst v1  }
0x544: {  	v1 =	vor.u32 $0xE, v30;
	[tilespmem:s30+$0x0] =	vst v18  }
0x545: {  	v29 =	vmul.f32 v29, v59;
	s11 =	sadd.s32 $0xF580, s15;
	v18 =	vld.idx.msk [tilespmem:v20+s25+$0x0], $0xffff;
	[tilespmem:$0x1FC10] =	vst v1;
	v1 =	vor.u32 $0xF, v30  }
0x546: {  	v34 =	vor.u32 $0x1C, v55;
	s20 =	sor.u32 s18, s11;
	[tilespmem:$0x1FC20] =	vst v1  }
0x547: {  	v1 =	vor.u32 $0x10, v30;
	[tilespmem:s20+$0x0] =	vst v29  }
0x548: {  	v40 =	vld.idx.msk [tilespmem:v17+s25+$0x0], $0xffff;
	[tilespmem:$0x1FC30] =	vst v1;
	v1 =	vor.u32 $0x11, v30  }
0x549: {  	s30 =	sor.u32 s29, s22;
	[tilespmem:$0x1FC40] =	vst v1  }
0x54a: {  	[tilespmem:s30+$0x0] =	vst v0;
	v0 =	vor.u32 $0x12, v30  }
0x54b: {  	v29 =	vld.idx.msk [tilespmem:v34+s25+$0x0], $0xffff;
	[tilespmem:$0x1FC50] =	vst v0;
	v0 =	vor.u32 $0x13, v30  }
0x54c: {  	v32 =	vmul.f32 v21, v6;
	[tilespmem:$0x1FC60] =	vst v0;
	v0 =	vor.u32 $0x14, v30  }
0x54d: {  	s8 =	sor.u32 s2, s8;
	[tilespmem:$0x1FC70] =	vst v0  }
0x54e: {  	s0 =	sor.u32 s23, s0;
	[tilespmem:s8+$0x0] =	vst v32  }
0x54f: {  	v0 =	vor.u32 $0x15, v30;
	[dreg:$0x4] =	wrdreg s0  }
0x550: {  	v34 =	vld.idx.msk [tilespmem:v36+s25+$0x0], $0xffff;
	[tilespmem:$0x1FC80] =	vst v0;
	v0 =	vor.u32 $0x16, v30  }
0x551: {  	v35 =	vmul.f32 v27, v12;
	[tilespmem:$0x1FC90] =	vst v0;
	v0 =	vor.u32 $0x17, v30  }
0x552: {  	v51 =	vor.u32 $0x6, v13;
	[tilespmem:$0x1FCA0] =	vst v0  }
0x553: {  	v26 =	vor.u32 $0x8, v30;
	v41 =	vor.u32 $0x15, v8;
	s5 =	sor.u32 s10, s5;
	s20 =	sld [smem:$0x7FB];
	[tilespmem:s19+$0x280] =	vst v35  }
0x554: {  	v24 =	vor.u32 $0x1C, v30;
	v31 =	vmul.f32 v31, v60;
	s22 =	sadd.s32 $0xE600, s28;
	v0 =	vor.u32 $0x18, v30;
	[dreg:$0x3] =	wrdreg s5  }
0x555: {  	s31 =	sor.u32 s10, s24;
	v21 =	vor.u32 $0x1D, v30;
	v27 =	vor.u32 $0x6, v30;
	v25 =	vor.u32 $0x1A, v30;
	s24 =	sor.u32 s26, s22;
	v32 =	vld.idx.msk [tilespmem:v28+s25+$0x0], $0xffff;
	[tilespmem:$0x1FCB0] =	vst v0  }
0x556: {  	s9 =	smov.u32 s12;
	s23 =	simm.s32 $0xA;
	v37 =	vmul.f32 v3, v53;
	v3 =	vor.u32 $0x7, v30;
	s30 =	sor.u32 s12, s6;
	v0 =	vor.u32 $0x1B, v30;
	[tilespmem:s24+$0x0] =	vst v31  }
0x557: {  	v2 =	vor.u32 $0xC, v30;
	v16 =	vor.u32 $0xD, v30;
	v20 =	vor.u32 $0x1F, v30;
	s6 =	sor.u32 s29, s3;
	s0 =	sor.u32 s10, s20;
	s10 =	smov.u32 s18;
	v36 =	vld.idx.msk [tilespmem:v51+s25+$0x0], $0xffff;
	[tilespmem:$0x1FCC0] =	vst v0  }
0x558: {  	v17 =	vor.u32 $0x19, v30;
	s18 =	sor.u32 s12, s16;
	s12 =	sor.u32 s12, s11;
	s20 =	simm.s32 $0xC0;
	v35 =	vmul.f32 v40, v10;
	v28 =	vmul.f32 v18, v14;
	[tilespmem:s0+$0x0] =	vst v37;
	v31 =	vld.idx.msk [tilespmem:v41+s25+$0x0], $0xffff  }
0x559: {  	s11 =	sadd.s32 $0xD680, s21;
	v18 =	vor.u32 $0x1D, v55;
	v51 =	vor.u32 $0x1E, v30;
	s24 =	sor.u32 s2, s22;
	s0 =	sor.u32 s2, s7;
	[tilespmem:s30+$0x0] =	vst v38;
	v30 =	vld.idx.msk [tilespmem:v33+s25+$0x0], $0xffff;
	v33 =	vor.u32 $0xE, v9  }
.LBB2_5:
0x55a: {  	_ =	sdelay $0x1  }
0x55b: {  	v0 =	vmov v50  }
0x55c: {  	[tilespmem:$0x1F9C0] =	vst v0;
	v0 =	vld [tilespmem:$0x1FBC0]  }
0x55d: {  	[tilespmem:$0x1FA10] =	vst v52  }
0x55e: {  	[tilespmem:$0x1F9E0] =	vst v47  }
0x55f: {  	[tilespmem:$0x1FA00] =	vst v21  }
0x560: {  	[tilespmem:$0x1F9F0] =	vst v22  }
0x561: {  	[tilespmem:$0x1FA30] =	vst v2;
	v2 =	vmov v0;
	v0 =	vmov v51  }
0x562: {  	[tilespmem:$0x1FA80] =	vst v0;
	v0 =	vld [tilespmem:$0x1FB00]  }
0x563: {  	[tilespmem:$0x1F9D0] =	vst v44  }
0x564: {  	[tilespmem:$0x1FA50] =	vst v43  }
0x565: {  	s3 =	sor.u32 s1, s11;
	s5 =	sadd.s32 $0xF600, s15;
	v29 =	vmul.f32 v29, v59;
	[tilespmem:s13+$0x280] =	vst v28  }
0x566: {  	s22 =	sand.u32 $0x60, s20;
	v34 =	vmul.f32 v34, v63;
	[tilespmem:s3+$0x0] =	vst v35;
	s7 =	sor.u32 s10, s5;
	v38 =	vld.idx.msk [tilespmem:v27+s25+$0x0], $0xffff  }
0x567: {  	s23 =	sadd.s32 $0x2, s23;
	v36 =	vmul.f32 v36, v12;
	v37 =	vmov s22;
	s8 =	sor.u32 $0x10, s22;
	v33 =	vld.idx.msk [tilespmem:v33+s25+$0x0], $0xffff;
	[tilespmem:s7+$0x0] =	vst v29  }
0x568: {  	s30 =	sor.u32 s29, s11;
	s11 =	sshll.u32 s23, $0x9;
	v27 =	vor.u32 $0x7, v13;
	v28 =	vld.idx.msk [tilespmem:v49+s25+$0x0], $0xffff;
	v49 =	vshll.u32 v37, $0x5;
	v50 =	vmov s8;
	[tilespmem:s6+$0x0] =	vst v34  }
0x569: {  	v1 =	vmovc v25;
	v41 =	vor.u32 $0x16, v8;
	s3 =	sand.u32 $0xFFFFF000, s11;
	v37 =	vld.idx.msk [tilespmem:v18+s25+$0x0], $0xffff;
	[tilespmem:s19+$0x300] =	vst v36;
	v29 =	vor.u32 v42, v49;
	v51 =	vshll.u32 v50, $0x5  }
0x56a: {  	[dreg:$0xc] =	wrdreg s12;
	[tilespmem:$0x1FBC0] =	vst v1;
	v18 =	vor.u32 v42, v51;
	v42 =	vor.u32 s3, v29;
	v35 =	vld.idx.msk [tilespmem:v0+s25+$0x0], $0xffff;
	v0 =	vmov v16  }
0x56b: {  	s12 =	sadd.s32 $0xE680, s28;
	v31 =	vmul.f32 v31, v60;
	s5 =	sor.u32 s9, s5;
	s16 =	sshll.u32 s23, $0x4;
	v1 =	vld [tilespmem:$0x1FB70];
	[tilespmem:$0x1FB00] =	vst v0;
	v0 =	vor.u32 $0x5, v42  }
0x56c: {  	[dreg:$0x6] =	wrdreg s5;
	s5 =	sor.u32 s26, s12;
	s16 =	sand.u32 $0x3FFFFF80, s16;
	v43 =	vor.u32 s3, v18;
	[tilespmem:$0x1FA20] =	vst v0;
	v0 =	vld [tilespmem:$0x1FAA0]  }
0x56d: {  	s7 =	sadd.s32 $0x200, s16;
	v44 =	vld.idx.msk [tilespmem:v27+s25+$0x0], $0xffff;
	[tilespmem:s5+$0x0] =	vst v31  }
0x56e: {  	[tilespmem:$0x1FA70] =	vst v11;
	s5 =	sor.u32 s8, s7;
	v31 =	vld.idx.msk [tilespmem:v41+s25+$0x0], $0xffff  }
0x56f: {  	[tilespmem:$0x1FA60] =	vst v45;
	s11 =	sadd.s32 $0xD700, s21;
	v52 =	vmul.f32 v33, v10;
	v33 =	vld [tilespmem:s5+$0x0]  }
0x570: {  	v32 =	vmul.f32 v32, v6;
	s6 =	sor.u32 s2, s12;
	s12 =	sor.u32 s1, s11;
	[tilespmem:$0x1F9B0] =	vst v2;
	v2 =	vmov v1;
	v1 =	vld [tilespmem:$0x1FC70]  }
0x571: {  	v22 =	vmov v20;
	v20 =	vld.idx.msk [tilespmem:v43+s25+$0x0], $0xffff;
	[tilespmem:s12+$0x0] =	vst v52  }
0x572: {  	v30 =	vmul.f32 v30, v53;
	[tilespmem:s0+$0x0] =	vst v32  }
0x573: {  	v16 =	vor.u32 $0xF, v9;
	[tilespmem:$0x1FAA0] =	vst v2  }
0x574: {  	s0 =	sor.u32 s22, s7;
	s7 =	rddreg [dreg:$0x4];
	v45 =	vld.idx.msk [tilespmem:v0+s25+$0x0], $0xffff;
	[tilespmem:s31+$0x0] =	vst v30  }
0x575: {  	v41 =	vor.u32 $0x1E, v55;
	v0 =	vmov v1;
	[tilespmem:s7+$0x0] =	vst v56  }
0x576: {  	v38 =	vmul.f32 v38, v14;
	v1 =	vor.u32 $0x14, v42;
	[tilespmem:$0x1FB70] =	vst v0  }
0x577: {  	s16 =	sadd.s32 $0xF680, s15;
	v30 =	vmul.f32 v37, v59;
	[tilespmem:$0x1FC70] =	vst v1;
	v1 =	vld [tilespmem:$0x1FB10]  }
0x578: {  	v21 =	vmov v61;
	s5 =	sor.u32 s10, s16;
	v61 =	vld.idx.msk [tilespmem:v16+s25+$0x0], $0xffff;
	v37 =	vor.u32 $0x8, v13;
	v0 =	vor.u32 $0xC, v42;
	[tilespmem:s13+$0x300] =	vst v38  }
0x579: {  	v47 =	vor.u32 $0x17, v8;
	v2 =	vmov v48;
	v35 =	vmul.f32 v35, v63;
	[tilespmem:s5+$0x0] =	vst v30;
	v48 =	vld [tilespmem:s0+$0x0]  }
0x57a: {  	s31 =	sor.u32 s29, s11;
	s11 =	sor.u32 s9, s16;
	s16 =	rddreg [dreg:$0x3];
	[tilespmem:$0x1FA40] =	vst v0;
	v38 =	vmul.f32 v44, v12;
	v44 =	vld.idx.msk [tilespmem:v41+s25+$0x0], $0xffff  }
0x57b: {  	v31 =	vmul.f32 v31, v60;
	vm0 =	veq.s32 v33, $0x0;
	[dreg:$0x9] =	wrdreg s11;
	s11 =	smov.u32 s16;
	s16 =	sadd.s32 $0xE700, s28;
	v51 =	vld.idx.msk [tilespmem:v42+s25+$0x0], $0xffff;
	[tilespmem:s30+$0x0] =	vst v35;
	v0 =	vmovc v53;
	v53 =	vor.u32 $0x1, v43  }
0x57c: {  	v4 =	vsel vm0, $0x0, v57;
	s7 =	sor.u32 s2, s16;
	s5 =	sor.u32 s26, s16;
	s16 =	sshra.s32 s3, $0x2;
	v35 =	vor.u32 $0x1F, v55;
	[tilespmem:s19+$0x380] =	vst v38;
	v55 =	vld.idx.msk [tilespmem:v3+s25+$0x0], $0xffff  }
0x57d: {  	v11 =	vmovc v23;
	v23 =	vmov v62;
	v62 =	vmov v54;
	v54 =	vmul.f32 v4, v20;
	s3 =	sadd.s32 $0xC400, s16;
	v38 =	vld.idx.msk [tilespmem:v37+s25+$0x0], $0xffff;
	[tilespmem:s5+$0x0] =	vst v31  }
0x57e: {  	v15 =	vmul.f32 v61, v10;
	[dreg:$0x4] =	wrdreg s11;
	s11 =	sadd.s32 $0xD780, s21;
	s19 =	sor.u32 s8, s3;
	v47 =	vld.idx.msk [tilespmem:v47+s25+$0x0], $0xffff;
	vm15 =	veq.s32 v48, $0x0  }
0x57f: {  	s5 =	sor.u32 s22, s3;
	s3 =	sor.u32 s1, s11;
	v45 =	vmul.f32 v45, v6;
	[tilespmem:s19+$0x0] =	vst v54;
	v20 =	vmul.f32 v44, v59;
	v48 =	vld.idx.msk [tilespmem:v1+s25+$0x0], $0xffff;
	v44 =	vsel vm15, $0x0, v57  }
0x580: {  	v5 =	vor.u32 $0x10, v9;
	v53 =	vld.idx.msk [tilespmem:v53+s25+$0x0], $0xffff;
	[tilespmem:s3+$0x0] =	vst v15;
	v61 =	vmul.f32 v44, v51  }
0x581: {  	v15 =	vld [tilespmem:$0x1FC10];
	[tilespmem:s24+$0x0] =	vst v45  }
0x582: {  	v30 =	vmov v19;
	[tilespmem:s5+$0x0] =	vst v61;
	v61 =	vld [tilespmem:$0x1FAB0]  }
0x583: {  	s12 =	sadd.s32 $0xF700, s15;
	s0 =	smov.u32 s18;
	s18 =	smov.u32 s1;
	v19 =	vmovc v24;
	v24 =	vmovc v63;
	v63 =	vmov v8;
	v8 =	vmov v9;
	v9 =	vmov v13  }
0x584: {  	s1 =	smov.u32 s26;
	s26 =	smov.u32 s2;
	s2 =	smov.u32 s10;
	v54 =	vor.u32 $0x9, v9  }
0x585: {  	v40 =	vor.u32 $0x1, v42;
	s10 =	smov.u32 s9;
	s9 =	smov.u32 s15;
	s15 =	sor.u32 s2, s12;
	v5 =	vld.idx.msk [tilespmem:v5+s25+$0x0], $0xffff;
	v45 =	vmul.f32 v47, v60  }
0x586: {  	[dreg:$0xe] =	wrdreg s7;
	s7 =	sadd.s32 $0xD400, s4;
	[tilespmem:s15+$0x0] =	vst v20;
	v47 =	vld [tilespmem:$0x1FB80];
	v1 =	vmovc v15;
	v15 =	vmovc v17;
	v17 =	vmov v7;
	v7 =	vmov v59;
	v59 =	vmul.f32 v38, v12  }
0x587: {  	v57 =	vor.u32 $0x18, v63;
	s15 =	sor.u32 s17, s7;
	[tilespmem:$0x1FB10] =	vst v1  }
0x588: {  	s30 =	sor.u32 s29, s11;
	v1 =	vld.idx.msk [tilespmem:v35+s25+$0x0], $0xffff;
	[tilespmem:s15+$0x0] =	vst v59  }
0x589: {  	v50 =	vor.u32 $0xE, v42;
	s11 =	sor.u32 s10, s12;
	s12 =	smov.u32 s4;
	s4 =	sadd.s32 $0xE780, s28;
	v54 =	vld.idx.msk [tilespmem:v54+s25+$0x0], $0xffff  }
0x58a: {  	v25 =	vmov v50;
	s3 =	sor.u32 s14, s7;
	v55 =	vmul.f32 v55, v14;
	s7 =	sor.u32 s1, s4;
	v50 =	vld.idx.msk [tilespmem:v61+s25+$0x0], $0xffff  }
0x58b: {  	v53 =	vmul.f32 v53, v4;
	[tilespmem:s7+$0x0] =	vst v45;
	v61 =	vmov v47;
	v47 =	vld.idx.msk [tilespmem:v40+s25+$0x0], $0xffff  }
0x58c: {  	[tilespmem:s13+$0x380] =	vst v55;
	v55 =	vld.idx.msk [tilespmem:v57+s25+$0x0], $0xffff  }
0x58d: {  	[tilespmem:s19+$0x80] =	vst v53;
	v53 =	vld [tilespmem:$0x1FB20];
	_ =	sdelay $0x4  }
0x58e: {  	v49 =	vor.u32 $0x7, v42;
	v13 =	vmov v43;
	v59 =	vmul.f32 v48, v24  }
0x58f: {  	v3 =	vmov v49;
	v49 =	vor.u32 $0x2, v13  }
0x590: {  	v18 =	vmov v46;
	v46 =	vor.u32 $0x8, v42;
	v57 =	vld.idx.msk [tilespmem:v26+s25+$0x0], $0xffff;
	[tilespmem:s31+$0x0] =	vst v59  }
0x591: {  	v26 =	vmov v46;
	v46 =	vld.idx.msk [tilespmem:v53+s25+$0x0], $0xffff  }
0x592: {  	v5 =	vmul.f32 v5, v10;
	s7 =	sadd.s32 $0xE400, s21;
	v53 =	vmul.f32 v1, v7;
	v7 =	vld [tilespmem:$0x1FC20]  }
0x593: {  	v52 =	vor.u32 $0xF, v42;
	s13 =	smov.u32 s5;
	s5 =	sor.u32 s18, s7  }
0x594: {  	v49 =	vld.idx.msk [tilespmem:v49+s25+$0x0], $0xffff;
	[tilespmem:s5+$0x0] =	vst v5;
	v1 =	vmov v52  }
0x595: {  	v5 =	vmul.f32 v50, v6;
	[tilespmem:$0x1FC20] =	vst v1;
	v1 =	vld [tilespmem:$0x1FA90];
	_ =	sdelay $0x1  }
0x596: {  	[tilespmem:s6+$0x0] =	vst v5;
	v7 =	vmov v7  }
0x597: {  	v5 =	vld.idx.msk [tilespmem:v17+s25+$0x0], $0xffff  }
0x598: {  	v17 =	vld [tilespmem:$0x1FAF0]  }
0x599: {  	[tilespmem:$0x1FB20] =	vst v7;
	v7 =	vmov v1;
	v1 =	vmov v58  }
0x59a: {  	[tilespmem:$0x1FAF0] =	vst v1;
	v1 =	vld [tilespmem:$0x1FAC0];
	_ =	sdelay $0x2  }
0x59b: {  	v17 =	vmov v17  }
0x59c: {  	[tilespmem:$0x1FA90] =	vst v17;
	v17 =	vld [tilespmem:$0x1FB90]  }
0x59d: {  	v39 =	vor.u32 $0x2, v42;
	v47 =	vmul.f32 v47, v44;
	_ =	sdelay $0x1  }
0x59e: {  	v20 =	vor.u32 $0x16, v42;
	[tilespmem:s13+$0x80] =	vst v47  }
0x59f: {  	v47 =	vld.idx.msk [tilespmem:v1+s25+$0x0], $0xffff;
	v1 =	vmov v20  }
0x5a0: {  	v58 =	vmov v17;
	v17 =	vld [tilespmem:$0x1FC90];
	[tilespmem:$0x1FC90] =	vst v1;
	v1 =	vmul.f32 v57, v14  }
0x5a1: {  	v39 =	vld.idx.msk [tilespmem:v39+s25+$0x0], $0xffff  }
0x5a2: {  	v48 =	vor.u32 $0x11, v8;
	[tilespmem:s3+$0x0] =	vst v1;
	v1 =	vld [tilespmem:$0x1FBE0];
	_ =	sdelay $0x1  }
0x5a3: {  	s15 =	sadd.s32 $0xF780, s9;
	v52 =	vor.u32 $0xA, v9  }
0x5a4: {  	s24 =	sor.u32 s26, s4;
	s9 =	sor.u32 s10, s15;
	v59 =	vmov v60;
	v60 =	vmov v10;
	v10 =	vmov v12  }
0x5a5: {  	s10 =	sor.u32 s2, s15;
	s15 =	sadd.s32 $0xD480, s12;
	[dreg:$0x3] =	wrdreg s9;
	v12 =	vmov v4;
	v4 =	vmul.f32 v54, v10  }
0x5a6: {  	s9 =	smov.u32 s26;
	s26 =	smov.u32 s18;
	s18 =	sor.u32 s17, s15;
	v48 =	vld.idx.msk [tilespmem:v48+s25+$0x0], $0xffff;
	[tilespmem:s10+$0x0] =	vst v53  }
0x5a7: {  	v34 =	vor.u32 $0x3, v42;
	v40 =	vld [tilespmem:$0x1FC80];
	[tilespmem:s18+$0x0] =	vst v4  }
0x5a8: {  	v29 =	vor.u32 $0x4, v42;
	v27 =	vor.u32 $0x6, v42;
	v56 =	vor.u32 $0x9, v42;
	v4 =	vld.idx.msk [tilespmem:v52+s25+$0x0], $0xffff  }
0x5a9: {  	v36 =	vor.u32 $0xA, v42;
	v33 =	vor.u32 $0x12, v42;
	v32 =	vor.u32 $0xB, v42;
	v52 =	vld.idx.msk [tilespmem:v1+s25+$0x0], $0xffff;
	v1 =	vmovc v56  }
0x5aa: {  	v16 =	vor.u32 $0xD, v42;
	v41 =	vor.u32 $0x10, v42;
	v43 =	vor.u32 $0x17, v42;
	[tilespmem:$0x1FBE0] =	vst v1;
	v1 =	vld [tilespmem:$0x1FB30]  }
0x5ab: {  	v37 =	vor.u32 $0x11, v42;
	v31 =	vor.u32 $0x13, v42;
	[tilespmem:$0x1FC10] =	vst v25;
	v25 =	vor.u32 $0x1A, v42  }
0x5ac: {  	v51 =	vor.u32 $0x15, v42;
	v38 =	vor.u32 $0x18, v42;
	v35 =	vor.u32 $0x19, v42;
	[tilespmem:$0x1FAB0] =	vst v61;
	v61 =	vmovc v40  }
0x5ad: {  	v45 =	vor.u32 $0x1B, v42;
	v40 =	vor.u32 $0x1C, v42;
	[tilespmem:$0x1FB80] =	vst v61;
	v61 =	vmul.f32 v28, v62;
	v28 =	vmovc v51  }
0x5ae: {  	v51 =	vor.u32 $0x1E, v42;
	[tilespmem:$0x1FC80] =	vst v28;
	v28 =	vor.u32 $0x1D, v42;
	v42 =	vor.u32 $0x1F, v42  }
0x5af: {  	v20 =	vmov v42;
	v42 =	vmul.f32 v46, v24;
	_ =	sdelay $0x1  }
0x5b0: {  	[tilespmem:s30+$0x0] =	vst v42  }
0x5b1: {  	v42 =	vmul.f32 v48, v60;
	v48 =	vld.idx.msk [tilespmem:v1+s25+$0x0], $0xffff  }
0x5b2: {  	v1 =	vld [tilespmem:$0x1FC30];
	_ =	sdelay $0x3  }
0x5b3: {  	v56 =	vmul.f32 v5, v0;
	v0 =	vmov v41  }
0x5b4: {  	[tilespmem:$0x1FC30] =	vst v0;
	v0 =	vld [tilespmem:$0x1FBD0];
	v1 =	vmov v1  }
0x5b5: {  	[tilespmem:$0x1FB30] =	vst v1;
	v1 =	vld [tilespmem:$0x1FCC0]  }
0x5b6: {  	v53 =	vmul.f32 v55, v59;
	_ =	sdelay $0x1  }
0x5b7: {  	s4 =	sadd.s32 $0xF400, s28;
	s10 =	smov.u32 s1  }
0x5b8: {  	v50 =	vor.u32 $0x19, v63;
	s5 =	sor.u32 s10, s4  }
0x5b9: {  	s2 =	smov.u32 s29;
	v54 =	vor.u32 $0x3, v13;
	[tilespmem:s5+$0x0] =	vst v53;
	v53 =	vmovc v62;
	v62 =	vmov v0;
	v0 =	vmov v1  }
0x5ba: {  	s31 =	sor.u32 s29, s7;
	s29 =	smov.u32 s14;
	s14 =	smov.u32 s22;
	[tilespmem:$0x1FBD0] =	vst v0;
	v0 =	vld [tilespmem:$0x1FAD0]  }
0x5bb: {  	s22 =	sor.u32 s29, s15;
	s15 =	smov.u32 s28;
	s28 =	smov.u32 s21;
	v49 =	vmul.f32 v49, v12  }
0x5bc: {  	s5 =	sadd.s32 $0xE480, s28  }
0x5bd: {  	v50 =	vld.idx.msk [tilespmem:v50+s25+$0x0], $0xffff;
	[tilespmem:s19+$0x100] =	vst v49;
	s3 =	sor.u32 s26, s5  }
0x5be: {  	v49 =	vmul.f32 v47, v6;
	v5 =	vld.idx.msk [tilespmem:v54+s25+$0x0], $0xffff;
	[tilespmem:s3+$0x0] =	vst v42  }
0x5bf: {  	s1 =	smov.u32 s17;
	s17 =	smov.u32 s8;
	s8 =	rddreg [dreg:$0xe];
	v39 =	vmul.f32 v39, v44;
	[tilespmem:s0+$0x0] =	vst v61  }
0x5c0: {  	[tilespmem:s8+$0x0] =	vst v49  }
0x5c1: {  	v46 =	vor.u32 $0x12, v8;
	v42 =	vld.idx.msk [tilespmem:v21+s25+$0x0], $0xffff;
	[tilespmem:s13+$0x100] =	vst v39  }
0x5c2: {  	v41 =	vor.u32 $0xB, v9;
	v39 =	vld.idx.msk [tilespmem:v0+s25+$0x0], $0xffff;
	v0 =	vmov v45  }
0x5c3: {  	s21 =	smov.u32 s12;
	v47 =	vor.u32 $0x1A, v63;
	[tilespmem:$0x1FCC0] =	vst v0;
	v0 =	vld [tilespmem:$0x1FBF0]  }
0x5c4: {  	s7 =	sadd.s32 $0xD500, s21;
	v4 =	vmul.f32 v4, v10  }
0x5c5: {  	s12 =	sadd.s32 $0xF480, s15;
	v55 =	vmovc v63;
	v63 =	vmov v14;
	v14 =	vmov v44;
	v44 =	vmul.f32 v50, v59;
	s3 =	sor.u32 s1, s7;
	v1 =	vld [tilespmem:$0x1FBA0]  }
0x5c6: {  	s18 =	sor.u32 s10, s12;
	v46 =	vld.idx.msk [tilespmem:v46+s25+$0x0], $0xffff;
	[tilespmem:s3+$0x0] =	vst v4  }
0x5c7: {  	v4 =	vld.idx.msk [tilespmem:v41+s25+$0x0], $0xffff;
	[tilespmem:s18+$0x0] =	vst v44  }
0x5c8: {  	v44 =	vld.idx.msk [tilespmem:v47+s25+$0x0], $0xffff;
	v49 =	vmul.f32 v52, v63  }
0x5c9: {  	v34 =	vld.idx.msk [tilespmem:v34+s25+$0x0], $0xffff  }
0x5ca: {  	v21 =	vmov v1;
	v1 =	vld [tilespmem:$0x1FCA0];
	[tilespmem:s22+$0x0] =	vst v49  }
0x5cb: {  	v47 =	vld.idx.msk [tilespmem:v0+s25+$0x0], $0xffff;
	v0 =	vmov v36  }
0x5cc: {  	v17 =	vmov v17;
	[tilespmem:$0x1FBF0] =	vst v0;
	v0 =	vld [tilespmem:$0x1FB40];
	_ =	sdelay $0x2  }
0x5cd: {  	[tilespmem:$0x1FB90] =	vst v17;
	v17 =	vmov v1;
	v1 =	vmov v43  }
0x5ce: {  	v54 =	vmov v6;
	v6 =	vmov v24;
	[tilespmem:$0x1FCA0] =	vst v1;
	v1 =	vld [tilespmem:$0x1FC40]  }
0x5cf: {  	v52 =	vmul.f32 v48, v6  }
0x5d0: {  	v5 =	vmul.f32 v5, v12  }
0x5d1: {  	[tilespmem:s31+$0x0] =	vst v52  }
0x5d2: {  	[tilespmem:s19+$0x180] =	vst v5;
	v43 =	vor.u32 $0x4, v13;
	v5 =	vld.idx.msk [tilespmem:v0+s25+$0x0], $0xffff;
	v0 =	vmov v37  }
0x5d3: {  	v1 =	vmov v1;
	[tilespmem:$0x1FC40] =	vst v0;
	v0 =	vld [tilespmem:$0x1FAE0]  }
0x5d4: {  	[tilespmem:$0x1FB40] =	vst v1;
	v1 =	vld [tilespmem:$0x1FBB0]  }
0x5d5: {  	s30 =	sadd.s32 $0xE500, s28;
	v46 =	vmul.f32 v46, v60  }
0x5d6: {  	s6 =	sor.u32 s9, s4;
	s3 =	sor.u32 s26, s30;
	v48 =	vmul.f32 v42, v53  }
0x5d7: {  	s4 =	smov.u32 s16;
	s16 =	sor.u32 s2, s5;
	s5 =	rddreg [dreg:$0xc];
	v39 =	vmul.f32 v39, v54;
	v37 =	vld.idx.msk [tilespmem:v43+s25+$0x0], $0xffff;
	[tilespmem:s3+$0x0] =	vst v46  }
0x5d8: {  	v34 =	vmul.f32 v34, v14;
	[tilespmem:s5+$0x0] =	vst v48  }
0x5d9: {  	v46 =	vmov v2;
	v2 =	vmov v1;
	v1 =	vld [tilespmem:$0x1FCB0];
	[tilespmem:s24+$0x0] =	vst v39  }
0x5da: {  	v36 =	vld.idx.msk [tilespmem:v18+s25+$0x0], $0xffff;
	[tilespmem:s13+$0x180] =	vst v34  }
0x5db: {  	v34 =	vld.idx.msk [tilespmem:v0+s25+$0x0], $0xffff;
	v0 =	vmov v38  }
0x5dc: {  	[tilespmem:$0x1FCB0] =	vst v0;
	v0 =	vld [tilespmem:$0x1FC00];
	_ =	sdelay $0x4  }
0x5dd: {  	v39 =	vmul.f32 v44, v59;
	v44 =	vmul.f32 v47, v63  }
0x5de: {  	s0 =	sor.u32 s29, s7  }
0x5df: {  	v29 =	vld.idx.msk [tilespmem:v29+s25+$0x0], $0xffff;
	[tilespmem:s0+$0x0] =	vst v44  }
0x5e0: {  	v42 =	vld.idx.msk [tilespmem:v0+s25+$0x0], $0xffff;
	v0 =	vmov v32  }
0x5e1: {  	[tilespmem:$0x1FC00] =	vst v0;
	v0 =	vld [tilespmem:$0x1FB50]  }
0x5e2: {  	v45 =	vor.u32 $0x13, v8;
	_ =	sdelay $0x3  }
0x5e3: {  	v1 =	vmov v1;
	v5 =	vmul.f32 v5, v6  }
0x5e4: {  	v41 =	vld.idx.msk [tilespmem:v45+s25+$0x0], $0xffff;
	[tilespmem:$0x1FBB0] =	vst v1  }
0x5e5: {  	v52 =	vor.u32 $0xC, v9;
	v1 =	vld [tilespmem:$0x1FC50];
	[tilespmem:s16+$0x0] =	vst v5  }
0x5e6: {  	v43 =	vor.u32 $0x1B, v55;
	v32 =	vld.idx.msk [tilespmem:v0+s25+$0x0], $0xffff;
	v0 =	vmov v33  }
0x5e7: {  	s7 =	sadd.s32 $0xD580, s21;
	v4 =	vmul.f32 v4, v10;
	v38 =	vor.u32 $0x5, v13;
	[tilespmem:$0x1FC50] =	vst v0;
	v0 =	vld [tilespmem:$0x1F9D0]  }
0x5e8: {  	s31 =	smov.u32 s11;
	s11 =	sadd.s32 $0xF500, s15;
	s5 =	sor.u32 s1, s7  }
0x5e9: {  	s8 =	sor.u32 s9, s12;
	s12 =	sor.u32 s10, s11;
	[tilespmem:s5+$0x0] =	vst v4;
	v37 =	vmul.f32 v37, v12  }
0x5ea: {  	s24 =	sadd.s32 $0xE580, s28;
	v4 =	vld.idx.msk [tilespmem:v52+s25+$0x0], $0xffff;
	[tilespmem:s12+$0x0] =	vst v39;
	v5 =	vmul.f32 v41, v60  }
0x5eb: {  	s5 =	sor.u32 s26, s24;
	v39 =	vld.idx.msk [tilespmem:v43+s25+$0x0], $0xffff;
	[tilespmem:s19+$0x200] =	vst v37;
	v36 =	vmul.f32 v36, v53  }
0x5ec: {  	s22 =	sor.u32 s2, s30;
	s30 =	rddreg [dreg:$0x6];
	v33 =	vld.idx.msk [tilespmem:v38+s25+$0x0], $0xffff;
	[tilespmem:s5+$0x0] =	vst v5;
	v5 =	vmul.f32 v34, v54  }
0x5ed: {  	[tilespmem:s30+$0x0] =	vst v36  }
0x5ee: {  	[tilespmem:s6+$0x0] =	vst v5  }
0x5ef: {  	v5 =	vld.idx.msk [tilespmem:v0+s25+$0x0], $0xffff  }
0x5f0: {  	v0 =	vld [tilespmem:$0x1F9E0];
	_ =	sdelay $0x4  }
0x5f1: {  	v44 =	vmov v0;
	v0 =	vld [tilespmem:$0x1F9F0];
	_ =	sdelay $0x4  }
0x5f2: {  	v47 =	vmov v0;
	v0 =	vld [tilespmem:$0x1FA00];
	_ =	sdelay $0x4  }
0x5f3: {  	[tilespmem:$0x1FAC0] =	vst v58;
	v58 =	vmov v22;
	v22 =	vmov v0;
	v0 =	vld [tilespmem:$0x1FA10];
	_ =	sdelay $0x4  }
0x5f4: {  	v29 =	vmul.f32 v29, v14;
	_ =	sdelay $0x1  }
0x5f5: {  	[tilespmem:s13+$0x200] =	vst v29  }
0x5f6: {  	v24 =	vmov v40;
	v40 =	vld.idx.msk [tilespmem:v0+s25+$0x0], $0xffff  }
0x5f7: {  	v0 =	vld [tilespmem:$0x1FA20];
	_ =	sdelay $0x7  }
0x5f8: {  	v18 =	vld.idx.msk [tilespmem:v0+s25+$0x0], $0xffff  }
0x5f9: {  	v52 =	vor.u32 $0x14, v8;
	v0 =	vld [tilespmem:$0x1FA30]  }
0x5fa: {  	v37 =	vor.u32 $0xD, v9  }
0x5fb: {  	v34 =	vor.u32 $0x1C, v55  }
0x5fc: {  	s3 =	sor.u32 s29, s7;
	s7 =	sadd.s32 $0xD600, s21;
	v4 =	vmul.f32 v4, v10  }
0x5fd: {  	s18 =	sor.u32 s9, s11;
	s11 =	sadd.s32 $0xF580, s15;
	s5 =	sor.u32 s1, s7;
	v29 =	vmul.f32 v39, v59  }
0x5fe: {  	s16 =	sor.u32 s10, s11;
	v36 =	vmul.f32 v42, v63;
	v38 =	vld.idx.msk [tilespmem:v52+s25+$0x0], $0xffff;
	[tilespmem:s5+$0x0] =	vst v4  }
0x5ff: {  	v4 =	vld.idx.msk [tilespmem:v37+s25+$0x0], $0xffff;
	[tilespmem:s16+$0x0] =	vst v29  }
0x600: {  	v29 =	vld.idx.msk [tilespmem:v34+s25+$0x0], $0xffff;
	[tilespmem:s3+$0x0] =	vst v36  }
0x601: {  	v34 =	vld.idx.msk [tilespmem:v0+s25+$0x0], $0xffff  }
0x602: {  	v0 =	vld [tilespmem:$0x1FA40];
	_ =	sdelay $0x4  }
0x603: {  	[tilespmem:$0x1FAE0] =	vst v2;
	v2 =	vmov v0;
	v0 =	vld [tilespmem:$0x1FB60];
	_ =	sdelay $0x4  }
0x604: {  	[tilespmem:$0x1FAD0] =	vst v21;
	v21 =	vmov v28;
	v1 =	vmov v1;
	v28 =	vmul.f32 v32, v6  }
0x605: {  	[tilespmem:$0x1FB50] =	vst v1  }
0x606: {  	v1 =	vld [tilespmem:$0x1FC60];
	[tilespmem:s22+$0x0] =	vst v28  }
0x607: {  	v32 =	vld.idx.msk [tilespmem:v0+s25+$0x0], $0xffff;
	v0 =	vmov v31  }
0x608: {  	[tilespmem:$0x1FC60] =	vst v0;
	v0 =	vld [tilespmem:$0x1FA50];
	_ =	sdelay $0x3  }
0x609: {  	v5 =	vmul.f32 v5, v53  }
0x60a: {  	[tilespmem:$0x1FBA0] =	vst v17;
	s30 =	rddreg [dreg:$0x9];
	v52 =	vmov v30;
	v30 =	vmul.f32 v40, v54  }
0x60b: {  	[tilespmem:s30+$0x0] =	vst v5  }
0x60c: {  	v17 =	vmov v35;
	v35 =	vor.u32 $0x6, v13;
	[tilespmem:s8+$0x0] =	vst v30  }
0x60d: {  	v43 =	vor.u32 $0x15, v8;
	v30 =	vld.idx.msk [tilespmem:v0+s25+$0x0], $0xffff  }
0x60e: {  	v45 =	vmul.f32 v33, v12;
	v0 =	vld [tilespmem:$0x1FA60]  }
0x60f: {  	s22 =	sadd.s32 $0xE600, s28;
	v28 =	vmul.f32 v38, v60  }
0x610: {  	[tilespmem:s19+$0x280] =	vst v45;
	s3 =	sor.u32 s26, s22  }
0x611: {  	v36 =	vld.idx.msk [tilespmem:v35+s25+$0x0], $0xffff;
	[tilespmem:s3+$0x0] =	vst v28  }
0x612: {  	v31 =	vld.idx.msk [tilespmem:v43+s25+$0x0], $0xffff  }
0x613: {  	v43 =	vmov v0;
	v0 =	vld [tilespmem:$0x1FA70];
	_ =	sdelay $0x4  }
0x614: {  	p2 =	slt.u32 s23, $0x1E;
	v45 =	vmov v0;
	v0 =	vld [tilespmem:$0x1FA80]  }
.Ltmp1:
0x615: {  	_ = 	snop;
	(pc) =	sbr.rel @p2 .LBB2_5-.Ltmp1, $4  }
0x616: {  	_ = 	snop  }
0x617: {  	v57 =	vimm.f32 $1.000000000e+00;
	v50 =	vld [tilespmem:$0x1F9B0];
	v61 =	vmov v23  }
0x618: {  	s20 =	sadd.s32 $0x20, s20;
	v23 =	vmovc v19;
	v19 =	vmovc v15;
	v49 =	vld [tilespmem:$0x1F9C0];
	v48 =	vmov v11;
	s12 =	sor.u32 s9, s11;
	s0 =	sor.u32 s2, s24;
	v1 =	vmov v1;
	v33 =	vor.u32 $0xE, v9  }
0x619: {  	s11 =	sadd.s32 $0xD680, s21;
	v42 =	vld [tilespmem:$0x1FFF0];
	s6 =	sor.u32 s29, s7;
	v35 =	vmul.f32 v4, v10;
	s24 =	sor.u32 s2, s22;
	v28 =	vmul.f32 v18, v14;
	v18 =	vor.u32 $0x1D, v55;
	[tilespmem:$0x1FB60] =	vst v1;
	v11 =	vmovc v0  }
0x61a: {  	_ =	sdelay $0x2  }
0x61b: {  	[tilespmem:s13+$0x280] =	vst v28  }
0x61c: {  	v4 =	vld.idx.msk [tilespmem:v27+s25+$0x0], $0xffff;
	_ =	sdelay $0x1  }
0x61d: {  	v5 =	vor.u32 $0x7, v13;
	_ =	sdelay $0x1  }
0x61e: {  	v38 =	vmul.f32 v36, v12  }
0x61f: {  	v4 =	vmul.f32 v4, v14  }
0x620: {  	[tilespmem:s19+$0x300] =	vst v38  }
0x621: {  	v5 =	vld.idx.msk [tilespmem:v5+s25+$0x0], $0xffff;
	[tilespmem:s13+$0x300] =	vst v4  }
0x622: {  	v3 =	vld.idx.msk [tilespmem:v3+s25+$0x0], $0xffff;
	_ =	sdelay $0x1  }
0x623: {  	v39 =	vor.u32 $0x8, v13;
	_ =	sdelay $0x1  }
0x624: {  	v5 =	vmul.f32 v5, v12  }
0x625: {  	v3 =	vmul.f32 v3, v14  }
0x626: {  	[tilespmem:s19+$0x380] =	vst v5  }
0x627: {  	v4 =	vld.idx.msk [tilespmem:v39+s25+$0x0], $0xffff;
	[tilespmem:s13+$0x380] =	vst v3  }
0x628: {  	v3 =	vld.idx.msk [tilespmem:v26+s25+$0x0], $0xffff;
	_ =	sdelay $0x3  }
0x629: {  	s3 =	sadd.s32 $0xD400, s4;
	v4 =	vmul.f32 v4, v12  }
0x62a: {  	s5 =	sor.u32 s17, s3;
	v3 =	vmul.f32 v3, v14  }
0x62b: {  	s3 =	sor.u32 s14, s3;
	[tilespmem:s5+$0x0] =	vst v4  }
0x62c: {  	[tilespmem:s3+$0x0] =	vst v3  }
0x62d: {  	v0 =	vld [tilespmem:$0x1FBE0];
	_ =	sdelay $0x1  }
0x62e: {  	v40 =	vor.u32 $0x9, v13;
	_ =	sdelay $0x4  }
0x62f: {  	v4 =	vld.idx.msk [tilespmem:v40+s25+$0x0], $0xffff  }
0x630: {  	v3 =	vld.idx.msk [tilespmem:v0+s25+$0x0], $0xffff;
	_ =	sdelay $0x3  }
0x631: {  	s22 =	sadd.s32 $0xD480, s4;
	v4 =	vmul.f32 v4, v12  }
0x632: {  	s23 =	sor.u32 s17, s22;
	v3 =	vmul.f32 v3, v14  }
0x633: {  	s3 =	sor.u32 s14, s22;
	[tilespmem:s23+$0x0] =	vst v4  }
0x634: {  	[tilespmem:s3+$0x0] =	vst v3  }
0x635: {  	v15 =	vld [tilespmem:$0x1FBF0];
	_ =	sdelay $0x1  }
0x636: {  	v41 =	vor.u32 $0xA, v13;
	_ =	sdelay $0x4  }
0x637: {  	v4 =	vld.idx.msk [tilespmem:v41+s25+$0x0], $0xffff  }
0x638: {  	v3 =	vld.idx.msk [tilespmem:v15+s25+$0x0], $0xffff;
	_ =	sdelay $0x3  }
0x639: {  	s30 =	sadd.s32 $0xD500, s4;
	v4 =	vmul.f32 v4, v12  }
0x63a: {  	s8 =	sor.u32 s17, s30;
	v3 =	vmul.f32 v3, v14  }
0x63b: {  	s3 =	sor.u32 s14, s30;
	[tilespmem:s8+$0x0] =	vst v4  }
0x63c: {  	[tilespmem:s3+$0x0] =	vst v3  }
0x63d: {  	v27 =	vld [tilespmem:$0x1FC00];
	_ =	sdelay $0x1  }
0x63e: {  	v26 =	vor.u32 $0xB, v13;
	_ =	sdelay $0x4  }
0x63f: {  	v4 =	vld.idx.msk [tilespmem:v26+s25+$0x0], $0xffff  }
0x640: {  	v3 =	vld.idx.msk [tilespmem:v27+s25+$0x0], $0xffff;
	_ =	sdelay $0x1  }
0x641: {  	v28 =	vor.u32 $0xC, v13;
	_ =	sdelay $0x1  }
0x642: {  	s13 =	sadd.s32 $0xD580, s4;
	v4 =	vmul.f32 v4, v12  }
0x643: {  	s16 =	sor.u32 s17, s13;
	v3 =	vmul.f32 v3, v14  }
0x644: {  	s3 =	sor.u32 s14, s13;
	[tilespmem:s16+$0x0] =	vst v4  }
0x645: {  	v4 =	vld.idx.msk [tilespmem:v28+s25+$0x0], $0xffff;
	[tilespmem:s3+$0x0] =	vst v3  }
0x646: {  	v3 =	vld.idx.msk [tilespmem:v2+s25+$0x0], $0xffff;
	_ =	sdelay $0x2  }
0x647: {  	v15 =	vmul.f32 v34, v63  }
0x648: {  	s19 =	sadd.s32 $0xD600, s4;
	v4 =	vmul.f32 v4, v12  }
0x649: {  	s20 =	sor.u32 s17, s19;
	[tilespmem:s6+$0x0] =	vst v15;
	v3 =	vmul.f32 v3, v14  }
0x64a: {  	[tilespmem:s20+$0x0] =	vst v4;
	s3 =	sor.u32 s14, s19  }
0x64b: {  	[tilespmem:s3+$0x0] =	vst v3  }
0x64c: {  	v37 =	vld [tilespmem:$0x1FB00]  }
0x64d: {  	v36 =	vor.u32 $0xD, v13;
	_ =	sdelay $0x4  }
0x64e: {  	v4 =	vld.idx.msk [tilespmem:v36+s25+$0x0], $0xffff  }
0x64f: {  	v39 =	vld.idx.msk [tilespmem:v16+s25+$0x0], $0xffff  }
0x650: {  	v38 =	vld.idx.msk [tilespmem:v37+s25+$0x0], $0xffff;
	_ =	sdelay $0x2  }
0x651: {  	s22 =	sor.u32 s1, s11;
	s23 =	sadd.s32 $0xD680, s4;
	v4 =	vmul.f32 v4, v12  }
0x652: {  	s30 =	sor.u32 s17, s23;
	[tilespmem:s22+$0x0] =	vst v35;
	v26 =	vmul.f32 v39, v14  }
0x653: {  	s3 =	sor.u32 s14, s23;
	[tilespmem:s30+$0x0] =	vst v4;
	v3 =	vmul.f32 v38, v63  }
0x654: {  	s6 =	sor.u32 s29, s11;
	[tilespmem:s3+$0x0] =	vst v26  }
0x655: {  	[tilespmem:s6+$0x0] =	vst v3  }
0x656: {  	v28 =	vld [tilespmem:$0x1FB10]  }
0x657: {  	v34 =	vld [tilespmem:$0x1FC10]  }
0x658: {  	v40 =	vor.u32 $0xE, v13;
	_ =	sdelay $0x3  }
0x659: {  	v41 =	vld.idx.msk [tilespmem:v33+s25+$0x0], $0xffff  }
0x65a: {  	v27 =	vld.idx.msk [tilespmem:v40+s25+$0x0], $0xffff  }
0x65b: {  	v1 =	vld.idx.msk [tilespmem:v28+s25+$0x0], $0xffff  }
0x65c: {  	v35 =	vld.idx.msk [tilespmem:v34+s25+$0x0], $0xffff;
	_ =	sdelay $0x1  }
0x65d: {  	s8 =	sadd.s32 $0xD700, s21;
	v36 =	vmul.f32 v41, v10  }
0x65e: {  	s13 =	sadd.s32 $0xD700, s4;
	s11 =	sor.u32 s1, s8;
	v3 =	vmul.f32 v27, v12  }
0x65f: {  	s16 =	sor.u32 s17, s13;
	[tilespmem:s11+$0x0] =	vst v36;
	v1 =	vmul.f32 v1, v63  }
0x660: {  	s3 =	sor.u32 s29, s8;
	[tilespmem:s16+$0x0] =	vst v3;
	v38 =	vmul.f32 v35, v14  }
0x661: {  	s19 =	sor.u32 s14, s13;
	[tilespmem:s3+$0x0] =	vst v1  }
0x662: {  	[tilespmem:s19+$0x0] =	vst v38  }
0x663: {  	v40 =	vld [tilespmem:$0x1FB20]  }
0x664: {  	v33 =	vor.u32 $0xF, v9;
	v27 =	vld [tilespmem:$0x1FC20]  }
0x665: {  	v37 =	vor.u32 $0xF, v13;
	_ =	sdelay $0x3  }
0x666: {  	v4 =	vld.idx.msk [tilespmem:v33+s25+$0x0], $0xffff  }
0x667: {  	v39 =	vld.idx.msk [tilespmem:v37+s25+$0x0], $0xffff  }
0x668: {  	v41 =	vld.idx.msk [tilespmem:v40+s25+$0x0], $0xffff  }
0x669: {  	v28 =	vld.idx.msk [tilespmem:v27+s25+$0x0], $0xffff;
	_ =	sdelay $0x1  }
0x66a: {  	s20 =	sadd.s32 $0xD780, s21;
	v4 =	vmul.f32 v4, v10  }
0x66b: {  	s23 =	sadd.s32 $0xD780, s4;
	s22 =	sor.u32 s1, s20;
	v1 =	vmul.f32 v39, v12  }
0x66c: {  	s30 =	sor.u32 s17, s23;
	[tilespmem:s22+$0x0] =	vst v4;
	v3 =	vmul.f32 v41, v63  }
0x66d: {  	s3 =	sor.u32 s29, s20;
	[tilespmem:s30+$0x0] =	vst v1;
	v34 =	vmul.f32 v28, v14  }
0x66e: {  	s6 =	sor.u32 s14, s23;
	[tilespmem:s3+$0x0] =	vst v3  }
0x66f: {  	[tilespmem:s6+$0x0] =	vst v34  }
0x670: {  	v36 =	vld [tilespmem:$0x1FB30]  }
0x671: {  	v26 =	vor.u32 $0x10, v9;
	v39 =	vld [tilespmem:$0x1FC30]  }
0x672: {  	v33 =	vor.u32 $0x10, v13;
	_ =	sdelay $0x3  }
0x673: {  	v4 =	vld.idx.msk [tilespmem:v26+s25+$0x0], $0xffff  }
0x674: {  	v35 =	vld.idx.msk [tilespmem:v33+s25+$0x0], $0xffff  }
0x675: {  	v37 =	vld.idx.msk [tilespmem:v36+s25+$0x0], $0xffff  }
0x676: {  	v40 =	vld.idx.msk [tilespmem:v39+s25+$0x0], $0xffff;
	_ =	sdelay $0x1  }
0x677: {  	s8 =	sadd.s32 $0xE400, s21;
	v4 =	vmul.f32 v4, v10  }
0x678: {  	s13 =	sadd.s32 $0xE400, s4;
	s11 =	sor.u32 s1, s8;
	v2 =	vmul.f32 v35, v12  }
0x679: {  	s16 =	sor.u32 s17, s13;
	[tilespmem:s11+$0x0] =	vst v4;
	v1 =	vmul.f32 v37, v63  }
0x67a: {  	s3 =	sor.u32 s29, s8;
	[tilespmem:s16+$0x0] =	vst v2;
	v16 =	vmul.f32 v40, v14  }
0x67b: {  	s19 =	sor.u32 s14, s13;
	[tilespmem:s3+$0x0] =	vst v1  }
0x67c: {  	[tilespmem:s19+$0x0] =	vst v16  }
0x67d: {  	v27 =	vld [tilespmem:$0x1FB40]  }
0x67e: {  	v38 =	vor.u32 $0x11, v9;
	v34 =	vld [tilespmem:$0x1FC40]  }
0x67f: {  	v41 =	vor.u32 $0x11, v13;
	_ =	sdelay $0x3  }
0x680: {  	v3 =	vld.idx.msk [tilespmem:v38+s25+$0x0], $0xffff  }
0x681: {  	v26 =	vld.idx.msk [tilespmem:v41+s25+$0x0], $0xffff  }
0x682: {  	v28 =	vld.idx.msk [tilespmem:v27+s25+$0x0], $0xffff  }
0x683: {  	v35 =	vld.idx.msk [tilespmem:v34+s25+$0x0], $0xffff;
	_ =	sdelay $0x1  }
0x684: {  	s20 =	sadd.s32 $0xE480, s21;
	v3 =	vmul.f32 v3, v10  }
0x685: {  	s23 =	sadd.s32 $0xE480, s4;
	s22 =	sor.u32 s1, s20;
	v1 =	vmul.f32 v26, v12  }
0x686: {  	s30 =	sor.u32 s17, s23;
	[tilespmem:s22+$0x0] =	vst v3;
	v2 =	vmul.f32 v28, v63  }
0x687: {  	s3 =	sor.u32 s29, s20;
	[tilespmem:s30+$0x0] =	vst v1;
	v37 =	vmul.f32 v35, v14  }
0x688: {  	s6 =	sor.u32 s14, s23;
	[tilespmem:s3+$0x0] =	vst v2  }
0x689: {  	[tilespmem:s6+$0x0] =	vst v37  }
0x68a: {  	v39 =	vld [tilespmem:$0x1FB50]  }
0x68b: {  	v33 =	vor.u32 $0x12, v9;
	v15 =	vld [tilespmem:$0x1FC50]  }
0x68c: {  	v36 =	vor.u32 $0x12, v13;
	_ =	sdelay $0x3  }
0x68d: {  	v3 =	vld.idx.msk [tilespmem:v33+s25+$0x0], $0xffff  }
0x68e: {  	v38 =	vld.idx.msk [tilespmem:v36+s25+$0x0], $0xffff  }
0x68f: {  	v40 =	vld.idx.msk [tilespmem:v39+s25+$0x0], $0xffff  }
0x690: {  	v0 =	vld.idx.msk [tilespmem:v15+s25+$0x0], $0xffff;
	_ =	sdelay $0x1  }
0x691: {  	s8 =	sadd.s32 $0xE500, s21;
	v3 =	vmul.f32 v3, v10  }
0x692: {  	s13 =	sadd.s32 $0xE500, s4;
	s11 =	sor.u32 s1, s8;
	v2 =	vmul.f32 v38, v12  }
0x693: {  	s16 =	sor.u32 s17, s13;
	[tilespmem:s11+$0x0] =	vst v3;
	v1 =	vmul.f32 v40, v63  }
0x694: {  	s3 =	sor.u32 s29, s8;
	[tilespmem:s16+$0x0] =	vst v2;
	v0 =	vmul.f32 v0, v14  }
0x695: {  	s19 =	sor.u32 s14, s13;
	[tilespmem:s3+$0x0] =	vst v1  }
0x696: {  	[tilespmem:s19+$0x0] =	vst v0  }
0x697: {  	v41 =	vor.u32 $0x13, v9;
	v0 =	vld [tilespmem:$0x1FB60]  }
0x698: {  	v28 =	vld [tilespmem:$0x1FC60]  }
0x699: {  	v16 =	vor.u32 $0x13, v13;
	_ =	sdelay $0x2  }
0x69a: {  	v3 =	vld.idx.msk [tilespmem:v41+s25+$0x0], $0xffff;
	_ =	sdelay $0x1  }
0x69b: {  	v26 =	vld.idx.msk [tilespmem:v16+s25+$0x0], $0xffff  }
0x69c: {  	v0 =	vld.idx.msk [tilespmem:v0+s25+$0x0], $0xffff  }
0x69d: {  	v4 =	vld.idx.msk [tilespmem:v28+s25+$0x0], $0xffff  }
0x69e: {  	s20 =	sadd.s32 $0xE580, s21;
	v3 =	vmul.f32 v3, v10  }
0x69f: {  	s22 =	sor.u32 s1, s20;
	v34 =	vmul.f32 v32, v6  }
0x6a0: {  	s23 =	sadd.s32 $0xE580, s4;
	v1 =	vmul.f32 v26, v12;
	[tilespmem:s22+$0x0] =	vst v3  }
0x6a1: {  	s30 =	sor.u32 s17, s23;
	[tilespmem:s0+$0x0] =	vst v34;
	v0 =	vmul.f32 v0, v63  }
0x6a2: {  	s6 =	sor.u32 s29, s20;
	[tilespmem:s30+$0x0] =	vst v1;
	v35 =	vmul.f32 v4, v14  }
0x6a3: {  	s8 =	sor.u32 s14, s23;
	v1 =	vld [tilespmem:$0x1FAA0];
	[tilespmem:s6+$0x0] =	vst v0  }
0x6a4: {  	[tilespmem:s8+$0x0] =	vst v35  }
0x6a5: {  	v27 =	vor.u32 $0x14, v9;
	v38 =	vld [tilespmem:$0x1FB70]  }
0x6a6: {  	v39 =	vld [tilespmem:$0x1FC70]  }
0x6a7: {  	v33 =	vor.u32 $0x14, v13;
	_ =	sdelay $0x2  }
0x6a8: {  	v2 =	vld.idx.msk [tilespmem:v27+s25+$0x0], $0xffff  }
0x6a9: {  	v1 =	vld.idx.msk [tilespmem:v1+s25+$0x0], $0xffff  }
0x6aa: {  	v36 =	vld.idx.msk [tilespmem:v33+s25+$0x0], $0xffff  }
0x6ab: {  	v4 =	vld.idx.msk [tilespmem:v38+s25+$0x0], $0xffff  }
0x6ac: {  	v5 =	vld.idx.msk [tilespmem:v39+s25+$0x0], $0xffff  }
0x6ad: {  	s11 =	sadd.s32 $0xE600, s21;
	v2 =	vmul.f32 v2, v10  }
0x6ae: {  	s13 =	sor.u32 s1, s11;
	v1 =	vmul.f32 v1, v6  }
0x6af: {  	s16 =	sadd.s32 $0xE600, s4;
	v0 =	vmul.f32 v36, v12;
	[tilespmem:s13+$0x0] =	vst v2  }
0x6b0: {  	s19 =	sor.u32 s17, s16;
	[tilespmem:s24+$0x0] =	vst v1;
	v16 =	vmul.f32 v4, v63  }
0x6b1: {  	s0 =	sor.u32 s29, s11;
	[tilespmem:s19+$0x0] =	vst v0;
	v28 =	vmul.f32 v5, v14  }
0x6b2: {  	s20 =	sor.u32 s14, s16;
	v27 =	vld [tilespmem:$0x1FAB0];
	[tilespmem:s0+$0x0] =	vst v16  }
0x6b3: {  	[tilespmem:s20+$0x0] =	vst v28  }
0x6b4: {  	v37 =	vor.u32 $0x15, v9;
	v35 =	vld [tilespmem:$0x1FB80]  }
0x6b5: {  	v40 =	vor.u32 $0x15, v13;
	v36 =	vld [tilespmem:$0x1FC80];
	_ =	sdelay $0x3  }
0x6b6: {  	v41 =	vld.idx.msk [tilespmem:v37+s25+$0x0], $0xffff  }
0x6b7: {  	v32 =	vld.idx.msk [tilespmem:v40+s25+$0x0], $0xffff  }
0x6b8: {  	v3 =	vld.idx.msk [tilespmem:v27+s25+$0x0], $0xffff  }
0x6b9: {  	v15 =	vld.idx.msk [tilespmem:v35+s25+$0x0], $0xffff  }
0x6ba: {  	v26 =	vor.u32 $0x16, v8;
	s22 =	sadd.s32 $0xE680, s28;
	v33 =	vmul.f32 v31, v60;
	v16 =	vld.idx.msk [tilespmem:v36+s25+$0x0], $0xffff  }
0x6bb: {  	s23 =	sor.u32 s26, s22;
	s24 =	sadd.s32 $0xE680, s21;
	v1 =	vmul.f32 v41, v10  }
0x6bc: {  	s6 =	sadd.s32 $0xE680, s4;
	s30 =	sor.u32 s1, s24;
	v38 =	vmul.f32 v32, v12;
	[tilespmem:s23+$0x0] =	vst v33  }
0x6bd: {  	s8 =	sor.u32 s17, s6;
	v3 =	vmul.f32 v3, v6;
	[tilespmem:s30+$0x0] =	vst v1  }
0x6be: {  	s3 =	sor.u32 s2, s22;
	[tilespmem:s8+$0x0] =	vst v38;
	v40 =	vmul.f32 v15, v63  }
0x6bf: {  	s0 =	sor.u32 s29, s24;
	v0 =	vld.idx.msk [tilespmem:v26+s25+$0x0], $0xffff;
	[tilespmem:s3+$0x0] =	vst v3;
	v27 =	vmul.f32 v16, v14  }
0x6c0: {  	s11 =	sor.u32 s14, s6;
	v26 =	vld [tilespmem:$0x1FAC0];
	[tilespmem:s0+$0x0] =	vst v40  }
0x6c1: {  	[tilespmem:s11+$0x0] =	vst v27  }
0x6c2: {  	v34 =	vor.u32 $0x16, v9;
	v15 =	vld [tilespmem:$0x1FB90]  }
0x6c3: {  	v37 =	vor.u32 $0x16, v13;
	v32 =	vld [tilespmem:$0x1FC90];
	_ =	sdelay $0x3  }
0x6c4: {  	v39 =	vld.idx.msk [tilespmem:v34+s25+$0x0], $0xffff  }
0x6c5: {  	v28 =	vld.idx.msk [tilespmem:v37+s25+$0x0], $0xffff  }
0x6c6: {  	v4 =	vld.idx.msk [tilespmem:v26+s25+$0x0], $0xffff  }
0x6c7: {  	v15 =	vld.idx.msk [tilespmem:v15+s25+$0x0], $0xffff  }
0x6c8: {  	s13 =	sadd.s32 $0xE700, s28;
	v0 =	vmul.f32 v0, v60;
	v16 =	vld.idx.msk [tilespmem:v32+s25+$0x0], $0xffff  }
0x6c9: {  	s16 =	sor.u32 s26, s13;
	s19 =	sadd.s32 $0xE700, s21;
	v33 =	vmul.f32 v39, v10  }
0x6ca: {  	s22 =	sadd.s32 $0xE700, s4;
	s20 =	sor.u32 s1, s19;
	v35 =	vmul.f32 v28, v12;
	[tilespmem:s16+$0x0] =	vst v0  }
0x6cb: {  	s23 =	sor.u32 s17, s22;
	v4 =	vmul.f32 v4, v6;
	[tilespmem:s20+$0x0] =	vst v33  }
0x6cc: {  	s3 =	sor.u32 s2, s13;
	[tilespmem:s23+$0x0] =	vst v35;
	v37 =	vmul.f32 v15, v63  }
0x6cd: {  	s0 =	sor.u32 s29, s19;
	[tilespmem:s3+$0x0] =	vst v4;
	v40 =	vmul.f32 v16, v14  }
0x6ce: {  	s24 =	sor.u32 s14, s22;
	v39 =	vld [tilespmem:$0x1FAD0];
	[tilespmem:s0+$0x0] =	vst v37  }
0x6cf: {  	v41 =	vor.u32 $0x17, v8;
	[tilespmem:s24+$0x0] =	vst v40  }
0x6d0: {  	v31 =	vor.u32 $0x17, v9;
	v15 =	vld [tilespmem:$0x1FBA0]  }
0x6d1: {  	v34 =	vor.u32 $0x17, v13;
	v26 =	vld [tilespmem:$0x1FCA0];
	_ =	sdelay $0x2  }
0x6d2: {  	v1 =	vld.idx.msk [tilespmem:v41+s25+$0x0], $0xffff  }
0x6d3: {  	v36 =	vld.idx.msk [tilespmem:v31+s25+$0x0], $0xffff  }
0x6d4: {  	v2 =	vld.idx.msk [tilespmem:v34+s25+$0x0], $0xffff  }
0x6d5: {  	v5 =	vld.idx.msk [tilespmem:v39+s25+$0x0], $0xffff  }
0x6d6: {  	v15 =	vld.idx.msk [tilespmem:v15+s25+$0x0], $0xffff  }
0x6d7: {  	s30 =	sadd.s32 $0xE780, s28;
	v1 =	vmul.f32 v1, v60;
	v16 =	vld.idx.msk [tilespmem:v26+s25+$0x0], $0xffff  }
0x6d8: {  	s6 =	sadd.s32 $0xE780, s21;
	s5 =	sor.u32 s26, s30;
	v27 =	vmul.f32 v36, v10  }
0x6d9: {  	s8 =	sor.u32 s1, s6;
	s11 =	sadd.s32 $0xE780, s4;
	v31 =	vmul.f32 v2, v12;
	[tilespmem:s5+$0x0] =	vst v1  }
0x6da: {  	s13 =	sor.u32 s17, s11;
	v5 =	vmul.f32 v5, v6;
	[tilespmem:s8+$0x0] =	vst v27  }
0x6db: {  	s3 =	sor.u32 s2, s30;
	[tilespmem:s13+$0x0] =	vst v31;
	v33 =	vmul.f32 v15, v63  }
0x6dc: {  	s0 =	sor.u32 s29, s6;
	[tilespmem:s3+$0x0] =	vst v5;
	v35 =	vmul.f32 v16, v14  }
0x6dd: {  	v38 =	vor.u32 $0x18, v8;
	s16 =	sor.u32 s14, s11;
	v5 =	vld [tilespmem:$0x1FAE0];
	[tilespmem:s0+$0x0] =	vst v33  }
0x6de: {  	v41 =	vor.u32 $0x18, v9;
	[tilespmem:s16+$0x0] =	vst v35  }
0x6df: {  	v28 =	vor.u32 $0x18, v13;
	v15 =	vld [tilespmem:$0x1FBB0]  }
0x6e0: {  	v37 =	vld [tilespmem:$0x1FCB0];
	_ =	sdelay $0x1  }
0x6e1: {  	v0 =	vld.idx.msk [tilespmem:v38+s25+$0x0], $0xffff  }
0x6e2: {  	v32 =	vld.idx.msk [tilespmem:v41+s25+$0x0], $0xffff  }
0x6e3: {  	v3 =	vld.idx.msk [tilespmem:v28+s25+$0x0], $0xffff  }
0x6e4: {  	v34 =	vor.u32 $0x19, v8;
	v5 =	vld.idx.msk [tilespmem:v5+s25+$0x0], $0xffff  }
0x6e5: {  	v36 =	vor.u32 $0x19, v9  }
0x6e6: {  	s19 =	sadd.s32 $0xF400, s28;
	v39 =	vor.u32 $0x19, v13;
	v0 =	vmul.f32 v0, v60;
	v15 =	vld.idx.msk [tilespmem:v15+s25+$0x0], $0xffff  }
0x6e7: {  	s22 =	sadd.s32 $0xF400, s21;
	s20 =	sor.u32 s26, s19;
	v38 =	vmul.f32 v32, v10;
	v16 =	vld.idx.msk [tilespmem:v37+s25+$0x0], $0xffff  }
0x6e8: {  	s23 =	sor.u32 s1, s22;
	s24 =	sadd.s32 $0xF400, s4;
	v40 =	vmul.f32 v3, v12;
	[tilespmem:s20+$0x0] =	vst v0  }
0x6e9: {  	s30 =	sor.u32 s17, s24;
	v5 =	vmul.f32 v5, v6;
	[tilespmem:s23+$0x0] =	vst v38;
	v1 =	vld.idx.msk [tilespmem:v34+s25+$0x0], $0xffff  }
0x6ea: {  	s3 =	sor.u32 s2, s19;
	[tilespmem:s30+$0x0] =	vst v40;
	v41 =	vld.idx.msk [tilespmem:v36+s25+$0x0], $0xffff  }
0x6eb: {  	[tilespmem:s3+$0x0] =	vst v5;
	v2 =	vld.idx.msk [tilespmem:v39+s25+$0x0], $0xffff;
	v26 =	vmul.f32 v15, v63  }
0x6ec: {  	s0 =	sor.u32 s29, s22;
	v5 =	vld.idx.msk [tilespmem:v52+s25+$0x0], $0xffff;
	v28 =	vmul.f32 v16, v14  }
0x6ed: {  	s6 =	sor.u32 s14, s24;
	[tilespmem:s0+$0x0] =	vst v26  }
0x6ee: {  	s8 =	sadd.s32 $0xF480, s28;
	v1 =	vmul.f32 v1, v60;
	[tilespmem:s6+$0x0] =	vst v28;
	v32 =	vld.idx.msk [tilespmem:v19+s25+$0x0], $0xffff  }
0x6ef: {  	s11 =	sor.u32 s26, s8;
	s16 =	sadd.s32 $0xF480, s21;
	v34 =	vmul.f32 v41, v10;
	v17 =	vld.idx.msk [tilespmem:v17+s25+$0x0], $0xffff  }
0x6f0: {  	s19 =	sor.u32 s1, s16;
	s20 =	sadd.s32 $0xF480, s4;
	v2 =	vmul.f32 v2, v12;
	[tilespmem:s11+$0x0] =	vst v1  }
0x6f1: {  	s22 =	sor.u32 s17, s20;
	v5 =	vmul.f32 v5, v6;
	[tilespmem:s19+$0x0] =	vst v34  }
0x6f2: {  	v33 =	vmul.f32 v29, v59;
	s3 =	sor.u32 s2, s8;
	[tilespmem:s22+$0x0] =	vst v2;
	s0 =	sadd.s32 $0xF600, s15  }
0x6f3: {  	[tilespmem:s3+$0x0] =	vst v5;
	s13 =	sor.u32 s10, s0;
	v37 =	vmul.f32 v32, v63  }
0x6f4: {  	v27 =	vor.u32 $0x1A, v8;
	s23 =	sor.u32 s29, s16;
	[tilespmem:s13+$0x0] =	vst v33;
	v40 =	vmul.f32 v17, v14  }
0x6f5: {  	s24 =	sor.u32 s14, s20;
	[tilespmem:s23+$0x0] =	vst v37  }
0x6f6: {  	v31 =	vor.u32 $0x1A, v9;
	v39 =	vld.idx.msk [tilespmem:v50+s25+$0x0], $0xffff;
	[tilespmem:s24+$0x0] =	vst v40  }
0x6f7: {  	v50 =	vld [tilespmem:$0x1FBC0]  }
0x6f8: {  	v35 =	vor.u32 $0x1A, v13  }
0x6f9: {  	v0 =	vld.idx.msk [tilespmem:v27+s25+$0x0], $0xffff  }
0x6fa: {  	v36 =	vld.idx.msk [tilespmem:v49+s25+$0x0], $0xffff  }
0x6fb: {  	v4 =	vld.idx.msk [tilespmem:v31+s25+$0x0], $0xffff;
	_ =	sdelay $0x1  }
0x6fc: {  	v41 =	vmul.f32 v30, v53;
	v3 =	vld.idx.msk [tilespmem:v35+s25+$0x0], $0xffff  }
0x6fd: {  	s30 =	sadd.s32 $0xF500, s28;
	v0 =	vmul.f32 v0, v60;
	v52 =	vld.idx.msk [tilespmem:v25+s25+$0x0], $0xffff  }
0x6fe: {  	v38 =	vor.u32 $0x1B, v8;
	s8 =	sor.u32 s26, s30;
	v1 =	vmul.f32 v36, v54;
	[tilespmem:s31+$0x0] =	vst v41;
	v17 =	vld.idx.msk [tilespmem:v50+s25+$0x0], $0xffff  }
0x6ff: {  	v49 =	vor.u32 $0x1B, v9;
	s11 =	sadd.s32 $0xF500, s21;
	v19 =	vmul.f32 v4, v10;
	[tilespmem:s8+$0x0] =	vst v0  }
0x700: {  	v27 =	vmul.f32 v39, v6;
	s13 =	sor.u32 s1, s11;
	[tilespmem:s18+$0x0] =	vst v1  }
0x701: {  	s16 =	sadd.s32 $0xF500, s4;
	s3 =	sor.u32 s2, s30;
	v3 =	vmul.f32 v3, v12;
	[tilespmem:s13+$0x0] =	vst v19  }
0x702: {  	[tilespmem:s3+$0x0] =	vst v27;
	s18 =	sor.u32 s17, s16;
	v5 =	vmul.f32 v52, v14  }
0x703: {  	s20 =	sor.u32 s14, s16;
	v26 =	vld.idx.msk [tilespmem:v38+s25+$0x0], $0xffff;
	[tilespmem:s18+$0x0] =	vst v3;
	v30 =	vmul.f32 v17, v63  }
0x704: {  	s19 =	sor.u32 s29, s11;
	v29 =	vld.idx.msk [tilespmem:v49+s25+$0x0], $0xffff;
	[tilespmem:s20+$0x0] =	vst v5  }
0x705: {  	v25 =	vor.u32 $0x1B, v13;
	[tilespmem:s19+$0x0] =	vst v30  }
0x706: {  	v31 =	vor.u32 $0x1C, v8;
	v15 =	vld [tilespmem:$0x1FBD0];
	s23 =	rddreg [dreg:$0x4]  }
0x707: {  	v33 =	vor.u32 $0x1C, v9;
	v28 =	vld.idx.msk [tilespmem:v61+s25+$0x0], $0xffff;
	[tilespmem:s23+$0x0] =	vst v56  }
0x708: {  	s22 =	sadd.s32 $0xF580, s28;
	v1 =	vmul.f32 v26, v60;
	v34 =	vld [tilespmem:$0x1FCC0]  }
0x709: {  	s30 =	sadd.s32 $0xF580, s21;
	s24 =	sor.u32 s26, s22;
	v32 =	vld.idx.msk [tilespmem:v62+s25+$0x0], $0xffff;
	v35 =	vmul.f32 v29, v10  }
0x70a: {  	s31 =	sor.u32 s1, s30;
	v4 =	vld.idx.msk [tilespmem:v25+s25+$0x0], $0xffff;
	[tilespmem:s24+$0x0] =	vst v1  }
0x70b: {  	[tilespmem:s31+$0x0] =	vst v35;
	v37 =	vld.idx.msk [tilespmem:v31+s25+$0x0], $0xffff  }
0x70c: {  	v0 =	vmul.f32 v28, v54;
	v5 =	vld.idx.msk [tilespmem:v33+s25+$0x0], $0xffff  }
0x70d: {  	v36 =	vor.u32 $0x1C, v13;
	v18 =	vld.idx.msk [tilespmem:v18+s25+$0x0], $0xffff  }
0x70e: {  	s7 =	smov.u32 s4;
	v41 =	vor.u32 $0x1D, v8;
	v38 =	vmul.f32 v32, v6;
	[tilespmem:s12+$0x0] =	vst v0;
	v15 =	vld.idx.msk [tilespmem:v15+s25+$0x0], $0xffff  }
0x70f: {  	s4 =	sadd.s32 $0xF580, s7;
	s3 =	sor.u32 s2, s22;
	v49 =	vor.u32 $0x1D, v9;
	v4 =	vmul.f32 v4, v12;
	v39 =	vld.idx.msk [tilespmem:v46+s25+$0x0], $0xffff  }
0x710: {  	v40 =	vor.u32 $0x1E, v55;
	s8 =	sor.u32 s17, s4;
	s16 =	sadd.s32 $0xF600, s28;
	[tilespmem:s3+$0x0] =	vst v38;
	v0 =	vmul.f32 v37, v60;
	v17 =	vld.idx.msk [tilespmem:v34+s25+$0x0], $0xffff  }
0x711: {  	s18 =	sor.u32 s26, s16;
	s19 =	sadd.s32 $0xF600, s21;
	[tilespmem:s8+$0x0] =	vst v4;
	v46 =	vld.idx.msk [tilespmem:v48+s25+$0x0], $0xffff;
	v56 =	vmul.f32 v5, v10  }
0x712: {  	s20 =	sor.u32 s1, s19;
	s3 =	sadd.s32 $0xF680, s15;
	v48 =	vmul.f32 v18, v59;
	v2 =	vld.idx.msk [tilespmem:v36+s25+$0x0], $0xffff;
	[tilespmem:s18+$0x0] =	vst v0  }
0x713: {  	s13 =	sor.u32 s10, s3;
	[tilespmem:s20+$0x0] =	vst v56;
	v62 =	vld.idx.msk [tilespmem:v41+s25+$0x0], $0xffff;
	v15 =	vmul.f32 v15, v63  }
0x714: {  	s11 =	sor.u32 s29, s30;
	[tilespmem:s13+$0x0] =	vst v48;
	v1 =	vmul.f32 v39, v54;
	v25 =	vld.idx.msk [tilespmem:v49+s25+$0x0], $0xffff  }
0x715: {  	s0 =	sor.u32 s9, s0;
	v61 =	vor.u32 $0x1D, v13;
	v3 =	vld.idx.msk [tilespmem:v40+s25+$0x0], $0xffff;
	v17 =	vmul.f32 v17, v14;
	[tilespmem:s11+$0x0] =	vst v15  }
0x716: {  	v27 =	vor.u32 $0x1E, v8;
	s12 =	sor.u32 s14, s4;
	v19 =	vmul.f32 v46, v6;
	[tilespmem:s0+$0x0] =	vst v1;
	v50 =	vld.idx.msk [tilespmem:v23+s25+$0x0], $0xffff  }
0x717: {  	s22 =	sor.u32 s2, s16;
	v29 =	vor.u32 $0x1E, v9;
	s23 =	sadd.s32 $0xF600, s7;
	v2 =	vmul.f32 v2, v12;
	v23 =	vld.idx.msk [tilespmem:v44+s25+$0x0], $0xffff;
	[tilespmem:s12+$0x0] =	vst v17  }
0x718: {  	s24 =	sor.u32 s17, s23;
	s8 =	sadd.s32 $0xF680, s28;
	[tilespmem:s22+$0x0] =	vst v19;
	v1 =	vmul.f32 v62, v60;
	v52 =	vld.idx.msk [tilespmem:v24+s25+$0x0], $0xffff;
	v24 =	vor.u32 $0x1F, v55  }
0x719: {  	[tilespmem:s24+$0x0] =	vst v2;
	v28 =	vld.idx.msk [tilespmem:v47+s25+$0x0], $0xffff;
	s11 =	sor.u32 s26, s8;
	v31 =	vmul.f32 v25, v10;
	s12 =	sadd.s32 $0xF680, s21  }
0x71a: {  	s31 =	sadd.s32 $0xF700, s15;
	v3 =	vmul.f32 v3, v59;
	v5 =	vld.idx.msk [tilespmem:v61+s25+$0x0], $0xffff;
	[tilespmem:s11+$0x0] =	vst v1;
	s13 =	sor.u32 s1, s12  }
0x71b: {  	s4 =	sor.u32 s10, s31;
	v33 =	vld.idx.msk [tilespmem:v27+s25+$0x0], $0xffff;
	[tilespmem:s13+$0x0] =	vst v31;
	v26 =	vmul.f32 v50, v63  }
0x71c: {  	s30 =	sor.u32 s29, s19;
	[tilespmem:s4+$0x0] =	vst v3;
	v36 =	vld.idx.msk [tilespmem:v29+s25+$0x0], $0xffff;
	v0 =	vmul.f32 v23, v54  }
0x71d: {  	v32 =	vor.u32 $0x1E, v13;
	s3 =	sor.u32 s9, s3;
	v15 =	vmul.f32 v52, v14;
	[tilespmem:s30+$0x0] =	vst v26;
	v4 =	vld.idx.msk [tilespmem:v24+s25+$0x0], $0xffff  }
0x71e: {  	s5 =	sor.u32 s14, s23;
	v34 =	vmul.f32 v28, v6;
	[tilespmem:s3+$0x0] =	vst v0;
	v17 =	vld.idx.msk [tilespmem:v22+s25+$0x0], $0xffff  }
0x71f: {  	s16 =	sor.u32 s2, s8;
	s18 =	sadd.s32 $0xF680, s7;
	v5 =	vmul.f32 v5, v12;
	v35 =	vld.idx.msk [tilespmem:v43+s25+$0x0], $0xffff;
	[tilespmem:s5+$0x0] =	vst v15  }
0x720: {  	s24 =	sadd.s32 $0xF700, s28;
	s19 =	sor.u32 s17, s18;
	[tilespmem:s16+$0x0] =	vst v34;
	v0 =	vmul.f32 v33, v60;
	v30 =	vld.idx.msk [tilespmem:v21+s25+$0x0], $0xffff  }
0x721: {  	s0 =	sor.u32 s9, s31;
	s31 =	sadd.s32 $0xF700, s21;
	[tilespmem:s19+$0x0] =	vst v5;
	v39 =	vld.idx.msk [tilespmem:v45+s25+$0x0], $0xffff;
	s30 =	sor.u32 s26, s24;
	v2 =	vmul.f32 v36, v10  }
0x722: {  	s22 =	sadd.s32 $0xF780, s15;
	s6 =	sor.u32 s1, s31;
	v40 =	vld.idx.msk [tilespmem:v32+s25+$0x0], $0xffff;
	[tilespmem:s30+$0x0] =	vst v0;
	v4 =	vmul.f32 v4, v59  }
0x723: {  	s23 =	sor.u32 s10, s22;
	[tilespmem:s6+$0x0] =	vst v2;
	v37 =	vmul.f32 v17, v63  }
0x724: {  	s20 =	sor.u32 s29, s12;
	v1 =	vmul.f32 v35, v54;
	[tilespmem:s23+$0x0] =	vst v4  }
0x725: {  	v3 =	vmul.f32 v30, v14;
	[tilespmem:s20+$0x0] =	vst v37  }
0x726: {  	v48 =	vmul.f32 v39, v6;
	s5 =	sor.u32 s14, s18;
	[tilespmem:s0+$0x0] =	vst v1  }
0x727: {  	s10 =	sadd.s32 $0xF700, s7;
	s8 =	sor.u32 s2, s24;
	v49 =	vmul.f32 v40, v12;
	[tilespmem:s5+$0x0] =	vst v3  }
0x728: {  	s11 =	sor.u32 s17, s10;
	v2 =	vld [tilespmem:$0x1FA90];
	[tilespmem:s8+$0x0] =	vst v48  }
0x729: {  	v38 =	vor.u32 $0x1F, v8;
	v44 =	vld.idx.msk [tilespmem:v51+s25+$0x0], $0xffff;
	[tilespmem:s11+$0x0] =	vst v49  }
0x72a: {  	v41 =	vor.u32 $0x1F, v9;
	v51 =	vld [tilespmem:$0x1FAF0];
	_ =	sdelay $0x1  }
0x72b: {  	v43 =	vld.idx.msk [tilespmem:v11+s25+$0x0], $0xffff  }
0x72c: {  	v45 =	vld.idx.msk [tilespmem:v7+s25+$0x0], $0xffff  }
0x72d: {  	v47 =	vld.idx.msk [tilespmem:v38+s25+$0x0], $0xffff  }
0x72e: {  	v46 =	vor.u32 $0x1F, v13;
	v3 =	vld.idx.msk [tilespmem:v41+s25+$0x0], $0xffff;
	_ =	sdelay $0x1  }
0x72f: {  	v50 =	vmul.f32 v43, v63;
	v2 =	vld.idx.msk [tilespmem:v2+s25+$0x0], $0xffff  }
0x730: {  	s12 =	sor.u32 s29, s31;
	v4 =	vmul.f32 v44, v14;
	v52 =	vld.idx.msk [tilespmem:v51+s25+$0x0], $0xffff  }
0x731: {  	s15 =	sadd.s32 $0xF780, s28;
	s13 =	sor.u32 s14, s10;
	v1 =	vmul.f32 v47, v60;
	[tilespmem:s12+$0x0] =	vst v50  }
0x732: {  	s19 =	sadd.s32 $0xF780, s21;
	s18 =	sor.u32 s26, s15;
	v0 =	vmul.f32 v45, v53;
	v53 =	vld.idx.msk [tilespmem:v46+s25+$0x0], $0xffff;
	v59 =	vmul.f32 v3, v10;
	[tilespmem:s13+$0x0] =	vst v4  }
0x733: {  	s20 =	sor.u32 s1, s19;
	v55 =	vld.idx.msk [tilespmem:v58+s25+$0x0], $0xffff;
	s16 =	rddreg [dreg:$0x3];
	[tilespmem:s18+$0x0] =	vst v1  }
0x734: {  	v58 =	vld.idx.msk [tilespmem:v20+s25+$0x0], $0xffff;
	[tilespmem:s20+$0x0] =	vst v59;
	v56 =	vmul.f32 v2, v54  }
0x735: {  	s3 =	sor.u32 s9, s22;
	[tilespmem:s16+$0x0] =	vst v0;
	v60 =	vmul.f32 v52, v6  }
0x736: {  	s0 =	sor.u32 s2, s15;
	[tilespmem:s3+$0x0] =	vst v56  }
0x737: {  	s21 =	sadd.s32 $0xF780, s7;
	v61 =	vmul.f32 v53, v12;
	[tilespmem:s0+$0x0] =	vst v60  }
0x738: {  	s22 =	sor.u32 s17, s21;
	v62 =	vmul.f32 v55, v63;
	s2 =	rddreg [dreg:$0x15]  }
0x739: {  	s23 =	sor.u32 s29, s19;
	v63 =	vmul.f32 v58, v14;
	s5 =	rddreg [dreg:$0x1c];
	[tilespmem:s22+$0x0] =	vst v61  }
0x73a: {  	s1 =	sor.u32 s14, s21;
	[tilespmem:s23+$0x0] =	vst v62  }
0x73b: {  	[tilespmem:s1+$0x0] =	vst v63;
	s2 =	sadd.s32 @!p1 s2, s5  }
0x73c: {  	s1 =	rddreg [dreg:$0x16];
	s0 =	sshll.u32 @!p1 s2, $0x6  }
0x73d: {  	s31 =	rddreg [dreg:$0x1b];
	s0 =	sand.u32 @!p1 $0x3FE00, s0  }
0x73e: {  	s2 =	simm.s32 @!p1 $0x200;
	s0 =	sadd.s32 @!p1 s0, s1;
	s1 =	simm.s32 @!p1 $0x0  }
0x73f: {  	[tilespmem:s2], [sflag:$0x2] =	stream.linear.gather @!p1 [hbm4b:s0+s1], $0x200, $0x38;
	[tilespmem:$0x10400] =	vst v63  }
0x740: {  	s24 =	rddreg [dreg:$0xf];
	s1 =	sadd.s32 $0x1, s31  }
0x741: {  	s0 =	sor.u32 s24, s5;
	p1 =	sne.s32 s1, $0x19  }
.Ltmp2:
0x742: {  	s0 =	sshll.u32 s0, $0xB;
	(pc) =	sbr.rel @p1 .LBB2_2-.Ltmp2, $4  }
0x743: {  	s26 =	rddreg [dreg:$0x18];
	s0 =	sand.u32 $0x3EC000, s0  }
0x744: {  	s28 =	simm.s32 $0x1000;
	s30 =	simm.s32 $0xC400;
	s0 =	sadd.s32 s0, s26  }
0x745: {  	s29 =	simm.s32 $0x8000;
	s18 =	simm.s32 $0x400;
	s0 =	sadd.s32 $0x10000, s0  }
0x746: {  	[hbm4b:s0+s28] =	stream.strided.scatter [tilespmem:s30], [sflag:$0x6], $0x4000, s29, s28, $0x38;
	[tilespmem:$0x10400] =	vst v63  }
0x747: {  	s0 =	simm.s32 $0x5  }
0x748: {  	_ =	swait.ge [sflag:s0], $0x4000  }
0x749: {  	[sflag:s0] =	ssyncset.done $0x0  }
0x74a: {  	s1 =	simm.s32 $0x6;
	[sflag:s0] =	ssyncadd.s32 $0xFFFFC000  }
0x74b: {  	_ =	swait.ge [sflag:s1], $0x4000  }
0x74c: {  	s2 =	rddreg [dreg:$0x1a]  }
0x74d: {  	s31 =	rddreg [dreg:$0x19];
	s2 =	sadd.s32 $0x1, s2  }
0x74e: {  	p1 =	sne.s32 s2, s31  }
.Ltmp3:
0x74f: {  	_ = 	snop;
	(pc) =	sbr.rel @p1 .LBB2_1-.Ltmp3, $3  }
0x750: {  	_ =	sdelay $0x1  }
0x751: {  	[sflag:s1] =	ssyncset.done $0x0  }
0x752: {  	[sflag:s1] =	ssyncadd.s32 $0xFFFFC000  }
0x753: {  	_ =	sfence.sel $0x180000  }
0x754: {  	[bflag:$0x0] =	sbarrier.arrive $0xFFFF  }
0x755: {  	_ =	strace $0x90000047  }
0x756: {  	s0 =	stileid.u32;
	[bflag:$0x2] =	sbarrier.arrive $0xFFFF  }
0x757: {  	p0 =	sne.s32 s0, $0x0;
	s0 =	rddreg [dreg:$0x2]  }
0x758: {  	s0 =	sadd.s32 @!p0 $0x100000, s0  }
0x759: {  	[sflag:s0] =	ssyncadd.tile.s32 @!p0 $0x1;
	_ =	shalt  }
.Lfunc_end2:
_tile_overlayer_lowered:
.L_overlay_start_2:
0x75a: {  	(tag) =	ssettag $0x2  }
0x75b: {  	s0 =	rddreg [dreg:$0x0];
	s2 =	stileid.u32  }
0x75c: {  	s1 =	rddreg [dreg:$0x1];
	p0 =	sne.s32 s2, $0x0  }
0x75d: {  	s3 =	rddreg [dreg:$0x2];
	[bflag:$0x3] =	sbarrier.arrive $0xFFFF;
	s2 =	simm.s32 @!p0 $0x1C07  }
0x75e: {  	[timem:s3], [sflag:s2] =	dma.local @!p0 [hbm:s0], s1  }
0x75f: {  	s0 =	simm.s32 @!p0 $0x7  }
0x760: {  	_ =	swait.ge @!p0 [sflag:s0], s1  }
0x761: {  	s1 =	ssub.s32 @!p0 $0x0, s1;
	[sflag:s0] =	ssyncset.done @!p0 $0x0  }
0x762: {  	[sflag:s0] =	ssyncadd.s32 @!p0 s1  }
0x763: {  	[bflag:$0x3] =	sbarrier.arrive $0xFFFF  }
0x764: {  	_ =	shalt  }

</sc_bundles>
